<compile_context>
chip_gen: v7x
topology: tpu7x:2x2x1
jax: 0.10.2.dev20260603
libtpu: 0.0.44.dev20260713+nightly
codegen_flags: <defaults>
</compile_context>

<pallas_src>
import functools

import jax
import jax.numpy as jnp
from jax import lax
from jax.experimental import pallas as pl
from jax.experimental.pallas import tpu as pltpu
from jax.experimental.pallas import tpu_sc as plsc

NN = 10000
EE = 320000
F_IN = 128
HID = 256
HALF = 128

NC = 2
NS = 16
ROWS_PER_TILE = NN // NS



_BK = 100
_NBLK = EE // _BK
_DEG_NB = _NBLK // (NC * NS)
_AGG_NB = _NBLK // NS


def _edge_pipeline(tab_ref, eb_hbm, acc, idxs, isems, rowss, gsems,
                   base, nb, indirect=True):

    def load_idx(i, bl):
        pltpu.async_copy(eb_hbm.at[base + i], idxs[bl], isems[bl])

    def step(i, ph):
        j = i - 2
        bj = (ph - 2) % 3

        @pl.when(jnp.logical_and(j >= 0, j < nb))
        def _():
            if indirect:
                pltpu.make_async_copy(tab_ref.at[idxs[bj].at[0]], rowss[bj],
                                      gsems[bj]).wait()
            pltpu.sync_copy(rowss[bj], acc.at[idxs[bj].at[1]], add=True)

        @pl.when(i + 1 < nb)
        def _():
            load_idx(i + 1, (ph + 1) % 3)

        @pl.when(i < nb)
        def _():
            pltpu.make_async_copy(eb_hbm.at[base + i], idxs[ph],
                                  isems[ph]).wait()
            if indirect:
                pltpu.async_copy(tab_ref.at[idxs[ph].at[0]], rowss[ph],
                                 gsems[ph])

    if not indirect:
        for b in range(3):
            pltpu.async_copy(tab_ref, rowss[b], gsems[b])
        for b in range(3):
            pltpu.make_async_copy(tab_ref, rowss[b], gsems[b]).wait()

    load_idx(0, 0)

    def body(p, _):
        for ph in range(3):
            step(p * 3 + ph, ph)
        return 0

    lax.fori_loop(0, (nb + 2 + 2) // 3, body, 0)


@functools.cache
def _get_deg_kernel():
    mesh = plsc.VectorSubcoreMesh(core_axis_name="c", subcore_axis_name="s",
                                  num_cores=NC, num_subcores=NS)
    return pl.kernel(
        _deg_body,
        out_type=jax.ShapeDtypeStruct((NC, NS, ROWS_PER_TILE, HALF),
                                      jnp.float32),
        mesh=mesh,
        scratch_types=(
            [pltpu.VMEM((2, _BK), jnp.int32)] * 3
            + [pltpu.VMEM((_BK, HALF), jnp.float32)] * 3
            + [pltpu.VMEM_SHARED((NN, HALF), jnp.float32)]
            + [pltpu.SemaphoreType.DMA] * 6
        ),
    )


def _deg_body(eb_hbm, ones_hbm, zeros_hbm, out_hbm,
              id0, id1, id2, r0, r1, r2, acc,
              di0, di1, di2, g0, g1, g2):
    c = lax.axis_index("c")
    s = lax.axis_index("s")

    pltpu.sync_copy(zeros_hbm, acc.at[pl.ds(s * ROWS_PER_TILE, ROWS_PER_TILE)])
    plsc.subcore_barrier()

    base = (c * NS + s) * _DEG_NB
    _edge_pipeline(ones_hbm, eb_hbm, acc,
                   (id0, id1, id2), (di0, di1, di2),
                   (r0, r1, r2), (g0, g1, g2), base, _DEG_NB,
                   indirect=False)
    plsc.subcore_barrier()

    pltpu.sync_copy(acc.at[pl.ds(s * ROWS_PER_TILE, ROWS_PER_TILE)],
                    out_hbm.at[c].at[s])


@functools.cache
def _get_agg_kernel():
    mesh = plsc.VectorSubcoreMesh(core_axis_name="c", subcore_axis_name="s",
                                  num_cores=NC, num_subcores=NS)
    return pl.kernel(
        _agg_body,
        out_type=jax.ShapeDtypeStruct((NC, NS, ROWS_PER_TILE, HALF), jnp.float32),
        mesh=mesh,
        scratch_types=(
            [pltpu.VMEM((2, _BK), jnp.int32)] * 3
            + [pltpu.VMEM((_BK, HALF), jnp.float32)] * 3
            + [pltpu.VMEM_SHARED((NN, HALF), jnp.float32)]
            + [pltpu.SemaphoreType.DMA] * 6
        ),
    )


def _agg_body(hs_lo_hbm, hs_hi_hbm, eb_hbm, zeros_hbm, out_hbm,
              id0, id1, id2, r0, r1, r2, acc,
              di0, di1, di2, g0, g1, g2):
    idxs = (id0, id1, id2)
    isems = (di0, di1, di2)
    rowss = (r0, r1, r2)
    gsems = (g0, g1, g2)
    c = lax.axis_index("c")
    s = lax.axis_index("s")

    pltpu.sync_copy(zeros_hbm, acc.at[pl.ds(s * ROWS_PER_TILE, ROWS_PER_TILE)])
    plsc.subcore_barrier()

    base = s * _AGG_NB

    def run_edges(hs_ref):
        _edge_pipeline(hs_ref, eb_hbm, acc, idxs, isems, rowss, gsems,
                       base, _AGG_NB)

    pl.when(c == 0)(lambda: run_edges(hs_lo_hbm))
    pl.when(c == 1)(lambda: run_edges(hs_hi_hbm))
    plsc.subcore_barrier()

    pltpu.sync_copy(acc.at[pl.ds(s * ROWS_PER_TILE, ROWS_PER_TILE)],
                    out_hbm.at[c].at[s])


_BN = 2000


def _a0_body(deg_ref, x_ref, w_ref, lo_ref, hi_ref, dinv_ref):
    d = deg_ref[0, :, 0] + deg_ref[1, :, 0] + 1.0
    dv = lax.rsqrt(d)
    hw = jnp.dot(x_ref[...], w_ref[...], preferred_element_type=jnp.float32)
    hs = hw * dv[:, None]
    lo_ref[...] = hs[:, :HALF]
    hi_ref[...] = hs[:, HALF:]
    dinv_ref[...] = dv[:, None]


def _layer0(degs, x, w0):
    return pl.pallas_call(
        _a0_body,
        grid=(NN // _BN,),
        in_specs=[
            pl.BlockSpec((NC, _BN, HALF), lambda i: (0, i, 0)),
            pl.BlockSpec((_BN, F_IN), lambda i: (i, 0)),
            pl.BlockSpec((F_IN, HID), lambda i: (0, 0)),
        ],
        out_specs=[
            pl.BlockSpec((_BN, HALF), lambda i: (i, 0)),
            pl.BlockSpec((_BN, HALF), lambda i: (i, 0)),
            pl.BlockSpec((_BN, 1), lambda i: (i, 0)),
        ],
        out_shape=[
            jax.ShapeDtypeStruct((NN, HALF), jnp.float32),
            jax.ShapeDtypeStruct((NN, HALF), jnp.float32),
            jax.ShapeDtypeStruct((NN, 1), jnp.float32),
        ],
    )(degs, x, w0)


def _amid_body(agg_ref, lo_ref, hi_ref, dinv_ref, b_ref, w_ref,
               olo_ref, ohi_ref):
    dv = dinv_ref[...]
    lo = jax.nn.relu((agg_ref[0] + lo_ref[...]) * dv + b_ref[0, :HALF][None, :])
    hi = jax.nn.relu((agg_ref[1] + hi_ref[...]) * dv + b_ref[0, HALF:][None, :])
    h = jnp.concatenate([lo, hi], axis=1)
    hs = jnp.dot(h, w_ref[...], preferred_element_type=jnp.float32) * dv
    olo_ref[...] = hs[:, :HALF]
    ohi_ref[...] = hs[:, HALF:]


def _layer_mid(agg, hs_lo, hs_hi, dinv, b_prev, w):
    return pl.pallas_call(
        _amid_body,
        grid=(NN // _BN,),
        in_specs=[
            pl.BlockSpec((NC, _BN, HALF), lambda i: (0, i, 0)),
            pl.BlockSpec((_BN, HALF), lambda i: (i, 0)),
            pl.BlockSpec((_BN, HALF), lambda i: (i, 0)),
            pl.BlockSpec((_BN, 1), lambda i: (i, 0)),
            pl.BlockSpec((1, HID), lambda i: (0, 0)),
            pl.BlockSpec((HID, HID), lambda i: (0, 0)),
        ],
        out_specs=[
            pl.BlockSpec((_BN, HALF), lambda i: (i, 0)),
            pl.BlockSpec((_BN, HALF), lambda i: (i, 0)),
        ],
        out_shape=[
            jax.ShapeDtypeStruct((NN, HALF), jnp.float32),
            jax.ShapeDtypeStruct((NN, HALF), jnp.float32),
        ],
    )(agg, hs_lo, hs_hi, dinv, b_prev, w)


def _a3_body(agg_ref, lo_ref, hi_ref, dinv_ref, b_ref, wl_ref, bl_ref,
             out_ref):
    dv = dinv_ref[...]
    lo = jax.nn.relu((agg_ref[0] + lo_ref[...]) * dv + b_ref[0, :HALF][None, :])
    hi = jax.nn.relu((agg_ref[1] + hi_ref[...]) * dv + b_ref[0, HALF:][None, :])
    h = jnp.concatenate([lo, hi], axis=1)
    out_ref[...] = (
        jnp.dot(h, wl_ref[...], preferred_element_type=jnp.float32)
        + bl_ref[0, 0]
    )


def _layer_final(agg, hs_lo, hs_hi, dinv, b2, wl, bl):
    return pl.pallas_call(
        _a3_body,
        grid=(NN // _BN,),
        in_specs=[
            pl.BlockSpec((NC, _BN, HALF), lambda i: (0, i, 0)),
            pl.BlockSpec((_BN, HALF), lambda i: (i, 0)),
            pl.BlockSpec((_BN, HALF), lambda i: (i, 0)),
            pl.BlockSpec((_BN, 1), lambda i: (i, 0)),
            pl.BlockSpec((1, HID), lambda i: (0, 0)),
            pl.BlockSpec((HID, 1), lambda i: (0, 0)),
            pl.BlockSpec((1, 1), lambda i: (0, 0)),
        ],
        out_specs=pl.BlockSpec((_BN, 1), lambda i: (i, 0)),
        out_shape=jax.ShapeDtypeStruct((NN, 1), jnp.float32),
    )(agg, hs_lo, hs_hi, dinv, b2, wl, bl)


def kernel(x, edge_index, W0, b0, W1, b1, W2, b2, Wl, bl):
    src = edge_index[0].astype(jnp.int32)
    dst = edge_index[1].astype(jnp.int32)
    eb = jnp.stack([src.reshape(_NBLK, _BK), dst.reshape(_NBLK, _BK)], axis=1)

    ones128 = jnp.ones((_BK, HALF), jnp.float32)
    zeros128 = jnp.zeros((ROWS_PER_TILE, HALF), jnp.float32)

    degs = _get_deg_kernel()(eb, ones128, zeros128).reshape(NC, NN, HALF)
    hs_lo, hs_hi, dinv = _layer0(degs, x, W0)

    agg = _get_agg_kernel()(hs_lo, hs_hi, eb, zeros128).reshape(
        NC, NN, HALF)
    hs_lo, hs_hi = _layer_mid(agg, hs_lo, hs_hi, dinv, b0.reshape(1, -1), W1)

    agg = _get_agg_kernel()(hs_lo, hs_hi, eb, zeros128).reshape(
        NC, NN, HALF)
    hs_lo, hs_hi = _layer_mid(agg, hs_lo, hs_hi, dinv, b1.reshape(1, -1), W2)

    agg = _get_agg_kernel()(hs_lo, hs_hi, eb, zeros128).reshape(
        NC, NN, HALF)
    out = _layer_final(agg, hs_lo, hs_hi, dinv, b2.reshape(1, -1), Wl,
                       bl.reshape(1, 1))
    return out.reshape(-1)

# --- scband reference (transcript-rebuilt; emitter-appended) ---
"""Pipeline reference for scband-gcn-55018531062636 (READ-ONLY COPY).

The authoritative reference and input builder live on the scoring server;
editing this copy changes nothing except your own understanding.
"""

import jax, jax.numpy as jnp
import numpy as np

N = 10000
E = 320000
IN = 128
H = 256

def setup_inputs(seed: int = 0) -> dict:
    key = jax.random.key(seed)
    ks = jax.random.split(key, 12)
    x = jax.random.normal(ks[0], (N, IN), dtype=jnp.float32)
    edge_index = jax.random.randint(ks[1], (2, E), 0, N, dtype=jnp.int64 if jax.config.read('jax_enable_x64') else jnp.int32)
    def glorot(k, shape):
        fan_in, fan_out = shape
        lim = (6.0 / (fan_in + fan_out)) ** 0.5
        return jax.random.uniform(k, shape, dtype=jnp.float32, minval=-lim, maxval=lim)
    W0 = glorot(ks[2], (IN, H)); b0 = jnp.zeros((H,), dtype=jnp.float32)
    W1 = glorot(ks[3], (H, H)); b1 = jnp.zeros((H,), dtype=jnp.float32)
    W2 = glorot(ks[4], (H, H)); b2 = jnp.zeros((H,), dtype=jnp.float32)
    Wl = glorot(ks[5], (H, 1)); bl = jnp.zeros((1,), dtype=jnp.float32)
    return {"x": x, "edge_index": edge_index, "W0": W0, "b0": b0, "W1": W1, "b1": b1, "W2": W2, "b2": b2, "Wl": Wl, "bl": bl}

def _gcn_conv(h, src, dst, W, b):
    # GCNConv with added self-loops and symmetric normalization
    deg = jax.ops.segment_sum(jnp.ones_like(dst, dtype=h.dtype), dst, num_segments=N)
    dinv = jnp.where(deg > 0, 1.0 / jnp.sqrt(deg), 0.0)
    norm = dinv[src] * dinv[dst]
    hw = h @ W
    msg = hw[src] * norm[:, None]
    out = jax.ops.segment_sum(msg, dst, num_segments=N)
    return out + b

def reference(x, edge_index, W0, b0, W1, b1, W2, b2, Wl, bl):
    loop = jnp.arange(N, dtype=edge_index.dtype)
    src = jnp.concatenate([edge_index[0], loop])
    dst = jnp.concatenate([edge_index[1], loop])
    h = jax.nn.relu(_gcn_conv(x, src, dst, W0, b0))
    # dropout is identity in eval mode
    h = jax.nn.relu(_gcn_conv(h, src, dst, W1, b1))
    h = jax.nn.relu(_gcn_conv(h, src, dst, W2, b2))
    out = h @ Wl + bl
    return out.reshape(-1)

if __name__ == "__main__":
    import jax
    _d = setup_inputs()
    print(jax.jit(kernel)(*tuple(_d.values())))

</pallas_src>

<mosaic_0001>
#map = affine_map<(d0, d1) -> (0, 0)>
#map1 = affine_map<(d0, d1) -> (0, 0, 0)>
#map2 = affine_map<(d0, d1) -> (0, 0, 0, 0)>
module attributes {stable_mosaic.version = 14 : i64} {
  func.func @_agg_body(%arg0: i32, %arg1: i32, %arg2: memref<10000x128xf32, #tpu.memory_space<hbm>>, %arg3: memref<10000x128xf32, #tpu.memory_space<hbm>>, %arg4: memref<3200x2x100xi32, #tpu.memory_space<hbm>>, %arg5: memref<625x128xf32, #tpu.memory_space<hbm>>, %arg6: memref<2x16x625x128xf32, #tpu.memory_space<hbm>>, %arg7: memref<2x100xi32, #tpu.memory_space<vmem>>, %arg8: memref<2x100xi32, #tpu.memory_space<vmem>>, %arg9: memref<2x100xi32, #tpu.memory_space<vmem>>, %arg10: memref<100x128xf32, #tpu.memory_space<vmem>>, %arg11: memref<100x128xf32, #tpu.memory_space<vmem>>, %arg12: memref<100x128xf32, #tpu.memory_space<vmem>>, %arg13: memref<10000x128xf32, #tpu.memory_space<vmem_shared>>, %arg14: memref<!tpu.dma_semaphore, #tpu.memory_space<semaphore_mem>>, %arg15: memref<!tpu.dma_semaphore, #tpu.memory_space<semaphore_mem>>, %arg16: memref<!tpu.dma_semaphore, #tpu.memory_space<semaphore_mem>>, %arg17: memref<!tpu.dma_semaphore, #tpu.memory_space<semaphore_mem>>, %arg18: memref<!tpu.dma_semaphore, #tpu.memory_space<semaphore_mem>>, %arg19: memref<!tpu.dma_semaphore, #tpu.memory_space<semaphore_mem>>) attributes {dimension_semantics = [#tpu.dimension_semantics<core_parallel>, #tpu.dimension_semantics<subcore_parallel>], iteration_bounds = array<i64: 2, 16>, scalar_prefetch = 0 : i64, scratch_operands = 13 : i64, tpu.core_type = #tpu.core_type<sc_vector_subcore>, window_params = [{transform_indices = #map}, {transform_indices = #map}, {transform_indices = #map1}, {transform_indices = #map}, {transform_indices = #map2}]} {
    %mul3A = arith.constant 625 : i32
    %mul3A_0 = arith.muli %arg1, %mul3A : i32
    "tpu.region"() ({
      %run_scoped3A = tpu.sem_alloc : memref<!tpu.dma_semaphore, #tpu.memory_space<semaphore_mem>>
      %dma_start3A = arith.constant 0 : i32
      %dma_start3A_13 = tpu.memref_slice %arg13[%mul3A_0, %dma_start3A] : memref<10000x128xf32, #tpu.memory_space<vmem_shared>> -> memref<625x128xf32, #tpu.memory_space<vmem_shared>>
      tpu.enqueue_dma source(%arg5 : memref<625x128xf32, #tpu.memory_space<hbm>>) target(%dma_start3A_13 : memref<625x128xf32, #tpu.memory_space<vmem_shared>>) target_semaphore(%run_scoped3A : memref<!tpu.dma_semaphore, #tpu.memory_space<semaphore_mem>>)
      %dma_wait3A = arith.constant 0 : i32
      %dma_wait3A_14 = tpu.memref_slice %arg13[%mul3A_0, %dma_wait3A] : memref<10000x128xf32, #tpu.memory_space<vmem_shared>> -> memref<625x128xf32, #tpu.memory_space<vmem_shared>>
      tpu.wait_dma2 semaphore(%run_scoped3A : memref<!tpu.dma_semaphore, #tpu.memory_space<semaphore_mem>>) src(%arg5 : memref<625x128xf32, #tpu.memory_space<hbm>>) dst(%dma_wait3A_14 : memref<625x128xf32, #tpu.memory_space<vmem_shared>>)
      tpu.yield
    }) : () -> ()
    %barrier3A = arith.constant 0 : index
    tpu.barrier barrier_id(%barrier3A)
    %mul3A_1 = arith.constant 200 : i32
    %mul3A_2 = arith.muli %arg1, %mul3A_1 : i32
    %eq3A = arith.constant 0 : i32
    %eq3A_3 = arith.cmpi eq, %arg0, %eq3A : i32
    %convert_element_type3A = arith.extui %eq3A_3 : i1 to i32
    %cond3A = arith.constant 0 : i32
    %cond3A_4 = arith.cmpi ne, %convert_element_type3A, %cond3A : i32
    scf.if %cond3A_4 {
      %add3A = arith.constant 0 : i32
      %add3A_13 = arith.addi %mul3A_2, %add3A : i32
      %dma_start3A = arith.constant 0 : i32
      %dma_start3A_14 = arith.constant 0 : i32
      %dma_start3A_15 = tpu.memref_slice %arg4[%add3A_13, %dma_start3A, %dma_start3A_14] : memref<3200x2x100xi32, #tpu.memory_space<hbm>> -> memref<1x2x100xi32, #tpu.memory_space<hbm>>
      %dma_start3A_16 = tpu.memref_squeeze %dma_start3A_15 : memref<1x2x100xi32, #tpu.memory_space<hbm>> -> memref<2x100xi32, #tpu.memory_space<hbm>>
      %dma_start3A_17 = arith.constant 0 : i32
      %dma_start3A_18 = arith.constant 0 : i32
      %dma_start3A_19 = tpu.memref_slice %arg4[%add3A_13, %dma_start3A_17, %dma_start3A_18] : memref<3200x2x100xi32, #tpu.memory_space<hbm>> -> memref<1x2x100xi32, #tpu.memory_space<hbm>>
      %dma_start3A_20 = tpu.memref_squeeze %dma_start3A_19 : memref<1x2x100xi32, #tpu.memory_space<hbm>> -> memref<2x100xi32, #tpu.memory_space<hbm>>
      tpu.enqueue_dma source(%dma_start3A_20 : memref<2x100xi32, #tpu.memory_space<hbm>>) target(%arg7 : memref<2x100xi32, #tpu.memory_space<vmem>>) target_semaphore(%arg14 : memref<!tpu.dma_semaphore, #tpu.memory_space<semaphore_mem>>)
      %scan3A = arith.constant 0 : i32
      %scan3A_21 = arith.constant 0 : i32
      %scan3A_22 = arith.constant 68 : i32
      %scan3A_23 = arith.addi %scan3A_21, %scan3A_22 : i32
      %scan3A_24 = arith.constant 1 : i32
      %scan3A_25 = scf.for %scan3A_27 = %scan3A_21 to %scan3A_23 step %scan3A_24 iter_args(%scan3A_28 = %scan3A) -> (i32)  : i32 {
        %mul3A_29 = arith.constant 3 : i32
        %mul3A_30 = arith.muli %scan3A_27, %mul3A_29 : i32
        %add3A_31 = arith.constant 0 : i32
        %add3A_32 = arith.addi %mul3A_30, %add3A_31 : i32
        %sub3A = arith.constant 2 : i32
        %sub3A_33 = arith.subi %add3A_32, %sub3A : i32
        %ge3A = arith.constant 0 : i32
        %ge3A_34 = arith.cmpi sge, %sub3A_33, %ge3A : i32
        %lt3A = arith.constant 200 : i32
        %lt3A_35 = arith.cmpi slt, %sub3A_33, %lt3A : i32
        %and3A = arith.andi %ge3A_34, %lt3A_35 : i1
        %convert_element_type3A_36 = arith.extui %and3A : i1 to i32
        %cond3A_37 = arith.constant 0 : i32
        %cond3A_38 = arith.cmpi ne, %convert_element_type3A_36, %cond3A_37 : i32
        scf.if %cond3A_38 {
          %dma_wait3A = arith.constant 0 : i32
          %dma_wait3A_104 = arith.constant 0 : i32
          %dma_wait3A_105 = tpu.memref_slice %arg8[%dma_wait3A, %dma_wait3A_104] : memref<2x100xi32, #tpu.memory_space<vmem>> -> memref<1x100xi32, #tpu.memory_space<vmem>>
          %dma_wait3A_106 = tpu.memref_squeeze %dma_wait3A_105 : memref<1x100xi32, #tpu.memory_space<vmem>> -> memref<100xi32, #tpu.memory_space<vmem>>
          %dma_wait3A_107 = arith.constant 0 : i32
          %dma_wait3A_108 = arith.constant 0 : i32
          %dma_wait3A_109 = tpu.memref_slice %arg2[%dma_wait3A_107, %dma_wait3A_108] : memref<10000x128xf32, #tpu.memory_space<hbm>> -> memref<10000x128xf32, #tpu.memory_space<hbm>>
          tpu.wait_indirect_dma semaphore(%arg18 : memref<!tpu.dma_semaphore, #tpu.memory_space<semaphore_mem>>) src(%dma_wait3A_109 : memref<10000x128xf32, #tpu.memory_space<hbm>>) dst(%arg11 : memref<100x128xf32, #tpu.memory_space<vmem>>)
          %run_scoped3A = arith.constant 1 : i32
          "tpu.region"() ({
            %run_scoped3A_110 = tpu.sem_alloc : memref<!tpu.dma_semaphore, #tpu.memory_space<semaphore_mem>>
            %dma_start3A_111 = arith.constant 0 : i32
            %dma_start3A_112 = tpu.memref_slice %arg8[%run_scoped3A, %dma_start3A_111] : memref<2x100xi32, #tpu.memory_space<vmem>> -> memref<1x100xi32, #tpu.memory_space<vmem>>
            %dma_start3A_113 = tpu.memref_squeeze %dma_start3A_112 : memref<1x100xi32, #tpu.memory_space<vmem>> -> memref<100xi32, #tpu.memory_space<vmem>>
            %dma_start3A_114 = arith.constant 0 : i32
            %dma_start3A_115 = arith.constant 0 : i32
            %dma_start3A_116 = tpu.memref_slice %arg13[%dma_start3A_114, %dma_start3A_115] : memref<10000x128xf32, #tpu.memory_space<vmem_shared>> -> memref<10000x128xf32, #tpu.memory_space<vmem_shared>>
            tpu.enqueue_indirect_dma source(%arg11 : memref<100x128xf32, #tpu.memory_space<vmem>>) target(%dma_start3A_116 : memref<10000x128xf32, #tpu.memory_space<vmem_shared>>) offsets(%dma_start3A_113 : memref<100xi32, #tpu.memory_space<vmem>>) semaphore(%run_scoped3A_110 : memref<!tpu.dma_semaphore, #tpu.memory_space<semaphore_mem>>) {add = true}
            %dma_wait3A_117 = arith.constant 0 : i32
            %dma_wait3A_118 = tpu.memref_slice %arg8[%run_scoped3A, %dma_wait3A_117] : memref<2x100xi32, #tpu.memory_space<vmem>> -> memref<1x100xi32, #tpu.memory_space<vmem>>
            %dma_wait3A_119 = tpu.memref_squeeze %dma_wait3A_118 : memref<1x100xi32, #tpu.memory_space<vmem>> -> memref<100xi32, #tpu.memory_space<vmem>>
            %dma_wait3A_120 = arith.constant 0 : i32
            %dma_wait3A_121 = arith.constant 0 : i32
            %dma_wait3A_122 = tpu.memref_slice %arg13[%dma_wait3A_120, %dma_wait3A_121] : memref<10000x128xf32, #tpu.memory_space<vmem_shared>> -> memref<10000x128xf32, #tpu.memory_space<vmem_shared>>
            tpu.wait_indirect_dma semaphore(%run_scoped3A_110 : memref<!tpu.dma_semaphore, #tpu.memory_space<semaphore_mem>>) src(%arg11 : memref<100x128xf32, #tpu.memory_space<vmem>>) dst(%dma_wait3A_122 : memref<10000x128xf32, #tpu.memory_space<vmem_shared>>)
            tpu.yield
          }) : () -> ()
        } else {
        }
        %add3A_39 = arith.constant 1 : i32
        %add3A_40 = arith.addi %add3A_32, %add3A_39 : i32
        %lt3A_41 = arith.constant 200 : i32
        %lt3A_42 = arith.cmpi slt, %add3A_40, %lt3A_41 : i32
        %convert_element_type3A_43 = arith.extui %lt3A_42 : i1 to i32
        %cond3A_44 = arith.constant 0 : i32
        %cond3A_45 = arith.cmpi ne, %convert_element_type3A_43, %cond3A_44 : i32
        scf.if %cond3A_45 {
          %add3A_104 = arith.constant 1 : i32
          %add3A_105 = arith.addi %add3A_32, %add3A_104 : i32
          %add3A_106 = arith.addi %mul3A_2, %add3A_105 : i32
          %dma_start3A_107 = arith.constant 0 : i32
          %dma_start3A_108 = arith.constant 0 : i32
          %dma_start3A_109 = tpu.memref_slice %arg4[%add3A_106, %dma_start3A_107, %dma_start3A_108] : memref<3200x2x100xi32, #tpu.memory_space<hbm>> -> memref<1x2x100xi32, #tpu.memory_space<hbm>>
          %dma_start3A_110 = tpu.memref_squeeze %dma_start3A_109 : memref<1x2x100xi32, #tpu.memory_space<hbm>> -> memref<2x100xi32, #tpu.memory_space<hbm>>
          %dma_start3A_111 = arith.constant 0 : i32
          %dma_start3A_112 = arith.constant 0 : i32
          %dma_start3A_113 = tpu.memref_slice %arg4[%add3A_106, %dma_start3A_111, %dma_start3A_112] : memref<3200x2x100xi32, #tpu.memory_space<hbm>> -> memref<1x2x100xi32, #tpu.memory_space<hbm>>
          %dma_start3A_114 = tpu.memref_squeeze %dma_start3A_113 : memref<1x2x100xi32, #tpu.memory_space<hbm>> -> memref<2x100xi32, #tpu.memory_space<hbm>>
          tpu.enqueue_dma source(%dma_start3A_114 : memref<2x100xi32, #tpu.memory_space<hbm>>) target(%arg8 : memref<2x100xi32, #tpu.memory_space<vmem>>) target_semaphore(%arg15 : memref<!tpu.dma_semaphore, #tpu.memory_space<semaphore_mem>>)
        } else {
        }
        %lt3A_46 = arith.constant 200 : i32
        %lt3A_47 = arith.cmpi slt, %add3A_32, %lt3A_46 : i32
        %convert_element_type3A_48 = arith.extui %lt3A_47 : i1 to i32
        %cond3A_49 = arith.constant 0 : i32
        %cond3A_50 = arith.cmpi ne, %convert_element_type3A_48, %cond3A_49 : i32
        scf.if %cond3A_50 {
          %add3A_104 = arith.addi %mul3A_2, %add3A_32 : i32
          %dma_wait3A = arith.constant 0 : i32
          %dma_wait3A_105 = arith.constant 0 : i32
          %dma_wait3A_106 = tpu.memref_slice %arg4[%add3A_104, %dma_wait3A, %dma_wait3A_105] : memref<3200x2x100xi32, #tpu.memory_space<hbm>> -> memref<1x2x100xi32, #tpu.memory_space<hbm>>
          %dma_wait3A_107 = tpu.memref_squeeze %dma_wait3A_106 : memref<1x2x100xi32, #tpu.memory_space<hbm>> -> memref<2x100xi32, #tpu.memory_space<hbm>>
          %dma_wait3A_108 = arith.constant 0 : i32
          %dma_wait3A_109 = arith.constant 0 : i32
          %dma_wait3A_110 = tpu.memref_slice %arg4[%add3A_104, %dma_wait3A_108, %dma_wait3A_109] : memref<3200x2x100xi32, #tpu.memory_space<hbm>> -> memref<1x2x100xi32, #tpu.memory_space<hbm>>
          %dma_wait3A_111 = tpu.memref_squeeze %dma_wait3A_110 : memref<1x2x100xi32, #tpu.memory_space<hbm>> -> memref<2x100xi32, #tpu.memory_space<hbm>>
          tpu.wait_dma2 semaphore(%arg14 : memref<!tpu.dma_semaphore, #tpu.memory_space<semaphore_mem>>) src(%dma_wait3A_111 : memref<2x100xi32, #tpu.memory_space<hbm>>) dst(%arg7 : memref<2x100xi32, #tpu.memory_space<vmem>>)
          %dma_start3A_112 = arith.constant 0 : i32
          %dma_start3A_113 = arith.constant 0 : i32
          %dma_start3A_114 = tpu.memref_slice %arg7[%dma_start3A_112, %dma_start3A_113] : memref<2x100xi32, #tpu.memory_space<vmem>> -> memref<1x100xi32, #tpu.memory_space<vmem>>
          %dma_start3A_115 = tpu.memref_squeeze %dma_start3A_114 : memref<1x100xi32, #tpu.memory_space<vmem>> -> memref<100xi32, #tpu.memory_space<vmem>>
          %dma_start3A_116 = arith.constant 0 : i32
          %dma_start3A_117 = arith.constant 0 : i32
          %dma_start3A_118 = tpu.memref_slice %arg2[%dma_start3A_116, %dma_start3A_117] : memref<10000x128xf32, #tpu.memory_space<hbm>> -> memref<10000x128xf32, #tpu.memory_space<hbm>>
          tpu.enqueue_indirect_dma source(%dma_start3A_118 : memref<10000x128xf32, #tpu.memory_space<hbm>>) target(%arg10 : memref<100x128xf32, #tpu.memory_space<vmem>>) offsets(%dma_start3A_115 : memref<100xi32, #tpu.memory_space<vmem>>) semaphore(%arg17 : memref<!tpu.dma_semaphore, #tpu.memory_space<semaphore_mem>>)
        } else {
        }
        %mul3A_51 = arith.constant 3 : i32
        %mul3A_52 = arith.muli %scan3A_27, %mul3A_51 : i32
        %add3A_53 = arith.constant 1 : i32
        %add3A_54 = arith.addi %mul3A_52, %add3A_53 : i32
        %sub3A_55 = arith.constant 2 : i32
        %sub3A_56 = arith.subi %add3A_54, %sub3A_55 : i32
        %ge3A_57 = arith.constant 0 : i32
        %ge3A_58 = arith.cmpi sge, %sub3A_56, %ge3A_57 : i32
        %lt3A_59 = arith.constant 200 : i32
        %lt3A_60 = arith.cmpi slt, %sub3A_56, %lt3A_59 : i32
        %and3A_61 = arith.andi %ge3A_58, %lt3A_60 : i1
        %convert_element_type3A_62 = arith.extui %and3A_61 : i1 to i32
        %cond3A_63 = arith.constant 0 : i32
        %cond3A_64 = arith.cmpi ne, %convert_element_type3A_62, %cond3A_63 : i32
        scf.if %cond3A_64 {
          %dma_wait3A = arith.constant 0 : i32
          %dma_wait3A_104 = arith.constant 0 : i32
          %dma_wait3A_105 = tpu.memref_slice %arg9[%dma_wait3A, %dma_wait3A_104] : memref<2x100xi32, #tpu.memory_space<vmem>> -> memref<1x100xi32, #tpu.memory_space<vmem>>
          %dma_wait3A_106 = tpu.memref_squeeze %dma_wait3A_105 : memref<1x100xi32, #tpu.memory_space<vmem>> -> memref<100xi32, #tpu.memory_space<vmem>>
          %dma_wait3A_107 = arith.constant 0 : i32
          %dma_wait3A_108 = arith.constant 0 : i32
          %dma_wait3A_109 = tpu.memref_slice %arg2[%dma_wait3A_107, %dma_wait3A_108] : memref<10000x128xf32, #tpu.memory_space<hbm>> -> memref<10000x128xf32, #tpu.memory_space<hbm>>
          tpu.wait_indirect_dma semaphore(%arg19 : memref<!tpu.dma_semaphore, #tpu.memory_space<semaphore_mem>>) src(%dma_wait3A_109 : memref<10000x128xf32, #tpu.memory_space<hbm>>) dst(%arg12 : memref<100x128xf32, #tpu.memory_space<vmem>>)
          %run_scoped3A = arith.constant 1 : i32
          "tpu.region"() ({
            %run_scoped3A_110 = tpu.sem_alloc : memref<!tpu.dma_semaphore, #tpu.memory_space<semaphore_mem>>
            %dma_start3A_111 = arith.constant 0 : i32
            %dma_start3A_112 = tpu.memref_slice %arg9[%run_scoped3A, %dma_start3A_111] : memref<2x100xi32, #tpu.memory_space<vmem>> -> memref<1x100xi32, #tpu.memory_space<vmem>>
            %dma_start3A_113 = tpu.memref_squeeze %dma_start3A_112 : memref<1x100xi32, #tpu.memory_space<vmem>> -> memref<100xi32, #tpu.memory_space<vmem>>
            %dma_start3A_114 = arith.constant 0 : i32
            %dma_start3A_115 = arith.constant 0 : i32
            %dma_start3A_116 = tpu.memref_slice %arg13[%dma_start3A_114, %dma_start3A_115] : memref<10000x128xf32, #tpu.memory_space<vmem_shared>> -> memref<10000x128xf32, #tpu.memory_space<vmem_shared>>
            tpu.enqueue_indirect_dma source(%arg12 : memref<100x128xf32, #tpu.memory_space<vmem>>) target(%dma_start3A_116 : memref<10000x128xf32, #tpu.memory_space<vmem_shared>>) offsets(%dma_start3A_113 : memref<100xi32, #tpu.memory_space<vmem>>) semaphore(%run_scoped3A_110 : memref<!tpu.dma_semaphore, #tpu.memory_space<semaphore_mem>>) {add = true}
            %dma_wait3A_117 = arith.constant 0 : i32
            %dma_wait3A_118 = tpu.memref_slice %arg9[%run_scoped3A, %dma_wait3A_117] : memref<2x100xi32, #tpu.memory_space<vmem>> -> memref<1x100xi32, #tpu.memory_space<vmem>>
            %dma_wait3A_119 = tpu.memref_squeeze %dma_wait3A_118 : memref<1x100xi32, #tpu.memory_space<vmem>> -> memref<100xi32, #tpu.memory_space<vmem>>
            %dma_wait3A_120 = arith.constant 0 : i32
            %dma_wait3A_121 = arith.constant 0 : i32
            %dma_wait3A_122 = tpu.memref_slice %arg13[%dma_wait3A_120, %dma_wait3A_121] : memref<10000x128xf32, #tpu.memory_space<vmem_shared>> -> memref<10000x128xf32, #tpu.memory_space<vmem_shared>>
            tpu.wait_indirect_dma semaphore(%run_scoped3A_110 : memref<!tpu.dma_semaphore, #tpu.memory_space<semaphore_mem>>) src(%arg12 : memref<100x128xf32, #tpu.memory_space<vmem>>) dst(%dma_wait3A_122 : memref<10000x128xf32, #tpu.memory_space<vmem_shared>>)
            tpu.yield
          }) : () -> ()
        } else {
        }
        %add3A_65 = arith.constant 1 : i32
        %add3A_66 = arith.addi %add3A_54, %add3A_65 : i32
        %lt3A_67 = arith.constant 200 : i32
        %lt3A_68 = arith.cmpi slt, %add3A_66, %lt3A_67 : i32
        %convert_element_type3A_69 = arith.extui %lt3A_68 : i1 to i32
        %cond3A_70 = arith.constant 0 : i32
        %cond3A_71 = arith.cmpi ne, %convert_element_type3A_69, %cond3A_70 : i32
        scf.if %cond3A_71 {
          %add3A_104 = arith.constant 1 : i32
          %add3A_105 = arith.addi %add3A_54, %add3A_104 : i32
          %add3A_106 = arith.addi %mul3A_2, %add3A_105 : i32
          %dma_start3A_107 = arith.constant 0 : i32
          %dma_start3A_108 = arith.constant 0 : i32
          %dma_start3A_109 = tpu.memref_slice %arg4[%add3A_106, %dma_start3A_107, %dma_start3A_108] : memref<3200x2x100xi32, #tpu.memory_space<hbm>> -> memref<1x2x100xi32, #tpu.memory_space<hbm>>
          %dma_start3A_110 = tpu.memref_squeeze %dma_start3A_109 : memref<1x2x100xi32, #tpu.memory_space<hbm>> -> memref<2x100xi32, #tpu.memory_space<hbm>>
          %dma_start3A_111 = arith.constant 0 : i32
          %dma_start3A_112 = arith.constant 0 : i32
          %dma_start3A_113 = tpu.memref_slice %arg4[%add3A_106, %dma_start3A_111, %dma_start3A_112] : memref<3200x2x100xi32, #tpu.memory_space<hbm>> -> memref<1x2x100xi32, #tpu.memory_space<hbm>>
          %dma_start3A_114 = tpu.memref_squeeze %dma_start3A_113 : memref<1x2x100xi32, #tpu.memory_space<hbm>> -> memref<2x100xi32, #tpu.memory_space<hbm>>
          tpu.enqueue_dma source(%dma_start3A_114 : memref<2x100xi32, #tpu.memory_space<hbm>>) target(%arg9 : memref<2x100xi32, #tpu.memory_space<vmem>>) target_semaphore(%arg16 : memref<!tpu.dma_semaphore, #tpu.memory_space<semaphore_mem>>)
        } else {
        }
        %lt3A_72 = arith.constant 200 : i32
        %lt3A_73 = arith.cmpi slt, %add3A_54, %lt3A_72 : i32
        %convert_element_type3A_74 = arith.extui %lt3A_73 : i1 to i32
        %cond3A_75 = arith.constant 0 : i32
        %cond3A_76 = arith.cmpi ne, %convert_element_type3A_74, %cond3A_75 : i32
        scf.if %cond3A_76 {
          %add3A_104 = arith.addi %mul3A_2, %add3A_54 : i32
          %dma_wait3A = arith.constant 0 : i32
          %dma_wait3A_105 = arith.constant 0 : i32
          %dma_wait3A_106 = tpu.memref_slice %arg4[%add3A_104, %dma_wait3A, %dma_wait3A_105] : memref<3200x2x100xi32, #tpu.memory_space<hbm>> -> memref<1x2x100xi32, #tpu.memory_space<hbm>>
          %dma_wait3A_107 = tpu.memref_squeeze %dma_wait3A_106 : memref<1x2x100xi32, #tpu.memory_space<hbm>> -> memref<2x100xi32, #tpu.memory_space<hbm>>
          %dma_wait3A_108 = arith.constant 0 : i32
          %dma_wait3A_109 = arith.constant 0 : i32
          %dma_wait3A_110 = tpu.memref_slice %arg4[%add3A_104, %dma_wait3A_108, %dma_wait3A_109] : memref<3200x2x100xi32, #tpu.memory_space<hbm>> -> memref<1x2x100xi32, #tpu.memory_space<hbm>>
          %dma_wait3A_111 = tpu.memref_squeeze %dma_wait3A_110 : memref<1x2x100xi32, #tpu.memory_space<hbm>> -> memref<2x100xi32, #tpu.memory_space<hbm>>
          tpu.wait_dma2 semaphore(%arg15 : memref<!tpu.dma_semaphore, #tpu.memory_space<semaphore_mem>>) src(%dma_wait3A_111 : memref<2x100xi32, #tpu.memory_space<hbm>>) dst(%arg8 : memref<2x100xi32, #tpu.memory_space<vmem>>)
          %dma_start3A_112 = arith.constant 0 : i32
          %dma_start3A_113 = arith.constant 0 : i32
          %dma_start3A_114 = tpu.memref_slice %arg8[%dma_start3A_112, %dma_start3A_113] : memref<2x100xi32, #tpu.memory_space<vmem>> -> memref<1x100xi32, #tpu.memory_space<vmem>>
          %dma_start3A_115 = tpu.memref_squeeze %dma_start3A_114 : memref<1x100xi32, #tpu.memory_space<vmem>> -> memref<100xi32, #tpu.memory_space<vmem>>
          %dma_start3A_116 = arith.constant 0 : i32
          %dma_start3A_117 = arith.constant 0 : i32
          %dma_start3A_118 = tpu.memref_slice %arg2[%dma_start3A_116, %dma_start3A_117] : memref<10000x128xf32, #tpu.memory_space<hbm>> -> memref<10000x128xf32, #tpu.memory_space<hbm>>
          tpu.enqueue_indirect_dma source(%dma_start3A_118 : memref<10000x128xf32, #tpu.memory_space<hbm>>) target(%arg11 : memref<100x128xf32, #tpu.memory_space<vmem>>) offsets(%dma_start3A_115 : memref<100xi32, #tpu.memory_space<vmem>>) semaphore(%arg18 : memref<!tpu.dma_semaphore, #tpu.memory_space<semaphore_mem>>)
        } else {
        }
        %mul3A_77 = arith.constant 3 : i32
        %mul3A_78 = arith.muli %scan3A_27, %mul3A_77 : i32
        %add3A_79 = arith.constant 2 : i32
        %add3A_80 = arith.addi %mul3A_78, %add3A_79 : i32
        %sub3A_81 = arith.constant 2 : i32
        %sub3A_82 = arith.subi %add3A_80, %sub3A_81 : i32
        %ge3A_83 = arith.constant 0 : i32
        %ge3A_84 = arith.cmpi sge, %sub3A_82, %ge3A_83 : i32
        %lt3A_85 = arith.constant 200 : i32
        %lt3A_86 = arith.cmpi slt, %sub3A_82, %lt3A_85 : i32
        %and3A_87 = arith.andi %ge3A_84, %lt3A_86 : i1
        %convert_element_type3A_88 = arith.extui %and3A_87 : i1 to i32
        %cond3A_89 = arith.constant 0 : i32
        %cond3A_90 = arith.cmpi ne, %convert_element_type3A_88, %cond3A_89 : i32
        scf.if %cond3A_90 {
          %dma_wait3A = arith.constant 0 : i32
          %dma_wait3A_104 = arith.constant 0 : i32
          %dma_wait3A_105 = tpu.memref_slice %arg7[%dma_wait3A, %dma_wait3A_104] : memref<2x100xi32, #tpu.memory_space<vmem>> -> memref<1x100xi32, #tpu.memory_space<vmem>>
          %dma_wait3A_106 = tpu.memref_squeeze %dma_wait3A_105 : memref<1x100xi32, #tpu.memory_space<vmem>> -> memref<100xi32, #tpu.memory_space<vmem>>
          %dma_wait3A_107 = arith.constant 0 : i32
          %dma_wait3A_108 = arith.constant 0 : i32
          %dma_wait3A_109 = tpu.memref_slice %arg2[%dma_wait3A_107, %dma_wait3A_108] : memref<10000x128xf32, #tpu.memory_space<hbm>> -> memref<10000x128xf32, #tpu.memory_space<hbm>>
          tpu.wait_indirect_dma semaphore(%arg17 : memref<!tpu.dma_semaphore, #tpu.memory_space<semaphore_mem>>) src(%dma_wait3A_109 : memref<10000x128xf32, #tpu.memory_space<hbm>>) dst(%arg10 : memref<100x128xf32, #tpu.memory_space<vmem>>)
          %run_scoped3A = arith.constant 1 : i32
          "tpu.region"() ({
            %run_scoped3A_110 = tpu.sem_alloc : memref<!tpu.dma_semaphore, #tpu.memory_space<semaphore_mem>>
            %dma_start3A_111 = arith.constant 0 : i32
            %dma_start3A_112 = tpu.memref_slice %arg7[%run_scoped3A, %dma_start3A_111] : memref<2x100xi32, #tpu.memory_space<vmem>> -> memref<1x100xi32, #tpu.memory_space<vmem>>
            %dma_start3A_113 = tpu.memref_squeeze %dma_start3A_112 : memref<1x100xi32, #tpu.memory_space<vmem>> -> memref<100xi32, #tpu.memory_space<vmem>>
            %dma_start3A_114 = arith.constant 0 : i32
            %dma_start3A_115 = arith.constant 0 : i32
            %dma_start3A_116 = tpu.memref_slice %arg13[%dma_start3A_114, %dma_start3A_115] : memref<10000x128xf32, #tpu.memory_space<vmem_shared>> -> memref<10000x128xf32, #tpu.memory_space<vmem_shared>>
            tpu.enqueue_indirect_dma source(%arg10 : memref<100x128xf32, #tpu.memory_space<vmem>>) target(%dma_start3A_116 : memref<10000x128xf32, #tpu.memory_space<vmem_shared>>) offsets(%dma_start3A_113 : memref<100xi32, #tpu.memory_space<vmem>>) semaphore(%run_scoped3A_110 : memref<!tpu.dma_semaphore, #tpu.memory_space<semaphore_mem>>) {add = true}
            %dma_wait3A_117 = arith.constant 0 : i32
            %dma_wait3A_118 = tpu.memref_slice %arg7[%run_scoped3A, %dma_wait3A_117] : memref<2x100xi32, #tpu.memory_space<vmem>> -> memref<1x100xi32, #tpu.memory_space<vmem>>
            %dma_wait3A_119 = tpu.memref_squeeze %dma_wait3A_118 : memref<1x100xi32, #tpu.memory_space<vmem>> -> memref<100xi32, #tpu.memory_space<vmem>>
            %dma_wait3A_120 = arith.constant 0 : i32
            %dma_wait3A_121 = arith.constant 0 : i32
            %dma_wait3A_122 = tpu.memref_slice %arg13[%dma_wait3A_120, %dma_wait3A_121] : memref<10000x128xf32, #tpu.memory_space<vmem_shared>> -> memref<10000x128xf32, #tpu.memory_space<vmem_shared>>
            tpu.wait_indirect_dma semaphore(%run_scoped3A_110 : memref<!tpu.dma_semaphore, #tpu.memory_space<semaphore_mem>>) src(%arg10 : memref<100x128xf32, #tpu.memory_space<vmem>>) dst(%dma_wait3A_122 : memref<10000x128xf32, #tpu.memory_space<vmem_shared>>)
            tpu.yield
          }) : () -> ()
        } else {
        }
        %add3A_91 = arith.constant 1 : i32
        %add3A_92 = arith.addi %add3A_80, %add3A_91 : i32
        %lt3A_93 = arith.constant 200 : i32
        %lt3A_94 = arith.cmpi slt, %add3A_92, %lt3A_93 : i32
        %convert_element_type3A_95 = arith.extui %lt3A_94 : i1 to i32
        %cond3A_96 = arith.constant 0 : i32
        %cond3A_97 = arith.cmpi ne, %convert_element_type3A_95, %cond3A_96 : i32
        scf.if %cond3A_97 {
          %add3A_104 = arith.constant 1 : i32
          %add3A_105 = arith.addi %add3A_80, %add3A_104 : i32
          %add3A_106 = arith.addi %mul3A_2, %add3A_105 : i32
          %dma_start3A_107 = arith.constant 0 : i32
          %dma_start3A_108 = arith.constant 0 : i32
          %dma_start3A_109 = tpu.memref_slice %arg4[%add3A_106, %dma_start3A_107, %dma_start3A_108] : memref<3200x2x100xi32, #tpu.memory_space<hbm>> -> memref<1x2x100xi32, #tpu.memory_space<hbm>>
          %dma_start3A_110 = tpu.memref_squeeze %dma_start3A_109 : memref<1x2x100xi32, #tpu.memory_space<hbm>> -> memref<2x100xi32, #tpu.memory_space<hbm>>
          %dma_start3A_111 = arith.constant 0 : i32
          %dma_start3A_112 = arith.constant 0 : i32
          %dma_start3A_113 = tpu.memref_slice %arg4[%add3A_106, %dma_start3A_111, %dma_start3A_112] : memref<3200x2x100xi32, #tpu.memory_space<hbm>> -> memref<1x2x100xi32, #tpu.memory_space<hbm>>
          %dma_start3A_114 = tpu.memref_squeeze %dma_start3A_113 : memref<1x2x100xi32, #tpu.memory_space<hbm>> -> memref<2x100xi32, #tpu.memory_space<hbm>>
          tpu.enqueue_dma source(%dma_start3A_114 : memref<2x100xi32, #tpu.memory_space<hbm>>) target(%arg7 : memref<2x100xi32, #tpu.memory_space<vmem>>) target_semaphore(%arg14 : memref<!tpu.dma_semaphore, #tpu.memory_space<semaphore_mem>>)
        } else {
        }
        %lt3A_98 = arith.constant 200 : i32
        %lt3A_99 = arith.cmpi slt, %add3A_80, %lt3A_98 : i32
        %convert_element_type3A_100 = arith.extui %lt3A_99 : i1 to i32
        %cond3A_101 = arith.constant 0 : i32
        %cond3A_102 = arith.cmpi ne, %convert_element_type3A_100, %cond3A_101 : i32
        scf.if %cond3A_102 {
          %add3A_104 = arith.addi %mul3A_2, %add3A_80 : i32
          %dma_wait3A = arith.constant 0 : i32
          %dma_wait3A_105 = arith.constant 0 : i32
          %dma_wait3A_106 = tpu.memref_slice %arg4[%add3A_104, %dma_wait3A, %dma_wait3A_105] : memref<3200x2x100xi32, #tpu.memory_space<hbm>> -> memref<1x2x100xi32, #tpu.memory_space<hbm>>
          %dma_wait3A_107 = tpu.memref_squeeze %dma_wait3A_106 : memref<1x2x100xi32, #tpu.memory_space<hbm>> -> memref<2x100xi32, #tpu.memory_space<hbm>>
          %dma_wait3A_108 = arith.constant 0 : i32
          %dma_wait3A_109 = arith.constant 0 : i32
          %dma_wait3A_110 = tpu.memref_slice %arg4[%add3A_104, %dma_wait3A_108, %dma_wait3A_109] : memref<3200x2x100xi32, #tpu.memory_space<hbm>> -> memref<1x2x100xi32, #tpu.memory_space<hbm>>
          %dma_wait3A_111 = tpu.memref_squeeze %dma_wait3A_110 : memref<1x2x100xi32, #tpu.memory_space<hbm>> -> memref<2x100xi32, #tpu.memory_space<hbm>>
          tpu.wait_dma2 semaphore(%arg16 : memref<!tpu.dma_semaphore, #tpu.memory_space<semaphore_mem>>) src(%dma_wait3A_111 : memref<2x100xi32, #tpu.memory_space<hbm>>) dst(%arg9 : memref<2x100xi32, #tpu.memory_space<vmem>>)
          %dma_start3A_112 = arith.constant 0 : i32
          %dma_start3A_113 = arith.constant 0 : i32
          %dma_start3A_114 = tpu.memref_slice %arg9[%dma_start3A_112, %dma_start3A_113] : memref<2x100xi32, #tpu.memory_space<vmem>> -> memref<1x100xi32, #tpu.memory_space<vmem>>
          %dma_start3A_115 = tpu.memref_squeeze %dma_start3A_114 : memref<1x100xi32, #tpu.memory_space<vmem>> -> memref<100xi32, #tpu.memory_space<vmem>>
          %dma_start3A_116 = arith.constant 0 : i32
          %dma_start3A_117 = arith.constant 0 : i32
          %dma_start3A_118 = tpu.memref_slice %arg2[%dma_start3A_116, %dma_start3A_117] : memref<10000x128xf32, #tpu.memory_space<hbm>> -> memref<10000x128xf32, #tpu.memory_space<hbm>>
          tpu.enqueue_indirect_dma source(%dma_start3A_118 : memref<10000x128xf32, #tpu.memory_space<hbm>>) target(%arg12 : memref<100x128xf32, #tpu.memory_space<vmem>>) offsets(%dma_start3A_115 : memref<100xi32, #tpu.memory_space<vmem>>) semaphore(%arg19 : memref<!tpu.dma_semaphore, #tpu.memory_space<semaphore_mem>>)
        } else {
        }
        %scan3A_103 = arith.constant 0 : i32
        scf.yield %scan3A_103 : i32
      }
      %scan3A_26 = arith.constant 68 : i32
    } else {
    }
    %eq3A_5 = arith.constant 1 : i32
    %eq3A_6 = arith.cmpi eq, %arg0, %eq3A_5 : i32
    %convert_element_type3A_7 = arith.extui %eq3A_6 : i1 to i32
    %cond3A_8 = arith.constant 0 : i32
    %cond3A_9 = arith.cmpi ne, %convert_element_type3A_7, %cond3A_8 : i32
    scf.if %cond3A_9 {
      %add3A = arith.constant 0 : i32
      %add3A_13 = arith.addi %mul3A_2, %add3A : i32
      %dma_start3A = arith.constant 0 : i32
      %dma_start3A_14 = arith.constant 0 : i32
      %dma_start3A_15 = tpu.memref_slice %arg4[%add3A_13, %dma_start3A, %dma_start3A_14] : memref<3200x2x100xi32, #tpu.memory_space<hbm>> -> memref<1x2x100xi32, #tpu.memory_space<hbm>>
      %dma_start3A_16 = tpu.memref_squeeze %dma_start3A_15 : memref<1x2x100xi32, #tpu.memory_space<hbm>> -> memref<2x100xi32, #tpu.memory_space<hbm>>
      %dma_start3A_17 = arith.constant 0 : i32
      %dma_start3A_18 = arith.constant 0 : i32
      %dma_start3A_19 = tpu.memref_slice %arg4[%add3A_13, %dma_start3A_17, %dma_start3A_18] : memref<3200x2x100xi32, #tpu.memory_space<hbm>> -> memref<1x2x100xi32, #tpu.memory_space<hbm>>
      %dma_start3A_20 = tpu.memref_squeeze %dma_start3A_19 : memref<1x2x100xi32, #tpu.memory_space<hbm>> -> memref<2x100xi32, #tpu.memory_space<hbm>>
      tpu.enqueue_dma source(%dma_start3A_20 : memref<2x100xi32, #tpu.memory_space<hbm>>) target(%arg7 : memref<2x100xi32, #tpu.memory_space<vmem>>) target_semaphore(%arg14 : memref<!tpu.dma_semaphore, #tpu.memory_space<semaphore_mem>>)
      %scan3A = arith.constant 0 : i32
      %scan3A_21 = arith.constant 0 : i32
      %scan3A_22 = arith.constant 68 : i32
      %scan3A_23 = arith.addi %scan3A_21, %scan3A_22 : i32
      %scan3A_24 = arith.constant 1 : i32
      %scan3A_25 = scf.for %scan3A_27 = %scan3A_21 to %scan3A_23 step %scan3A_24 iter_args(%scan3A_28 = %scan3A) -> (i32)  : i32 {
        %mul3A_29 = arith.constant 3 : i32
        %mul3A_30 = arith.muli %scan3A_27, %mul3A_29 : i32
        %add3A_31 = arith.constant 0 : i32
        %add3A_32 = arith.addi %mul3A_30, %add3A_31 : i32
        %sub3A = arith.constant 2 : i32
        %sub3A_33 = arith.subi %add3A_32, %sub3A : i32
        %ge3A = arith.constant 0 : i32
        %ge3A_34 = arith.cmpi sge, %sub3A_33, %ge3A : i32
        %lt3A = arith.constant 200 : i32
        %lt3A_35 = arith.cmpi slt, %sub3A_33, %lt3A : i32
        %and3A = arith.andi %ge3A_34, %lt3A_35 : i1
        %convert_element_type3A_36 = arith.extui %and3A : i1 to i32
        %cond3A_37 = arith.constant 0 : i32
        %cond3A_38 = arith.cmpi ne, %convert_element_type3A_36, %cond3A_37 : i32
        scf.if %cond3A_38 {
          %dma_wait3A = arith.constant 0 : i32
          %dma_wait3A_104 = arith.constant 0 : i32
          %dma_wait3A_105 = tpu.memref_slice %arg8[%dma_wait3A, %dma_wait3A_104] : memref<2x100xi32, #tpu.memory_space<vmem>> -> memref<1x100xi32, #tpu.memory_space<vmem>>
          %dma_wait3A_106 = tpu.memref_squeeze %dma_wait3A_105 : memref<1x100xi32, #tpu.memory_space<vmem>> -> memref<100xi32, #tpu.memory_space<vmem>>
          %dma_wait3A_107 = arith.constant 0 : i32
          %dma_wait3A_108 = arith.constant 0 : i32
          %dma_wait3A_109 = tpu.memref_slice %arg3[%dma_wait3A_107, %dma_wait3A_108] : memref<10000x128xf32, #tpu.memory_space<hbm>> -> memref<10000x128xf32, #tpu.memory_space<hbm>>
          tpu.wait_indirect_dma semaphore(%arg18 : memref<!tpu.dma_semaphore, #tpu.memory_space<semaphore_mem>>) src(%dma_wait3A_109 : memref<10000x128xf32, #tpu.memory_space<hbm>>) dst(%arg11 : memref<100x128xf32, #tpu.memory_space<vmem>>)
          %run_scoped3A = arith.constant 1 : i32
          "tpu.region"() ({
            %run_scoped3A_110 = tpu.sem_alloc : memref<!tpu.dma_semaphore, #tpu.memory_space<semaphore_mem>>
            %dma_start3A_111 = arith.constant 0 : i32
            %dma_start3A_112 = tpu.memref_slice %arg8[%run_scoped3A, %dma_start3A_111] : memref<2x100xi32, #tpu.memory_space<vmem>> -> memref<1x100xi32, #tpu.memory_space<vmem>>
            %dma_start3A_113 = tpu.memref_squeeze %dma_start3A_112 : memref<1x100xi32, #tpu.memory_space<vmem>> -> memref<100xi32, #tpu.memory_space<vmem>>
            %dma_start3A_114 = arith.constant 0 : i32
            %dma_start3A_115 = arith.constant 0 : i32
            %dma_start3A_116 = tpu.memref_slice %arg13[%dma_start3A_114, %dma_start3A_115] : memref<10000x128xf32, #tpu.memory_space<vmem_shared>> -> memref<10000x128xf32, #tpu.memory_space<vmem_shared>>
            tpu.enqueue_indirect_dma source(%arg11 : memref<100x128xf32, #tpu.memory_space<vmem>>) target(%dma_start3A_116 : memref<10000x128xf32, #tpu.memory_space<vmem_shared>>) offsets(%dma_start3A_113 : memref<100xi32, #tpu.memory_space<vmem>>) semaphore(%run_scoped3A_110 : memref<!tpu.dma_semaphore, #tpu.memory_space<semaphore_mem>>) {add = true}
            %dma_wait3A_117 = arith.constant 0 : i32
            %dma_wait3A_118 = tpu.memref_slice %arg8[%run_scoped3A, %dma_wait3A_117] : memref<2x100xi32, #tpu.memory_space<vmem>> -> memref<1x100xi32, #tpu.memory_space<vmem>>
            %dma_wait3A_119 = tpu.memref_squeeze %dma_wait3A_118 : memref<1x100xi32, #tpu.memory_space<vmem>> -> memref<100xi32, #tpu.memory_space<vmem>>
            %dma_wait3A_120 = arith.constant 0 : i32
            %dma_wait3A_121 = arith.constant 0 : i32
            %dma_wait3A_122 = tpu.memref_slice %arg13[%dma_wait3A_120, %dma_wait3A_121] : memref<10000x128xf32, #tpu.memory_space<vmem_shared>> -> memref<10000x128xf32, #tpu.memory_space<vmem_shared>>
            tpu.wait_indirect_dma semaphore(%run_scoped3A_110 : memref<!tpu.dma_semaphore, #tpu.memory_space<semaphore_mem>>) src(%arg11 : memref<100x128xf32, #tpu.memory_space<vmem>>) dst(%dma_wait3A_122 : memref<10000x128xf32, #tpu.memory_space<vmem_shared>>)
            tpu.yield
          }) : () -> ()
        } else {
        }
        %add3A_39 = arith.constant 1 : i32
        %add3A_40 = arith.addi %add3A_32, %add3A_39 : i32
        %lt3A_41 = arith.constant 200 : i32
        %lt3A_42 = arith.cmpi slt, %add3A_40, %lt3A_41 : i32
        %convert_element_type3A_43 = arith.extui %lt3A_42 : i1 to i32
        %cond3A_44 = arith.constant 0 : i32
        %cond3A_45 = arith.cmpi ne, %convert_element_type3A_43, %cond3A_44 : i32
        scf.if %cond3A_45 {
          %add3A_104 = arith.constant 1 : i32
          %add3A_105 = arith.addi %add3A_32, %add3A_104 : i32
          %add3A_106 = arith.addi %mul3A_2, %add3A_105 : i32
          %dma_start3A_107 = arith.constant 0 : i32
          %dma_start3A_108 = arith.constant 0 : i32
          %dma_start3A_109 = tpu.memref_slice %arg4[%add3A_106, %dma_start3A_107, %dma_start3A_108] : memref<3200x2x100xi32, #tpu.memory_space<hbm>> -> memref<1x2x100xi32, #tpu.memory_space<hbm>>
          %dma_start3A_110 = tpu.memref_squeeze %dma_start3A_109 : memref<1x2x100xi32, #tpu.memory_space<hbm>> -> memref<2x100xi32, #tpu.memory_space<hbm>>
          %dma_start3A_111 = arith.constant 0 : i32
          %dma_start3A_112 = arith.constant 0 : i32
          %dma_start3A_113 = tpu.memref_slice %arg4[%add3A_106, %dma_start3A_111, %dma_start3A_112] : memref<3200x2x100xi32, #tpu.memory_space<hbm>> -> memref<1x2x100xi32, #tpu.memory_space<hbm>>
          %dma_start3A_114 = tpu.memref_squeeze %dma_start3A_113 : memref<1x2x100xi32, #tpu.memory_space<hbm>> -> memref<2x100xi32, #tpu.memory_space<hbm>>
          tpu.enqueue_dma source(%dma_start3A_114 : memref<2x100xi32, #tpu.memory_space<hbm>>) target(%arg8 : memref<2x100xi32, #tpu.memory_space<vmem>>) target_semaphore(%arg15 : memref<!tpu.dma_semaphore, #tpu.memory_space<semaphore_mem>>)
        } else {
        }
        %lt3A_46 = arith.constant 200 : i32
        %lt3A_47 = arith.cmpi slt, %add3A_32, %lt3A_46 : i32
        %convert_element_type3A_48 = arith.extui %lt3A_47 : i1 to i32
        %cond3A_49 = arith.constant 0 : i32
        %cond3A_50 = arith.cmpi ne, %convert_element_type3A_48, %cond3A_49 : i32
        scf.if %cond3A_50 {
          %add3A_104 = arith.addi %mul3A_2, %add3A_32 : i32
          %dma_wait3A = arith.constant 0 : i32
          %dma_wait3A_105 = arith.constant 0 : i32
          %dma_wait3A_106 = tpu.memref_slice %arg4[%add3A_104, %dma_wait3A, %dma_wait3A_105] : memref<3200x2x100xi32, #tpu.memory_space<hbm>> -> memref<1x2x100xi32, #tpu.memory_space<hbm>>
          %dma_wait3A_107 = tpu.memref_squeeze %dma_wait3A_106 : memref<1x2x100xi32, #tpu.memory_space<hbm>> -> memref<2x100xi32, #tpu.memory_space<hbm>>
          %dma_wait3A_108 = arith.constant 0 : i32
          %dma_wait3A_109 = arith.constant 0 : i32
          %dma_wait3A_110 = tpu.memref_slice %arg4[%add3A_104, %dma_wait3A_108, %dma_wait3A_109] : memref<3200x2x100xi32, #tpu.memory_space<hbm>> -> memref<1x2x100xi32, #tpu.memory_space<hbm>>
          %dma_wait3A_111 = tpu.memref_squeeze %dma_wait3A_110 : memref<1x2x100xi32, #tpu.memory_space<hbm>> -> memref<2x100xi32, #tpu.memory_space<hbm>>
          tpu.wait_dma2 semaphore(%arg14 : memref<!tpu.dma_semaphore, #tpu.memory_space<semaphore_mem>>) src(%dma_wait3A_111 : memref<2x100xi32, #tpu.memory_space<hbm>>) dst(%arg7 : memref<2x100xi32, #tpu.memory_space<vmem>>)
          %dma_start3A_112 = arith.constant 0 : i32
          %dma_start3A_113 = arith.constant 0 : i32
          %dma_start3A_114 = tpu.memref_slice %arg7[%dma_start3A_112, %dma_start3A_113] : memref<2x100xi32, #tpu.memory_space<vmem>> -> memref<1x100xi32, #tpu.memory_space<vmem>>
          %dma_start3A_115 = tpu.memref_squeeze %dma_start3A_114 : memref<1x100xi32, #tpu.memory_space<vmem>> -> memref<100xi32, #tpu.memory_space<vmem>>
          %dma_start3A_116 = arith.constant 0 : i32
          %dma_start3A_117 = arith.constant 0 : i32
          %dma_start3A_118 = tpu.memref_slice %arg3[%dma_start3A_116, %dma_start3A_117] : memref<10000x128xf32, #tpu.memory_space<hbm>> -> memref<10000x128xf32, #tpu.memory_space<hbm>>
          tpu.enqueue_indirect_dma source(%dma_start3A_118 : memref<10000x128xf32, #tpu.memory_space<hbm>>) target(%arg10 : memref<100x128xf32, #tpu.memory_space<vmem>>) offsets(%dma_start3A_115 : memref<100xi32, #tpu.memory_space<vmem>>) semaphore(%arg17 : memref<!tpu.dma_semaphore, #tpu.memory_space<semaphore_mem>>)
        } else {
        }
        %mul3A_51 = arith.constant 3 : i32
        %mul3A_52 = arith.muli %scan3A_27, %mul3A_51 : i32
        %add3A_53 = arith.constant 1 : i32
        %add3A_54 = arith.addi %mul3A_52, %add3A_53 : i32
        %sub3A_55 = arith.constant 2 : i32
        %sub3A_56 = arith.subi %add3A_54, %sub3A_55 : i32
        %ge3A_57 = arith.constant 0 : i32
        %ge3A_58 = arith.cmpi sge, %sub3A_56, %ge3A_57 : i32
        %lt3A_59 = arith.constant 200 : i32
        %lt3A_60 = arith.cmpi slt, %sub3A_56, %lt3A_59 : i32
        %and3A_61 = arith.andi %ge3A_58, %lt3A_60 : i1
        %convert_element_type3A_62 = arith.extui %and3A_61 : i1 to i32
        %cond3A_63 = arith.constant 0 : i32
        %cond3A_64 = arith.cmpi ne, %convert_element_type3A_62, %cond3A_63 : i32
        scf.if %cond3A_64 {
          %dma_wait3A = arith.constant 0 : i32
          %dma_wait3A_104 = arith.constant 0 : i32
          %dma_wait3A_105 = tpu.memref_slice %arg9[%dma_wait3A, %dma_wait3A_104] : memref<2x100xi32, #tpu.memory_space<vmem>> -> memref<1x100xi32, #tpu.memory_space<vmem>>
          %dma_wait3A_106 = tpu.memref_squeeze %dma_wait3A_105 : memref<1x100xi32, #tpu.memory_space<vmem>> -> memref<100xi32, #tpu.memory_space<vmem>>
          %dma_wait3A_107 = arith.constant 0 : i32
          %dma_wait3A_108 = arith.constant 0 : i32
          %dma_wait3A_109 = tpu.memref_slice %arg3[%dma_wait3A_107, %dma_wait3A_108] : memref<10000x128xf32, #tpu.memory_space<hbm>> -> memref<10000x128xf32, #tpu.memory_space<hbm>>
          tpu.wait_indirect_dma semaphore(%arg19 : memref<!tpu.dma_semaphore, #tpu.memory_space<semaphore_mem>>) src(%dma_wait3A_109 : memref<10000x128xf32, #tpu.memory_space<hbm>>) dst(%arg12 : memref<100x128xf32, #tpu.memory_space<vmem>>)
          %run_scoped3A = arith.constant 1 : i32
          "tpu.region"() ({
            %run_scoped3A_110 = tpu.sem_alloc : memref<!tpu.dma_semaphore, #tpu.memory_space<semaphore_mem>>
            %dma_start3A_111 = arith.constant 0 : i32
            %dma_start3A_112 = tpu.memref_slice %arg9[%run_scoped3A, %dma_start3A_111] : memref<2x100xi32, #tpu.memory_space<vmem>> -> memref<1x100xi32, #tpu.memory_space<vmem>>
            %dma_start3A_113 = tpu.memref_squeeze %dma_start3A_112 : memref<1x100xi32, #tpu.memory_space<vmem>> -> memref<100xi32, #tpu.memory_space<vmem>>
            %dma_start3A_114 = arith.constant 0 : i32
            %dma_start3A_115 = arith.constant 0 : i32
            %dma_start3A_116 = tpu.memref_slice %arg13[%dma_start3A_114, %dma_start3A_115] : memref<10000x128xf32, #tpu.memory_space<vmem_shared>> -> memref<10000x128xf32, #tpu.memory_space<vmem_shared>>
            tpu.enqueue_indirect_dma source(%arg12 : memref<100x128xf32, #tpu.memory_space<vmem>>) target(%dma_start3A_116 : memref<10000x128xf32, #tpu.memory_space<vmem_shared>>) offsets(%dma_start3A_113 : memref<100xi32, #tpu.memory_space<vmem>>) semaphore(%run_scoped3A_110 : memref<!tpu.dma_semaphore, #tpu.memory_space<semaphore_mem>>) {add = true}
            %dma_wait3A_117 = arith.constant 0 : i32
            %dma_wait3A_118 = tpu.memref_slice %arg9[%run_scoped3A, %dma_wait3A_117] : memref<2x100xi32, #tpu.memory_space<vmem>> -> memref<1x100xi32, #tpu.memory_space<vmem>>
            %dma_wait3A_119 = tpu.memref_squeeze %dma_wait3A_118 : memref<1x100xi32, #tpu.memory_space<vmem>> -> memref<100xi32, #tpu.memory_space<vmem>>
            %dma_wait3A_120 = arith.constant 0 : i32
            %dma_wait3A_121 = arith.constant 0 : i32
            %dma_wait3A_122 = tpu.memref_slice %arg13[%dma_wait3A_120, %dma_wait3A_121] : memref<10000x128xf32, #tpu.memory_space<vmem_shared>> -> memref<10000x128xf32, #tpu.memory_space<vmem_shared>>
            tpu.wait_indirect_dma semaphore(%run_scoped3A_110 : memref<!tpu.dma_semaphore, #tpu.memory_space<semaphore_mem>>) src(%arg12 : memref<100x128xf32, #tpu.memory_space<vmem>>) dst(%dma_wait3A_122 : memref<10000x128xf32, #tpu.memory_space<vmem_shared>>)
            tpu.yield
          }) : () -> ()
        } else {
        }
        %add3A_65 = arith.constant 1 : i32
        %add3A_66 = arith.addi %add3A_54, %add3A_65 : i32
        %lt3A_67 = arith.constant 200 : i32
        %lt3A_68 = arith.cmpi slt, %add3A_66, %lt3A_67 : i32
        %convert_element_type3A_69 = arith.extui %lt3A_68 : i1 to i32
        %cond3A_70 = arith.constant 0 : i32
        %cond3A_71 = arith.cmpi ne, %convert_element_type3A_69, %cond3A_70 : i32
        scf.if %cond3A_71 {
          %add3A_104 = arith.constant 1 : i32
          %add3A_105 = arith.addi %add3A_54, %add3A_104 : i32
          %add3A_106 = arith.addi %mul3A_2, %add3A_105 : i32
          %dma_start3A_107 = arith.constant 0 : i32
          %dma_start3A_108 = arith.constant 0 : i32
          %dma_start3A_109 = tpu.memref_slice %arg4[%add3A_106, %dma_start3A_107, %dma_start3A_108] : memref<3200x2x100xi32, #tpu.memory_space<hbm>> -> memref<1x2x100xi32, #tpu.memory_space<hbm>>
          %dma_start3A_110 = tpu.memref_squeeze %dma_start3A_109 : memref<1x2x100xi32, #tpu.memory_space<hbm>> -> memref<2x100xi32, #tpu.memory_space<hbm>>
          %dma_start3A_111 = arith.constant 0 : i32
          %dma_start3A_112 = arith.constant 0 : i32
          %dma_start3A_113 = tpu.memref_slice %arg4[%add3A_106, %dma_start3A_111, %dma_start3A_112] : memref<3200x2x100xi32, #tpu.memory_space<hbm>> -> memref<1x2x100xi32, #tpu.memory_space<hbm>>
          %dma_start3A_114 = tpu.memref_squeeze %dma_start3A_113 : memref<1x2x100xi32, #tpu.memory_space<hbm>> -> memref<2x100xi32, #tpu.memory_space<hbm>>
          tpu.enqueue_dma source(%dma_start3A_114 : memref<2x100xi32, #tpu.memory_space<hbm>>) target(%arg9 : memref<2x100xi32, #tpu.memory_space<vmem>>) target_semaphore(%arg16 : memref<!tpu.dma_semaphore, #tpu.memory_space<semaphore_mem>>)
        } else {
        }
        %lt3A_72 = arith.constant 200 : i32
        %lt3A_73 = arith.cmpi slt, %add3A_54, %lt3A_72 : i32
        %convert_element_type3A_74 = arith.extui %lt3A_73 : i1 to i32
        %cond3A_75 = arith.constant 0 : i32
        %cond3A_76 = arith.cmpi ne, %convert_element_type3A_74, %cond3A_75 : i32
        scf.if %cond3A_76 {
          %add3A_104 = arith.addi %mul3A_2, %add3A_54 : i32
          %dma_wait3A = arith.constant 0 : i32
          %dma_wait3A_105 = arith.constant 0 : i32
          %dma_wait3A_106 = tpu.memref_slice %arg4[%add3A_104, %dma_wait3A, %dma_wait3A_105] : memref<3200x2x100xi32, #tpu.memory_space<hbm>> -> memref<1x2x100xi32, #tpu.memory_space<hbm>>
          %dma_wait3A_107 = tpu.memref_squeeze %dma_wait3A_106 : memref<1x2x100xi32, #tpu.memory_space<hbm>> -> memref<2x100xi32, #tpu.memory_space<hbm>>
          %dma_wait3A_108 = arith.constant 0 : i32
          %dma_wait3A_109 = arith.constant 0 : i32
          %dma_wait3A_110 = tpu.memref_slice %arg4[%add3A_104, %dma_wait3A_108, %dma_wait3A_109] : memref<3200x2x100xi32, #tpu.memory_space<hbm>> -> memref<1x2x100xi32, #tpu.memory_space<hbm>>
          %dma_wait3A_111 = tpu.memref_squeeze %dma_wait3A_110 : memref<1x2x100xi32, #tpu.memory_space<hbm>> -> memref<2x100xi32, #tpu.memory_space<hbm>>
          tpu.wait_dma2 semaphore(%arg15 : memref<!tpu.dma_semaphore, #tpu.memory_space<semaphore_mem>>) src(%dma_wait3A_111 : memref<2x100xi32, #tpu.memory_space<hbm>>) dst(%arg8 : memref<2x100xi32, #tpu.memory_space<vmem>>)
          %dma_start3A_112 = arith.constant 0 : i32
          %dma_start3A_113 = arith.constant 0 : i32
          %dma_start3A_114 = tpu.memref_slice %arg8[%dma_start3A_112, %dma_start3A_113] : memref<2x100xi32, #tpu.memory_space<vmem>> -> memref<1x100xi32, #tpu.memory_space<vmem>>
          %dma_start3A_115 = tpu.memref_squeeze %dma_start3A_114 : memref<1x100xi32, #tpu.memory_space<vmem>> -> memref<100xi32, #tpu.memory_space<vmem>>
          %dma_start3A_116 = arith.constant 0 : i32
          %dma_start3A_117 = arith.constant 0 : i32
          %dma_start3A_118 = tpu.memref_slice %arg3[%dma_start3A_116, %dma_start3A_117] : memref<10000x128xf32, #tpu.memory_space<hbm>> -> memref<10000x128xf32, #tpu.memory_space<hbm>>
          tpu.enqueue_indirect_dma source(%dma_start3A_118 : memref<10000x128xf32, #tpu.memory_space<hbm>>) target(%arg11 : memref<100x128xf32, #tpu.memory_space<vmem>>) offsets(%dma_start3A_115 : memref<100xi32, #tpu.memory_space<vmem>>) semaphore(%arg18 : memref<!tpu.dma_semaphore, #tpu.memory_space<semaphore_mem>>)
        } else {
        }
        %mul3A_77 = arith.constant 3 : i32
        %mul3A_78 = arith.muli %scan3A_27, %mul3A_77 : i32
        %add3A_79 = arith.constant 2 : i32
        %add3A_80 = arith.addi %mul3A_78, %add3A_79 : i32
        %sub3A_81 = arith.constant 2 : i32
        %sub3A_82 = arith.subi %add3A_80, %sub3A_81 : i32
        %ge3A_83 = arith.constant 0 : i32
        %ge3A_84 = arith.cmpi sge, %sub3A_82, %ge3A_83 : i32
        %lt3A_85 = arith.constant 200 : i32
        %lt3A_86 = arith.cmpi slt, %sub3A_82, %lt3A_85 : i32
        %and3A_87 = arith.andi %ge3A_84, %lt3A_86 : i1
        %convert_element_type3A_88 = arith.extui %and3A_87 : i1 to i32
        %cond3A_89 = arith.constant 0 : i32
        %cond3A_90 = arith.cmpi ne, %convert_element_type3A_88, %cond3A_89 : i32
        scf.if %cond3A_90 {
          %dma_wait3A = arith.constant 0 : i32
          %dma_wait3A_104 = arith.constant 0 : i32
          %dma_wait3A_105 = tpu.memref_slice %arg7[%dma_wait3A, %dma_wait3A_104] : memref<2x100xi32, #tpu.memory_space<vmem>> -> memref<1x100xi32, #tpu.memory_space<vmem>>
          %dma_wait3A_106 = tpu.memref_squeeze %dma_wait3A_105 : memref<1x100xi32, #tpu.memory_space<vmem>> -> memref<100xi32, #tpu.memory_space<vmem>>
          %dma_wait3A_107 = arith.constant 0 : i32
          %dma_wait3A_108 = arith.constant 0 : i32
          %dma_wait3A_109 = tpu.memref_slice %arg3[%dma_wait3A_107, %dma_wait3A_108] : memref<10000x128xf32, #tpu.memory_space<hbm>> -> memref<10000x128xf32, #tpu.memory_space<hbm>>
          tpu.wait_indirect_dma semaphore(%arg17 : memref<!tpu.dma_semaphore, #tpu.memory_space<semaphore_mem>>) src(%dma_wait3A_109 : memref<10000x128xf32, #tpu.memory_space<hbm>>) dst(%arg10 : memref<100x128xf32, #tpu.memory_space<vmem>>)
          %run_scoped3A = arith.constant 1 : i32
          "tpu.region"() ({
            %run_scoped3A_110 = tpu.sem_alloc : memref<!tpu.dma_semaphore, #tpu.memory_space<semaphore_mem>>
            %dma_start3A_111 = arith.constant 0 : i32
            %dma_start3A_112 = tpu.memref_slice %arg7[%run_scoped3A, %dma_start3A_111] : memref<2x100xi32, #tpu.memory_space<vmem>> -> memref<1x100xi32, #tpu.memory_space<vmem>>
            %dma_start3A_113 = tpu.memref_squeeze %dma_start3A_112 : memref<1x100xi32, #tpu.memory_space<vmem>> -> memref<100xi32, #tpu.memory_space<vmem>>
            %dma_start3A_114 = arith.constant 0 : i32
            %dma_start3A_115 = arith.constant 0 : i32
            %dma_start3A_116 = tpu.memref_slice %arg13[%dma_start3A_114, %dma_start3A_115] : memref<10000x128xf32, #tpu.memory_space<vmem_shared>> -> memref<10000x128xf32, #tpu.memory_space<vmem_shared>>
            tpu.enqueue_indirect_dma source(%arg10 : memref<100x128xf32, #tpu.memory_space<vmem>>) target(%dma_start3A_116 : memref<10000x128xf32, #tpu.memory_space<vmem_shared>>) offsets(%dma_start3A_113 : memref<100xi32, #tpu.memory_space<vmem>>) semaphore(%run_scoped3A_110 : memref<!tpu.dma_semaphore, #tpu.memory_space<semaphore_mem>>) {add = true}
            %dma_wait3A_117 = arith.constant 0 : i32
            %dma_wait3A_118 = tpu.memref_slice %arg7[%run_scoped3A, %dma_wait3A_117] : memref<2x100xi32, #tpu.memory_space<vmem>> -> memref<1x100xi32, #tpu.memory_space<vmem>>
            %dma_wait3A_119 = tpu.memref_squeeze %dma_wait3A_118 : memref<1x100xi32, #tpu.memory_space<vmem>> -> memref<100xi32, #tpu.memory_space<vmem>>
            %dma_wait3A_120 = arith.constant 0 : i32
            %dma_wait3A_121 = arith.constant 0 : i32
            %dma_wait3A_122 = tpu.memref_slice %arg13[%dma_wait3A_120, %dma_wait3A_121] : memref<10000x128xf32, #tpu.memory_space<vmem_shared>> -> memref<10000x128xf32, #tpu.memory_space<vmem_shared>>
            tpu.wait_indirect_dma semaphore(%run_scoped3A_110 : memref<!tpu.dma_semaphore, #tpu.memory_space<semaphore_mem>>) src(%arg10 : memref<100x128xf32, #tpu.memory_space<vmem>>) dst(%dma_wait3A_122 : memref<10000x128xf32, #tpu.memory_space<vmem_shared>>)
            tpu.yield
          }) : () -> ()
        } else {
        }
        %add3A_91 = arith.constant 1 : i32
        %add3A_92 = arith.addi %add3A_80, %add3A_91 : i32
        %lt3A_93 = arith.constant 200 : i32
        %lt3A_94 = arith.cmpi slt, %add3A_92, %lt3A_93 : i32
        %convert_element_type3A_95 = arith.extui %lt3A_94 : i1 to i32
        %cond3A_96 = arith.constant 0 : i32
        %cond3A_97 = arith.cmpi ne, %convert_element_type3A_95, %cond3A_96 : i32
        scf.if %cond3A_97 {
          %add3A_104 = arith.constant 1 : i32
          %add3A_105 = arith.addi %add3A_80, %add3A_104 : i32
          %add3A_106 = arith.addi %mul3A_2, %add3A_105 : i32
          %dma_start3A_107 = arith.constant 0 : i32
          %dma_start3A_108 = arith.constant 0 : i32
          %dma_start3A_109 = tpu.memref_slice %arg4[%add3A_106, %dma_start3A_107, %dma_start3A_108] : memref<3200x2x100xi32, #tpu.memory_space<hbm>> -> memref<1x2x100xi32, #tpu.memory_space<hbm>>
          %dma_start3A_110 = tpu.memref_squeeze %dma_start3A_109 : memref<1x2x100xi32, #tpu.memory_space<hbm>> -> memref<2x100xi32, #tpu.memory_space<hbm>>
          %dma_start3A_111 = arith.constant 0 : i32
          %dma_start3A_112 = arith.constant 0 : i32
          %dma_start3A_113 = tpu.memref_slice %arg4[%add3A_106, %dma_start3A_111, %dma_start3A_112] : memref<3200x2x100xi32, #tpu.memory_space<hbm>> -> memref<1x2x100xi32, #tpu.memory_space<hbm>>
          %dma_start3A_114 = tpu.memref_squeeze %dma_start3A_113 : memref<1x2x100xi32, #tpu.memory_space<hbm>> -> memref<2x100xi32, #tpu.memory_space<hbm>>
          tpu.enqueue_dma source(%dma_start3A_114 : memref<2x100xi32, #tpu.memory_space<hbm>>) target(%arg7 : memref<2x100xi32, #tpu.memory_space<vmem>>) target_semaphore(%arg14 : memref<!tpu.dma_semaphore, #tpu.memory_space<semaphore_mem>>)
        } else {
        }
        %lt3A_98 = arith.constant 200 : i32
        %lt3A_99 = arith.cmpi slt, %add3A_80, %lt3A_98 : i32
        %convert_element_type3A_100 = arith.extui %lt3A_99 : i1 to i32
        %cond3A_101 = arith.constant 0 : i32
        %cond3A_102 = arith.cmpi ne, %convert_element_type3A_100, %cond3A_101 : i32
        scf.if %cond3A_102 {
          %add3A_104 = arith.addi %mul3A_2, %add3A_80 : i32
          %dma_wait3A = arith.constant 0 : i32
          %dma_wait3A_105 = arith.constant 0 : i32
          %dma_wait3A_106 = tpu.memref_slice %arg4[%add3A_104, %dma_wait3A, %dma_wait3A_105] : memref<3200x2x100xi32, #tpu.memory_space<hbm>> -> memref<1x2x100xi32, #tpu.memory_space<hbm>>
          %dma_wait3A_107 = tpu.memref_squeeze %dma_wait3A_106 : memref<1x2x100xi32, #tpu.memory_space<hbm>> -> memref<2x100xi32, #tpu.memory_space<hbm>>
          %dma_wait3A_108 = arith.constant 0 : i32
          %dma_wait3A_109 = arith.constant 0 : i32
          %dma_wait3A_110 = tpu.memref_slice %arg4[%add3A_104, %dma_wait3A_108, %dma_wait3A_109] : memref<3200x2x100xi32, #tpu.memory_space<hbm>> -> memref<1x2x100xi32, #tpu.memory_space<hbm>>
          %dma_wait3A_111 = tpu.memref_squeeze %dma_wait3A_110 : memref<1x2x100xi32, #tpu.memory_space<hbm>> -> memref<2x100xi32, #tpu.memory_space<hbm>>
          tpu.wait_dma2 semaphore(%arg16 : memref<!tpu.dma_semaphore, #tpu.memory_space<semaphore_mem>>) src(%dma_wait3A_111 : memref<2x100xi32, #tpu.memory_space<hbm>>) dst(%arg9 : memref<2x100xi32, #tpu.memory_space<vmem>>)
          %dma_start3A_112 = arith.constant 0 : i32
          %dma_start3A_113 = arith.constant 0 : i32
          %dma_start3A_114 = tpu.memref_slice %arg9[%dma_start3A_112, %dma_start3A_113] : memref<2x100xi32, #tpu.memory_space<vmem>> -> memref<1x100xi32, #tpu.memory_space<vmem>>
          %dma_start3A_115 = tpu.memref_squeeze %dma_start3A_114 : memref<1x100xi32, #tpu.memory_space<vmem>> -> memref<100xi32, #tpu.memory_space<vmem>>
          %dma_start3A_116 = arith.constant 0 : i32
          %dma_start3A_117 = arith.constant 0 : i32
          %dma_start3A_118 = tpu.memref_slice %arg3[%dma_start3A_116, %dma_start3A_117] : memref<10000x128xf32, #tpu.memory_space<hbm>> -> memref<10000x128xf32, #tpu.memory_space<hbm>>
          tpu.enqueue_indirect_dma source(%dma_start3A_118 : memref<10000x128xf32, #tpu.memory_space<hbm>>) target(%arg12 : memref<100x128xf32, #tpu.memory_space<vmem>>) offsets(%dma_start3A_115 : memref<100xi32, #tpu.memory_space<vmem>>) semaphore(%arg19 : memref<!tpu.dma_semaphore, #tpu.memory_space<semaphore_mem>>)
        } else {
        }
        %scan3A_103 = arith.constant 0 : i32
        scf.yield %scan3A_103 : i32
      }
      %scan3A_26 = arith.constant 68 : i32
    } else {
    }
    %barrier3A_10 = arith.constant 0 : index
    tpu.barrier barrier_id(%barrier3A_10)
    %mul3A_11 = arith.constant 625 : i32
    %mul3A_12 = arith.muli %arg1, %mul3A_11 : i32
    "tpu.region"() ({
      %run_scoped3A = tpu.sem_alloc : memref<!tpu.dma_semaphore, #tpu.memory_space<semaphore_mem>>
      %dma_start3A = arith.constant 0 : i32
      %dma_start3A_13 = arith.constant 0 : i32
      %dma_start3A_14 = arith.constant 0 : i32
      %dma_start3A_15 = tpu.memref_slice %arg6[%arg0, %dma_start3A, %dma_start3A_13, %dma_start3A_14] : memref<2x16x625x128xf32, #tpu.memory_space<hbm>> -> memref<1x16x625x128xf32, #tpu.memory_space<hbm>>
      %dma_start3A_16 = tpu.memref_squeeze %dma_start3A_15 : memref<1x16x625x128xf32, #tpu.memory_space<hbm>> -> memref<16x625x128xf32, #tpu.memory_space<hbm>>
      %dma_start3A_17 = arith.constant 0 : i32
      %dma_start3A_18 = arith.constant 0 : i32
      %dma_start3A_19 = tpu.memref_slice %dma_start3A_16[%arg1, %dma_start3A_17, %dma_start3A_18] : memref<16x625x128xf32, #tpu.memory_space<hbm>> -> memref<1x625x128xf32, #tpu.memory_space<hbm>>
      %dma_start3A_20 = tpu.memref_squeeze %dma_start3A_19 : memref<1x625x128xf32, #tpu.memory_space<hbm>> -> memref<625x128xf32, #tpu.memory_space<hbm>>
      %dma_start3A_21 = arith.constant 0 : i32
      %dma_start3A_22 = tpu.memref_slice %arg13[%mul3A_12, %dma_start3A_21] : memref<10000x128xf32, #tpu.memory_space<vmem_shared>> -> memref<625x128xf32, #tpu.memory_space<vmem_shared>>
      tpu.enqueue_dma source(%dma_start3A_22 : memref<625x128xf32, #tpu.memory_space<vmem_shared>>) target(%dma_start3A_20 : memref<625x128xf32, #tpu.memory_space<hbm>>) target_semaphore(%run_scoped3A : memref<!tpu.dma_semaphore, #tpu.memory_space<semaphore_mem>>)
      %dma_wait3A = arith.constant 0 : i32
      %dma_wait3A_23 = arith.constant 0 : i32
      %dma_wait3A_24 = arith.constant 0 : i32
      %dma_wait3A_25 = tpu.memref_slice %arg6[%arg0, %dma_wait3A, %dma_wait3A_23, %dma_wait3A_24] : memref<2x16x625x128xf32, #tpu.memory_space<hbm>> -> memref<1x16x625x128xf32, #tpu.memory_space<hbm>>
      %dma_wait3A_26 = tpu.memref_squeeze %dma_wait3A_25 : memref<1x16x625x128xf32, #tpu.memory_space<hbm>> -> memref<16x625x128xf32, #tpu.memory_space<hbm>>
      %dma_wait3A_27 = arith.constant 0 : i32
      %dma_wait3A_28 = arith.constant 0 : i32
      %dma_wait3A_29 = tpu.memref_slice %dma_wait3A_26[%arg1, %dma_wait3A_27, %dma_wait3A_28] : memref<16x625x128xf32, #tpu.memory_space<hbm>> -> memref<1x625x128xf32, #tpu.memory_space<hbm>>
      %dma_wait3A_30 = tpu.memref_squeeze %dma_wait3A_29 : memref<1x625x128xf32, #tpu.memory_space<hbm>> -> memref<625x128xf32, #tpu.memory_space<hbm>>
      %dma_wait3A_31 = arith.constant 0 : i32
      %dma_wait3A_32 = tpu.memref_slice %arg13[%mul3A_12, %dma_wait3A_31] : memref<10000x128xf32, #tpu.memory_space<vmem_shared>> -> memref<625x128xf32, #tpu.memory_space<vmem_shared>>
      tpu.wait_dma2 semaphore(%run_scoped3A : memref<!tpu.dma_semaphore, #tpu.memory_space<semaphore_mem>>) src(%dma_wait3A_32 : memref<625x128xf32, #tpu.memory_space<vmem_shared>>) dst(%dma_wait3A_30 : memref<625x128xf32, #tpu.memory_space<hbm>>)
      tpu.yield
    }) : () -> ()
    return
  }
}

#map = affine_map<(d0, d1) -> (0, 0, 0)>
#map1 = affine_map<(d0, d1) -> (0, 0)>
#map2 = affine_map<(d0, d1) -> (0, 0, 0, 0)>
module attributes {stable_mosaic.version = 14 : i64} {
  func.func @_deg_body(%arg0: i32, %arg1: i32, %arg2: memref<3200x2x100xi32, #tpu.memory_space<hbm>>, %arg3: memref<100x128xf32, #tpu.memory_space<hbm>>, %arg4: memref<625x128xf32, #tpu.memory_space<hbm>>, %arg5: memref<2x16x625x128xf32, #tpu.memory_space<hbm>>, %arg6: memref<2x100xi32, #tpu.memory_space<vmem>>, %arg7: memref<2x100xi32, #tpu.memory_space<vmem>>, %arg8: memref<2x100xi32, #tpu.memory_space<vmem>>, %arg9: memref<100x128xf32, #tpu.memory_space<vmem>>, %arg10: memref<100x128xf32, #tpu.memory_space<vmem>>, %arg11: memref<100x128xf32, #tpu.memory_space<vmem>>, %arg12: memref<10000x128xf32, #tpu.memory_space<vmem_shared>>, %arg13: memref<!tpu.dma_semaphore, #tpu.memory_space<semaphore_mem>>, %arg14: memref<!tpu.dma_semaphore, #tpu.memory_space<semaphore_mem>>, %arg15: memref<!tpu.dma_semaphore, #tpu.memory_space<semaphore_mem>>, %arg16: memref<!tpu.dma_semaphore, #tpu.memory_space<semaphore_mem>>, %arg17: memref<!tpu.dma_semaphore, #tpu.memory_space<semaphore_mem>>, %arg18: memref<!tpu.dma_semaphore, #tpu.memory_space<semaphore_mem>>) attributes {dimension_semantics = [#tpu.dimension_semantics<core_parallel>, #tpu.dimension_semantics<subcore_parallel>], iteration_bounds = array<i64: 2, 16>, scalar_prefetch = 0 : i64, scratch_operands = 13 : i64, tpu.core_type = #tpu.core_type<sc_vector_subcore>, window_params = [{transform_indices = #map}, {transform_indices = #map1}, {transform_indices = #map1}, {transform_indices = #map2}]} {
    %mul3A = arith.constant 625 : i32
    %mul3A_0 = arith.muli %arg1, %mul3A : i32
    "tpu.region"() ({
      %run_scoped3A = tpu.sem_alloc : memref<!tpu.dma_semaphore, #tpu.memory_space<semaphore_mem>>
      %dma_start3A_23 = arith.constant 0 : i32
      %dma_start3A_24 = tpu.memref_slice %arg12[%mul3A_0, %dma_start3A_23] : memref<10000x128xf32, #tpu.memory_space<vmem_shared>> -> memref<625x128xf32, #tpu.memory_space<vmem_shared>>
      tpu.enqueue_dma source(%arg4 : memref<625x128xf32, #tpu.memory_space<hbm>>) target(%dma_start3A_24 : memref<625x128xf32, #tpu.memory_space<vmem_shared>>) target_semaphore(%run_scoped3A : memref<!tpu.dma_semaphore, #tpu.memory_space<semaphore_mem>>)
      %dma_wait3A = arith.constant 0 : i32
      %dma_wait3A_25 = tpu.memref_slice %arg12[%mul3A_0, %dma_wait3A] : memref<10000x128xf32, #tpu.memory_space<vmem_shared>> -> memref<625x128xf32, #tpu.memory_space<vmem_shared>>
      tpu.wait_dma2 semaphore(%run_scoped3A : memref<!tpu.dma_semaphore, #tpu.memory_space<semaphore_mem>>) src(%arg4 : memref<625x128xf32, #tpu.memory_space<hbm>>) dst(%dma_wait3A_25 : memref<625x128xf32, #tpu.memory_space<vmem_shared>>)
      tpu.yield
    }) : () -> ()
    %barrier3A = arith.constant 0 : index
    tpu.barrier barrier_id(%barrier3A)
    %mul3A_1 = arith.constant 16 : i32
    %mul3A_2 = arith.muli %arg0, %mul3A_1 : i32
    %add3A = arith.addi %mul3A_2, %arg1 : i32
    %mul3A_3 = arith.constant 100 : i32
    %mul3A_4 = arith.muli %add3A, %mul3A_3 : i32
    tpu.enqueue_dma source(%arg3 : memref<100x128xf32, #tpu.memory_space<hbm>>) target(%arg9 : memref<100x128xf32, #tpu.memory_space<vmem>>) target_semaphore(%arg16 : memref<!tpu.dma_semaphore, #tpu.memory_space<semaphore_mem>>)
    tpu.enqueue_dma source(%arg3 : memref<100x128xf32, #tpu.memory_space<hbm>>) target(%arg10 : memref<100x128xf32, #tpu.memory_space<vmem>>) target_semaphore(%arg17 : memref<!tpu.dma_semaphore, #tpu.memory_space<semaphore_mem>>)
    tpu.enqueue_dma source(%arg3 : memref<100x128xf32, #tpu.memory_space<hbm>>) target(%arg11 : memref<100x128xf32, #tpu.memory_space<vmem>>) target_semaphore(%arg18 : memref<!tpu.dma_semaphore, #tpu.memory_space<semaphore_mem>>)
    tpu.wait_dma2 semaphore(%arg16 : memref<!tpu.dma_semaphore, #tpu.memory_space<semaphore_mem>>) src(%arg3 : memref<100x128xf32, #tpu.memory_space<hbm>>) dst(%arg9 : memref<100x128xf32, #tpu.memory_space<vmem>>)
    tpu.wait_dma2 semaphore(%arg17 : memref<!tpu.dma_semaphore, #tpu.memory_space<semaphore_mem>>) src(%arg3 : memref<100x128xf32, #tpu.memory_space<hbm>>) dst(%arg10 : memref<100x128xf32, #tpu.memory_space<vmem>>)
    tpu.wait_dma2 semaphore(%arg18 : memref<!tpu.dma_semaphore, #tpu.memory_space<semaphore_mem>>) src(%arg3 : memref<100x128xf32, #tpu.memory_space<hbm>>) dst(%arg11 : memref<100x128xf32, #tpu.memory_space<vmem>>)
    %add3A_5 = arith.constant 0 : i32
    %add3A_6 = arith.addi %mul3A_4, %add3A_5 : i32
    %dma_start3A = arith.constant 0 : i32
    %dma_start3A_7 = arith.constant 0 : i32
    %dma_start3A_8 = tpu.memref_slice %arg2[%add3A_6, %dma_start3A, %dma_start3A_7] : memref<3200x2x100xi32, #tpu.memory_space<hbm>> -> memref<1x2x100xi32, #tpu.memory_space<hbm>>
    %dma_start3A_9 = tpu.memref_squeeze %dma_start3A_8 : memref<1x2x100xi32, #tpu.memory_space<hbm>> -> memref<2x100xi32, #tpu.memory_space<hbm>>
    %dma_start3A_10 = arith.constant 0 : i32
    %dma_start3A_11 = arith.constant 0 : i32
    %dma_start3A_12 = tpu.memref_slice %arg2[%add3A_6, %dma_start3A_10, %dma_start3A_11] : memref<3200x2x100xi32, #tpu.memory_space<hbm>> -> memref<1x2x100xi32, #tpu.memory_space<hbm>>
    %dma_start3A_13 = tpu.memref_squeeze %dma_start3A_12 : memref<1x2x100xi32, #tpu.memory_space<hbm>> -> memref<2x100xi32, #tpu.memory_space<hbm>>
    tpu.enqueue_dma source(%dma_start3A_13 : memref<2x100xi32, #tpu.memory_space<hbm>>) target(%arg6 : memref<2x100xi32, #tpu.memory_space<vmem>>) target_semaphore(%arg13 : memref<!tpu.dma_semaphore, #tpu.memory_space<semaphore_mem>>)
    %scan3A = arith.constant 0 : i32
    %scan3A_14 = arith.constant 0 : i32
    %scan3A_15 = arith.constant 34 : i32
    %scan3A_16 = arith.addi %scan3A_14, %scan3A_15 : i32
    %scan3A_17 = arith.constant 1 : i32
    %scan3A_18 = scf.for %scan3A_23 = %scan3A_14 to %scan3A_16 step %scan3A_17 iter_args(%scan3A_24 = %scan3A) -> (i32)  : i32 {
      %mul3A_25 = arith.constant 3 : i32
      %mul3A_26 = arith.muli %scan3A_23, %mul3A_25 : i32
      %add3A_27 = arith.constant 0 : i32
      %add3A_28 = arith.addi %mul3A_26, %add3A_27 : i32
      %sub3A = arith.constant 2 : i32
      %sub3A_29 = arith.subi %add3A_28, %sub3A : i32
      %ge3A = arith.constant 0 : i32
      %ge3A_30 = arith.cmpi sge, %sub3A_29, %ge3A : i32
      %lt3A = arith.constant 100 : i32
      %lt3A_31 = arith.cmpi slt, %sub3A_29, %lt3A : i32
      %and3A = arith.andi %ge3A_30, %lt3A_31 : i1
      %convert_element_type3A = arith.extui %and3A : i1 to i32
      %cond3A = arith.constant 0 : i32
      %cond3A_32 = arith.cmpi ne, %convert_element_type3A, %cond3A : i32
      scf.if %cond3A_32 {
        %run_scoped3A = arith.constant 1 : i32
        "tpu.region"() ({
          %run_scoped3A_98 = tpu.sem_alloc : memref<!tpu.dma_semaphore, #tpu.memory_space<semaphore_mem>>
          %dma_start3A_99 = arith.constant 0 : i32
          %dma_start3A_100 = tpu.memref_slice %arg7[%run_scoped3A, %dma_start3A_99] : memref<2x100xi32, #tpu.memory_space<vmem>> -> memref<1x100xi32, #tpu.memory_space<vmem>>
          %dma_start3A_101 = tpu.memref_squeeze %dma_start3A_100 : memref<1x100xi32, #tpu.memory_space<vmem>> -> memref<100xi32, #tpu.memory_space<vmem>>
          %dma_start3A_102 = arith.constant 0 : i32
          %dma_start3A_103 = arith.constant 0 : i32
          %dma_start3A_104 = tpu.memref_slice %arg12[%dma_start3A_102, %dma_start3A_103] : memref<10000x128xf32, #tpu.memory_space<vmem_shared>> -> memref<10000x128xf32, #tpu.memory_space<vmem_shared>>
          tpu.enqueue_indirect_dma source(%arg10 : memref<100x128xf32, #tpu.memory_space<vmem>>) target(%dma_start3A_104 : memref<10000x128xf32, #tpu.memory_space<vmem_shared>>) offsets(%dma_start3A_101 : memref<100xi32, #tpu.memory_space<vmem>>) semaphore(%run_scoped3A_98 : memref<!tpu.dma_semaphore, #tpu.memory_space<semaphore_mem>>) {add = true}
          %dma_wait3A = arith.constant 0 : i32
          %dma_wait3A_105 = tpu.memref_slice %arg7[%run_scoped3A, %dma_wait3A] : memref<2x100xi32, #tpu.memory_space<vmem>> -> memref<1x100xi32, #tpu.memory_space<vmem>>
          %dma_wait3A_106 = tpu.memref_squeeze %dma_wait3A_105 : memref<1x100xi32, #tpu.memory_space<vmem>> -> memref<100xi32, #tpu.memory_space<vmem>>
          %dma_wait3A_107 = arith.constant 0 : i32
          %dma_wait3A_108 = arith.constant 0 : i32
          %dma_wait3A_109 = tpu.memref_slice %arg12[%dma_wait3A_107, %dma_wait3A_108] : memref<10000x128xf32, #tpu.memory_space<vmem_shared>> -> memref<10000x128xf32, #tpu.memory_space<vmem_shared>>
          tpu.wait_indirect_dma semaphore(%run_scoped3A_98 : memref<!tpu.dma_semaphore, #tpu.memory_space<semaphore_mem>>) src(%arg10 : memref<100x128xf32, #tpu.memory_space<vmem>>) dst(%dma_wait3A_109 : memref<10000x128xf32, #tpu.memory_space<vmem_shared>>)
          tpu.yield
        }) : () -> ()
      } else {
      }
      %add3A_33 = arith.constant 1 : i32
      %add3A_34 = arith.addi %add3A_28, %add3A_33 : i32
      %lt3A_35 = arith.constant 100 : i32
      %lt3A_36 = arith.cmpi slt, %add3A_34, %lt3A_35 : i32
      %convert_element_type3A_37 = arith.extui %lt3A_36 : i1 to i32
      %cond3A_38 = arith.constant 0 : i32
      %cond3A_39 = arith.cmpi ne, %convert_element_type3A_37, %cond3A_38 : i32
      scf.if %cond3A_39 {
        %add3A_98 = arith.constant 1 : i32
        %add3A_99 = arith.addi %add3A_28, %add3A_98 : i32
        %add3A_100 = arith.addi %mul3A_4, %add3A_99 : i32
        %dma_start3A_101 = arith.constant 0 : i32
        %dma_start3A_102 = arith.constant 0 : i32
        %dma_start3A_103 = tpu.memref_slice %arg2[%add3A_100, %dma_start3A_101, %dma_start3A_102] : memref<3200x2x100xi32, #tpu.memory_space<hbm>> -> memref<1x2x100xi32, #tpu.memory_space<hbm>>
        %dma_start3A_104 = tpu.memref_squeeze %dma_start3A_103 : memref<1x2x100xi32, #tpu.memory_space<hbm>> -> memref<2x100xi32, #tpu.memory_space<hbm>>
        %dma_start3A_105 = arith.constant 0 : i32
        %dma_start3A_106 = arith.constant 0 : i32
        %dma_start3A_107 = tpu.memref_slice %arg2[%add3A_100, %dma_start3A_105, %dma_start3A_106] : memref<3200x2x100xi32, #tpu.memory_space<hbm>> -> memref<1x2x100xi32, #tpu.memory_space<hbm>>
        %dma_start3A_108 = tpu.memref_squeeze %dma_start3A_107 : memref<1x2x100xi32, #tpu.memory_space<hbm>> -> memref<2x100xi32, #tpu.memory_space<hbm>>
        tpu.enqueue_dma source(%dma_start3A_108 : memref<2x100xi32, #tpu.memory_space<hbm>>) target(%arg7 : memref<2x100xi32, #tpu.memory_space<vmem>>) target_semaphore(%arg14 : memref<!tpu.dma_semaphore, #tpu.memory_space<semaphore_mem>>)
      } else {
      }
      %lt3A_40 = arith.constant 100 : i32
      %lt3A_41 = arith.cmpi slt, %add3A_28, %lt3A_40 : i32
      %convert_element_type3A_42 = arith.extui %lt3A_41 : i1 to i32
      %cond3A_43 = arith.constant 0 : i32
      %cond3A_44 = arith.cmpi ne, %convert_element_type3A_42, %cond3A_43 : i32
      scf.if %cond3A_44 {
        %add3A_98 = arith.addi %mul3A_4, %add3A_28 : i32
        %dma_wait3A = arith.constant 0 : i32
        %dma_wait3A_99 = arith.constant 0 : i32
        %dma_wait3A_100 = tpu.memref_slice %arg2[%add3A_98, %dma_wait3A, %dma_wait3A_99] : memref<3200x2x100xi32, #tpu.memory_space<hbm>> -> memref<1x2x100xi32, #tpu.memory_space<hbm>>
        %dma_wait3A_101 = tpu.memref_squeeze %dma_wait3A_100 : memref<1x2x100xi32, #tpu.memory_space<hbm>> -> memref<2x100xi32, #tpu.memory_space<hbm>>
        %dma_wait3A_102 = arith.constant 0 : i32
        %dma_wait3A_103 = arith.constant 0 : i32
        %dma_wait3A_104 = tpu.memref_slice %arg2[%add3A_98, %dma_wait3A_102, %dma_wait3A_103] : memref<3200x2x100xi32, #tpu.memory_space<hbm>> -> memref<1x2x100xi32, #tpu.memory_space<hbm>>
        %dma_wait3A_105 = tpu.memref_squeeze %dma_wait3A_104 : memref<1x2x100xi32, #tpu.memory_space<hbm>> -> memref<2x100xi32, #tpu.memory_space<hbm>>
        tpu.wait_dma2 semaphore(%arg13 : memref<!tpu.dma_semaphore, #tpu.memory_space<semaphore_mem>>) src(%dma_wait3A_105 : memref<2x100xi32, #tpu.memory_space<hbm>>) dst(%arg6 : memref<2x100xi32, #tpu.memory_space<vmem>>)
      } else {
      }
      %mul3A_45 = arith.constant 3 : i32
      %mul3A_46 = arith.muli %scan3A_23, %mul3A_45 : i32
      %add3A_47 = arith.constant 1 : i32
      %add3A_48 = arith.addi %mul3A_46, %add3A_47 : i32
      %sub3A_49 = arith.constant 2 : i32
      %sub3A_50 = arith.subi %add3A_48, %sub3A_49 : i32
      %ge3A_51 = arith.constant 0 : i32
      %ge3A_52 = arith.cmpi sge, %sub3A_50, %ge3A_51 : i32
      %lt3A_53 = arith.constant 100 : i32
      %lt3A_54 = arith.cmpi slt, %sub3A_50, %lt3A_53 : i32
      %and3A_55 = arith.andi %ge3A_52, %lt3A_54 : i1
      %convert_element_type3A_56 = arith.extui %and3A_55 : i1 to i32
      %cond3A_57 = arith.constant 0 : i32
      %cond3A_58 = arith.cmpi ne, %convert_element_type3A_56, %cond3A_57 : i32
      scf.if %cond3A_58 {
        %run_scoped3A = arith.constant 1 : i32
        "tpu.region"() ({
          %run_scoped3A_98 = tpu.sem_alloc : memref<!tpu.dma_semaphore, #tpu.memory_space<semaphore_mem>>
          %dma_start3A_99 = arith.constant 0 : i32
          %dma_start3A_100 = tpu.memref_slice %arg8[%run_scoped3A, %dma_start3A_99] : memref<2x100xi32, #tpu.memory_space<vmem>> -> memref<1x100xi32, #tpu.memory_space<vmem>>
          %dma_start3A_101 = tpu.memref_squeeze %dma_start3A_100 : memref<1x100xi32, #tpu.memory_space<vmem>> -> memref<100xi32, #tpu.memory_space<vmem>>
          %dma_start3A_102 = arith.constant 0 : i32
          %dma_start3A_103 = arith.constant 0 : i32
          %dma_start3A_104 = tpu.memref_slice %arg12[%dma_start3A_102, %dma_start3A_103] : memref<10000x128xf32, #tpu.memory_space<vmem_shared>> -> memref<10000x128xf32, #tpu.memory_space<vmem_shared>>
          tpu.enqueue_indirect_dma source(%arg11 : memref<100x128xf32, #tpu.memory_space<vmem>>) target(%dma_start3A_104 : memref<10000x128xf32, #tpu.memory_space<vmem_shared>>) offsets(%dma_start3A_101 : memref<100xi32, #tpu.memory_space<vmem>>) semaphore(%run_scoped3A_98 : memref<!tpu.dma_semaphore, #tpu.memory_space<semaphore_mem>>) {add = true}
          %dma_wait3A = arith.constant 0 : i32
          %dma_wait3A_105 = tpu.memref_slice %arg8[%run_scoped3A, %dma_wait3A] : memref<2x100xi32, #tpu.memory_space<vmem>> -> memref<1x100xi32, #tpu.memory_space<vmem>>
          %dma_wait3A_106 = tpu.memref_squeeze %dma_wait3A_105 : memref<1x100xi32, #tpu.memory_space<vmem>> -> memref<100xi32, #tpu.memory_space<vmem>>
          %dma_wait3A_107 = arith.constant 0 : i32
          %dma_wait3A_108 = arith.constant 0 : i32
          %dma_wait3A_109 = tpu.memref_slice %arg12[%dma_wait3A_107, %dma_wait3A_108] : memref<10000x128xf32, #tpu.memory_space<vmem_shared>> -> memref<10000x128xf32, #tpu.memory_space<vmem_shared>>
          tpu.wait_indirect_dma semaphore(%run_scoped3A_98 : memref<!tpu.dma_semaphore, #tpu.memory_space<semaphore_mem>>) src(%arg11 : memref<100x128xf32, #tpu.memory_space<vmem>>) dst(%dma_wait3A_109 : memref<10000x128xf32, #tpu.memory_space<vmem_shared>>)
          tpu.yield
        }) : () -> ()
      } else {
      }
      %add3A_59 = arith.constant 1 : i32
      %add3A_60 = arith.addi %add3A_48, %add3A_59 : i32
      %lt3A_61 = arith.constant 100 : i32
      %lt3A_62 = arith.cmpi slt, %add3A_60, %lt3A_61 : i32
      %convert_element_type3A_63 = arith.extui %lt3A_62 : i1 to i32
      %cond3A_64 = arith.constant 0 : i32
      %cond3A_65 = arith.cmpi ne, %convert_element_type3A_63, %cond3A_64 : i32
      scf.if %cond3A_65 {
        %add3A_98 = arith.constant 1 : i32
        %add3A_99 = arith.addi %add3A_48, %add3A_98 : i32
        %add3A_100 = arith.addi %mul3A_4, %add3A_99 : i32
        %dma_start3A_101 = arith.constant 0 : i32
        %dma_start3A_102 = arith.constant 0 : i32
        %dma_start3A_103 = tpu.memref_slice %arg2[%add3A_100, %dma_start3A_101, %dma_start3A_102] : memref<3200x2x100xi32, #tpu.memory_space<hbm>> -> memref<1x2x100xi32, #tpu.memory_space<hbm>>
        %dma_start3A_104 = tpu.memref_squeeze %dma_start3A_103 : memref<1x2x100xi32, #tpu.memory_space<hbm>> -> memref<2x100xi32, #tpu.memory_space<hbm>>
        %dma_start3A_105 = arith.constant 0 : i32
        %dma_start3A_106 = arith.constant 0 : i32
        %dma_start3A_107 = tpu.memref_slice %arg2[%add3A_100, %dma_start3A_105, %dma_start3A_106] : memref<3200x2x100xi32, #tpu.memory_space<hbm>> -> memref<1x2x100xi32, #tpu.memory_space<hbm>>
        %dma_start3A_108 = tpu.memref_squeeze %dma_start3A_107 : memref<1x2x100xi32, #tpu.memory_space<hbm>> -> memref<2x100xi32, #tpu.memory_space<hbm>>
        tpu.enqueue_dma source(%dma_start3A_108 : memref<2x100xi32, #tpu.memory_space<hbm>>) target(%arg8 : memref<2x100xi32, #tpu.memory_space<vmem>>) target_semaphore(%arg15 : memref<!tpu.dma_semaphore, #tpu.memory_space<semaphore_mem>>)
      } else {
      }
      %lt3A_66 = arith.constant 100 : i32
      %lt3A_67 = arith.cmpi slt, %add3A_48, %lt3A_66 : i32
      %convert_element_type3A_68 = arith.extui %lt3A_67 : i1 to i32
      %cond3A_69 = arith.constant 0 : i32
      %cond3A_70 = arith.cmpi ne, %convert_element_type3A_68, %cond3A_69 : i32
      scf.if %cond3A_70 {
        %add3A_98 = arith.addi %mul3A_4, %add3A_48 : i32
        %dma_wait3A = arith.constant 0 : i32
        %dma_wait3A_99 = arith.constant 0 : i32
        %dma_wait3A_100 = tpu.memref_slice %arg2[%add3A_98, %dma_wait3A, %dma_wait3A_99] : memref<3200x2x100xi32, #tpu.memory_space<hbm>> -> memref<1x2x100xi32, #tpu.memory_space<hbm>>
        %dma_wait3A_101 = tpu.memref_squeeze %dma_wait3A_100 : memref<1x2x100xi32, #tpu.memory_space<hbm>> -> memref<2x100xi32, #tpu.memory_space<hbm>>
        %dma_wait3A_102 = arith.constant 0 : i32
        %dma_wait3A_103 = arith.constant 0 : i32
        %dma_wait3A_104 = tpu.memref_slice %arg2[%add3A_98, %dma_wait3A_102, %dma_wait3A_103] : memref<3200x2x100xi32, #tpu.memory_space<hbm>> -> memref<1x2x100xi32, #tpu.memory_space<hbm>>
        %dma_wait3A_105 = tpu.memref_squeeze %dma_wait3A_104 : memref<1x2x100xi32, #tpu.memory_space<hbm>> -> memref<2x100xi32, #tpu.memory_space<hbm>>
        tpu.wait_dma2 semaphore(%arg14 : memref<!tpu.dma_semaphore, #tpu.memory_space<semaphore_mem>>) src(%dma_wait3A_105 : memref<2x100xi32, #tpu.memory_space<hbm>>) dst(%arg7 : memref<2x100xi32, #tpu.memory_space<vmem>>)
      } else {
      }
      %mul3A_71 = arith.constant 3 : i32
      %mul3A_72 = arith.muli %scan3A_23, %mul3A_71 : i32
      %add3A_73 = arith.constant 2 : i32
      %add3A_74 = arith.addi %mul3A_72, %add3A_73 : i32
      %sub3A_75 = arith.constant 2 : i32
      %sub3A_76 = arith.subi %add3A_74, %sub3A_75 : i32
      %ge3A_77 = arith.constant 0 : i32
      %ge3A_78 = arith.cmpi sge, %sub3A_76, %ge3A_77 : i32
      %lt3A_79 = arith.constant 100 : i32
      %lt3A_80 = arith.cmpi slt, %sub3A_76, %lt3A_79 : i32
      %and3A_81 = arith.andi %ge3A_78, %lt3A_80 : i1
      %convert_element_type3A_82 = arith.extui %and3A_81 : i1 to i32
      %cond3A_83 = arith.constant 0 : i32
      %cond3A_84 = arith.cmpi ne, %convert_element_type3A_82, %cond3A_83 : i32
      scf.if %cond3A_84 {
        %run_scoped3A = arith.constant 1 : i32
        "tpu.region"() ({
          %run_scoped3A_98 = tpu.sem_alloc : memref<!tpu.dma_semaphore, #tpu.memory_space<semaphore_mem>>
          %dma_start3A_99 = arith.constant 0 : i32
          %dma_start3A_100 = tpu.memref_slice %arg6[%run_scoped3A, %dma_start3A_99] : memref<2x100xi32, #tpu.memory_space<vmem>> -> memref<1x100xi32, #tpu.memory_space<vmem>>
          %dma_start3A_101 = tpu.memref_squeeze %dma_start3A_100 : memref<1x100xi32, #tpu.memory_space<vmem>> -> memref<100xi32, #tpu.memory_space<vmem>>
          %dma_start3A_102 = arith.constant 0 : i32
          %dma_start3A_103 = arith.constant 0 : i32
          %dma_start3A_104 = tpu.memref_slice %arg12[%dma_start3A_102, %dma_start3A_103] : memref<10000x128xf32, #tpu.memory_space<vmem_shared>> -> memref<10000x128xf32, #tpu.memory_space<vmem_shared>>
          tpu.enqueue_indirect_dma source(%arg9 : memref<100x128xf32, #tpu.memory_space<vmem>>) target(%dma_start3A_104 : memref<10000x128xf32, #tpu.memory_space<vmem_shared>>) offsets(%dma_start3A_101 : memref<100xi32, #tpu.memory_space<vmem>>) semaphore(%run_scoped3A_98 : memref<!tpu.dma_semaphore, #tpu.memory_space<semaphore_mem>>) {add = true}
          %dma_wait3A = arith.constant 0 : i32
          %dma_wait3A_105 = tpu.memref_slice %arg6[%run_scoped3A, %dma_wait3A] : memref<2x100xi32, #tpu.memory_space<vmem>> -> memref<1x100xi32, #tpu.memory_space<vmem>>
          %dma_wait3A_106 = tpu.memref_squeeze %dma_wait3A_105 : memref<1x100xi32, #tpu.memory_space<vmem>> -> memref<100xi32, #tpu.memory_space<vmem>>
          %dma_wait3A_107 = arith.constant 0 : i32
          %dma_wait3A_108 = arith.constant 0 : i32
          %dma_wait3A_109 = tpu.memref_slice %arg12[%dma_wait3A_107, %dma_wait3A_108] : memref<10000x128xf32, #tpu.memory_space<vmem_shared>> -> memref<10000x128xf32, #tpu.memory_space<vmem_shared>>
          tpu.wait_indirect_dma semaphore(%run_scoped3A_98 : memref<!tpu.dma_semaphore, #tpu.memory_space<semaphore_mem>>) src(%arg9 : memref<100x128xf32, #tpu.memory_space<vmem>>) dst(%dma_wait3A_109 : memref<10000x128xf32, #tpu.memory_space<vmem_shared>>)
          tpu.yield
        }) : () -> ()
      } else {
      }
      %add3A_85 = arith.constant 1 : i32
      %add3A_86 = arith.addi %add3A_74, %add3A_85 : i32
      %lt3A_87 = arith.constant 100 : i32
      %lt3A_88 = arith.cmpi slt, %add3A_86, %lt3A_87 : i32
      %convert_element_type3A_89 = arith.extui %lt3A_88 : i1 to i32
      %cond3A_90 = arith.constant 0 : i32
      %cond3A_91 = arith.cmpi ne, %convert_element_type3A_89, %cond3A_90 : i32
      scf.if %cond3A_91 {
        %add3A_98 = arith.constant 1 : i32
        %add3A_99 = arith.addi %add3A_74, %add3A_98 : i32
        %add3A_100 = arith.addi %mul3A_4, %add3A_99 : i32
        %dma_start3A_101 = arith.constant 0 : i32
        %dma_start3A_102 = arith.constant 0 : i32
        %dma_start3A_103 = tpu.memref_slice %arg2[%add3A_100, %dma_start3A_101, %dma_start3A_102] : memref<3200x2x100xi32, #tpu.memory_space<hbm>> -> memref<1x2x100xi32, #tpu.memory_space<hbm>>
        %dma_start3A_104 = tpu.memref_squeeze %dma_start3A_103 : memref<1x2x100xi32, #tpu.memory_space<hbm>> -> memref<2x100xi32, #tpu.memory_space<hbm>>
        %dma_start3A_105 = arith.constant 0 : i32
        %dma_start3A_106 = arith.constant 0 : i32
        %dma_start3A_107 = tpu.memref_slice %arg2[%add3A_100, %dma_start3A_105, %dma_start3A_106] : memref<3200x2x100xi32, #tpu.memory_space<hbm>> -> memref<1x2x100xi32, #tpu.memory_space<hbm>>
        %dma_start3A_108 = tpu.memref_squeeze %dma_start3A_107 : memref<1x2x100xi32, #tpu.memory_space<hbm>> -> memref<2x100xi32, #tpu.memory_space<hbm>>
        tpu.enqueue_dma source(%dma_start3A_108 : memref<2x100xi32, #tpu.memory_space<hbm>>) target(%arg6 : memref<2x100xi32, #tpu.memory_space<vmem>>) target_semaphore(%arg13 : memref<!tpu.dma_semaphore, #tpu.memory_space<semaphore_mem>>)
      } else {
      }
      %lt3A_92 = arith.constant 100 : i32
      %lt3A_93 = arith.cmpi slt, %add3A_74, %lt3A_92 : i32
      %convert_element_type3A_94 = arith.extui %lt3A_93 : i1 to i32
      %cond3A_95 = arith.constant 0 : i32
      %cond3A_96 = arith.cmpi ne, %convert_element_type3A_94, %cond3A_95 : i32
      scf.if %cond3A_96 {
        %add3A_98 = arith.addi %mul3A_4, %add3A_74 : i32
        %dma_wait3A = arith.constant 0 : i32
        %dma_wait3A_99 = arith.constant 0 : i32
        %dma_wait3A_100 = tpu.memref_slice %arg2[%add3A_98, %dma_wait3A, %dma_wait3A_99] : memref<3200x2x100xi32, #tpu.memory_space<hbm>> -> memref<1x2x100xi32, #tpu.memory_space<hbm>>
        %dma_wait3A_101 = tpu.memref_squeeze %dma_wait3A_100 : memref<1x2x100xi32, #tpu.memory_space<hbm>> -> memref<2x100xi32, #tpu.memory_space<hbm>>
        %dma_wait3A_102 = arith.constant 0 : i32
        %dma_wait3A_103 = arith.constant 0 : i32
        %dma_wait3A_104 = tpu.memref_slice %arg2[%add3A_98, %dma_wait3A_102, %dma_wait3A_103] : memref<3200x2x100xi32, #tpu.memory_space<hbm>> -> memref<1x2x100xi32, #tpu.memory_space<hbm>>
        %dma_wait3A_105 = tpu.memref_squeeze %dma_wait3A_104 : memref<1x2x100xi32, #tpu.memory_space<hbm>> -> memref<2x100xi32, #tpu.memory_space<hbm>>
        tpu.wait_dma2 semaphore(%arg15 : memref<!tpu.dma_semaphore, #tpu.memory_space<semaphore_mem>>) src(%dma_wait3A_105 : memref<2x100xi32, #tpu.memory_space<hbm>>) dst(%arg8 : memref<2x100xi32, #tpu.memory_space<vmem>>)
      } else {
      }
      %scan3A_97 = arith.constant 0 : i32
      scf.yield %scan3A_97 : i32
    }
    %scan3A_19 = arith.constant 34 : i32
    %barrier3A_20 = arith.constant 0 : index
    tpu.barrier barrier_id(%barrier3A_20)
    %mul3A_21 = arith.constant 625 : i32
    %mul3A_22 = arith.muli %arg1, %mul3A_21 : i32
    "tpu.region"() ({
      %run_scoped3A = tpu.sem_alloc : memref<!tpu.dma_semaphore, #tpu.memory_space<semaphore_mem>>
      %dma_start3A_23 = arith.constant 0 : i32
      %dma_start3A_24 = arith.constant 0 : i32
      %dma_start3A_25 = arith.constant 0 : i32
      %dma_start3A_26 = tpu.memref_slice %arg5[%arg0, %dma_start3A_23, %dma_start3A_24, %dma_start3A_25] : memref<2x16x625x128xf32, #tpu.memory_space<hbm>> -> memref<1x16x625x128xf32, #tpu.memory_space<hbm>>
      %dma_start3A_27 = tpu.memref_squeeze %dma_start3A_26 : memref<1x16x625x128xf32, #tpu.memory_space<hbm>> -> memref<16x625x128xf32, #tpu.memory_space<hbm>>
      %dma_start3A_28 = arith.constant 0 : i32
      %dma_start3A_29 = arith.constant 0 : i32
      %dma_start3A_30 = tpu.memref_slice %dma_start3A_27[%arg1, %dma_start3A_28, %dma_start3A_29] : memref<16x625x128xf32, #tpu.memory_space<hbm>> -> memref<1x625x128xf32, #tpu.memory_space<hbm>>
      %dma_start3A_31 = tpu.memref_squeeze %dma_start3A_30 : memref<1x625x128xf32, #tpu.memory_space<hbm>> -> memref<625x128xf32, #tpu.memory_space<hbm>>
      %dma_start3A_32 = arith.constant 0 : i32
      %dma_start3A_33 = tpu.memref_slice %arg12[%mul3A_22, %dma_start3A_32] : memref<10000x128xf32, #tpu.memory_space<vmem_shared>> -> memref<625x128xf32, #tpu.memory_space<vmem_shared>>
      tpu.enqueue_dma source(%dma_start3A_33 : memref<625x128xf32, #tpu.memory_space<vmem_shared>>) target(%dma_start3A_31 : memref<625x128xf32, #tpu.memory_space<hbm>>) target_semaphore(%run_scoped3A : memref<!tpu.dma_semaphore, #tpu.memory_space<semaphore_mem>>)
      %dma_wait3A = arith.constant 0 : i32
      %dma_wait3A_34 = arith.constant 0 : i32
      %dma_wait3A_35 = arith.constant 0 : i32
      %dma_wait3A_36 = tpu.memref_slice %arg5[%arg0, %dma_wait3A, %dma_wait3A_34, %dma_wait3A_35] : memref<2x16x625x128xf32, #tpu.memory_space<hbm>> -> memref<1x16x625x128xf32, #tpu.memory_space<hbm>>
      %dma_wait3A_37 = tpu.memref_squeeze %dma_wait3A_36 : memref<1x16x625x128xf32, #tpu.memory_space<hbm>> -> memref<16x625x128xf32, #tpu.memory_space<hbm>>
      %dma_wait3A_38 = arith.constant 0 : i32
      %dma_wait3A_39 = arith.constant 0 : i32
      %dma_wait3A_40 = tpu.memref_slice %dma_wait3A_37[%arg1, %dma_wait3A_38, %dma_wait3A_39] : memref<16x625x128xf32, #tpu.memory_space<hbm>> -> memref<1x625x128xf32, #tpu.memory_space<hbm>>
      %dma_wait3A_41 = tpu.memref_squeeze %dma_wait3A_40 : memref<1x625x128xf32, #tpu.memory_space<hbm>> -> memref<625x128xf32, #tpu.memory_space<hbm>>
      %dma_wait3A_42 = arith.constant 0 : i32
      %dma_wait3A_43 = tpu.memref_slice %arg12[%mul3A_22, %dma_wait3A_42] : memref<10000x128xf32, #tpu.memory_space<vmem_shared>> -> memref<625x128xf32, #tpu.memory_space<vmem_shared>>
      tpu.wait_dma2 semaphore(%run_scoped3A : memref<!tpu.dma_semaphore, #tpu.memory_space<semaphore_mem>>) src(%dma_wait3A_43 : memref<625x128xf32, #tpu.memory_space<vmem_shared>>) dst(%dma_wait3A_41 : memref<625x128xf32, #tpu.memory_space<hbm>>)
      tpu.yield
    }) : () -> ()
    return
  }
}

#map = affine_map<(d0, d1) -> (0, 0)>
#map1 = affine_map<(d0, d1) -> (0, 0, 0)>
#map2 = affine_map<(d0, d1) -> (0, 0, 0, 0)>
module attributes {stable_mosaic.version = 14 : i64} {
  func.func @_agg_body(%arg0: i32, %arg1: i32, %arg2: memref<10000x128xf32, #tpu.memory_space<hbm>>, %arg3: memref<10000x128xf32, #tpu.memory_space<hbm>>, %arg4: memref<3200x2x100xi32, #tpu.memory_space<hbm>>, %arg5: memref<625x128xf32, #tpu.memory_space<hbm>>, %arg6: memref<2x16x625x128xf32, #tpu.memory_space<hbm>>, %arg7: memref<2x100xi32, #tpu.memory_space<vmem>>, %arg8: memref<2x100xi32, #tpu.memory_space<vmem>>, %arg9: memref<2x100xi32, #tpu.memory_space<vmem>>, %arg10: memref<100x128xf32, #tpu.memory_space<vmem>>, %arg11: memref<100x128xf32, #tpu.memory_space<vmem>>, %arg12: memref<100x128xf32, #tpu.memory_space<vmem>>, %arg13: memref<10000x128xf32, #tpu.memory_space<vmem_shared>>, %arg14: memref<!tpu.dma_semaphore, #tpu.memory_space<semaphore_mem>>, %arg15: memref<!tpu.dma_semaphore, #tpu.memory_space<semaphore_mem>>, %arg16: memref<!tpu.dma_semaphore, #tpu.memory_space<semaphore_mem>>, %arg17: memref<!tpu.dma_semaphore, #tpu.memory_space<semaphore_mem>>, %arg18: memref<!tpu.dma_semaphore, #tpu.memory_space<semaphore_mem>>, %arg19: memref<!tpu.dma_semaphore, #tpu.memory_space<semaphore_mem>>) attributes {dimension_semantics = [#tpu.dimension_semantics<core_parallel>, #tpu.dimension_semantics<subcore_parallel>], iteration_bounds = array<i64: 2, 16>, scalar_prefetch = 0 : i64, scratch_operands = 13 : i64, tpu.core_type = #tpu.core_type<sc_vector_subcore>, window_params = [{transform_indices = #map}, {transform_indices = #map}, {transform_indices = #map1}, {transform_indices = #map}, {transform_indices = #map2}]} {
    %mul3A = arith.constant 625 : i32
    %mul3A_0 = arith.muli %arg1, %mul3A : i32
    "tpu.region"() ({
      %run_scoped3A = tpu.sem_alloc : memref<!tpu.dma_semaphore, #tpu.memory_space<semaphore_mem>>
      %dma_start3A = arith.constant 0 : i32
      %dma_start3A_13 = tpu.memref_slice %arg13[%mul3A_0, %dma_start3A] : memref<10000x128xf32, #tpu.memory_space<vmem_shared>> -> memref<625x128xf32, #tpu.memory_space<vmem_shared>>
      tpu.enqueue_dma source(%arg5 : memref<625x128xf32, #tpu.memory_space<hbm>>) target(%dma_start3A_13 : memref<625x128xf32, #tpu.memory_space<vmem_shared>>) target_semaphore(%run_scoped3A : memref<!tpu.dma_semaphore, #tpu.memory_space<semaphore_mem>>)
      %dma_wait3A = arith.constant 0 : i32
      %dma_wait3A_14 = tpu.memref_slice %arg13[%mul3A_0, %dma_wait3A] : memref<10000x128xf32, #tpu.memory_space<vmem_shared>> -> memref<625x128xf32, #tpu.memory_space<vmem_shared>>
      tpu.wait_dma2 semaphore(%run_scoped3A : memref<!tpu.dma_semaphore, #tpu.memory_space<semaphore_mem>>) src(%arg5 : memref<625x128xf32, #tpu.memory_space<hbm>>) dst(%dma_wait3A_14 : memref<625x128xf32, #tpu.memory_space<vmem_shared>>)
      tpu.yield
    }) : () -> ()
    %barrier3A = arith.constant 0 : index
    tpu.barrier barrier_id(%barrier3A)
    %mul3A_1 = arith.constant 200 : i32
    %mul3A_2 = arith.muli %arg1, %mul3A_1 : i32
    %eq3A = arith.constant 0 : i32
    %eq3A_3 = arith.cmpi eq, %arg0, %eq3A : i32
    %convert_element_type3A = arith.extui %eq3A_3 : i1 to i32
    %cond3A = arith.constant 0 : i32
    %cond3A_4 = arith.cmpi ne, %convert_element_type3A, %cond3A : i32
    scf.if %cond3A_4 {
      %add3A = arith.constant 0 : i32
      %add3A_13 = arith.addi %mul3A_2, %add3A : i32
      %dma_start3A = arith.constant 0 : i32
      %dma_start3A_14 = arith.constant 0 : i32
      %dma_start3A_15 = tpu.memref_slice %arg4[%add3A_13, %dma_start3A, %dma_start3A_14] : memref<3200x2x100xi32, #tpu.memory_space<hbm>> -> memref<1x2x100xi32, #tpu.memory_space<hbm>>
      %dma_start3A_16 = tpu.memref_squeeze %dma_start3A_15 : memref<1x2x100xi32, #tpu.memory_space<hbm>> -> memref<2x100xi32, #tpu.memory_space<hbm>>
      %dma_start3A_17 = arith.constant 0 : i32
      %dma_start3A_18 = arith.constant 0 : i32
      %dma_start3A_19 = tpu.memref_slice %arg4[%add3A_13, %dma_start3A_17, %dma_start3A_18] : memref<3200x2x100xi32, #tpu.memory_space<hbm>> -> memref<1x2x100xi32, #tpu.memory_space<hbm>>
      %dma_start3A_20 = tpu.memref_squeeze %dma_start3A_19 : memref<1x2x100xi32, #tpu.memory_space<hbm>> -> memref<2x100xi32, #tpu.memory_space<hbm>>
      tpu.enqueue_dma source(%dma_start3A_20 : memref<2x100xi32, #tpu.memory_space<hbm>>) target(%arg7 : memref<2x100xi32, #tpu.memory_space<vmem>>) target_semaphore(%arg14 : memref<!tpu.dma_semaphore, #tpu.memory_space<semaphore_mem>>)
      %scan3A = arith.constant 0 : i32
      %scan3A_21 = arith.constant 0 : i32
      %scan3A_22 = arith.constant 68 : i32
      %scan3A_23 = arith.addi %scan3A_21, %scan3A_22 : i32
      %scan3A_24 = arith.constant 1 : i32
      %scan3A_25 = scf.for %scan3A_27 = %scan3A_21 to %scan3A_23 step %scan3A_24 iter_args(%scan3A_28 = %scan3A) -> (i32)  : i32 {
        %mul3A_29 = arith.constant 3 : i32
        %mul3A_30 = arith.muli %scan3A_27, %mul3A_29 : i32
        %add3A_31 = arith.constant 0 : i32
        %add3A_32 = arith.addi %mul3A_30, %add3A_31 : i32
        %sub3A = arith.constant 2 : i32
        %sub3A_33 = arith.subi %add3A_32, %sub3A : i32
        %ge3A = arith.constant 0 : i32
        %ge3A_34 = arith.cmpi sge, %sub3A_33, %ge3A : i32
        %lt3A = arith.constant 200 : i32
        %lt3A_35 = arith.cmpi slt, %sub3A_33, %lt3A : i32
        %and3A = arith.andi %ge3A_34, %lt3A_35 : i1
        %convert_element_type3A_36 = arith.extui %and3A : i1 to i32
        %cond3A_37 = arith.constant 0 : i32
        %cond3A_38 = arith.cmpi ne, %convert_element_type3A_36, %cond3A_37 : i32
        scf.if %cond3A_38 {
          %dma_wait3A = arith.constant 0 : i32
          %dma_wait3A_104 = arith.constant 0 : i32
          %dma_wait3A_105 = tpu.memref_slice %arg8[%dma_wait3A, %dma_wait3A_104] : memref<2x100xi32, #tpu.memory_space<vmem>> -> memref<1x100xi32, #tpu.memory_space<vmem>>
          %dma_wait3A_106 = tpu.memref_squeeze %dma_wait3A_105 : memref<1x100xi32, #tpu.memory_space<vmem>> -> memref<100xi32, #tpu.memory_space<vmem>>
          %dma_wait3A_107 = arith.constant 0 : i32
          %dma_wait3A_108 = arith.constant 0 : i32
          %dma_wait3A_109 = tpu.memref_slice %arg2[%dma_wait3A_107, %dma_wait3A_108] : memref<10000x128xf32, #tpu.memory_space<hbm>> -> memref<10000x128xf32, #tpu.memory_space<hbm>>
          tpu.wait_indirect_dma semaphore(%arg18 : memref<!tpu.dma_semaphore, #tpu.memory_space<semaphore_mem>>) src(%dma_wait3A_109 : memref<10000x128xf32, #tpu.memory_space<hbm>>) dst(%arg11 : memref<100x128xf32, #tpu.memory_space<vmem>>)
          %run_scoped3A = arith.constant 1 : i32
          "tpu.region"() ({
            %run_scoped3A_110 = tpu.sem_alloc : memref<!tpu.dma_semaphore, #tpu.memory_space<semaphore_mem>>
            %dma_start3A_111 = arith.constant 0 : i32
            %dma_start3A_112 = tpu.memref_slice %arg8[%run_scoped3A, %dma_start3A_111] : memref<2x100xi32, #tpu.memory_space<vmem>> -> memref<1x100xi32, #tpu.memory_space<vmem>>
            %dma_start3A_113 = tpu.memref_squeeze %dma_start3A_112 : memref<1x100xi32, #tpu.memory_space<vmem>> -> memref<100xi32, #tpu.memory_space<vmem>>
            %dma_start3A_114 = arith.constant 0 : i32
            %dma_start3A_115 = arith.constant 0 : i32
            %dma_start3A_116 = tpu.memref_slice %arg13[%dma_start3A_114, %dma_start3A_115] : memref<10000x128xf32, #tpu.memory_space<vmem_shared>> -> memref<10000x128xf32, #tpu.memory_space<vmem_shared>>
            tpu.enqueue_indirect_dma source(%arg11 : memref<100x128xf32, #tpu.memory_space<vmem>>) target(%dma_start3A_116 : memref<10000x128xf32, #tpu.memory_space<vmem_shared>>) offsets(%dma_start3A_113 : memref<100xi32, #tpu.memory_space<vmem>>) semaphore(%run_scoped3A_110 : memref<!tpu.dma_semaphore, #tpu.memory_space<semaphore_mem>>) {add = true}
            %dma_wait3A_117 = arith.constant 0 : i32
            %dma_wait3A_118 = tpu.memref_slice %arg8[%run_scoped3A, %dma_wait3A_117] : memref<2x100xi32, #tpu.memory_space<vmem>> -> memref<1x100xi32, #tpu.memory_space<vmem>>
            %dma_wait3A_119 = tpu.memref_squeeze %dma_wait3A_118 : memref<1x100xi32, #tpu.memory_space<vmem>> -> memref<100xi32, #tpu.memory_space<vmem>>
            %dma_wait3A_120 = arith.constant 0 : i32
            %dma_wait3A_121 = arith.constant 0 : i32
            %dma_wait3A_122 = tpu.memref_slice %arg13[%dma_wait3A_120, %dma_wait3A_121] : memref<10000x128xf32, #tpu.memory_space<vmem_shared>> -> memref<10000x128xf32, #tpu.memory_space<vmem_shared>>
            tpu.wait_indirect_dma semaphore(%run_scoped3A_110 : memref<!tpu.dma_semaphore, #tpu.memory_space<semaphore_mem>>) src(%arg11 : memref<100x128xf32, #tpu.memory_space<vmem>>) dst(%dma_wait3A_122 : memref<10000x128xf32, #tpu.memory_space<vmem_shared>>)
            tpu.yield
          }) : () -> ()
        } else {
        }
        %add3A_39 = arith.constant 1 : i32
        %add3A_40 = arith.addi %add3A_32, %add3A_39 : i32
        %lt3A_41 = arith.constant 200 : i32
        %lt3A_42 = arith.cmpi slt, %add3A_40, %lt3A_41 : i32
        %convert_element_type3A_43 = arith.extui %lt3A_42 : i1 to i32
        %cond3A_44 = arith.constant 0 : i32
        %cond3A_45 = arith.cmpi ne, %convert_element_type3A_43, %cond3A_44 : i32
        scf.if %cond3A_45 {
          %add3A_104 = arith.constant 1 : i32
          %add3A_105 = arith.addi %add3A_32, %add3A_104 : i32
          %add3A_106 = arith.addi %mul3A_2, %add3A_105 : i32
          %dma_start3A_107 = arith.constant 0 : i32
          %dma_start3A_108 = arith.constant 0 : i32
          %dma_start3A_109 = tpu.memref_slice %arg4[%add3A_106, %dma_start3A_107, %dma_start3A_108] : memref<3200x2x100xi32, #tpu.memory_space<hbm>> -> memref<1x2x100xi32, #tpu.memory_space<hbm>>
          %dma_start3A_110 = tpu.memref_squeeze %dma_start3A_109 : memref<1x2x100xi32, #tpu.memory_space<hbm>> -> memref<2x100xi32, #tpu.memory_space<hbm>>
          %dma_start3A_111 = arith.constant 0 : i32
          %dma_start3A_112 = arith.constant 0 : i32
          %dma_start3A_113 = tpu.memref_slice %arg4[%add3A_106, %dma_start3A_111, %dma_start3A_112] : memref<3200x2x100xi32, #tpu.memory_space<hbm>> -> memref<1x2x100xi32, #tpu.memory_space<hbm>>
          %dma_start3A_114 = tpu.memref_squeeze %dma_start3A_113 : memref<1x2x100xi32, #tpu.memory_space<hbm>> -> memref<2x100xi32, #tpu.memory_space<hbm>>
          tpu.enqueue_dma source(%dma_start3A_114 : memref<2x100xi32, #tpu.memory_space<hbm>>) target(%arg8 : memref<2x100xi32, #tpu.memory_space<vmem>>) target_semaphore(%arg15 : memref<!tpu.dma_semaphore, #tpu.memory_space<semaphore_mem>>)
        } else {
        }
        %lt3A_46 = arith.constant 200 : i32
        %lt3A_47 = arith.cmpi slt, %add3A_32, %lt3A_46 : i32
        %convert_element_type3A_48 = arith.extui %lt3A_47 : i1 to i32
        %cond3A_49 = arith.constant 0 : i32
        %cond3A_50 = arith.cmpi ne, %convert_element_type3A_48, %cond3A_49 : i32
        scf.if %cond3A_50 {
          %add3A_104 = arith.addi %mul3A_2, %add3A_32 : i32
          %dma_wait3A = arith.constant 0 : i32
          %dma_wait3A_105 = arith.constant 0 : i32
          %dma_wait3A_106 = tpu.memref_slice %arg4[%add3A_104, %dma_wait3A, %dma_wait3A_105] : memref<3200x2x100xi32, #tpu.memory_space<hbm>> -> memref<1x2x100xi32, #tpu.memory_space<hbm>>
          %dma_wait3A_107 = tpu.memref_squeeze %dma_wait3A_106 : memref<1x2x100xi32, #tpu.memory_space<hbm>> -> memref<2x100xi32, #tpu.memory_space<hbm>>
          %dma_wait3A_108 = arith.constant 0 : i32
          %dma_wait3A_109 = arith.constant 0 : i32
          %dma_wait3A_110 = tpu.memref_slice %arg4[%add3A_104, %dma_wait3A_108, %dma_wait3A_109] : memref<3200x2x100xi32, #tpu.memory_space<hbm>> -> memref<1x2x100xi32, #tpu.memory_space<hbm>>
          %dma_wait3A_111 = tpu.memref_squeeze %dma_wait3A_110 : memref<1x2x100xi32, #tpu.memory_space<hbm>> -> memref<2x100xi32, #tpu.memory_space<hbm>>
          tpu.wait_dma2 semaphore(%arg14 : memref<!tpu.dma_semaphore, #tpu.memory_space<semaphore_mem>>) src(%dma_wait3A_111 : memref<2x100xi32, #tpu.memory_space<hbm>>) dst(%arg7 : memref<2x100xi32, #tpu.memory_space<vmem>>)
          %dma_start3A_112 = arith.constant 0 : i32
          %dma_start3A_113 = arith.constant 0 : i32
          %dma_start3A_114 = tpu.memref_slice %arg7[%dma_start3A_112, %dma_start3A_113] : memref<2x100xi32, #tpu.memory_space<vmem>> -> memref<1x100xi32, #tpu.memory_space<vmem>>
          %dma_start3A_115 = tpu.memref_squeeze %dma_start3A_114 : memref<1x100xi32, #tpu.memory_space<vmem>> -> memref<100xi32, #tpu.memory_space<vmem>>
          %dma_start3A_116 = arith.constant 0 : i32
          %dma_start3A_117 = arith.constant 0 : i32
          %dma_start3A_118 = tpu.memref_slice %arg2[%dma_start3A_116, %dma_start3A_117] : memref<10000x128xf32, #tpu.memory_space<hbm>> -> memref<10000x128xf32, #tpu.memory_space<hbm>>
          tpu.enqueue_indirect_dma source(%dma_start3A_118 : memref<10000x128xf32, #tpu.memory_space<hbm>>) target(%arg10 : memref<100x128xf32, #tpu.memory_space<vmem>>) offsets(%dma_start3A_115 : memref<100xi32, #tpu.memory_space<vmem>>) semaphore(%arg17 : memref<!tpu.dma_semaphore, #tpu.memory_space<semaphore_mem>>)
        } else {
        }
        %mul3A_51 = arith.constant 3 : i32
        %mul3A_52 = arith.muli %scan3A_27, %mul3A_51 : i32
        %add3A_53 = arith.constant 1 : i32
        %add3A_54 = arith.addi %mul3A_52, %add3A_53 : i32
        %sub3A_55 = arith.constant 2 : i32
        %sub3A_56 = arith.subi %add3A_54, %sub3A_55 : i32
        %ge3A_57 = arith.constant 0 : i32
        %ge3A_58 = arith.cmpi sge, %sub3A_56, %ge3A_57 : i32
        %lt3A_59 = arith.constant 200 : i32
        %lt3A_60 = arith.cmpi slt, %sub3A_56, %lt3A_59 : i32
        %and3A_61 = arith.andi %ge3A_58, %lt3A_60 : i1
        %convert_element_type3A_62 = arith.extui %and3A_61 : i1 to i32
        %cond3A_63 = arith.constant 0 : i32
        %cond3A_64 = arith.cmpi ne, %convert_element_type3A_62, %cond3A_63 : i32
        scf.if %cond3A_64 {
          %dma_wait3A = arith.constant 0 : i32
          %dma_wait3A_104 = arith.constant 0 : i32
          %dma_wait3A_105 = tpu.memref_slice %arg9[%dma_wait3A, %dma_wait3A_104] : memref<2x100xi32, #tpu.memory_space<vmem>> -> memref<1x100xi32, #tpu.memory_space<vmem>>
          %dma_wait3A_106 = tpu.memref_squeeze %dma_wait3A_105 : memref<1x100xi32, #tpu.memory_space<vmem>> -> memref<100xi32, #tpu.memory_space<vmem>>
          %dma_wait3A_107 = arith.constant 0 : i32
          %dma_wait3A_108 = arith.constant 0 : i32
          %dma_wait3A_109 = tpu.memref_slice %arg2[%dma_wait3A_107, %dma_wait3A_108] : memref<10000x128xf32, #tpu.memory_space<hbm>> -> memref<10000x128xf32, #tpu.memory_space<hbm>>
          tpu.wait_indirect_dma semaphore(%arg19 : memref<!tpu.dma_semaphore, #tpu.memory_space<semaphore_mem>>) src(%dma_wait3A_109 : memref<10000x128xf32, #tpu.memory_space<hbm>>) dst(%arg12 : memref<100x128xf32, #tpu.memory_space<vmem>>)
          %run_scoped3A = arith.constant 1 : i32
          "tpu.region"() ({
            %run_scoped3A_110 = tpu.sem_alloc : memref<!tpu.dma_semaphore, #tpu.memory_space<semaphore_mem>>
            %dma_start3A_111 = arith.constant 0 : i32
            %dma_start3A_112 = tpu.memref_slice %arg9[%run_scoped3A, %dma_start3A_111] : memref<2x100xi32, #tpu.memory_space<vmem>> -> memref<1x100xi32, #tpu.memory_space<vmem>>
            %dma_start3A_113 = tpu.memref_squeeze %dma_start3A_112 : memref<1x100xi32, #tpu.memory_space<vmem>> -> memref<100xi32, #tpu.memory_space<vmem>>
            %dma_start3A_114 = arith.constant 0 : i32
            %dma_start3A_115 = arith.constant 0 : i32
            %dma_start3A_116 = tpu.memref_slice %arg13[%dma_start3A_114, %dma_start3A_115] : memref<10000x128xf32, #tpu.memory_space<vmem_shared>> -> memref<10000x128xf32, #tpu.memory_space<vmem_shared>>
            tpu.enqueue_indirect_dma source(%arg12 : memref<100x128xf32, #tpu.memory_space<vmem>>) target(%dma_start3A_116 : memref<10000x128xf32, #tpu.memory_space<vmem_shared>>) offsets(%dma_start3A_113 : memref<100xi32, #tpu.memory_space<vmem>>) semaphore(%run_scoped3A_110 : memref<!tpu.dma_semaphore, #tpu.memory_space<semaphore_mem>>) {add = true}
            %dma_wait3A_117 = arith.constant 0 : i32
            %dma_wait3A_118 = tpu.memref_slice %arg9[%run_scoped3A, %dma_wait3A_117] : memref<2x100xi32, #tpu.memory_space<vmem>> -> memref<1x100xi32, #tpu.memory_space<vmem>>
            %dma_wait3A_119 = tpu.memref_squeeze %dma_wait3A_118 : memref<1x100xi32, #tpu.memory_space<vmem>> -> memref<100xi32, #tpu.memory_space<vmem>>
            %dma_wait3A_120 = arith.constant 0 : i32
            %dma_wait3A_121 = arith.constant 0 : i32
            %dma_wait3A_122 = tpu.memref_slice %arg13[%dma_wait3A_120, %dma_wait3A_121] : memref<10000x128xf32, #tpu.memory_space<vmem_shared>> -> memref<10000x128xf32, #tpu.memory_space<vmem_shared>>
            tpu.wait_indirect_dma semaphore(%run_scoped3A_110 : memref<!tpu.dma_semaphore, #tpu.memory_space<semaphore_mem>>) src(%arg12 : memref<100x128xf32, #tpu.memory_space<vmem>>) dst(%dma_wait3A_122 : memref<10000x128xf32, #tpu.memory_space<vmem_shared>>)
            tpu.yield
          }) : () -> ()
        } else {
        }
        %add3A_65 = arith.constant 1 : i32
        %add3A_66 = arith.addi %add3A_54, %add3A_65 : i32
        %lt3A_67 = arith.constant 200 : i32
        %lt3A_68 = arith.cmpi slt, %add3A_66, %lt3A_67 : i32
        %convert_element_type3A_69 = arith.extui %lt3A_68 : i1 to i32
        %cond3A_70 = arith.constant 0 : i32
        %cond3A_71 = arith.cmpi ne, %convert_element_type3A_69, %cond3A_70 : i32
        scf.if %cond3A_71 {
          %add3A_104 = arith.constant 1 : i32
          %add3A_105 = arith.addi %add3A_54, %add3A_104 : i32
          %add3A_106 = arith.addi %mul3A_2, %add3A_105 : i32
          %dma_start3A_107 = arith.constant 0 : i32
          %dma_start3A_108 = arith.constant 0 : i32
          %dma_start3A_109 = tpu.memref_slice %arg4[%add3A_106, %dma_start3A_107, %dma_start3A_108] : memref<3200x2x100xi32, #tpu.memory_space<hbm>> -> memref<1x2x100xi32, #tpu.memory_space<hbm>>
          %dma_start3A_110 = tpu.memref_squeeze %dma_start3A_109 : memref<1x2x100xi32, #tpu.memory_space<hbm>> -> memref<2x100xi32, #tpu.memory_space<hbm>>
          %dma_start3A_111 = arith.constant 0 : i32
          %dma_start3A_112 = arith.constant 0 : i32
          %dma_start3A_113 = tpu.memref_slice %arg4[%add3A_106, %dma_start3A_111, %dma_start3A_112] : memref<3200x2x100xi32, #tpu.memory_space<hbm>> -> memref<1x2x100xi32, #tpu.memory_space<hbm>>
          %dma_start3A_114 = tpu.memref_squeeze %dma_start3A_113 : memref<1x2x100xi32, #tpu.memory_space<hbm>> -> memref<2x100xi32, #tpu.memory_space<hbm>>
          tpu.enqueue_dma source(%dma_start3A_114 : memref<2x100xi32, #tpu.memory_space<hbm>>) target(%arg9 : memref<2x100xi32, #tpu.memory_space<vmem>>) target_semaphore(%arg16 : memref<!tpu.dma_semaphore, #tpu.memory_space<semaphore_mem>>)
        } else {
        }
        %lt3A_72 = arith.constant 200 : i32
        %lt3A_73 = arith.cmpi slt, %add3A_54, %lt3A_72 : i32
        %convert_element_type3A_74 = arith.extui %lt3A_73 : i1 to i32
        %cond3A_75 = arith.constant 0 : i32
        %cond3A_76 = arith.cmpi ne, %convert_element_type3A_74, %cond3A_75 : i32
        scf.if %cond3A_76 {
          %add3A_104 = arith.addi %mul3A_2, %add3A_54 : i32
          %dma_wait3A = arith.constant 0 : i32
          %dma_wait3A_105 = arith.constant 0 : i32
          %dma_wait3A_106 = tpu.memref_slice %arg4[%add3A_104, %dma_wait3A, %dma_wait3A_105] : memref<3200x2x100xi32, #tpu.memory_space<hbm>> -> memref<1x2x100xi32, #tpu.memory_space<hbm>>
          %dma_wait3A_107 = tpu.memref_squeeze %dma_wait3A_106 : memref<1x2x100xi32, #tpu.memory_space<hbm>> -> memref<2x100xi32, #tpu.memory_space<hbm>>
          %dma_wait3A_108 = arith.constant 0 : i32
          %dma_wait3A_109 = arith.constant 0 : i32
          %dma_wait3A_110 = tpu.memref_slice %arg4[%add3A_104, %dma_wait3A_108, %dma_wait3A_109] : memref<3200x2x100xi32, #tpu.memory_space<hbm>> -> memref<1x2x100xi32, #tpu.memory_space<hbm>>
          %dma_wait3A_111 = tpu.memref_squeeze %dma_wait3A_110 : memref<1x2x100xi32, #tpu.memory_space<hbm>> -> memref<2x100xi32, #tpu.memory_space<hbm>>
          tpu.wait_dma2 semaphore(%arg15 : memref<!tpu.dma_semaphore, #tpu.memory_space<semaphore_mem>>) src(%dma_wait3A_111 : memref<2x100xi32, #tpu.memory_space<hbm>>) dst(%arg8 : memref<2x100xi32, #tpu.memory_space<vmem>>)
          %dma_start3A_112 = arith.constant 0 : i32
          %dma_start3A_113 = arith.constant 0 : i32
          %dma_start3A_114 = tpu.memref_slice %arg8[%dma_start3A_112, %dma_start3A_113] : memref<2x100xi32, #tpu.memory_space<vmem>> -> memref<1x100xi32, #tpu.memory_space<vmem>>
          %dma_start3A_115 = tpu.memref_squeeze %dma_start3A_114 : memref<1x100xi32, #tpu.memory_space<vmem>> -> memref<100xi32, #tpu.memory_space<vmem>>
          %dma_start3A_116 = arith.constant 0 : i32
          %dma_start3A_117 = arith.constant 0 : i32
          %dma_start3A_118 = tpu.memref_slice %arg2[%dma_start3A_116, %dma_start3A_117] : memref<10000x128xf32, #tpu.memory_space<hbm>> -> memref<10000x128xf32, #tpu.memory_space<hbm>>
          tpu.enqueue_indirect_dma source(%dma_start3A_118 : memref<10000x128xf32, #tpu.memory_space<hbm>>) target(%arg11 : memref<100x128xf32, #tpu.memory_space<vmem>>) offsets(%dma_start3A_115 : memref<100xi32, #tpu.memory_space<vmem>>) semaphore(%arg18 : memref<!tpu.dma_semaphore, #tpu.memory_space<semaphore_mem>>)
        } else {
        }
        %mul3A_77 = arith.constant 3 : i32
        %mul3A_78 = arith.muli %scan3A_27, %mul3A_77 : i32
        %add3A_79 = arith.constant 2 : i32
        %add3A_80 = arith.addi %mul3A_78, %add3A_79 : i32
        %sub3A_81 = arith.constant 2 : i32
        %sub3A_82 = arith.subi %add3A_80, %sub3A_81 : i32
        %ge3A_83 = arith.constant 0 : i32
        %ge3A_84 = arith.cmpi sge, %sub3A_82, %ge3A_83 : i32
        %lt3A_85 = arith.constant 200 : i32
        %lt3A_86 = arith.cmpi slt, %sub3A_82, %lt3A_85 : i32
        %and3A_87 = arith.andi %ge3A_84, %lt3A_86 : i1
        %convert_element_type3A_88 = arith.extui %and3A_87 : i1 to i32
        %cond3A_89 = arith.constant 0 : i32
        %cond3A_90 = arith.cmpi ne, %convert_element_type3A_88, %cond3A_89 : i32
        scf.if %cond3A_90 {
          %dma_wait3A = arith.constant 0 : i32
          %dma_wait3A_104 = arith.constant 0 : i32
          %dma_wait3A_105 = tpu.memref_slice %arg7[%dma_wait3A, %dma_wait3A_104] : memref<2x100xi32, #tpu.memory_space<vmem>> -> memref<1x100xi32, #tpu.memory_space<vmem>>
          %dma_wait3A_106 = tpu.memref_squeeze %dma_wait3A_105 : memref<1x100xi32, #tpu.memory_space<vmem>> -> memref<100xi32, #tpu.memory_space<vmem>>
          %dma_wait3A_107 = arith.constant 0 : i32
          %dma_wait3A_108 = arith.constant 0 : i32
          %dma_wait3A_109 = tpu.memref_slice %arg2[%dma_wait3A_107, %dma_wait3A_108] : memref<10000x128xf32, #tpu.memory_space<hbm>> -> memref<10000x128xf32, #tpu.memory_space<hbm>>
          tpu.wait_indirect_dma semaphore(%arg17 : memref<!tpu.dma_semaphore, #tpu.memory_space<semaphore_mem>>) src(%dma_wait3A_109 : memref<10000x128xf32, #tpu.memory_space<hbm>>) dst(%arg10 : memref<100x128xf32, #tpu.memory_space<vmem>>)
          %run_scoped3A = arith.constant 1 : i32
          "tpu.region"() ({
            %run_scoped3A_110 = tpu.sem_alloc : memref<!tpu.dma_semaphore, #tpu.memory_space<semaphore_mem>>
            %dma_start3A_111 = arith.constant 0 : i32
            %dma_start3A_112 = tpu.memref_slice %arg7[%run_scoped3A, %dma_start3A_111] : memref<2x100xi32, #tpu.memory_space<vmem>> -> memref<1x100xi32, #tpu.memory_space<vmem>>
            %dma_start3A_113 = tpu.memref_squeeze %dma_start3A_112 : memref<1x100xi32, #tpu.memory_space<vmem>> -> memref<100xi32, #tpu.memory_space<vmem>>
            %dma_start3A_114 = arith.constant 0 : i32
            %dma_start3A_115 = arith.constant 0 : i32
            %dma_start3A_116 = tpu.memref_slice %arg13[%dma_start3A_114, %dma_start3A_115] : memref<10000x128xf32, #tpu.memory_space<vmem_shared>> -> memref<10000x128xf32, #tpu.memory_space<vmem_shared>>
            tpu.enqueue_indirect_dma source(%arg10 : memref<100x128xf32, #tpu.memory_space<vmem>>) target(%dma_start3A_116 : memref<10000x128xf32, #tpu.memory_space<vmem_shared>>) offsets(%dma_start3A_113 : memref<100xi32, #tpu.memory_space<vmem>>) semaphore(%run_scoped3A_110 : memref<!tpu.dma_semaphore, #tpu.memory_space<semaphore_mem>>) {add = true}
            %dma_wait3A_117 = arith.constant 0 : i32
            %dma_wait3A_118 = tpu.memref_slice %arg7[%run_scoped3A, %dma_wait3A_117] : memref<2x100xi32, #tpu.memory_space<vmem>> -> memref<1x100xi32, #tpu.memory_space<vmem>>
            %dma_wait3A_119 = tpu.memref_squeeze %dma_wait3A_118 : memref<1x100xi32, #tpu.memory_space<vmem>> -> memref<100xi32, #tpu.memory_space<vmem>>
            %dma_wait3A_120 = arith.constant 0 : i32
            %dma_wait3A_121 = arith.constant 0 : i32
            %dma_wait3A_122 = tpu.memref_slice %arg13[%dma_wait3A_120, %dma_wait3A_121] : memref<10000x128xf32, #tpu.memory_space<vmem_shared>> -> memref<10000x128xf32, #tpu.memory_space<vmem_shared>>
            tpu.wait_indirect_dma semaphore(%run_scoped3A_110 : memref<!tpu.dma_semaphore, #tpu.memory_space<semaphore_mem>>) src(%arg10 : memref<100x128xf32, #tpu.memory_space<vmem>>) dst(%dma_wait3A_122 : memref<10000x128xf32, #tpu.memory_space<vmem_shared>>)
            tpu.yield
          }) : () -> ()
        } else {
        }
        %add3A_91 = arith.constant 1 : i32
        %add3A_92 = arith.addi %add3A_80, %add3A_91 : i32
        %lt3A_93 = arith.constant 200 : i32
        %lt3A_94 = arith.cmpi slt, %add3A_92, %lt3A_93 : i32
        %convert_element_type3A_95 = arith.extui %lt3A_94 : i1 to i32
        %cond3A_96 = arith.constant 0 : i32
        %cond3A_97 = arith.cmpi ne, %convert_element_type3A_95, %cond3A_96 : i32
        scf.if %cond3A_97 {
          %add3A_104 = arith.constant 1 : i32
          %add3A_105 = arith.addi %add3A_80, %add3A_104 : i32
          %add3A_106 = arith.addi %mul3A_2, %add3A_105 : i32
          %dma_start3A_107 = arith.constant 0 : i32
          %dma_start3A_108 = arith.constant 0 : i32
          %dma_start3A_109 = tpu.memref_slice %arg4[%add3A_106, %dma_start3A_107, %dma_start3A_108] : memref<3200x2x100xi32, #tpu.memory_space<hbm>> -> memref<1x2x100xi32, #tpu.memory_space<hbm>>
          %dma_start3A_110 = tpu.memref_squeeze %dma_start3A_109 : memref<1x2x100xi32, #tpu.memory_space<hbm>> -> memref<2x100xi32, #tpu.memory_space<hbm>>
          %dma_start3A_111 = arith.constant 0 : i32
          %dma_start3A_112 = arith.constant 0 : i32
          %dma_start3A_113 = tpu.memref_slice %arg4[%add3A_106, %dma_start3A_111, %dma_start3A_112] : memref<3200x2x100xi32, #tpu.memory_space<hbm>> -> memref<1x2x100xi32, #tpu.memory_space<hbm>>
          %dma_start3A_114 = tpu.memref_squeeze %dma_start3A_113 : memref<1x2x100xi32, #tpu.memory_space<hbm>> -> memref<2x100xi32, #tpu.memory_space<hbm>>
          tpu.enqueue_dma source(%dma_start3A_114 : memref<2x100xi32, #tpu.memory_space<hbm>>) target(%arg7 : memref<2x100xi32, #tpu.memory_space<vmem>>) target_semaphore(%arg14 : memref<!tpu.dma_semaphore, #tpu.memory_space<semaphore_mem>>)
        } else {
        }
        %lt3A_98 = arith.constant 200 : i32
        %lt3A_99 = arith.cmpi slt, %add3A_80, %lt3A_98 : i32
        %convert_element_type3A_100 = arith.extui %lt3A_99 : i1 to i32
        %cond3A_101 = arith.constant 0 : i32
        %cond3A_102 = arith.cmpi ne, %convert_element_type3A_100, %cond3A_101 : i32
        scf.if %cond3A_102 {
          %add3A_104 = arith.addi %mul3A_2, %add3A_80 : i32
          %dma_wait3A = arith.constant 0 : i32
          %dma_wait3A_105 = arith.constant 0 : i32
          %dma_wait3A_106 = tpu.memref_slice %arg4[%add3A_104, %dma_wait3A, %dma_wait3A_105] : memref<3200x2x100xi32, #tpu.memory_space<hbm>> -> memref<1x2x100xi32, #tpu.memory_space<hbm>>
          %dma_wait3A_107 = tpu.memref_squeeze %dma_wait3A_106 : memref<1x2x100xi32, #tpu.memory_space<hbm>> -> memref<2x100xi32, #tpu.memory_space<hbm>>
          %dma_wait3A_108 = arith.constant 0 : i32
          %dma_wait3A_109 = arith.constant 0 : i32
          %dma_wait3A_110 = tpu.memref_slice %arg4[%add3A_104, %dma_wait3A_108, %dma_wait3A_109] : memref<3200x2x100xi32, #tpu.memory_space<hbm>> -> memref<1x2x100xi32, #tpu.memory_space<hbm>>
          %dma_wait3A_111 = tpu.memref_squeeze %dma_wait3A_110 : memref<1x2x100xi32, #tpu.memory_space<hbm>> -> memref<2x100xi32, #tpu.memory_space<hbm>>
          tpu.wait_dma2 semaphore(%arg16 : memref<!tpu.dma_semaphore, #tpu.memory_space<semaphore_mem>>) src(%dma_wait3A_111 : memref<2x100xi32, #tpu.memory_space<hbm>>) dst(%arg9 : memref<2x100xi32, #tpu.memory_space<vmem>>)
          %dma_start3A_112 = arith.constant 0 : i32
          %dma_start3A_113 = arith.constant 0 : i32
          %dma_start3A_114 = tpu.memref_slice %arg9[%dma_start3A_112, %dma_start3A_113] : memref<2x100xi32, #tpu.memory_space<vmem>> -> memref<1x100xi32, #tpu.memory_space<vmem>>
          %dma_start3A_115 = tpu.memref_squeeze %dma_start3A_114 : memref<1x100xi32, #tpu.memory_space<vmem>> -> memref<100xi32, #tpu.memory_space<vmem>>
          %dma_start3A_116 = arith.constant 0 : i32
          %dma_start3A_117 = arith.constant 0 : i32
          %dma_start3A_118 = tpu.memref_slice %arg2[%dma_start3A_116, %dma_start3A_117] : memref<10000x128xf32, #tpu.memory_space<hbm>> -> memref<10000x128xf32, #tpu.memory_space<hbm>>
          tpu.enqueue_indirect_dma source(%dma_start3A_118 : memref<10000x128xf32, #tpu.memory_space<hbm>>) target(%arg12 : memref<100x128xf32, #tpu.memory_space<vmem>>) offsets(%dma_start3A_115 : memref<100xi32, #tpu.memory_space<vmem>>) semaphore(%arg19 : memref<!tpu.dma_semaphore, #tpu.memory_space<semaphore_mem>>)
        } else {
        }
        %scan3A_103 = arith.constant 0 : i32
        scf.yield %scan3A_103 : i32
      }
      %scan3A_26 = arith.constant 68 : i32
    } else {
    }
    %eq3A_5 = arith.constant 1 : i32
    %eq3A_6 = arith.cmpi eq, %arg0, %eq3A_5 : i32
    %convert_element_type3A_7 = arith.extui %eq3A_6 : i1 to i32
    %cond3A_8 = arith.constant 0 : i32
    %cond3A_9 = arith.cmpi ne, %convert_element_type3A_7, %cond3A_8 : i32
    scf.if %cond3A_9 {
      %add3A = arith.constant 0 : i32
      %add3A_13 = arith.addi %mul3A_2, %add3A : i32
      %dma_start3A = arith.constant 0 : i32
      %dma_start3A_14 = arith.constant 0 : i32
      %dma_start3A_15 = tpu.memref_slice %arg4[%add3A_13, %dma_start3A, %dma_start3A_14] : memref<3200x2x100xi32, #tpu.memory_space<hbm>> -> memref<1x2x100xi32, #tpu.memory_space<hbm>>
      %dma_start3A_16 = tpu.memref_squeeze %dma_start3A_15 : memref<1x2x100xi32, #tpu.memory_space<hbm>> -> memref<2x100xi32, #tpu.memory_space<hbm>>
      %dma_start3A_17 = arith.constant 0 : i32
      %dma_start3A_18 = arith.constant 0 : i32
      %dma_start3A_19 = tpu.memref_slice %arg4[%add3A_13, %dma_start3A_17, %dma_start3A_18] : memref<3200x2x100xi32, #tpu.memory_space<hbm>> -> memref<1x2x100xi32, #tpu.memory_space<hbm>>
      %dma_start3A_20 = tpu.memref_squeeze %dma_start3A_19 : memref<1x2x100xi32, #tpu.memory_space<hbm>> -> memref<2x100xi32, #tpu.memory_space<hbm>>
      tpu.enqueue_dma source(%dma_start3A_20 : memref<2x100xi32, #tpu.memory_space<hbm>>) target(%arg7 : memref<2x100xi32, #tpu.memory_space<vmem>>) target_semaphore(%arg14 : memref<!tpu.dma_semaphore, #tpu.memory_space<semaphore_mem>>)
      %scan3A = arith.constant 0 : i32
      %scan3A_21 = arith.constant 0 : i32
      %scan3A_22 = arith.constant 68 : i32
      %scan3A_23 = arith.addi %scan3A_21, %scan3A_22 : i32
      %scan3A_24 = arith.constant 1 : i32
      %scan3A_25 = scf.for %scan3A_27 = %scan3A_21 to %scan3A_23 step %scan3A_24 iter_args(%scan3A_28 = %scan3A) -> (i32)  : i32 {
        %mul3A_29 = arith.constant 3 : i32
        %mul3A_30 = arith.muli %scan3A_27, %mul3A_29 : i32
        %add3A_31 = arith.constant 0 : i32
        %add3A_32 = arith.addi %mul3A_30, %add3A_31 : i32
        %sub3A = arith.constant 2 : i32
        %sub3A_33 = arith.subi %add3A_32, %sub3A : i32
        %ge3A = arith.constant 0 : i32
        %ge3A_34 = arith.cmpi sge, %sub3A_33, %ge3A : i32
        %lt3A = arith.constant 200 : i32
        %lt3A_35 = arith.cmpi slt, %sub3A_33, %lt3A : i32
        %and3A = arith.andi %ge3A_34, %lt3A_35 : i1
        %convert_element_type3A_36 = arith.extui %and3A : i1 to i32
        %cond3A_37 = arith.constant 0 : i32
        %cond3A_38 = arith.cmpi ne, %convert_element_type3A_36, %cond3A_37 : i32
        scf.if %cond3A_38 {
          %dma_wait3A = arith.constant 0 : i32
          %dma_wait3A_104 = arith.constant 0 : i32
          %dma_wait3A_105 = tpu.memref_slice %arg8[%dma_wait3A, %dma_wait3A_104] : memref<2x100xi32, #tpu.memory_space<vmem>> -> memref<1x100xi32, #tpu.memory_space<vmem>>
          %dma_wait3A_106 = tpu.memref_squeeze %dma_wait3A_105 : memref<1x100xi32, #tpu.memory_space<vmem>> -> memref<100xi32, #tpu.memory_space<vmem>>
          %dma_wait3A_107 = arith.constant 0 : i32
          %dma_wait3A_108 = arith.constant 0 : i32
          %dma_wait3A_109 = tpu.memref_slice %arg3[%dma_wait3A_107, %dma_wait3A_108] : memref<10000x128xf32, #tpu.memory_space<hbm>> -> memref<10000x128xf32, #tpu.memory_space<hbm>>
          tpu.wait_indirect_dma semaphore(%arg18 : memref<!tpu.dma_semaphore, #tpu.memory_space<semaphore_mem>>) src(%dma_wait3A_109 : memref<10000x128xf32, #tpu.memory_space<hbm>>) dst(%arg11 : memref<100x128xf32, #tpu.memory_space<vmem>>)
          %run_scoped3A = arith.constant 1 : i32
          "tpu.region"() ({
            %run_scoped3A_110 = tpu.sem_alloc : memref<!tpu.dma_semaphore, #tpu.memory_space<semaphore_mem>>
            %dma_start3A_111 = arith.constant 0 : i32
            %dma_start3A_112 = tpu.memref_slice %arg8[%run_scoped3A, %dma_start3A_111] : memref<2x100xi32, #tpu.memory_space<vmem>> -> memref<1x100xi32, #tpu.memory_space<vmem>>
            %dma_start3A_113 = tpu.memref_squeeze %dma_start3A_112 : memref<1x100xi32, #tpu.memory_space<vmem>> -> memref<100xi32, #tpu.memory_space<vmem>>
            %dma_start3A_114 = arith.constant 0 : i32
            %dma_start3A_115 = arith.constant 0 : i32
            %dma_start3A_116 = tpu.memref_slice %arg13[%dma_start3A_114, %dma_start3A_115] : memref<10000x128xf32, #tpu.memory_space<vmem_shared>> -> memref<10000x128xf32, #tpu.memory_space<vmem_shared>>
            tpu.enqueue_indirect_dma source(%arg11 : memref<100x128xf32, #tpu.memory_space<vmem>>) target(%dma_start3A_116 : memref<10000x128xf32, #tpu.memory_space<vmem_shared>>) offsets(%dma_start3A_113 : memref<100xi32, #tpu.memory_space<vmem>>) semaphore(%run_scoped3A_110 : memref<!tpu.dma_semaphore, #tpu.memory_space<semaphore_mem>>) {add = true}
            %dma_wait3A_117 = arith.constant 0 : i32
            %dma_wait3A_118 = tpu.memref_slice %arg8[%run_scoped3A, %dma_wait3A_117] : memref<2x100xi32, #tpu.memory_space<vmem>> -> memref<1x100xi32, #tpu.memory_space<vmem>>
            %dma_wait3A_119 = tpu.memref_squeeze %dma_wait3A_118 : memref<1x100xi32, #tpu.memory_space<vmem>> -> memref<100xi32, #tpu.memory_space<vmem>>
            %dma_wait3A_120 = arith.constant 0 : i32
            %dma_wait3A_121 = arith.constant 0 : i32
            %dma_wait3A_122 = tpu.memref_slice %arg13[%dma_wait3A_120, %dma_wait3A_121] : memref<10000x128xf32, #tpu.memory_space<vmem_shared>> -> memref<10000x128xf32, #tpu.memory_space<vmem_shared>>
            tpu.wait_indirect_dma semaphore(%run_scoped3A_110 : memref<!tpu.dma_semaphore, #tpu.memory_space<semaphore_mem>>) src(%arg11 : memref<100x128xf32, #tpu.memory_space<vmem>>) dst(%dma_wait3A_122 : memref<10000x128xf32, #tpu.memory_space<vmem_shared>>)
            tpu.yield
          }) : () -> ()
        } else {
        }
        %add3A_39 = arith.constant 1 : i32
        %add3A_40 = arith.addi %add3A_32, %add3A_39 : i32
        %lt3A_41 = arith.constant 200 : i32
        %lt3A_42 = arith.cmpi slt, %add3A_40, %lt3A_41 : i32
        %convert_element_type3A_43 = arith.extui %lt3A_42 : i1 to i32
        %cond3A_44 = arith.constant 0 : i32
        %cond3A_45 = arith.cmpi ne, %convert_element_type3A_43, %cond3A_44 : i32
        scf.if %cond3A_45 {
          %add3A_104 = arith.constant 1 : i32
          %add3A_105 = arith.addi %add3A_32, %add3A_104 : i32
          %add3A_106 = arith.addi %mul3A_2, %add3A_105 : i32
          %dma_start3A_107 = arith.constant 0 : i32
          %dma_start3A_108 = arith.constant 0 : i32
          %dma_start3A_109 = tpu.memref_slice %arg4[%add3A_106, %dma_start3A_107, %dma_start3A_108] : memref<3200x2x100xi32, #tpu.memory_space<hbm>> -> memref<1x2x100xi32, #tpu.memory_space<hbm>>
          %dma_start3A_110 = tpu.memref_squeeze %dma_start3A_109 : memref<1x2x100xi32, #tpu.memory_space<hbm>> -> memref<2x100xi32, #tpu.memory_space<hbm>>
          %dma_start3A_111 = arith.constant 0 : i32
          %dma_start3A_112 = arith.constant 0 : i32
          %dma_start3A_113 = tpu.memref_slice %arg4[%add3A_106, %dma_start3A_111, %dma_start3A_112] : memref<3200x2x100xi32, #tpu.memory_space<hbm>> -> memref<1x2x100xi32, #tpu.memory_space<hbm>>
          %dma_start3A_114 = tpu.memref_squeeze %dma_start3A_113 : memref<1x2x100xi32, #tpu.memory_space<hbm>> -> memref<2x100xi32, #tpu.memory_space<hbm>>
          tpu.enqueue_dma source(%dma_start3A_114 : memref<2x100xi32, #tpu.memory_space<hbm>>) target(%arg8 : memref<2x100xi32, #tpu.memory_space<vmem>>) target_semaphore(%arg15 : memref<!tpu.dma_semaphore, #tpu.memory_space<semaphore_mem>>)
        } else {
        }
        %lt3A_46 = arith.constant 200 : i32
        %lt3A_47 = arith.cmpi slt, %add3A_32, %lt3A_46 : i32
        %convert_element_type3A_48 = arith.extui %lt3A_47 : i1 to i32
        %cond3A_49 = arith.constant 0 : i32
        %cond3A_50 = arith.cmpi ne, %convert_element_type3A_48, %cond3A_49 : i32
        scf.if %cond3A_50 {
          %add3A_104 = arith.addi %mul3A_2, %add3A_32 : i32
          %dma_wait3A = arith.constant 0 : i32
          %dma_wait3A_105 = arith.constant 0 : i32
          %dma_wait3A_106 = tpu.memref_slice %arg4[%add3A_104, %dma_wait3A, %dma_wait3A_105] : memref<3200x2x100xi32, #tpu.memory_space<hbm>> -> memref<1x2x100xi32, #tpu.memory_space<hbm>>
          %dma_wait3A_107 = tpu.memref_squeeze %dma_wait3A_106 : memref<1x2x100xi32, #tpu.memory_space<hbm>> -> memref<2x100xi32, #tpu.memory_space<hbm>>
          %dma_wait3A_108 = arith.constant 0 : i32
          %dma_wait3A_109 = arith.constant 0 : i32
          %dma_wait3A_110 = tpu.memref_slice %arg4[%add3A_104, %dma_wait3A_108, %dma_wait3A_109] : memref<3200x2x100xi32, #tpu.memory_space<hbm>> -> memref<1x2x100xi32, #tpu.memory_space<hbm>>
          %dma_wait3A_111 = tpu.memref_squeeze %dma_wait3A_110 : memref<1x2x100xi32, #tpu.memory_space<hbm>> -> memref<2x100xi32, #tpu.memory_space<hbm>>
          tpu.wait_dma2 semaphore(%arg14 : memref<!tpu.dma_semaphore, #tpu.memory_space<semaphore_mem>>) src(%dma_wait3A_111 : memref<2x100xi32, #tpu.memory_space<hbm>>) dst(%arg7 : memref<2x100xi32, #tpu.memory_space<vmem>>)
          %dma_start3A_112 = arith.constant 0 : i32
          %dma_start3A_113 = arith.constant 0 : i32
          %dma_start3A_114 = tpu.memref_slice %arg7[%dma_start3A_112, %dma_start3A_113] : memref<2x100xi32, #tpu.memory_space<vmem>> -> memref<1x100xi32, #tpu.memory_space<vmem>>
          %dma_start3A_115 = tpu.memref_squeeze %dma_start3A_114 : memref<1x100xi32, #tpu.memory_space<vmem>> -> memref<100xi32, #tpu.memory_space<vmem>>
          %dma_start3A_116 = arith.constant 0 : i32
          %dma_start3A_117 = arith.constant 0 : i32
          %dma_start3A_118 = tpu.memref_slice %arg3[%dma_start3A_116, %dma_start3A_117] : memref<10000x128xf32, #tpu.memory_space<hbm>> -> memref<10000x128xf32, #tpu.memory_space<hbm>>
          tpu.enqueue_indirect_dma source(%dma_start3A_118 : memref<10000x128xf32, #tpu.memory_space<hbm>>) target(%arg10 : memref<100x128xf32, #tpu.memory_space<vmem>>) offsets(%dma_start3A_115 : memref<100xi32, #tpu.memory_space<vmem>>) semaphore(%arg17 : memref<!tpu.dma_semaphore, #tpu.memory_space<semaphore_mem>>)
        } else {
        }
        %mul3A_51 = arith.constant 3 : i32
        %mul3A_52 = arith.muli %scan3A_27, %mul3A_51 : i32
        %add3A_53 = arith.constant 1 : i32
        %add3A_54 = arith.addi %mul3A_52, %add3A_53 : i32
        %sub3A_55 = arith.constant 2 : i32
        %sub3A_56 = arith.subi %add3A_54, %sub3A_55 : i32
        %ge3A_57 = arith.constant 0 : i32
        %ge3A_58 = arith.cmpi sge, %sub3A_56, %ge3A_57 : i32
        %lt3A_59 = arith.constant 200 : i32
        %lt3A_60 = arith.cmpi slt, %sub3A_56, %lt3A_59 : i32
        %and3A_61 = arith.andi %ge3A_58, %lt3A_60 : i1
        %convert_element_type3A_62 = arith.extui %and3A_61 : i1 to i32
        %cond3A_63 = arith.constant 0 : i32
        %cond3A_64 = arith.cmpi ne, %convert_element_type3A_62, %cond3A_63 : i32
        scf.if %cond3A_64 {
          %dma_wait3A = arith.constant 0 : i32
          %dma_wait3A_104 = arith.constant 0 : i32
          %dma_wait3A_105 = tpu.memref_slice %arg9[%dma_wait3A, %dma_wait3A_104] : memref<2x100xi32, #tpu.memory_space<vmem>> -> memref<1x100xi32, #tpu.memory_space<vmem>>
          %dma_wait3A_106 = tpu.memref_squeeze %dma_wait3A_105 : memref<1x100xi32, #tpu.memory_space<vmem>> -> memref<100xi32, #tpu.memory_space<vmem>>
          %dma_wait3A_107 = arith.constant 0 : i32
          %dma_wait3A_108 = arith.constant 0 : i32
          %dma_wait3A_109 = tpu.memref_slice %arg3[%dma_wait3A_107, %dma_wait3A_108] : memref<10000x128xf32, #tpu.memory_space<hbm>> -> memref<10000x128xf32, #tpu.memory_space<hbm>>
          tpu.wait_indirect_dma semaphore(%arg19 : memref<!tpu.dma_semaphore, #tpu.memory_space<semaphore_mem>>) src(%dma_wait3A_109 : memref<10000x128xf32, #tpu.memory_space<hbm>>) dst(%arg12 : memref<100x128xf32, #tpu.memory_space<vmem>>)
          %run_scoped3A = arith.constant 1 : i32
          "tpu.region"() ({
            %run_scoped3A_110 = tpu.sem_alloc : memref<!tpu.dma_semaphore, #tpu.memory_space<semaphore_mem>>
            %dma_start3A_111 = arith.constant 0 : i32
            %dma_start3A_112 = tpu.memref_slice %arg9[%run_scoped3A, %dma_start3A_111] : memref<2x100xi32, #tpu.memory_space<vmem>> -> memref<1x100xi32, #tpu.memory_space<vmem>>
            %dma_start3A_113 = tpu.memref_squeeze %dma_start3A_112 : memref<1x100xi32, #tpu.memory_space<vmem>> -> memref<100xi32, #tpu.memory_space<vmem>>
            %dma_start3A_114 = arith.constant 0 : i32
            %dma_start3A_115 = arith.constant 0 : i32
            %dma_start3A_116 = tpu.memref_slice %arg13[%dma_start3A_114, %dma_start3A_115] : memref<10000x128xf32, #tpu.memory_space<vmem_shared>> -> memref<10000x128xf32, #tpu.memory_space<vmem_shared>>
            tpu.enqueue_indirect_dma source(%arg12 : memref<100x128xf32, #tpu.memory_space<vmem>>) target(%dma_start3A_116 : memref<10000x128xf32, #tpu.memory_space<vmem_shared>>) offsets(%dma_start3A_113 : memref<100xi32, #tpu.memory_space<vmem>>) semaphore(%run_scoped3A_110 : memref<!tpu.dma_semaphore, #tpu.memory_space<semaphore_mem>>) {add = true}
            %dma_wait3A_117 = arith.constant 0 : i32
            %dma_wait3A_118 = tpu.memref_slice %arg9[%run_scoped3A, %dma_wait3A_117] : memref<2x100xi32, #tpu.memory_space<vmem>> -> memref<1x100xi32, #tpu.memory_space<vmem>>
            %dma_wait3A_119 = tpu.memref_squeeze %dma_wait3A_118 : memref<1x100xi32, #tpu.memory_space<vmem>> -> memref<100xi32, #tpu.memory_space<vmem>>
            %dma_wait3A_120 = arith.constant 0 : i32
            %dma_wait3A_121 = arith.constant 0 : i32
            %dma_wait3A_122 = tpu.memref_slice %arg13[%dma_wait3A_120, %dma_wait3A_121] : memref<10000x128xf32, #tpu.memory_space<vmem_shared>> -> memref<10000x128xf32, #tpu.memory_space<vmem_shared>>
            tpu.wait_indirect_dma semaphore(%run_scoped3A_110 : memref<!tpu.dma_semaphore, #tpu.memory_space<semaphore_mem>>) src(%arg12 : memref<100x128xf32, #tpu.memory_space<vmem>>) dst(%dma_wait3A_122 : memref<10000x128xf32, #tpu.memory_space<vmem_shared>>)
            tpu.yield
          }) : () -> ()
        } else {
        }
        %add3A_65 = arith.constant 1 : i32
        %add3A_66 = arith.addi %add3A_54, %add3A_65 : i32
        %lt3A_67 = arith.constant 200 : i32
        %lt3A_68 = arith.cmpi slt, %add3A_66, %lt3A_67 : i32
        %convert_element_type3A_69 = arith.extui %lt3A_68 : i1 to i32
        %cond3A_70 = arith.constant 0 : i32
        %cond3A_71 = arith.cmpi ne, %convert_element_type3A_69, %cond3A_70 : i32
        scf.if %cond3A_71 {
          %add3A_104 = arith.constant 1 : i32
          %add3A_105 = arith.addi %add3A_54, %add3A_104 : i32
          %add3A_106 = arith.addi %mul3A_2, %add3A_105 : i32
          %dma_start3A_107 = arith.constant 0 : i32
          %dma_start3A_108 = arith.constant 0 : i32
          %dma_start3A_109 = tpu.memref_slice %arg4[%add3A_106, %dma_start3A_107, %dma_start3A_108] : memref<3200x2x100xi32, #tpu.memory_space<hbm>> -> memref<1x2x100xi32, #tpu.memory_space<hbm>>
          %dma_start3A_110 = tpu.memref_squeeze %dma_start3A_109 : memref<1x2x100xi32, #tpu.memory_space<hbm>> -> memref<2x100xi32, #tpu.memory_space<hbm>>
          %dma_start3A_111 = arith.constant 0 : i32
          %dma_start3A_112 = arith.constant 0 : i32
          %dma_start3A_113 = tpu.memref_slice %arg4[%add3A_106, %dma_start3A_111, %dma_start3A_112] : memref<3200x2x100xi32, #tpu.memory_space<hbm>> -> memref<1x2x100xi32, #tpu.memory_space<hbm>>
          %dma_start3A_114 = tpu.memref_squeeze %dma_start3A_113 : memref<1x2x100xi32, #tpu.memory_space<hbm>> -> memref<2x100xi32, #tpu.memory_space<hbm>>
          tpu.enqueue_dma source(%dma_start3A_114 : memref<2x100xi32, #tpu.memory_space<hbm>>) target(%arg9 : memref<2x100xi32, #tpu.memory_space<vmem>>) target_semaphore(%arg16 : memref<!tpu.dma_semaphore, #tpu.memory_space<semaphore_mem>>)
        } else {
        }
        %lt3A_72 = arith.constant 200 : i32
        %lt3A_73 = arith.cmpi slt, %add3A_54, %lt3A_72 : i32
        %convert_element_type3A_74 = arith.extui %lt3A_73 : i1 to i32
        %cond3A_75 = arith.constant 0 : i32
        %cond3A_76 = arith.cmpi ne, %convert_element_type3A_74, %cond3A_75 : i32
        scf.if %cond3A_76 {
          %add3A_104 = arith.addi %mul3A_2, %add3A_54 : i32
          %dma_wait3A = arith.constant 0 : i32
          %dma_wait3A_105 = arith.constant 0 : i32
          %dma_wait3A_106 = tpu.memref_slice %arg4[%add3A_104, %dma_wait3A, %dma_wait3A_105] : memref<3200x2x100xi32, #tpu.memory_space<hbm>> -> memref<1x2x100xi32, #tpu.memory_space<hbm>>
          %dma_wait3A_107 = tpu.memref_squeeze %dma_wait3A_106 : memref<1x2x100xi32, #tpu.memory_space<hbm>> -> memref<2x100xi32, #tpu.memory_space<hbm>>
          %dma_wait3A_108 = arith.constant 0 : i32
          %dma_wait3A_109 = arith.constant 0 : i32
          %dma_wait3A_110 = tpu.memref_slice %arg4[%add3A_104, %dma_wait3A_108, %dma_wait3A_109] : memref<3200x2x100xi32, #tpu.memory_space<hbm>> -> memref<1x2x100xi32, #tpu.memory_space<hbm>>
          %dma_wait3A_111 = tpu.memref_squeeze %dma_wait3A_110 : memref<1x2x100xi32, #tpu.memory_space<hbm>> -> memref<2x100xi32, #tpu.memory_space<hbm>>
          tpu.wait_dma2 semaphore(%arg15 : memref<!tpu.dma_semaphore, #tpu.memory_space<semaphore_mem>>) src(%dma_wait3A_111 : memref<2x100xi32, #tpu.memory_space<hbm>>) dst(%arg8 : memref<2x100xi32, #tpu.memory_space<vmem>>)
          %dma_start3A_112 = arith.constant 0 : i32
          %dma_start3A_113 = arith.constant 0 : i32
          %dma_start3A_114 = tpu.memref_slice %arg8[%dma_start3A_112, %dma_start3A_113] : memref<2x100xi32, #tpu.memory_space<vmem>> -> memref<1x100xi32, #tpu.memory_space<vmem>>
          %dma_start3A_115 = tpu.memref_squeeze %dma_start3A_114 : memref<1x100xi32, #tpu.memory_space<vmem>> -> memref<100xi32, #tpu.memory_space<vmem>>
          %dma_start3A_116 = arith.constant 0 : i32
          %dma_start3A_117 = arith.constant 0 : i32
          %dma_start3A_118 = tpu.memref_slice %arg3[%dma_start3A_116, %dma_start3A_117] : memref<10000x128xf32, #tpu.memory_space<hbm>> -> memref<10000x128xf32, #tpu.memory_space<hbm>>
          tpu.enqueue_indirect_dma source(%dma_start3A_118 : memref<10000x128xf32, #tpu.memory_space<hbm>>) target(%arg11 : memref<100x128xf32, #tpu.memory_space<vmem>>) offsets(%dma_start3A_115 : memref<100xi32, #tpu.memory_space<vmem>>) semaphore(%arg18 : memref<!tpu.dma_semaphore, #tpu.memory_space<semaphore_mem>>)
        } else {
        }
        %mul3A_77 = arith.constant 3 : i32
        %mul3A_78 = arith.muli %scan3A_27, %mul3A_77 : i32
        %add3A_79 = arith.constant 2 : i32
        %add3A_80 = arith.addi %mul3A_78, %add3A_79 : i32
        %sub3A_81 = arith.constant 2 : i32
        %sub3A_82 = arith.subi %add3A_80, %sub3A_81 : i32
        %ge3A_83 = arith.constant 0 : i32
        %ge3A_84 = arith.cmpi sge, %sub3A_82, %ge3A_83 : i32
        %lt3A_85 = arith.constant 200 : i32
        %lt3A_86 = arith.cmpi slt, %sub3A_82, %lt3A_85 : i32
        %and3A_87 = arith.andi %ge3A_84, %lt3A_86 : i1
        %convert_element_type3A_88 = arith.extui %and3A_87 : i1 to i32
        %cond3A_89 = arith.constant 0 : i32
        %cond3A_90 = arith.cmpi ne, %convert_element_type3A_88, %cond3A_89 : i32
        scf.if %cond3A_90 {
          %dma_wait3A = arith.constant 0 : i32
          %dma_wait3A_104 = arith.constant 0 : i32
          %dma_wait3A_105 = tpu.memref_slice %arg7[%dma_wait3A, %dma_wait3A_104] : memref<2x100xi32, #tpu.memory_space<vmem>> -> memref<1x100xi32, #tpu.memory_space<vmem>>
          %dma_wait3A_106 = tpu.memref_squeeze %dma_wait3A_105 : memref<1x100xi32, #tpu.memory_space<vmem>> -> memref<100xi32, #tpu.memory_space<vmem>>
          %dma_wait3A_107 = arith.constant 0 : i32
          %dma_wait3A_108 = arith.constant 0 : i32
          %dma_wait3A_109 = tpu.memref_slice %arg3[%dma_wait3A_107, %dma_wait3A_108] : memref<10000x128xf32, #tpu.memory_space<hbm>> -> memref<10000x128xf32, #tpu.memory_space<hbm>>
          tpu.wait_indirect_dma semaphore(%arg17 : memref<!tpu.dma_semaphore, #tpu.memory_space<semaphore_mem>>) src(%dma_wait3A_109 : memref<10000x128xf32, #tpu.memory_space<hbm>>) dst(%arg10 : memref<100x128xf32, #tpu.memory_space<vmem>>)
          %run_scoped3A = arith.constant 1 : i32
          "tpu.region"() ({
            %run_scoped3A_110 = tpu.sem_alloc : memref<!tpu.dma_semaphore, #tpu.memory_space<semaphore_mem>>
            %dma_start3A_111 = arith.constant 0 : i32
            %dma_start3A_112 = tpu.memref_slice %arg7[%run_scoped3A, %dma_start3A_111] : memref<2x100xi32, #tpu.memory_space<vmem>> -> memref<1x100xi32, #tpu.memory_space<vmem>>
            %dma_start3A_113 = tpu.memref_squeeze %dma_start3A_112 : memref<1x100xi32, #tpu.memory_space<vmem>> -> memref<100xi32, #tpu.memory_space<vmem>>
            %dma_start3A_114 = arith.constant 0 : i32
            %dma_start3A_115 = arith.constant 0 : i32
            %dma_start3A_116 = tpu.memref_slice %arg13[%dma_start3A_114, %dma_start3A_115] : memref<10000x128xf32, #tpu.memory_space<vmem_shared>> -> memref<10000x128xf32, #tpu.memory_space<vmem_shared>>
            tpu.enqueue_indirect_dma source(%arg10 : memref<100x128xf32, #tpu.memory_space<vmem>>) target(%dma_start3A_116 : memref<10000x128xf32, #tpu.memory_space<vmem_shared>>) offsets(%dma_start3A_113 : memref<100xi32, #tpu.memory_space<vmem>>) semaphore(%run_scoped3A_110 : memref<!tpu.dma_semaphore, #tpu.memory_space<semaphore_mem>>) {add = true}
            %dma_wait3A_117 = arith.constant 0 : i32
            %dma_wait3A_118 = tpu.memref_slice %arg7[%run_scoped3A, %dma_wait3A_117] : memref<2x100xi32, #tpu.memory_space<vmem>> -> memref<1x100xi32, #tpu.memory_space<vmem>>
            %dma_wait3A_119 = tpu.memref_squeeze %dma_wait3A_118 : memref<1x100xi32, #tpu.memory_space<vmem>> -> memref<100xi32, #tpu.memory_space<vmem>>
            %dma_wait3A_120 = arith.constant 0 : i32
            %dma_wait3A_121 = arith.constant 0 : i32
            %dma_wait3A_122 = tpu.memref_slice %arg13[%dma_wait3A_120, %dma_wait3A_121] : memref<10000x128xf32, #tpu.memory_space<vmem_shared>> -> memref<10000x128xf32, #tpu.memory_space<vmem_shared>>
            tpu.wait_indirect_dma semaphore(%run_scoped3A_110 : memref<!tpu.dma_semaphore, #tpu.memory_space<semaphore_mem>>) src(%arg10 : memref<100x128xf32, #tpu.memory_space<vmem>>) dst(%dma_wait3A_122 : memref<10000x128xf32, #tpu.memory_space<vmem_shared>>)
            tpu.yield
          }) : () -> ()
        } else {
        }
        %add3A_91 = arith.constant 1 : i32
        %add3A_92 = arith.addi %add3A_80, %add3A_91 : i32
        %lt3A_93 = arith.constant 200 : i32
        %lt3A_94 = arith.cmpi slt, %add3A_92, %lt3A_93 : i32
        %convert_element_type3A_95 = arith.extui %lt3A_94 : i1 to i32
        %cond3A_96 = arith.constant 0 : i32
        %cond3A_97 = arith.cmpi ne, %convert_element_type3A_95, %cond3A_96 : i32
        scf.if %cond3A_97 {
          %add3A_104 = arith.constant 1 : i32
          %add3A_105 = arith.addi %add3A_80, %add3A_104 : i32
          %add3A_106 = arith.addi %mul3A_2, %add3A_105 : i32
          %dma_start3A_107 = arith.constant 0 : i32
          %dma_start3A_108 = arith.constant 0 : i32
          %dma_start3A_109 = tpu.memref_slice %arg4[%add3A_106, %dma_start3A_107, %dma_start3A_108] : memref<3200x2x100xi32, #tpu.memory_space<hbm>> -> memref<1x2x100xi32, #tpu.memory_space<hbm>>
          %dma_start3A_110 = tpu.memref_squeeze %dma_start3A_109 : memref<1x2x100xi32, #tpu.memory_space<hbm>> -> memref<2x100xi32, #tpu.memory_space<hbm>>
          %dma_start3A_111 = arith.constant 0 : i32
          %dma_start3A_112 = arith.constant 0 : i32
          %dma_start3A_113 = tpu.memref_slice %arg4[%add3A_106, %dma_start3A_111, %dma_start3A_112] : memref<3200x2x100xi32, #tpu.memory_space<hbm>> -> memref<1x2x100xi32, #tpu.memory_space<hbm>>
          %dma_start3A_114 = tpu.memref_squeeze %dma_start3A_113 : memref<1x2x100xi32, #tpu.memory_space<hbm>> -> memref<2x100xi32, #tpu.memory_space<hbm>>
          tpu.enqueue_dma source(%dma_start3A_114 : memref<2x100xi32, #tpu.memory_space<hbm>>) target(%arg7 : memref<2x100xi32, #tpu.memory_space<vmem>>) target_semaphore(%arg14 : memref<!tpu.dma_semaphore, #tpu.memory_space<semaphore_mem>>)
        } else {
        }
        %lt3A_98 = arith.constant 200 : i32
        %lt3A_99 = arith.cmpi slt, %add3A_80, %lt3A_98 : i32
        %convert_element_type3A_100 = arith.extui %lt3A_99 : i1 to i32
        %cond3A_101 = arith.constant 0 : i32
        %cond3A_102 = arith.cmpi ne, %convert_element_type3A_100, %cond3A_101 : i32
        scf.if %cond3A_102 {
          %add3A_104 = arith.addi %mul3A_2, %add3A_80 : i32
          %dma_wait3A = arith.constant 0 : i32
          %dma_wait3A_105 = arith.constant 0 : i32
          %dma_wait3A_106 = tpu.memref_slice %arg4[%add3A_104, %dma_wait3A, %dma_wait3A_105] : memref<3200x2x100xi32, #tpu.memory_space<hbm>> -> memref<1x2x100xi32, #tpu.memory_space<hbm>>
          %dma_wait3A_107 = tpu.memref_squeeze %dma_wait3A_106 : memref<1x2x100xi32, #tpu.memory_space<hbm>> -> memref<2x100xi32, #tpu.memory_space<hbm>>
          %dma_wait3A_108 = arith.constant 0 : i32
          %dma_wait3A_109 = arith.constant 0 : i32
          %dma_wait3A_110 = tpu.memref_slice %arg4[%add3A_104, %dma_wait3A_108, %dma_wait3A_109] : memref<3200x2x100xi32, #tpu.memory_space<hbm>> -> memref<1x2x100xi32, #tpu.memory_space<hbm>>
          %dma_wait3A_111 = tpu.memref_squeeze %dma_wait3A_110 : memref<1x2x100xi32, #tpu.memory_space<hbm>> -> memref<2x100xi32, #tpu.memory_space<hbm>>
          tpu.wait_dma2 semaphore(%arg16 : memref<!tpu.dma_semaphore, #tpu.memory_space<semaphore_mem>>) src(%dma_wait3A_111 : memref<2x100xi32, #tpu.memory_space<hbm>>) dst(%arg9 : memref<2x100xi32, #tpu.memory_space<vmem>>)
          %dma_start3A_112 = arith.constant 0 : i32
          %dma_start3A_113 = arith.constant 0 : i32
          %dma_start3A_114 = tpu.memref_slice %arg9[%dma_start3A_112, %dma_start3A_113] : memref<2x100xi32, #tpu.memory_space<vmem>> -> memref<1x100xi32, #tpu.memory_space<vmem>>
          %dma_start3A_115 = tpu.memref_squeeze %dma_start3A_114 : memref<1x100xi32, #tpu.memory_space<vmem>> -> memref<100xi32, #tpu.memory_space<vmem>>
          %dma_start3A_116 = arith.constant 0 : i32
          %dma_start3A_117 = arith.constant 0 : i32
          %dma_start3A_118 = tpu.memref_slice %arg3[%dma_start3A_116, %dma_start3A_117] : memref<10000x128xf32, #tpu.memory_space<hbm>> -> memref<10000x128xf32, #tpu.memory_space<hbm>>
          tpu.enqueue_indirect_dma source(%dma_start3A_118 : memref<10000x128xf32, #tpu.memory_space<hbm>>) target(%arg12 : memref<100x128xf32, #tpu.memory_space<vmem>>) offsets(%dma_start3A_115 : memref<100xi32, #tpu.memory_space<vmem>>) semaphore(%arg19 : memref<!tpu.dma_semaphore, #tpu.memory_space<semaphore_mem>>)
        } else {
        }
        %scan3A_103 = arith.constant 0 : i32
        scf.yield %scan3A_103 : i32
      }
      %scan3A_26 = arith.constant 68 : i32
    } else {
    }
    %barrier3A_10 = arith.constant 0 : index
    tpu.barrier barrier_id(%barrier3A_10)
    %mul3A_11 = arith.constant 625 : i32
    %mul3A_12 = arith.muli %arg1, %mul3A_11 : i32
    "tpu.region"() ({
      %run_scoped3A = tpu.sem_alloc : memref<!tpu.dma_semaphore, #tpu.memory_space<semaphore_mem>>
      %dma_start3A = arith.constant 0 : i32
      %dma_start3A_13 = arith.constant 0 : i32
      %dma_start3A_14 = arith.constant 0 : i32
      %dma_start3A_15 = tpu.memref_slice %arg6[%arg0, %dma_start3A, %dma_start3A_13, %dma_start3A_14] : memref<2x16x625x128xf32, #tpu.memory_space<hbm>> -> memref<1x16x625x128xf32, #tpu.memory_space<hbm>>
      %dma_start3A_16 = tpu.memref_squeeze %dma_start3A_15 : memref<1x16x625x128xf32, #tpu.memory_space<hbm>> -> memref<16x625x128xf32, #tpu.memory_space<hbm>>
      %dma_start3A_17 = arith.constant 0 : i32
      %dma_start3A_18 = arith.constant 0 : i32
      %dma_start3A_19 = tpu.memref_slice %dma_start3A_16[%arg1, %dma_start3A_17, %dma_start3A_18] : memref<16x625x128xf32, #tpu.memory_space<hbm>> -> memref<1x625x128xf32, #tpu.memory_space<hbm>>
      %dma_start3A_20 = tpu.memref_squeeze %dma_start3A_19 : memref<1x625x128xf32, #tpu.memory_space<hbm>> -> memref<625x128xf32, #tpu.memory_space<hbm>>
      %dma_start3A_21 = arith.constant 0 : i32
      %dma_start3A_22 = tpu.memref_slice %arg13[%mul3A_12, %dma_start3A_21] : memref<10000x128xf32, #tpu.memory_space<vmem_shared>> -> memref<625x128xf32, #tpu.memory_space<vmem_shared>>
      tpu.enqueue_dma source(%dma_start3A_22 : memref<625x128xf32, #tpu.memory_space<vmem_shared>>) target(%dma_start3A_20 : memref<625x128xf32, #tpu.memory_space<hbm>>) target_semaphore(%run_scoped3A : memref<!tpu.dma_semaphore, #tpu.memory_space<semaphore_mem>>)
      %dma_wait3A = arith.constant 0 : i32
      %dma_wait3A_23 = arith.constant 0 : i32
      %dma_wait3A_24 = arith.constant 0 : i32
      %dma_wait3A_25 = tpu.memref_slice %arg6[%arg0, %dma_wait3A, %dma_wait3A_23, %dma_wait3A_24] : memref<2x16x625x128xf32, #tpu.memory_space<hbm>> -> memref<1x16x625x128xf32, #tpu.memory_space<hbm>>
      %dma_wait3A_26 = tpu.memref_squeeze %dma_wait3A_25 : memref<1x16x625x128xf32, #tpu.memory_space<hbm>> -> memref<16x625x128xf32, #tpu.memory_space<hbm>>
      %dma_wait3A_27 = arith.constant 0 : i32
      %dma_wait3A_28 = arith.constant 0 : i32
      %dma_wait3A_29 = tpu.memref_slice %dma_wait3A_26[%arg1, %dma_wait3A_27, %dma_wait3A_28] : memref<16x625x128xf32, #tpu.memory_space<hbm>> -> memref<1x625x128xf32, #tpu.memory_space<hbm>>
      %dma_wait3A_30 = tpu.memref_squeeze %dma_wait3A_29 : memref<1x625x128xf32, #tpu.memory_space<hbm>> -> memref<625x128xf32, #tpu.memory_space<hbm>>
      %dma_wait3A_31 = arith.constant 0 : i32
      %dma_wait3A_32 = tpu.memref_slice %arg13[%mul3A_12, %dma_wait3A_31] : memref<10000x128xf32, #tpu.memory_space<vmem_shared>> -> memref<625x128xf32, #tpu.memory_space<vmem_shared>>
      tpu.wait_dma2 semaphore(%run_scoped3A : memref<!tpu.dma_semaphore, #tpu.memory_space<semaphore_mem>>) src(%dma_wait3A_32 : memref<625x128xf32, #tpu.memory_space<vmem_shared>>) dst(%dma_wait3A_30 : memref<625x128xf32, #tpu.memory_space<hbm>>)
      tpu.yield
    }) : () -> ()
    return
  }
}

#map = affine_map<(d0, d1) -> (0, 0)>
#map1 = affine_map<(d0, d1) -> (0, 0, 0)>
#map2 = affine_map<(d0, d1) -> (0, 0, 0, 0)>
module attributes {stable_mosaic.version = 14 : i64} {
  func.func @_agg_body(%arg0: i32, %arg1: i32, %arg2: memref<10000x128xf32, #tpu.memory_space<hbm>>, %arg3: memref<10000x128xf32, #tpu.memory_space<hbm>>, %arg4: memref<3200x2x100xi32, #tpu.memory_space<hbm>>, %arg5: memref<625x128xf32, #tpu.memory_space<hbm>>, %arg6: memref<2x16x625x128xf32, #tpu.memory_space<hbm>>, %arg7: memref<2x100xi32, #tpu.memory_space<vmem>>, %arg8: memref<2x100xi32, #tpu.memory_space<vmem>>, %arg9: memref<2x100xi32, #tpu.memory_space<vmem>>, %arg10: memref<100x128xf32, #tpu.memory_space<vmem>>, %arg11: memref<100x128xf32, #tpu.memory_space<vmem>>, %arg12: memref<100x128xf32, #tpu.memory_space<vmem>>, %arg13: memref<10000x128xf32, #tpu.memory_space<vmem_shared>>, %arg14: memref<!tpu.dma_semaphore, #tpu.memory_space<semaphore_mem>>, %arg15: memref<!tpu.dma_semaphore, #tpu.memory_space<semaphore_mem>>, %arg16: memref<!tpu.dma_semaphore, #tpu.memory_space<semaphore_mem>>, %arg17: memref<!tpu.dma_semaphore, #tpu.memory_space<semaphore_mem>>, %arg18: memref<!tpu.dma_semaphore, #tpu.memory_space<semaphore_mem>>, %arg19: memref<!tpu.dma_semaphore, #tpu.memory_space<semaphore_mem>>) attributes {dimension_semantics = [#tpu.dimension_semantics<core_parallel>, #tpu.dimension_semantics<subcore_parallel>], iteration_bounds = array<i64: 2, 16>, scalar_prefetch = 0 : i64, scratch_operands = 13 : i64, tpu.core_type = #tpu.core_type<sc_vector_subcore>, window_params = [{transform_indices = #map}, {transform_indices = #map}, {transform_indices = #map1}, {transform_indices = #map}, {transform_indices = #map2}]} {
    %mul3A = arith.constant 625 : i32
    %mul3A_0 = arith.muli %arg1, %mul3A : i32
    "tpu.region"() ({
      %run_scoped3A = tpu.sem_alloc : memref<!tpu.dma_semaphore, #tpu.memory_space<semaphore_mem>>
      %dma_start3A = arith.constant 0 : i32
      %dma_start3A_13 = tpu.memref_slice %arg13[%mul3A_0, %dma_start3A] : memref<10000x128xf32, #tpu.memory_space<vmem_shared>> -> memref<625x128xf32, #tpu.memory_space<vmem_shared>>
      tpu.enqueue_dma source(%arg5 : memref<625x128xf32, #tpu.memory_space<hbm>>) target(%dma_start3A_13 : memref<625x128xf32, #tpu.memory_space<vmem_shared>>) target_semaphore(%run_scoped3A : memref<!tpu.dma_semaphore, #tpu.memory_space<semaphore_mem>>)
      %dma_wait3A = arith.constant 0 : i32
      %dma_wait3A_14 = tpu.memref_slice %arg13[%mul3A_0, %dma_wait3A] : memref<10000x128xf32, #tpu.memory_space<vmem_shared>> -> memref<625x128xf32, #tpu.memory_space<vmem_shared>>
      tpu.wait_dma2 semaphore(%run_scoped3A : memref<!tpu.dma_semaphore, #tpu.memory_space<semaphore_mem>>) src(%arg5 : memref<625x128xf32, #tpu.memory_space<hbm>>) dst(%dma_wait3A_14 : memref<625x128xf32, #tpu.memory_space<vmem_shared>>)
      tpu.yield
    }) : () -> ()
    %barrier3A = arith.constant 0 : index
    tpu.barrier barrier_id(%barrier3A)
    %mul3A_1 = arith.constant 200 : i32
    %mul3A_2 = arith.muli %arg1, %mul3A_1 : i32
    %eq3A = arith.constant 0 : i32
    %eq3A_3 = arith.cmpi eq, %arg0, %eq3A : i32
    %convert_element_type3A = arith.extui %eq3A_3 : i1 to i32
    %cond3A = arith.constant 0 : i32
    %cond3A_4 = arith.cmpi ne, %convert_element_type3A, %cond3A : i32
    scf.if %cond3A_4 {
      %add3A = arith.constant 0 : i32
      %add3A_13 = arith.addi %mul3A_2, %add3A : i32
      %dma_start3A = arith.constant 0 : i32
      %dma_start3A_14 = arith.constant 0 : i32
      %dma_start3A_15 = tpu.memref_slice %arg4[%add3A_13, %dma_start3A, %dma_start3A_14] : memref<3200x2x100xi32, #tpu.memory_space<hbm>> -> memref<1x2x100xi32, #tpu.memory_space<hbm>>
      %dma_start3A_16 = tpu.memref_squeeze %dma_start3A_15 : memref<1x2x100xi32, #tpu.memory_space<hbm>> -> memref<2x100xi32, #tpu.memory_space<hbm>>
      %dma_start3A_17 = arith.constant 0 : i32
      %dma_start3A_18 = arith.constant 0 : i32
      %dma_start3A_19 = tpu.memref_slice %arg4[%add3A_13, %dma_start3A_17, %dma_start3A_18] : memref<3200x2x100xi32, #tpu.memory_space<hbm>> -> memref<1x2x100xi32, #tpu.memory_space<hbm>>
      %dma_start3A_20 = tpu.memref_squeeze %dma_start3A_19 : memref<1x2x100xi32, #tpu.memory_space<hbm>> -> memref<2x100xi32, #tpu.memory_space<hbm>>
      tpu.enqueue_dma source(%dma_start3A_20 : memref<2x100xi32, #tpu.memory_space<hbm>>) target(%arg7 : memref<2x100xi32, #tpu.memory_space<vmem>>) target_semaphore(%arg14 : memref<!tpu.dma_semaphore, #tpu.memory_space<semaphore_mem>>)
      %scan3A = arith.constant 0 : i32
      %scan3A_21 = arith.constant 0 : i32
      %scan3A_22 = arith.constant 68 : i32
      %scan3A_23 = arith.addi %scan3A_21, %scan3A_22 : i32
      %scan3A_24 = arith.constant 1 : i32
      %scan3A_25 = scf.for %scan3A_27 = %scan3A_21 to %scan3A_23 step %scan3A_24 iter_args(%scan3A_28 = %scan3A) -> (i32)  : i32 {
        %mul3A_29 = arith.constant 3 : i32
        %mul3A_30 = arith.muli %scan3A_27, %mul3A_29 : i32
        %add3A_31 = arith.constant 0 : i32
        %add3A_32 = arith.addi %mul3A_30, %add3A_31 : i32
        %sub3A = arith.constant 2 : i32
        %sub3A_33 = arith.subi %add3A_32, %sub3A : i32
        %ge3A = arith.constant 0 : i32
        %ge3A_34 = arith.cmpi sge, %sub3A_33, %ge3A : i32
        %lt3A = arith.constant 200 : i32
        %lt3A_35 = arith.cmpi slt, %sub3A_33, %lt3A : i32
        %and3A = arith.andi %ge3A_34, %lt3A_35 : i1
        %convert_element_type3A_36 = arith.extui %and3A : i1 to i32
        %cond3A_37 = arith.constant 0 : i32
        %cond3A_38 = arith.cmpi ne, %convert_element_type3A_36, %cond3A_37 : i32
        scf.if %cond3A_38 {
          %dma_wait3A = arith.constant 0 : i32
          %dma_wait3A_104 = arith.constant 0 : i32
          %dma_wait3A_105 = tpu.memref_slice %arg8[%dma_wait3A, %dma_wait3A_104] : memref<2x100xi32, #tpu.memory_space<vmem>> -> memref<1x100xi32, #tpu.memory_space<vmem>>
          %dma_wait3A_106 = tpu.memref_squeeze %dma_wait3A_105 : memref<1x100xi32, #tpu.memory_space<vmem>> -> memref<100xi32, #tpu.memory_space<vmem>>
          %dma_wait3A_107 = arith.constant 0 : i32
          %dma_wait3A_108 = arith.constant 0 : i32
          %dma_wait3A_109 = tpu.memref_slice %arg2[%dma_wait3A_107, %dma_wait3A_108] : memref<10000x128xf32, #tpu.memory_space<hbm>> -> memref<10000x128xf32, #tpu.memory_space<hbm>>
          tpu.wait_indirect_dma semaphore(%arg18 : memref<!tpu.dma_semaphore, #tpu.memory_space<semaphore_mem>>) src(%dma_wait3A_109 : memref<10000x128xf32, #tpu.memory_space<hbm>>) dst(%arg11 : memref<100x128xf32, #tpu.memory_space<vmem>>)
          %run_scoped3A = arith.constant 1 : i32
          "tpu.region"() ({
            %run_scoped3A_110 = tpu.sem_alloc : memref<!tpu.dma_semaphore, #tpu.memory_space<semaphore_mem>>
            %dma_start3A_111 = arith.constant 0 : i32
            %dma_start3A_112 = tpu.memref_slice %arg8[%run_scoped3A, %dma_start3A_111] : memref<2x100xi32, #tpu.memory_space<vmem>> -> memref<1x100xi32, #tpu.memory_space<vmem>>
            %dma_start3A_113 = tpu.memref_squeeze %dma_start3A_112 : memref<1x100xi32, #tpu.memory_space<vmem>> -> memref<100xi32, #tpu.memory_space<vmem>>
            %dma_start3A_114 = arith.constant 0 : i32
            %dma_start3A_115 = arith.constant 0 : i32
            %dma_start3A_116 = tpu.memref_slice %arg13[%dma_start3A_114, %dma_start3A_115] : memref<10000x128xf32, #tpu.memory_space<vmem_shared>> -> memref<10000x128xf32, #tpu.memory_space<vmem_shared>>
            tpu.enqueue_indirect_dma source(%arg11 : memref<100x128xf32, #tpu.memory_space<vmem>>) target(%dma_start3A_116 : memref<10000x128xf32, #tpu.memory_space<vmem_shared>>) offsets(%dma_start3A_113 : memref<100xi32, #tpu.memory_space<vmem>>) semaphore(%run_scoped3A_110 : memref<!tpu.dma_semaphore, #tpu.memory_space<semaphore_mem>>) {add = true}
            %dma_wait3A_117 = arith.constant 0 : i32
            %dma_wait3A_118 = tpu.memref_slice %arg8[%run_scoped3A, %dma_wait3A_117] : memref<2x100xi32, #tpu.memory_space<vmem>> -> memref<1x100xi32, #tpu.memory_space<vmem>>
            %dma_wait3A_119 = tpu.memref_squeeze %dma_wait3A_118 : memref<1x100xi32, #tpu.memory_space<vmem>> -> memref<100xi32, #tpu.memory_space<vmem>>
            %dma_wait3A_120 = arith.constant 0 : i32
            %dma_wait3A_121 = arith.constant 0 : i32
            %dma_wait3A_122 = tpu.memref_slice %arg13[%dma_wait3A_120, %dma_wait3A_121] : memref<10000x128xf32, #tpu.memory_space<vmem_shared>> -> memref<10000x128xf32, #tpu.memory_space<vmem_shared>>
            tpu.wait_indirect_dma semaphore(%run_scoped3A_110 : memref<!tpu.dma_semaphore, #tpu.memory_space<semaphore_mem>>) src(%arg11 : memref<100x128xf32, #tpu.memory_space<vmem>>) dst(%dma_wait3A_122 : memref<10000x128xf32, #tpu.memory_space<vmem_shared>>)
            tpu.yield
          }) : () -> ()
        } else {
        }
        %add3A_39 = arith.constant 1 : i32
        %add3A_40 = arith.addi %add3A_32, %add3A_39 : i32
        %lt3A_41 = arith.constant 200 : i32
        %lt3A_42 = arith.cmpi slt, %add3A_40, %lt3A_41 : i32
        %convert_element_type3A_43 = arith.extui %lt3A_42 : i1 to i32
        %cond3A_44 = arith.constant 0 : i32
        %cond3A_45 = arith.cmpi ne, %convert_element_type3A_43, %cond3A_44 : i32
        scf.if %cond3A_45 {
          %add3A_104 = arith.constant 1 : i32
          %add3A_105 = arith.addi %add3A_32, %add3A_104 : i32
          %add3A_106 = arith.addi %mul3A_2, %add3A_105 : i32
          %dma_start3A_107 = arith.constant 0 : i32
          %dma_start3A_108 = arith.constant 0 : i32
          %dma_start3A_109 = tpu.memref_slice %arg4[%add3A_106, %dma_start3A_107, %dma_start3A_108] : memref<3200x2x100xi32, #tpu.memory_space<hbm>> -> memref<1x2x100xi32, #tpu.memory_space<hbm>>
          %dma_start3A_110 = tpu.memref_squeeze %dma_start3A_109 : memref<1x2x100xi32, #tpu.memory_space<hbm>> -> memref<2x100xi32, #tpu.memory_space<hbm>>
          %dma_start3A_111 = arith.constant 0 : i32
          %dma_start3A_112 = arith.constant 0 : i32
          %dma_start3A_113 = tpu.memref_slice %arg4[%add3A_106, %dma_start3A_111, %dma_start3A_112] : memref<3200x2x100xi32, #tpu.memory_space<hbm>> -> memref<1x2x100xi32, #tpu.memory_space<hbm>>
          %dma_start3A_114 = tpu.memref_squeeze %dma_start3A_113 : memref<1x2x100xi32, #tpu.memory_space<hbm>> -> memref<2x100xi32, #tpu.memory_space<hbm>>
          tpu.enqueue_dma source(%dma_start3A_114 : memref<2x100xi32, #tpu.memory_space<hbm>>) target(%arg8 : memref<2x100xi32, #tpu.memory_space<vmem>>) target_semaphore(%arg15 : memref<!tpu.dma_semaphore, #tpu.memory_space<semaphore_mem>>)
        } else {
        }
        %lt3A_46 = arith.constant 200 : i32
        %lt3A_47 = arith.cmpi slt, %add3A_32, %lt3A_46 : i32
        %convert_element_type3A_48 = arith.extui %lt3A_47 : i1 to i32
        %cond3A_49 = arith.constant 0 : i32
        %cond3A_50 = arith.cmpi ne, %convert_element_type3A_48, %cond3A_49 : i32
        scf.if %cond3A_50 {
          %add3A_104 = arith.addi %mul3A_2, %add3A_32 : i32
          %dma_wait3A = arith.constant 0 : i32
          %dma_wait3A_105 = arith.constant 0 : i32
          %dma_wait3A_106 = tpu.memref_slice %arg4[%add3A_104, %dma_wait3A, %dma_wait3A_105] : memref<3200x2x100xi32, #tpu.memory_space<hbm>> -> memref<1x2x100xi32, #tpu.memory_space<hbm>>
          %dma_wait3A_107 = tpu.memref_squeeze %dma_wait3A_106 : memref<1x2x100xi32, #tpu.memory_space<hbm>> -> memref<2x100xi32, #tpu.memory_space<hbm>>
          %dma_wait3A_108 = arith.constant 0 : i32
          %dma_wait3A_109 = arith.constant 0 : i32
          %dma_wait3A_110 = tpu.memref_slice %arg4[%add3A_104, %dma_wait3A_108, %dma_wait3A_109] : memref<3200x2x100xi32, #tpu.memory_space<hbm>> -> memref<1x2x100xi32, #tpu.memory_space<hbm>>
          %dma_wait3A_111 = tpu.memref_squeeze %dma_wait3A_110 : memref<1x2x100xi32, #tpu.memory_space<hbm>> -> memref<2x100xi32, #tpu.memory_space<hbm>>
          tpu.wait_dma2 semaphore(%arg14 : memref<!tpu.dma_semaphore, #tpu.memory_space<semaphore_mem>>) src(%dma_wait3A_111 : memref<2x100xi32, #tpu.memory_space<hbm>>) dst(%arg7 : memref<2x100xi32, #tpu.memory_space<vmem>>)
          %dma_start3A_112 = arith.constant 0 : i32
          %dma_start3A_113 = arith.constant 0 : i32
          %dma_start3A_114 = tpu.memref_slice %arg7[%dma_start3A_112, %dma_start3A_113] : memref<2x100xi32, #tpu.memory_space<vmem>> -> memref<1x100xi32, #tpu.memory_space<vmem>>
          %dma_start3A_115 = tpu.memref_squeeze %dma_start3A_114 : memref<1x100xi32, #tpu.memory_space<vmem>> -> memref<100xi32, #tpu.memory_space<vmem>>
          %dma_start3A_116 = arith.constant 0 : i32
          %dma_start3A_117 = arith.constant 0 : i32
          %dma_start3A_118 = tpu.memref_slice %arg2[%dma_start3A_116, %dma_start3A_117] : memref<10000x128xf32, #tpu.memory_space<hbm>> -> memref<10000x128xf32, #tpu.memory_space<hbm>>
          tpu.enqueue_indirect_dma source(%dma_start3A_118 : memref<10000x128xf32, #tpu.memory_space<hbm>>) target(%arg10 : memref<100x128xf32, #tpu.memory_space<vmem>>) offsets(%dma_start3A_115 : memref<100xi32, #tpu.memory_space<vmem>>) semaphore(%arg17 : memref<!tpu.dma_semaphore, #tpu.memory_space<semaphore_mem>>)
        } else {
        }
        %mul3A_51 = arith.constant 3 : i32
        %mul3A_52 = arith.muli %scan3A_27, %mul3A_51 : i32
        %add3A_53 = arith.constant 1 : i32
        %add3A_54 = arith.addi %mul3A_52, %add3A_53 : i32
        %sub3A_55 = arith.constant 2 : i32
        %sub3A_56 = arith.subi %add3A_54, %sub3A_55 : i32
        %ge3A_57 = arith.constant 0 : i32
        %ge3A_58 = arith.cmpi sge, %sub3A_56, %ge3A_57 : i32
        %lt3A_59 = arith.constant 200 : i32
        %lt3A_60 = arith.cmpi slt, %sub3A_56, %lt3A_59 : i32
        %and3A_61 = arith.andi %ge3A_58, %lt3A_60 : i1
        %convert_element_type3A_62 = arith.extui %and3A_61 : i1 to i32
        %cond3A_63 = arith.constant 0 : i32
        %cond3A_64 = arith.cmpi ne, %convert_element_type3A_62, %cond3A_63 : i32
        scf.if %cond3A_64 {
          %dma_wait3A = arith.constant 0 : i32
          %dma_wait3A_104 = arith.constant 0 : i32
          %dma_wait3A_105 = tpu.memref_slice %arg9[%dma_wait3A, %dma_wait3A_104] : memref<2x100xi32, #tpu.memory_space<vmem>> -> memref<1x100xi32, #tpu.memory_space<vmem>>
          %dma_wait3A_106 = tpu.memref_squeeze %dma_wait3A_105 : memref<1x100xi32, #tpu.memory_space<vmem>> -> memref<100xi32, #tpu.memory_space<vmem>>
          %dma_wait3A_107 = arith.constant 0 : i32
          %dma_wait3A_108 = arith.constant 0 : i32
          %dma_wait3A_109 = tpu.memref_slice %arg2[%dma_wait3A_107, %dma_wait3A_108] : memref<10000x128xf32, #tpu.memory_space<hbm>> -> memref<10000x128xf32, #tpu.memory_space<hbm>>
          tpu.wait_indirect_dma semaphore(%arg19 : memref<!tpu.dma_semaphore, #tpu.memory_space<semaphore_mem>>) src(%dma_wait3A_109 : memref<10000x128xf32, #tpu.memory_space<hbm>>) dst(%arg12 : memref<100x128xf32, #tpu.memory_space<vmem>>)
          %run_scoped3A = arith.constant 1 : i32
          "tpu.region"() ({
            %run_scoped3A_110 = tpu.sem_alloc : memref<!tpu.dma_semaphore, #tpu.memory_space<semaphore_mem>>
            %dma_start3A_111 = arith.constant 0 : i32
            %dma_start3A_112 = tpu.memref_slice %arg9[%run_scoped3A, %dma_start3A_111] : memref<2x100xi32, #tpu.memory_space<vmem>> -> memref<1x100xi32, #tpu.memory_space<vmem>>
            %dma_start3A_113 = tpu.memref_squeeze %dma_start3A_112 : memref<1x100xi32, #tpu.memory_space<vmem>> -> memref<100xi32, #tpu.memory_space<vmem>>
            %dma_start3A_114 = arith.constant 0 : i32
            %dma_start3A_115 = arith.constant 0 : i32
            %dma_start3A_116 = tpu.memref_slice %arg13[%dma_start3A_114, %dma_start3A_115] : memref<10000x128xf32, #tpu.memory_space<vmem_shared>> -> memref<10000x128xf32, #tpu.memory_space<vmem_shared>>
            tpu.enqueue_indirect_dma source(%arg12 : memref<100x128xf32, #tpu.memory_space<vmem>>) target(%dma_start3A_116 : memref<10000x128xf32, #tpu.memory_space<vmem_shared>>) offsets(%dma_start3A_113 : memref<100xi32, #tpu.memory_space<vmem>>) semaphore(%run_scoped3A_110 : memref<!tpu.dma_semaphore, #tpu.memory_space<semaphore_mem>>) {add = true}
            %dma_wait3A_117 = arith.constant 0 : i32
            %dma_wait3A_118 = tpu.memref_slice %arg9[%run_scoped3A, %dma_wait3A_117] : memref<2x100xi32, #tpu.memory_space<vmem>> -> memref<1x100xi32, #tpu.memory_space<vmem>>
            %dma_wait3A_119 = tpu.memref_squeeze %dma_wait3A_118 : memref<1x100xi32, #tpu.memory_space<vmem>> -> memref<100xi32, #tpu.memory_space<vmem>>
            %dma_wait3A_120 = arith.constant 0 : i32
            %dma_wait3A_121 = arith.constant 0 : i32
            %dma_wait3A_122 = tpu.memref_slice %arg13[%dma_wait3A_120, %dma_wait3A_121] : memref<10000x128xf32, #tpu.memory_space<vmem_shared>> -> memref<10000x128xf32, #tpu.memory_space<vmem_shared>>
            tpu.wait_indirect_dma semaphore(%run_scoped3A_110 : memref<!tpu.dma_semaphore, #tpu.memory_space<semaphore_mem>>) src(%arg12 : memref<100x128xf32, #tpu.memory_space<vmem>>) dst(%dma_wait3A_122 : memref<10000x128xf32, #tpu.memory_space<vmem_shared>>)
            tpu.yield
          }) : () -> ()
        } else {
        }
        %add3A_65 = arith.constant 1 : i32
        %add3A_66 = arith.addi %add3A_54, %add3A_65 : i32
        %lt3A_67 = arith.constant 200 : i32
        %lt3A_68 = arith.cmpi slt, %add3A_66, %lt3A_67 : i32
        %convert_element_type3A_69 = arith.extui %lt3A_68 : i1 to i32
        %cond3A_70 = arith.constant 0 : i32
        %cond3A_71 = arith.cmpi ne, %convert_element_type3A_69, %cond3A_70 : i32
        scf.if %cond3A_71 {
          %add3A_104 = arith.constant 1 : i32
          %add3A_105 = arith.addi %add3A_54, %add3A_104 : i32
          %add3A_106 = arith.addi %mul3A_2, %add3A_105 : i32
          %dma_start3A_107 = arith.constant 0 : i32
          %dma_start3A_108 = arith.constant 0 : i32
          %dma_start3A_109 = tpu.memref_slice %arg4[%add3A_106, %dma_start3A_107, %dma_start3A_108] : memref<3200x2x100xi32, #tpu.memory_space<hbm>> -> memref<1x2x100xi32, #tpu.memory_space<hbm>>
          %dma_start3A_110 = tpu.memref_squeeze %dma_start3A_109 : memref<1x2x100xi32, #tpu.memory_space<hbm>> -> memref<2x100xi32, #tpu.memory_space<hbm>>
          %dma_start3A_111 = arith.constant 0 : i32
          %dma_start3A_112 = arith.constant 0 : i32
          %dma_start3A_113 = tpu.memref_slice %arg4[%add3A_106, %dma_start3A_111, %dma_start3A_112] : memref<3200x2x100xi32, #tpu.memory_space<hbm>> -> memref<1x2x100xi32, #tpu.memory_space<hbm>>
          %dma_start3A_114 = tpu.memref_squeeze %dma_start3A_113 : memref<1x2x100xi32, #tpu.memory_space<hbm>> -> memref<2x100xi32, #tpu.memory_space<hbm>>
          tpu.enqueue_dma source(%dma_start3A_114 : memref<2x100xi32, #tpu.memory_space<hbm>>) target(%arg9 : memref<2x100xi32, #tpu.memory_space<vmem>>) target_semaphore(%arg16 : memref<!tpu.dma_semaphore, #tpu.memory_space<semaphore_mem>>)
        } else {
        }
        %lt3A_72 = arith.constant 200 : i32
        %lt3A_73 = arith.cmpi slt, %add3A_54, %lt3A_72 : i32
        %convert_element_type3A_74 = arith.extui %lt3A_73 : i1 to i32
        %cond3A_75 = arith.constant 0 : i32
        %cond3A_76 = arith.cmpi ne, %convert_element_type3A_74, %cond3A_75 : i32
        scf.if %cond3A_76 {
          %add3A_104 = arith.addi %mul3A_2, %add3A_54 : i32
          %dma_wait3A = arith.constant 0 : i32
          %dma_wait3A_105 = arith.constant 0 : i32
          %dma_wait3A_106 = tpu.memref_slice %arg4[%add3A_104, %dma_wait3A, %dma_wait3A_105] : memref<3200x2x100xi32, #tpu.memory_space<hbm>> -> memref<1x2x100xi32, #tpu.memory_space<hbm>>
          %dma_wait3A_107 = tpu.memref_squeeze %dma_wait3A_106 : memref<1x2x100xi32, #tpu.memory_space<hbm>> -> memref<2x100xi32, #tpu.memory_space<hbm>>
          %dma_wait3A_108 = arith.constant 0 : i32
          %dma_wait3A_109 = arith.constant 0 : i32
          %dma_wait3A_110 = tpu.memref_slice %arg4[%add3A_104, %dma_wait3A_108, %dma_wait3A_109] : memref<3200x2x100xi32, #tpu.memory_space<hbm>> -> memref<1x2x100xi32, #tpu.memory_space<hbm>>
          %dma_wait3A_111 = tpu.memref_squeeze %dma_wait3A_110 : memref<1x2x100xi32, #tpu.memory_space<hbm>> -> memref<2x100xi32, #tpu.memory_space<hbm>>
          tpu.wait_dma2 semaphore(%arg15 : memref<!tpu.dma_semaphore, #tpu.memory_space<semaphore_mem>>) src(%dma_wait3A_111 : memref<2x100xi32, #tpu.memory_space<hbm>>) dst(%arg8 : memref<2x100xi32, #tpu.memory_space<vmem>>)
          %dma_start3A_112 = arith.constant 0 : i32
          %dma_start3A_113 = arith.constant 0 : i32
          %dma_start3A_114 = tpu.memref_slice %arg8[%dma_start3A_112, %dma_start3A_113] : memref<2x100xi32, #tpu.memory_space<vmem>> -> memref<1x100xi32, #tpu.memory_space<vmem>>
          %dma_start3A_115 = tpu.memref_squeeze %dma_start3A_114 : memref<1x100xi32, #tpu.memory_space<vmem>> -> memref<100xi32, #tpu.memory_space<vmem>>
          %dma_start3A_116 = arith.constant 0 : i32
          %dma_start3A_117 = arith.constant 0 : i32
          %dma_start3A_118 = tpu.memref_slice %arg2[%dma_start3A_116, %dma_start3A_117] : memref<10000x128xf32, #tpu.memory_space<hbm>> -> memref<10000x128xf32, #tpu.memory_space<hbm>>
          tpu.enqueue_indirect_dma source(%dma_start3A_118 : memref<10000x128xf32, #tpu.memory_space<hbm>>) target(%arg11 : memref<100x128xf32, #tpu.memory_space<vmem>>) offsets(%dma_start3A_115 : memref<100xi32, #tpu.memory_space<vmem>>) semaphore(%arg18 : memref<!tpu.dma_semaphore, #tpu.memory_space<semaphore_mem>>)
        } else {
        }
        %mul3A_77 = arith.constant 3 : i32
        %mul3A_78 = arith.muli %scan3A_27, %mul3A_77 : i32
        %add3A_79 = arith.constant 2 : i32
        %add3A_80 = arith.addi %mul3A_78, %add3A_79 : i32
        %sub3A_81 = arith.constant 2 : i32
        %sub3A_82 = arith.subi %add3A_80, %sub3A_81 : i32
        %ge3A_83 = arith.constant 0 : i32
        %ge3A_84 = arith.cmpi sge, %sub3A_82, %ge3A_83 : i32
        %lt3A_85 = arith.constant 200 : i32
        %lt3A_86 = arith.cmpi slt, %sub3A_82, %lt3A_85 : i32
        %and3A_87 = arith.andi %ge3A_84, %lt3A_86 : i1
        %convert_element_type3A_88 = arith.extui %and3A_87 : i1 to i32
        %cond3A_89 = arith.constant 0 : i32
        %cond3A_90 = arith.cmpi ne, %convert_element_type3A_88, %cond3A_89 : i32
        scf.if %cond3A_90 {
          %dma_wait3A = arith.constant 0 : i32
          %dma_wait3A_104 = arith.constant 0 : i32
          %dma_wait3A_105 = tpu.memref_slice %arg7[%dma_wait3A, %dma_wait3A_104] : memref<2x100xi32, #tpu.memory_space<vmem>> -> memref<1x100xi32, #tpu.memory_space<vmem>>
          %dma_wait3A_106 = tpu.memref_squeeze %dma_wait3A_105 : memref<1x100xi32, #tpu.memory_space<vmem>> -> memref<100xi32, #tpu.memory_space<vmem>>
          %dma_wait3A_107 = arith.constant 0 : i32
          %dma_wait3A_108 = arith.constant 0 : i32
          %dma_wait3A_109 = tpu.memref_slice %arg2[%dma_wait3A_107, %dma_wait3A_108] : memref<10000x128xf32, #tpu.memory_space<hbm>> -> memref<10000x128xf32, #tpu.memory_space<hbm>>
          tpu.wait_indirect_dma semaphore(%arg17 : memref<!tpu.dma_semaphore, #tpu.memory_space<semaphore_mem>>) src(%dma_wait3A_109 : memref<10000x128xf32, #tpu.memory_space<hbm>>) dst(%arg10 : memref<100x128xf32, #tpu.memory_space<vmem>>)
          %run_scoped3A = arith.constant 1 : i32
          "tpu.region"() ({
            %run_scoped3A_110 = tpu.sem_alloc : memref<!tpu.dma_semaphore, #tpu.memory_space<semaphore_mem>>
            %dma_start3A_111 = arith.constant 0 : i32
            %dma_start3A_112 = tpu.memref_slice %arg7[%run_scoped3A, %dma_start3A_111] : memref<2x100xi32, #tpu.memory_space<vmem>> -> memref<1x100xi32, #tpu.memory_space<vmem>>
            %dma_start3A_113 = tpu.memref_squeeze %dma_start3A_112 : memref<1x100xi32, #tpu.memory_space<vmem>> -> memref<100xi32, #tpu.memory_space<vmem>>
            %dma_start3A_114 = arith.constant 0 : i32
            %dma_start3A_115 = arith.constant 0 : i32
            %dma_start3A_116 = tpu.memref_slice %arg13[%dma_start3A_114, %dma_start3A_115] : memref<10000x128xf32, #tpu.memory_space<vmem_shared>> -> memref<10000x128xf32, #tpu.memory_space<vmem_shared>>
            tpu.enqueue_indirect_dma source(%arg10 : memref<100x128xf32, #tpu.memory_space<vmem>>) target(%dma_start3A_116 : memref<10000x128xf32, #tpu.memory_space<vmem_shared>>) offsets(%dma_start3A_113 : memref<100xi32, #tpu.memory_space<vmem>>) semaphore(%run_scoped3A_110 : memref<!tpu.dma_semaphore, #tpu.memory_space<semaphore_mem>>) {add = true}
            %dma_wait3A_117 = arith.constant 0 : i32
            %dma_wait3A_118 = tpu.memref_slice %arg7[%run_scoped3A, %dma_wait3A_117] : memref<2x100xi32, #tpu.memory_space<vmem>> -> memref<1x100xi32, #tpu.memory_space<vmem>>
            %dma_wait3A_119 = tpu.memref_squeeze %dma_wait3A_118 : memref<1x100xi32, #tpu.memory_space<vmem>> -> memref<100xi32, #tpu.memory_space<vmem>>
            %dma_wait3A_120 = arith.constant 0 : i32
            %dma_wait3A_121 = arith.constant 0 : i32
            %dma_wait3A_122 = tpu.memref_slice %arg13[%dma_wait3A_120, %dma_wait3A_121] : memref<10000x128xf32, #tpu.memory_space<vmem_shared>> -> memref<10000x128xf32, #tpu.memory_space<vmem_shared>>
            tpu.wait_indirect_dma semaphore(%run_scoped3A_110 : memref<!tpu.dma_semaphore, #tpu.memory_space<semaphore_mem>>) src(%arg10 : memref<100x128xf32, #tpu.memory_space<vmem>>) dst(%dma_wait3A_122 : memref<10000x128xf32, #tpu.memory_space<vmem_shared>>)
            tpu.yield
          }) : () -> ()
        } else {
        }
        %add3A_91 = arith.constant 1 : i32
        %add3A_92 = arith.addi %add3A_80, %add3A_91 : i32
        %lt3A_93 = arith.constant 200 : i32
        %lt3A_94 = arith.cmpi slt, %add3A_92, %lt3A_93 : i32
        %convert_element_type3A_95 = arith.extui %lt3A_94 : i1 to i32
        %cond3A_96 = arith.constant 0 : i32
        %cond3A_97 = arith.cmpi ne, %convert_element_type3A_95, %cond3A_96 : i32
        scf.if %cond3A_97 {
          %add3A_104 = arith.constant 1 : i32
          %add3A_105 = arith.addi %add3A_80, %add3A_104 : i32
          %add3A_106 = arith.addi %mul3A_2, %add3A_105 : i32
          %dma_start3A_107 = arith.constant 0 : i32
          %dma_start3A_108 = arith.constant 0 : i32
          %dma_start3A_109 = tpu.memref_slice %arg4[%add3A_106, %dma_start3A_107, %dma_start3A_108] : memref<3200x2x100xi32, #tpu.memory_space<hbm>> -> memref<1x2x100xi32, #tpu.memory_space<hbm>>
          %dma_start3A_110 = tpu.memref_squeeze %dma_start3A_109 : memref<1x2x100xi32, #tpu.memory_space<hbm>> -> memref<2x100xi32, #tpu.memory_space<hbm>>
          %dma_start3A_111 = arith.constant 0 : i32
          %dma_start3A_112 = arith.constant 0 : i32
          %dma_start3A_113 = tpu.memref_slice %arg4[%add3A_106, %dma_start3A_111, %dma_start3A_112] : memref<3200x2x100xi32, #tpu.memory_space<hbm>> -> memref<1x2x100xi32, #tpu.memory_space<hbm>>
          %dma_start3A_114 = tpu.memref_squeeze %dma_start3A_113 : memref<1x2x100xi32, #tpu.memory_space<hbm>> -> memref<2x100xi32, #tpu.memory_space<hbm>>
          tpu.enqueue_dma source(%dma_start3A_114 : memref<2x100xi32, #tpu.memory_space<hbm>>) target(%arg7 : memref<2x100xi32, #tpu.memory_space<vmem>>) target_semaphore(%arg14 : memref<!tpu.dma_semaphore, #tpu.memory_space<semaphore_mem>>)
        } else {
        }
        %lt3A_98 = arith.constant 200 : i32
        %lt3A_99 = arith.cmpi slt, %add3A_80, %lt3A_98 : i32
        %convert_element_type3A_100 = arith.extui %lt3A_99 : i1 to i32
        %cond3A_101 = arith.constant 0 : i32
        %cond3A_102 = arith.cmpi ne, %convert_element_type3A_100, %cond3A_101 : i32
        scf.if %cond3A_102 {
          %add3A_104 = arith.addi %mul3A_2, %add3A_80 : i32
          %dma_wait3A = arith.constant 0 : i32
          %dma_wait3A_105 = arith.constant 0 : i32
          %dma_wait3A_106 = tpu.memref_slice %arg4[%add3A_104, %dma_wait3A, %dma_wait3A_105] : memref<3200x2x100xi32, #tpu.memory_space<hbm>> -> memref<1x2x100xi32, #tpu.memory_space<hbm>>
          %dma_wait3A_107 = tpu.memref_squeeze %dma_wait3A_106 : memref<1x2x100xi32, #tpu.memory_space<hbm>> -> memref<2x100xi32, #tpu.memory_space<hbm>>
          %dma_wait3A_108 = arith.constant 0 : i32
          %dma_wait3A_109 = arith.constant 0 : i32
          %dma_wait3A_110 = tpu.memref_slice %arg4[%add3A_104, %dma_wait3A_108, %dma_wait3A_109] : memref<3200x2x100xi32, #tpu.memory_space<hbm>> -> memref<1x2x100xi32, #tpu.memory_space<hbm>>
          %dma_wait3A_111 = tpu.memref_squeeze %dma_wait3A_110 : memref<1x2x100xi32, #tpu.memory_space<hbm>> -> memref<2x100xi32, #tpu.memory_space<hbm>>
          tpu.wait_dma2 semaphore(%arg16 : memref<!tpu.dma_semaphore, #tpu.memory_space<semaphore_mem>>) src(%dma_wait3A_111 : memref<2x100xi32, #tpu.memory_space<hbm>>) dst(%arg9 : memref<2x100xi32, #tpu.memory_space<vmem>>)
          %dma_start3A_112 = arith.constant 0 : i32
          %dma_start3A_113 = arith.constant 0 : i32
          %dma_start3A_114 = tpu.memref_slice %arg9[%dma_start3A_112, %dma_start3A_113] : memref<2x100xi32, #tpu.memory_space<vmem>> -> memref<1x100xi32, #tpu.memory_space<vmem>>
          %dma_start3A_115 = tpu.memref_squeeze %dma_start3A_114 : memref<1x100xi32, #tpu.memory_space<vmem>> -> memref<100xi32, #tpu.memory_space<vmem>>
          %dma_start3A_116 = arith.constant 0 : i32
          %dma_start3A_117 = arith.constant 0 : i32
          %dma_start3A_118 = tpu.memref_slice %arg2[%dma_start3A_116, %dma_start3A_117] : memref<10000x128xf32, #tpu.memory_space<hbm>> -> memref<10000x128xf32, #tpu.memory_space<hbm>>
          tpu.enqueue_indirect_dma source(%dma_start3A_118 : memref<10000x128xf32, #tpu.memory_space<hbm>>) target(%arg12 : memref<100x128xf32, #tpu.memory_space<vmem>>) offsets(%dma_start3A_115 : memref<100xi32, #tpu.memory_space<vmem>>) semaphore(%arg19 : memref<!tpu.dma_semaphore, #tpu.memory_space<semaphore_mem>>)
        } else {
        }
        %scan3A_103 = arith.constant 0 : i32
        scf.yield %scan3A_103 : i32
      }
      %scan3A_26 = arith.constant 68 : i32
    } else {
    }
    %eq3A_5 = arith.constant 1 : i32
    %eq3A_6 = arith.cmpi eq, %arg0, %eq3A_5 : i32
    %convert_element_type3A_7 = arith.extui %eq3A_6 : i1 to i32
    %cond3A_8 = arith.constant 0 : i32
    %cond3A_9 = arith.cmpi ne, %convert_element_type3A_7, %cond3A_8 : i32
    scf.if %cond3A_9 {
      %add3A = arith.constant 0 : i32
      %add3A_13 = arith.addi %mul3A_2, %add3A : i32
      %dma_start3A = arith.constant 0 : i32
      %dma_start3A_14 = arith.constant 0 : i32
      %dma_start3A_15 = tpu.memref_slice %arg4[%add3A_13, %dma_start3A, %dma_start3A_14] : memref<3200x2x100xi32, #tpu.memory_space<hbm>> -> memref<1x2x100xi32, #tpu.memory_space<hbm>>
      %dma_start3A_16 = tpu.memref_squeeze %dma_start3A_15 : memref<1x2x100xi32, #tpu.memory_space<hbm>> -> memref<2x100xi32, #tpu.memory_space<hbm>>
      %dma_start3A_17 = arith.constant 0 : i32
      %dma_start3A_18 = arith.constant 0 : i32
      %dma_start3A_19 = tpu.memref_slice %arg4[%add3A_13, %dma_start3A_17, %dma_start3A_18] : memref<3200x2x100xi32, #tpu.memory_space<hbm>> -> memref<1x2x100xi32, #tpu.memory_space<hbm>>
      %dma_start3A_20 = tpu.memref_squeeze %dma_start3A_19 : memref<1x2x100xi32, #tpu.memory_space<hbm>> -> memref<2x100xi32, #tpu.memory_space<hbm>>
      tpu.enqueue_dma source(%dma_start3A_20 : memref<2x100xi32, #tpu.memory_space<hbm>>) target(%arg7 : memref<2x100xi32, #tpu.memory_space<vmem>>) target_semaphore(%arg14 : memref<!tpu.dma_semaphore, #tpu.memory_space<semaphore_mem>>)
      %scan3A = arith.constant 0 : i32
      %scan3A_21 = arith.constant 0 : i32
      %scan3A_22 = arith.constant 68 : i32
      %scan3A_23 = arith.addi %scan3A_21, %scan3A_22 : i32
      %scan3A_24 = arith.constant 1 : i32
      %scan3A_25 = scf.for %scan3A_27 = %scan3A_21 to %scan3A_23 step %scan3A_24 iter_args(%scan3A_28 = %scan3A) -> (i32)  : i32 {
        %mul3A_29 = arith.constant 3 : i32
        %mul3A_30 = arith.muli %scan3A_27, %mul3A_29 : i32
        %add3A_31 = arith.constant 0 : i32
        %add3A_32 = arith.addi %mul3A_30, %add3A_31 : i32
        %sub3A = arith.constant 2 : i32
        %sub3A_33 = arith.subi %add3A_32, %sub3A : i32
        %ge3A = arith.constant 0 : i32
        %ge3A_34 = arith.cmpi sge, %sub3A_33, %ge3A : i32
        %lt3A = arith.constant 200 : i32
        %lt3A_35 = arith.cmpi slt, %sub3A_33, %lt3A : i32
        %and3A = arith.andi %ge3A_34, %lt3A_35 : i1
        %convert_element_type3A_36 = arith.extui %and3A : i1 to i32
        %cond3A_37 = arith.constant 0 : i32
        %cond3A_38 = arith.cmpi ne, %convert_element_type3A_36, %cond3A_37 : i32
        scf.if %cond3A_38 {
          %dma_wait3A = arith.constant 0 : i32
          %dma_wait3A_104 = arith.constant 0 : i32
          %dma_wait3A_105 = tpu.memref_slice %arg8[%dma_wait3A, %dma_wait3A_104] : memref<2x100xi32, #tpu.memory_space<vmem>> -> memref<1x100xi32, #tpu.memory_space<vmem>>
          %dma_wait3A_106 = tpu.memref_squeeze %dma_wait3A_105 : memref<1x100xi32, #tpu.memory_space<vmem>> -> memref<100xi32, #tpu.memory_space<vmem>>
          %dma_wait3A_107 = arith.constant 0 : i32
          %dma_wait3A_108 = arith.constant 0 : i32
          %dma_wait3A_109 = tpu.memref_slice %arg3[%dma_wait3A_107, %dma_wait3A_108] : memref<10000x128xf32, #tpu.memory_space<hbm>> -> memref<10000x128xf32, #tpu.memory_space<hbm>>
          tpu.wait_indirect_dma semaphore(%arg18 : memref<!tpu.dma_semaphore, #tpu.memory_space<semaphore_mem>>) src(%dma_wait3A_109 : memref<10000x128xf32, #tpu.memory_space<hbm>>) dst(%arg11 : memref<100x128xf32, #tpu.memory_space<vmem>>)
          %run_scoped3A = arith.constant 1 : i32
          "tpu.region"() ({
            %run_scoped3A_110 = tpu.sem_alloc : memref<!tpu.dma_semaphore, #tpu.memory_space<semaphore_mem>>
            %dma_start3A_111 = arith.constant 0 : i32
            %dma_start3A_112 = tpu.memref_slice %arg8[%run_scoped3A, %dma_start3A_111] : memref<2x100xi32, #tpu.memory_space<vmem>> -> memref<1x100xi32, #tpu.memory_space<vmem>>
            %dma_start3A_113 = tpu.memref_squeeze %dma_start3A_112 : memref<1x100xi32, #tpu.memory_space<vmem>> -> memref<100xi32, #tpu.memory_space<vmem>>
            %dma_start3A_114 = arith.constant 0 : i32
            %dma_start3A_115 = arith.constant 0 : i32
            %dma_start3A_116 = tpu.memref_slice %arg13[%dma_start3A_114, %dma_start3A_115] : memref<10000x128xf32, #tpu.memory_space<vmem_shared>> -> memref<10000x128xf32, #tpu.memory_space<vmem_shared>>
            tpu.enqueue_indirect_dma source(%arg11 : memref<100x128xf32, #tpu.memory_space<vmem>>) target(%dma_start3A_116 : memref<10000x128xf32, #tpu.memory_space<vmem_shared>>) offsets(%dma_start3A_113 : memref<100xi32, #tpu.memory_space<vmem>>) semaphore(%run_scoped3A_110 : memref<!tpu.dma_semaphore, #tpu.memory_space<semaphore_mem>>) {add = true}
            %dma_wait3A_117 = arith.constant 0 : i32
            %dma_wait3A_118 = tpu.memref_slice %arg8[%run_scoped3A, %dma_wait3A_117] : memref<2x100xi32, #tpu.memory_space<vmem>> -> memref<1x100xi32, #tpu.memory_space<vmem>>
            %dma_wait3A_119 = tpu.memref_squeeze %dma_wait3A_118 : memref<1x100xi32, #tpu.memory_space<vmem>> -> memref<100xi32, #tpu.memory_space<vmem>>
            %dma_wait3A_120 = arith.constant 0 : i32
            %dma_wait3A_121 = arith.constant 0 : i32
            %dma_wait3A_122 = tpu.memref_slice %arg13[%dma_wait3A_120, %dma_wait3A_121] : memref<10000x128xf32, #tpu.memory_space<vmem_shared>> -> memref<10000x128xf32, #tpu.memory_space<vmem_shared>>
            tpu.wait_indirect_dma semaphore(%run_scoped3A_110 : memref<!tpu.dma_semaphore, #tpu.memory_space<semaphore_mem>>) src(%arg11 : memref<100x128xf32, #tpu.memory_space<vmem>>) dst(%dma_wait3A_122 : memref<10000x128xf32, #tpu.memory_space<vmem_shared>>)
            tpu.yield
          }) : () -> ()
        } else {
        }
        %add3A_39 = arith.constant 1 : i32
        %add3A_40 = arith.addi %add3A_32, %add3A_39 : i32
        %lt3A_41 = arith.constant 200 : i32
        %lt3A_42 = arith.cmpi slt, %add3A_40, %lt3A_41 : i32
        %convert_element_type3A_43 = arith.extui %lt3A_42 : i1 to i32
        %cond3A_44 = arith.constant 0 : i32
        %cond3A_45 = arith.cmpi ne, %convert_element_type3A_43, %cond3A_44 : i32
        scf.if %cond3A_45 {
          %add3A_104 = arith.constant 1 : i32
          %add3A_105 = arith.addi %add3A_32, %add3A_104 : i32
          %add3A_106 = arith.addi %mul3A_2, %add3A_105 : i32
          %dma_start3A_107 = arith.constant 0 : i32
          %dma_start3A_108 = arith.constant 0 : i32
          %dma_start3A_109 = tpu.memref_slice %arg4[%add3A_106, %dma_start3A_107, %dma_start3A_108] : memref<3200x2x100xi32, #tpu.memory_space<hbm>> -> memref<1x2x100xi32, #tpu.memory_space<hbm>>
          %dma_start3A_110 = tpu.memref_squeeze %dma_start3A_109 : memref<1x2x100xi32, #tpu.memory_space<hbm>> -> memref<2x100xi32, #tpu.memory_space<hbm>>
          %dma_start3A_111 = arith.constant 0 : i32
          %dma_start3A_112 = arith.constant 0 : i32
          %dma_start3A_113 = tpu.memref_slice %arg4[%add3A_106, %dma_start3A_111, %dma_start3A_112] : memref<3200x2x100xi32, #tpu.memory_space<hbm>> -> memref<1x2x100xi32, #tpu.memory_space<hbm>>
          %dma_start3A_114 = tpu.memref_squeeze %dma_start3A_113 : memref<1x2x100xi32, #tpu.memory_space<hbm>> -> memref<2x100xi32, #tpu.memory_space<hbm>>
          tpu.enqueue_dma source(%dma_start3A_114 : memref<2x100xi32, #tpu.memory_space<hbm>>) target(%arg8 : memref<2x100xi32, #tpu.memory_space<vmem>>) target_semaphore(%arg15 : memref<!tpu.dma_semaphore, #tpu.memory_space<semaphore_mem>>)
        } else {
        }
        %lt3A_46 = arith.constant 200 : i32
        %lt3A_47 = arith.cmpi slt, %add3A_32, %lt3A_46 : i32
        %convert_element_type3A_48 = arith.extui %lt3A_47 : i1 to i32
        %cond3A_49 = arith.constant 0 : i32
        %cond3A_50 = arith.cmpi ne, %convert_element_type3A_48, %cond3A_49 : i32
        scf.if %cond3A_50 {
          %add3A_104 = arith.addi %mul3A_2, %add3A_32 : i32
          %dma_wait3A = arith.constant 0 : i32
          %dma_wait3A_105 = arith.constant 0 : i32
          %dma_wait3A_106 = tpu.memref_slice %arg4[%add3A_104, %dma_wait3A, %dma_wait3A_105] : memref<3200x2x100xi32, #tpu.memory_space<hbm>> -> memref<1x2x100xi32, #tpu.memory_space<hbm>>
          %dma_wait3A_107 = tpu.memref_squeeze %dma_wait3A_106 : memref<1x2x100xi32, #tpu.memory_space<hbm>> -> memref<2x100xi32, #tpu.memory_space<hbm>>
          %dma_wait3A_108 = arith.constant 0 : i32
          %dma_wait3A_109 = arith.constant 0 : i32
          %dma_wait3A_110 = tpu.memref_slice %arg4[%add3A_104, %dma_wait3A_108, %dma_wait3A_109] : memref<3200x2x100xi32, #tpu.memory_space<hbm>> -> memref<1x2x100xi32, #tpu.memory_space<hbm>>
          %dma_wait3A_111 = tpu.memref_squeeze %dma_wait3A_110 : memref<1x2x100xi32, #tpu.memory_space<hbm>> -> memref<2x100xi32, #tpu.memory_space<hbm>>
          tpu.wait_dma2 semaphore(%arg14 : memref<!tpu.dma_semaphore, #tpu.memory_space<semaphore_mem>>) src(%dma_wait3A_111 : memref<2x100xi32, #tpu.memory_space<hbm>>) dst(%arg7 : memref<2x100xi32, #tpu.memory_space<vmem>>)
          %dma_start3A_112 = arith.constant 0 : i32
          %dma_start3A_113 = arith.constant 0 : i32
          %dma_start3A_114 = tpu.memref_slice %arg7[%dma_start3A_112, %dma_start3A_113] : memref<2x100xi32, #tpu.memory_space<vmem>> -> memref<1x100xi32, #tpu.memory_space<vmem>>
          %dma_start3A_115 = tpu.memref_squeeze %dma_start3A_114 : memref<1x100xi32, #tpu.memory_space<vmem>> -> memref<100xi32, #tpu.memory_space<vmem>>
          %dma_start3A_116 = arith.constant 0 : i32
          %dma_start3A_117 = arith.constant 0 : i32
          %dma_start3A_118 = tpu.memref_slice %arg3[%dma_start3A_116, %dma_start3A_117] : memref<10000x128xf32, #tpu.memory_space<hbm>> -> memref<10000x128xf32, #tpu.memory_space<hbm>>
          tpu.enqueue_indirect_dma source(%dma_start3A_118 : memref<10000x128xf32, #tpu.memory_space<hbm>>) target(%arg10 : memref<100x128xf32, #tpu.memory_space<vmem>>) offsets(%dma_start3A_115 : memref<100xi32, #tpu.memory_space<vmem>>) semaphore(%arg17 : memref<!tpu.dma_semaphore, #tpu.memory_space<semaphore_mem>>)
        } else {
        }
        %mul3A_51 = arith.constant 3 : i32
        %mul3A_52 = arith.muli %scan3A_27, %mul3A_51 : i32
        %add3A_53 = arith.constant 1 : i32
        %add3A_54 = arith.addi %mul3A_52, %add3A_53 : i32
        %sub3A_55 = arith.constant 2 : i32
        %sub3A_56 = arith.subi %add3A_54, %sub3A_55 : i32
        %ge3A_57 = arith.constant 0 : i32
        %ge3A_58 = arith.cmpi sge, %sub3A_56, %ge3A_57 : i32
        %lt3A_59 = arith.constant 200 : i32
        %lt3A_60 = arith.cmpi slt, %sub3A_56, %lt3A_59 : i32
        %and3A_61 = arith.andi %ge3A_58, %lt3A_60 : i1
        %convert_element_type3A_62 = arith.extui %and3A_61 : i1 to i32
        %cond3A_63 = arith.constant 0 : i32
        %cond3A_64 = arith.cmpi ne, %convert_element_type3A_62, %cond3A_63 : i32
        scf.if %cond3A_64 {
          %dma_wait3A = arith.constant 0 : i32
          %dma_wait3A_104 = arith.constant 0 : i32
          %dma_wait3A_105 = tpu.memref_slice %arg9[%dma_wait3A, %dma_wait3A_104] : memref<2x100xi32, #tpu.memory_space<vmem>> -> memref<1x100xi32, #tpu.memory_space<vmem>>
          %dma_wait3A_106 = tpu.memref_squeeze %dma_wait3A_105 : memref<1x100xi32, #tpu.memory_space<vmem>> -> memref<100xi32, #tpu.memory_space<vmem>>
          %dma_wait3A_107 = arith.constant 0 : i32
          %dma_wait3A_108 = arith.constant 0 : i32
          %dma_wait3A_109 = tpu.memref_slice %arg3[%dma_wait3A_107, %dma_wait3A_108] : memref<10000x128xf32, #tpu.memory_space<hbm>> -> memref<10000x128xf32, #tpu.memory_space<hbm>>
          tpu.wait_indirect_dma semaphore(%arg19 : memref<!tpu.dma_semaphore, #tpu.memory_space<semaphore_mem>>) src(%dma_wait3A_109 : memref<10000x128xf32, #tpu.memory_space<hbm>>) dst(%arg12 : memref<100x128xf32, #tpu.memory_space<vmem>>)
          %run_scoped3A = arith.constant 1 : i32
          "tpu.region"() ({
            %run_scoped3A_110 = tpu.sem_alloc : memref<!tpu.dma_semaphore, #tpu.memory_space<semaphore_mem>>
            %dma_start3A_111 = arith.constant 0 : i32
            %dma_start3A_112 = tpu.memref_slice %arg9[%run_scoped3A, %dma_start3A_111] : memref<2x100xi32, #tpu.memory_space<vmem>> -> memref<1x100xi32, #tpu.memory_space<vmem>>
            %dma_start3A_113 = tpu.memref_squeeze %dma_start3A_112 : memref<1x100xi32, #tpu.memory_space<vmem>> -> memref<100xi32, #tpu.memory_space<vmem>>
            %dma_start3A_114 = arith.constant 0 : i32
            %dma_start3A_115 = arith.constant 0 : i32
            %dma_start3A_116 = tpu.memref_slice %arg13[%dma_start3A_114, %dma_start3A_115] : memref<10000x128xf32, #tpu.memory_space<vmem_shared>> -> memref<10000x128xf32, #tpu.memory_space<vmem_shared>>
            tpu.enqueue_indirect_dma source(%arg12 : memref<100x128xf32, #tpu.memory_space<vmem>>) target(%dma_start3A_116 : memref<10000x128xf32, #tpu.memory_space<vmem_shared>>) offsets(%dma_start3A_113 : memref<100xi32, #tpu.memory_space<vmem>>) semaphore(%run_scoped3A_110 : memref<!tpu.dma_semaphore, #tpu.memory_space<semaphore_mem>>) {add = true}
            %dma_wait3A_117 = arith.constant 0 : i32
            %dma_wait3A_118 = tpu.memref_slice %arg9[%run_scoped3A, %dma_wait3A_117] : memref<2x100xi32, #tpu.memory_space<vmem>> -> memref<1x100xi32, #tpu.memory_space<vmem>>
            %dma_wait3A_119 = tpu.memref_squeeze %dma_wait3A_118 : memref<1x100xi32, #tpu.memory_space<vmem>> -> memref<100xi32, #tpu.memory_space<vmem>>
            %dma_wait3A_120 = arith.constant 0 : i32
            %dma_wait3A_121 = arith.constant 0 : i32
            %dma_wait3A_122 = tpu.memref_slice %arg13[%dma_wait3A_120, %dma_wait3A_121] : memref<10000x128xf32, #tpu.memory_space<vmem_shared>> -> memref<10000x128xf32, #tpu.memory_space<vmem_shared>>
            tpu.wait_indirect_dma semaphore(%run_scoped3A_110 : memref<!tpu.dma_semaphore, #tpu.memory_space<semaphore_mem>>) src(%arg12 : memref<100x128xf32, #tpu.memory_space<vmem>>) dst(%dma_wait3A_122 : memref<10000x128xf32, #tpu.memory_space<vmem_shared>>)
            tpu.yield
          }) : () -> ()
        } else {
        }
        %add3A_65 = arith.constant 1 : i32
        %add3A_66 = arith.addi %add3A_54, %add3A_65 : i32
        %lt3A_67 = arith.constant 200 : i32
        %lt3A_68 = arith.cmpi slt, %add3A_66, %lt3A_67 : i32
        %convert_element_type3A_69 = arith.extui %lt3A_68 : i1 to i32
        %cond3A_70 = arith.constant 0 : i32
        %cond3A_71 = arith.cmpi ne, %convert_element_type3A_69, %cond3A_70 : i32
        scf.if %cond3A_71 {
          %add3A_104 = arith.constant 1 : i32
          %add3A_105 = arith.addi %add3A_54, %add3A_104 : i32
          %add3A_106 = arith.addi %mul3A_2, %add3A_105 : i32
          %dma_start3A_107 = arith.constant 0 : i32
          %dma_start3A_108 = arith.constant 0 : i32
          %dma_start3A_109 = tpu.memref_slice %arg4[%add3A_106, %dma_start3A_107, %dma_start3A_108] : memref<3200x2x100xi32, #tpu.memory_space<hbm>> -> memref<1x2x100xi32, #tpu.memory_space<hbm>>
          %dma_start3A_110 = tpu.memref_squeeze %dma_start3A_109 : memref<1x2x100xi32, #tpu.memory_space<hbm>> -> memref<2x100xi32, #tpu.memory_space<hbm>>
          %dma_start3A_111 = arith.constant 0 : i32
          %dma_start3A_112 = arith.constant 0 : i32
          %dma_start3A_113 = tpu.memref_slice %arg4[%add3A_106, %dma_start3A_111, %dma_start3A_112] : memref<3200x2x100xi32, #tpu.memory_space<hbm>> -> memref<1x2x100xi32, #tpu.memory_space<hbm>>
          %dma_start3A_114 = tpu.memref_squeeze %dma_start3A_113 : memref<1x2x100xi32, #tpu.memory_space<hbm>> -> memref<2x100xi32, #tpu.memory_space<hbm>>
          tpu.enqueue_dma source(%dma_start3A_114 : memref<2x100xi32, #tpu.memory_space<hbm>>) target(%arg9 : memref<2x100xi32, #tpu.memory_space<vmem>>) target_semaphore(%arg16 : memref<!tpu.dma_semaphore, #tpu.memory_space<semaphore_mem>>)
        } else {
        }
        %lt3A_72 = arith.constant 200 : i32
        %lt3A_73 = arith.cmpi slt, %add3A_54, %lt3A_72 : i32
        %convert_element_type3A_74 = arith.extui %lt3A_73 : i1 to i32
        %cond3A_75 = arith.constant 0 : i32
        %cond3A_76 = arith.cmpi ne, %convert_element_type3A_74, %cond3A_75 : i32
        scf.if %cond3A_76 {
          %add3A_104 = arith.addi %mul3A_2, %add3A_54 : i32
          %dma_wait3A = arith.constant 0 : i32
          %dma_wait3A_105 = arith.constant 0 : i32
          %dma_wait3A_106 = tpu.memref_slice %arg4[%add3A_104, %dma_wait3A, %dma_wait3A_105] : memref<3200x2x100xi32, #tpu.memory_space<hbm>> -> memref<1x2x100xi32, #tpu.memory_space<hbm>>
          %dma_wait3A_107 = tpu.memref_squeeze %dma_wait3A_106 : memref<1x2x100xi32, #tpu.memory_space<hbm>> -> memref<2x100xi32, #tpu.memory_space<hbm>>
          %dma_wait3A_108 = arith.constant 0 : i32
          %dma_wait3A_109 = arith.constant 0 : i32
          %dma_wait3A_110 = tpu.memref_slice %arg4[%add3A_104, %dma_wait3A_108, %dma_wait3A_109] : memref<3200x2x100xi32, #tpu.memory_space<hbm>> -> memref<1x2x100xi32, #tpu.memory_space<hbm>>
          %dma_wait3A_111 = tpu.memref_squeeze %dma_wait3A_110 : memref<1x2x100xi32, #tpu.memory_space<hbm>> -> memref<2x100xi32, #tpu.memory_space<hbm>>
          tpu.wait_dma2 semaphore(%arg15 : memref<!tpu.dma_semaphore, #tpu.memory_space<semaphore_mem>>) src(%dma_wait3A_111 : memref<2x100xi32, #tpu.memory_space<hbm>>) dst(%arg8 : memref<2x100xi32, #tpu.memory_space<vmem>>)
          %dma_start3A_112 = arith.constant 0 : i32
          %dma_start3A_113 = arith.constant 0 : i32
          %dma_start3A_114 = tpu.memref_slice %arg8[%dma_start3A_112, %dma_start3A_113] : memref<2x100xi32, #tpu.memory_space<vmem>> -> memref<1x100xi32, #tpu.memory_space<vmem>>
          %dma_start3A_115 = tpu.memref_squeeze %dma_start3A_114 : memref<1x100xi32, #tpu.memory_space<vmem>> -> memref<100xi32, #tpu.memory_space<vmem>>
          %dma_start3A_116 = arith.constant 0 : i32
          %dma_start3A_117 = arith.constant 0 : i32
          %dma_start3A_118 = tpu.memref_slice %arg3[%dma_start3A_116, %dma_start3A_117] : memref<10000x128xf32, #tpu.memory_space<hbm>> -> memref<10000x128xf32, #tpu.memory_space<hbm>>
          tpu.enqueue_indirect_dma source(%dma_start3A_118 : memref<10000x128xf32, #tpu.memory_space<hbm>>) target(%arg11 : memref<100x128xf32, #tpu.memory_space<vmem>>) offsets(%dma_start3A_115 : memref<100xi32, #tpu.memory_space<vmem>>) semaphore(%arg18 : memref<!tpu.dma_semaphore, #tpu.memory_space<semaphore_mem>>)
        } else {
        }
        %mul3A_77 = arith.constant 3 : i32
        %mul3A_78 = arith.muli %scan3A_27, %mul3A_77 : i32
        %add3A_79 = arith.constant 2 : i32
        %add3A_80 = arith.addi %mul3A_78, %add3A_79 : i32
        %sub3A_81 = arith.constant 2 : i32
        %sub3A_82 = arith.subi %add3A_80, %sub3A_81 : i32
        %ge3A_83 = arith.constant 0 : i32
        %ge3A_84 = arith.cmpi sge, %sub3A_82, %ge3A_83 : i32
        %lt3A_85 = arith.constant 200 : i32
        %lt3A_86 = arith.cmpi slt, %sub3A_82, %lt3A_85 : i32
        %and3A_87 = arith.andi %ge3A_84, %lt3A_86 : i1
        %convert_element_type3A_88 = arith.extui %and3A_87 : i1 to i32
        %cond3A_89 = arith.constant 0 : i32
        %cond3A_90 = arith.cmpi ne, %convert_element_type3A_88, %cond3A_89 : i32
        scf.if %cond3A_90 {
          %dma_wait3A = arith.constant 0 : i32
          %dma_wait3A_104 = arith.constant 0 : i32
          %dma_wait3A_105 = tpu.memref_slice %arg7[%dma_wait3A, %dma_wait3A_104] : memref<2x100xi32, #tpu.memory_space<vmem>> -> memref<1x100xi32, #tpu.memory_space<vmem>>
          %dma_wait3A_106 = tpu.memref_squeeze %dma_wait3A_105 : memref<1x100xi32, #tpu.memory_space<vmem>> -> memref<100xi32, #tpu.memory_space<vmem>>
          %dma_wait3A_107 = arith.constant 0 : i32
          %dma_wait3A_108 = arith.constant 0 : i32
          %dma_wait3A_109 = tpu.memref_slice %arg3[%dma_wait3A_107, %dma_wait3A_108] : memref<10000x128xf32, #tpu.memory_space<hbm>> -> memref<10000x128xf32, #tpu.memory_space<hbm>>
          tpu.wait_indirect_dma semaphore(%arg17 : memref<!tpu.dma_semaphore, #tpu.memory_space<semaphore_mem>>) src(%dma_wait3A_109 : memref<10000x128xf32, #tpu.memory_space<hbm>>) dst(%arg10 : memref<100x128xf32, #tpu.memory_space<vmem>>)
          %run_scoped3A = arith.constant 1 : i32
          "tpu.region"() ({
            %run_scoped3A_110 = tpu.sem_alloc : memref<!tpu.dma_semaphore, #tpu.memory_space<semaphore_mem>>
            %dma_start3A_111 = arith.constant 0 : i32
            %dma_start3A_112 = tpu.memref_slice %arg7[%run_scoped3A, %dma_start3A_111] : memref<2x100xi32, #tpu.memory_space<vmem>> -> memref<1x100xi32, #tpu.memory_space<vmem>>
            %dma_start3A_113 = tpu.memref_squeeze %dma_start3A_112 : memref<1x100xi32, #tpu.memory_space<vmem>> -> memref<100xi32, #tpu.memory_space<vmem>>
            %dma_start3A_114 = arith.constant 0 : i32
            %dma_start3A_115 = arith.constant 0 : i32
            %dma_start3A_116 = tpu.memref_slice %arg13[%dma_start3A_114, %dma_start3A_115] : memref<10000x128xf32, #tpu.memory_space<vmem_shared>> -> memref<10000x128xf32, #tpu.memory_space<vmem_shared>>
            tpu.enqueue_indirect_dma source(%arg10 : memref<100x128xf32, #tpu.memory_space<vmem>>) target(%dma_start3A_116 : memref<10000x128xf32, #tpu.memory_space<vmem_shared>>) offsets(%dma_start3A_113 : memref<100xi32, #tpu.memory_space<vmem>>) semaphore(%run_scoped3A_110 : memref<!tpu.dma_semaphore, #tpu.memory_space<semaphore_mem>>) {add = true}
            %dma_wait3A_117 = arith.constant 0 : i32
            %dma_wait3A_118 = tpu.memref_slice %arg7[%run_scoped3A, %dma_wait3A_117] : memref<2x100xi32, #tpu.memory_space<vmem>> -> memref<1x100xi32, #tpu.memory_space<vmem>>
            %dma_wait3A_119 = tpu.memref_squeeze %dma_wait3A_118 : memref<1x100xi32, #tpu.memory_space<vmem>> -> memref<100xi32, #tpu.memory_space<vmem>>
            %dma_wait3A_120 = arith.constant 0 : i32
            %dma_wait3A_121 = arith.constant 0 : i32
            %dma_wait3A_122 = tpu.memref_slice %arg13[%dma_wait3A_120, %dma_wait3A_121] : memref<10000x128xf32, #tpu.memory_space<vmem_shared>> -> memref<10000x128xf32, #tpu.memory_space<vmem_shared>>
            tpu.wait_indirect_dma semaphore(%run_scoped3A_110 : memref<!tpu.dma_semaphore, #tpu.memory_space<semaphore_mem>>) src(%arg10 : memref<100x128xf32, #tpu.memory_space<vmem>>) dst(%dma_wait3A_122 : memref<10000x128xf32, #tpu.memory_space<vmem_shared>>)
            tpu.yield
          }) : () -> ()
        } else {
        }
        %add3A_91 = arith.constant 1 : i32
        %add3A_92 = arith.addi %add3A_80, %add3A_91 : i32
        %lt3A_93 = arith.constant 200 : i32
        %lt3A_94 = arith.cmpi slt, %add3A_92, %lt3A_93 : i32
        %convert_element_type3A_95 = arith.extui %lt3A_94 : i1 to i32
        %cond3A_96 = arith.constant 0 : i32
        %cond3A_97 = arith.cmpi ne, %convert_element_type3A_95, %cond3A_96 : i32
        scf.if %cond3A_97 {
          %add3A_104 = arith.constant 1 : i32
          %add3A_105 = arith.addi %add3A_80, %add3A_104 : i32
          %add3A_106 = arith.addi %mul3A_2, %add3A_105 : i32
          %dma_start3A_107 = arith.constant 0 : i32
          %dma_start3A_108 = arith.constant 0 : i32
          %dma_start3A_109 = tpu.memref_slice %arg4[%add3A_106, %dma_start3A_107, %dma_start3A_108] : memref<3200x2x100xi32, #tpu.memory_space<hbm>> -> memref<1x2x100xi32, #tpu.memory_space<hbm>>
          %dma_start3A_110 = tpu.memref_squeeze %dma_start3A_109 : memref<1x2x100xi32, #tpu.memory_space<hbm>> -> memref<2x100xi32, #tpu.memory_space<hbm>>
          %dma_start3A_111 = arith.constant 0 : i32
          %dma_start3A_112 = arith.constant 0 : i32
          %dma_start3A_113 = tpu.memref_slice %arg4[%add3A_106, %dma_start3A_111, %dma_start3A_112] : memref<3200x2x100xi32, #tpu.memory_space<hbm>> -> memref<1x2x100xi32, #tpu.memory_space<hbm>>
          %dma_start3A_114 = tpu.memref_squeeze %dma_start3A_113 : memref<1x2x100xi32, #tpu.memory_space<hbm>> -> memref<2x100xi32, #tpu.memory_space<hbm>>
          tpu.enqueue_dma source(%dma_start3A_114 : memref<2x100xi32, #tpu.memory_space<hbm>>) target(%arg7 : memref<2x100xi32, #tpu.memory_space<vmem>>) target_semaphore(%arg14 : memref<!tpu.dma_semaphore, #tpu.memory_space<semaphore_mem>>)
        } else {
        }
        %lt3A_98 = arith.constant 200 : i32
        %lt3A_99 = arith.cmpi slt, %add3A_80, %lt3A_98 : i32
        %convert_element_type3A_100 = arith.extui %lt3A_99 : i1 to i32
        %cond3A_101 = arith.constant 0 : i32
        %cond3A_102 = arith.cmpi ne, %convert_element_type3A_100, %cond3A_101 : i32
        scf.if %cond3A_102 {
          %add3A_104 = arith.addi %mul3A_2, %add3A_80 : i32
          %dma_wait3A = arith.constant 0 : i32
          %dma_wait3A_105 = arith.constant 0 : i32
          %dma_wait3A_106 = tpu.memref_slice %arg4[%add3A_104, %dma_wait3A, %dma_wait3A_105] : memref<3200x2x100xi32, #tpu.memory_space<hbm>> -> memref<1x2x100xi32, #tpu.memory_space<hbm>>
          %dma_wait3A_107 = tpu.memref_squeeze %dma_wait3A_106 : memref<1x2x100xi32, #tpu.memory_space<hbm>> -> memref<2x100xi32, #tpu.memory_space<hbm>>
          %dma_wait3A_108 = arith.constant 0 : i32
          %dma_wait3A_109 = arith.constant 0 : i32
          %dma_wait3A_110 = tpu.memref_slice %arg4[%add3A_104, %dma_wait3A_108, %dma_wait3A_109] : memref<3200x2x100xi32, #tpu.memory_space<hbm>> -> memref<1x2x100xi32, #tpu.memory_space<hbm>>
          %dma_wait3A_111 = tpu.memref_squeeze %dma_wait3A_110 : memref<1x2x100xi32, #tpu.memory_space<hbm>> -> memref<2x100xi32, #tpu.memory_space<hbm>>
          tpu.wait_dma2 semaphore(%arg16 : memref<!tpu.dma_semaphore, #tpu.memory_space<semaphore_mem>>) src(%dma_wait3A_111 : memref<2x100xi32, #tpu.memory_space<hbm>>) dst(%arg9 : memref<2x100xi32, #tpu.memory_space<vmem>>)
          %dma_start3A_112 = arith.constant 0 : i32
          %dma_start3A_113 = arith.constant 0 : i32
          %dma_start3A_114 = tpu.memref_slice %arg9[%dma_start3A_112, %dma_start3A_113] : memref<2x100xi32, #tpu.memory_space<vmem>> -> memref<1x100xi32, #tpu.memory_space<vmem>>
          %dma_start3A_115 = tpu.memref_squeeze %dma_start3A_114 : memref<1x100xi32, #tpu.memory_space<vmem>> -> memref<100xi32, #tpu.memory_space<vmem>>
          %dma_start3A_116 = arith.constant 0 : i32
          %dma_start3A_117 = arith.constant 0 : i32
          %dma_start3A_118 = tpu.memref_slice %arg3[%dma_start3A_116, %dma_start3A_117] : memref<10000x128xf32, #tpu.memory_space<hbm>> -> memref<10000x128xf32, #tpu.memory_space<hbm>>
          tpu.enqueue_indirect_dma source(%dma_start3A_118 : memref<10000x128xf32, #tpu.memory_space<hbm>>) target(%arg12 : memref<100x128xf32, #tpu.memory_space<vmem>>) offsets(%dma_start3A_115 : memref<100xi32, #tpu.memory_space<vmem>>) semaphore(%arg19 : memref<!tpu.dma_semaphore, #tpu.memory_space<semaphore_mem>>)
        } else {
        }
        %scan3A_103 = arith.constant 0 : i32
        scf.yield %scan3A_103 : i32
      }
      %scan3A_26 = arith.constant 68 : i32
    } else {
    }
    %barrier3A_10 = arith.constant 0 : index
    tpu.barrier barrier_id(%barrier3A_10)
    %mul3A_11 = arith.constant 625 : i32
    %mul3A_12 = arith.muli %arg1, %mul3A_11 : i32
    "tpu.region"() ({
      %run_scoped3A = tpu.sem_alloc : memref<!tpu.dma_semaphore, #tpu.memory_space<semaphore_mem>>
      %dma_start3A = arith.constant 0 : i32
      %dma_start3A_13 = arith.constant 0 : i32
      %dma_start3A_14 = arith.constant 0 : i32
      %dma_start3A_15 = tpu.memref_slice %arg6[%arg0, %dma_start3A, %dma_start3A_13, %dma_start3A_14] : memref<2x16x625x128xf32, #tpu.memory_space<hbm>> -> memref<1x16x625x128xf32, #tpu.memory_space<hbm>>
      %dma_start3A_16 = tpu.memref_squeeze %dma_start3A_15 : memref<1x16x625x128xf32, #tpu.memory_space<hbm>> -> memref<16x625x128xf32, #tpu.memory_space<hbm>>
      %dma_start3A_17 = arith.constant 0 : i32
      %dma_start3A_18 = arith.constant 0 : i32
      %dma_start3A_19 = tpu.memref_slice %dma_start3A_16[%arg1, %dma_start3A_17, %dma_start3A_18] : memref<16x625x128xf32, #tpu.memory_space<hbm>> -> memref<1x625x128xf32, #tpu.memory_space<hbm>>
      %dma_start3A_20 = tpu.memref_squeeze %dma_start3A_19 : memref<1x625x128xf32, #tpu.memory_space<hbm>> -> memref<625x128xf32, #tpu.memory_space<hbm>>
      %dma_start3A_21 = arith.constant 0 : i32
      %dma_start3A_22 = tpu.memref_slice %arg13[%mul3A_12, %dma_start3A_21] : memref<10000x128xf32, #tpu.memory_space<vmem_shared>> -> memref<625x128xf32, #tpu.memory_space<vmem_shared>>
      tpu.enqueue_dma source(%dma_start3A_22 : memref<625x128xf32, #tpu.memory_space<vmem_shared>>) target(%dma_start3A_20 : memref<625x128xf32, #tpu.memory_space<hbm>>) target_semaphore(%run_scoped3A : memref<!tpu.dma_semaphore, #tpu.memory_space<semaphore_mem>>)
      %dma_wait3A = arith.constant 0 : i32
      %dma_wait3A_23 = arith.constant 0 : i32
      %dma_wait3A_24 = arith.constant 0 : i32
      %dma_wait3A_25 = tpu.memref_slice %arg6[%arg0, %dma_wait3A, %dma_wait3A_23, %dma_wait3A_24] : memref<2x16x625x128xf32, #tpu.memory_space<hbm>> -> memref<1x16x625x128xf32, #tpu.memory_space<hbm>>
      %dma_wait3A_26 = tpu.memref_squeeze %dma_wait3A_25 : memref<1x16x625x128xf32, #tpu.memory_space<hbm>> -> memref<16x625x128xf32, #tpu.memory_space<hbm>>
      %dma_wait3A_27 = arith.constant 0 : i32
      %dma_wait3A_28 = arith.constant 0 : i32
      %dma_wait3A_29 = tpu.memref_slice %dma_wait3A_26[%arg1, %dma_wait3A_27, %dma_wait3A_28] : memref<16x625x128xf32, #tpu.memory_space<hbm>> -> memref<1x625x128xf32, #tpu.memory_space<hbm>>
      %dma_wait3A_30 = tpu.memref_squeeze %dma_wait3A_29 : memref<1x625x128xf32, #tpu.memory_space<hbm>> -> memref<625x128xf32, #tpu.memory_space<hbm>>
      %dma_wait3A_31 = arith.constant 0 : i32
      %dma_wait3A_32 = tpu.memref_slice %arg13[%mul3A_12, %dma_wait3A_31] : memref<10000x128xf32, #tpu.memory_space<vmem_shared>> -> memref<625x128xf32, #tpu.memory_space<vmem_shared>>
      tpu.wait_dma2 semaphore(%run_scoped3A : memref<!tpu.dma_semaphore, #tpu.memory_space<semaphore_mem>>) src(%dma_wait3A_32 : memref<625x128xf32, #tpu.memory_space<vmem_shared>>) dst(%dma_wait3A_30 : memref<625x128xf32, #tpu.memory_space<hbm>>)
      tpu.yield
    }) : () -> ()
    return
  }
}

module attributes {stable_mosaic.version = 14 : i64} {
  func.func @_a0_body(%arg0: i32, %arg1: memref<2x2000x128xf32, #tpu.memory_space<vmem>>, %arg2: memref<2000x128xf32, #tpu.memory_space<vmem>>, %arg3: memref<128x256xf32, #tpu.memory_space<vmem>>, %arg4: memref<2000x128xf32, #tpu.memory_space<vmem>>, %arg5: memref<2000x128xf32, #tpu.memory_space<vmem>>, %arg6: memref<2000x1xf32, #tpu.memory_space<vmem>>) attributes {dimension_semantics = [#tpu.dimension_semantics<arbitrary>], iteration_bounds = array<i64: 5>, scalar_prefetch = 0 : i64, scratch_operands = 0 : i64, tpu.core_type = #tpu.core_type<tc>, window_params = [{transform_indices = @transform_0, window_bounds = array<i64: 2, 2000, 128>}, {transform_indices = @transform_1, window_bounds = array<i64: 2000, 128>}, {pipeline_mode = #tpu.pipeline_mode<synchronous>, transform_indices = @transform_2, window_bounds = array<i64: 128, 256>}, {transform_indices = @transform_3, window_bounds = array<i64: 2000, 128>}, {transform_indices = @transform_4, window_bounds = array<i64: 2000, 128>}, {transform_indices = @transform_5, window_bounds = array<i64: 2000, 1>}]} {
    %get3A = arith.constant 0 : index
    %get3A_0 = arith.constant 0 : index
    %get3A_1 = arith.constant 0 : index
    %get3A_2 = vector.load %arg1[%get3A, %get3A_0, %get3A_1] : memref<2x2000x128xf32, #tpu.memory_space<vmem>>, vector<1x2000x1xf32>
    %get3A_3 = vector.shape_cast %get3A_2 : vector<1x2000x1xf32> to vector<2000xf32>
    %get3A_4 = arith.constant 1 : index
    %get3A_5 = arith.constant 0 : index
    %get3A_6 = arith.constant 0 : index
    %get3A_7 = vector.load %arg1[%get3A_4, %get3A_5, %get3A_6] : memref<2x2000x128xf32, #tpu.memory_space<vmem>>, vector<1x2000x1xf32>
    %get3A_8 = vector.shape_cast %get3A_7 : vector<1x2000x1xf32> to vector<2000xf32>
    %add3A = arith.addf %get3A_3, %get3A_8 : vector<2000xf32>
    %add3A_9 = arith.constant 1.000000e+00 : f32
    %add3A_10 = vector.broadcast %add3A_9 : f32 to vector<2000xf32>
    %add3A_11 = arith.addf %add3A, %add3A_10 : vector<2000xf32>
    %rsqrt3A = math.rsqrt %add3A_11 : vector<2000xf32>
    %get3A_12 = arith.constant 0 : index
    %get3A_13 = arith.constant 0 : index
    %get3A_14 = vector.load %arg2[%get3A_12, %get3A_13] : memref<2000x128xf32, #tpu.memory_space<vmem>>, vector<2000x128xf32>
    %get3A_15 = arith.constant 0 : index
    %get3A_16 = arith.constant 0 : index
    %get3A_17 = vector.load %arg3[%get3A_15, %get3A_16] : memref<128x256xf32, #tpu.memory_space<vmem>>, vector<128x256xf32>
    %dot_general3A = arith.constant dense<0.000000e+00> : vector<2000x256xf32>
    %dot_general3A_18 = tpu.matmul %get3A_14, %get3A_17, %dot_general3A {dimension_numbers = #tpu.dot_dimension_numbers<[1], [0], [0], [1], [0, 0, 1, 1], [], []>, transpose_lhs_hint = false} : vector<2000x128xf32>, vector<128x256xf32>, vector<2000x256xf32> -> vector<2000x256xf32>
    %broadcast_in_dim3A = vector.shape_cast %rsqrt3A : vector<2000xf32> to vector<2000x1xf32>
    %mul3A = vector.broadcast %broadcast_in_dim3A : vector<2000x1xf32> to vector<2000x256xf32>
    %mul3A_19 = arith.mulf %dot_general3A_18, %mul3A : vector<2000x256xf32>
    %slice3A = vector.extract_strided_slice %mul3A_19 {offsets = [0, 0], sizes = [2000, 128], strides = [1, 1]} : vector<2000x256xf32> to vector<2000x128xf32>
    %swap3A = arith.constant 0 : index
    %swap3A_20 = arith.constant 0 : index
    %swap3A_21 = vector.load %arg4[%swap3A, %swap3A_20] : memref<2000x128xf32, #tpu.memory_space<vmem>>, vector<2000x128xf32>
    tpu.vector_store %arg4[%swap3A, %swap3A_20], %slice3A {strides = array<i32>} : memref<2000x128xf32, #tpu.memory_space<vmem>>, vector<2000x128xf32>,
    %slice3A_22 = vector.extract_strided_slice %mul3A_19 {offsets = [0, 128], sizes = [2000, 128], strides = [1, 1]} : vector<2000x256xf32> to vector<2000x128xf32>
    %swap3A_23 = arith.constant 0 : index
    %swap3A_24 = arith.constant 0 : index
    %swap3A_25 = vector.load %arg5[%swap3A_23, %swap3A_24] : memref<2000x128xf32, #tpu.memory_space<vmem>>, vector<2000x128xf32>
    tpu.vector_store %arg5[%swap3A_23, %swap3A_24], %slice3A_22 {strides = array<i32>} : memref<2000x128xf32, #tpu.memory_space<vmem>>, vector<2000x128xf32>,
    %broadcast_in_dim3A_26 = vector.shape_cast %rsqrt3A : vector<2000xf32> to vector<2000x1xf32>
    %swap3A_27 = arith.constant 0 : index
    %swap3A_28 = arith.constant 0 : index
    %swap3A_29 = vector.load %arg6[%swap3A_27, %swap3A_28] : memref<2000x1xf32, #tpu.memory_space<vmem>>, vector<2000x1xf32>
    tpu.vector_store %arg6[%swap3A_27, %swap3A_28], %broadcast_in_dim3A_26 {strides = array<i32>} : memref<2000x1xf32, #tpu.memory_space<vmem>>, vector<2000x1xf32>,
    return
  }
  func.func @transform_0(%arg0: i32) -> (i32, i32, i32) {
    %c0_i32 = arith.constant 0 : i32
    %c0_i32_0 = arith.constant 0 : i32
    %c0_i32_1 = arith.constant 0 : i32
    return %c0_i32, %arg0, %c0_i32_0 : i32, i32, i32
  }
  func.func @transform_1(%arg0: i32) -> (i32, i32) {
    %c0_i32 = arith.constant 0 : i32
    %c0_i32_0 = arith.constant 0 : i32
    return %arg0, %c0_i32 : i32, i32
  }
  func.func @transform_2(%arg0: i32) -> (i32, i32) {
    %c0_i32 = arith.constant 0 : i32
    %c0_i32_0 = arith.constant 0 : i32
    %c0_i32_1 = arith.constant 0 : i32
    return %c0_i32, %c0_i32_0 : i32, i32
  }
  func.func @transform_3(%arg0: i32) -> (i32, i32) {
    %c0_i32 = arith.constant 0 : i32
    %c0_i32_0 = arith.constant 0 : i32
    return %arg0, %c0_i32 : i32, i32
  }
  func.func @transform_4(%arg0: i32) -> (i32, i32) {
    %c0_i32 = arith.constant 0 : i32
    %c0_i32_0 = arith.constant 0 : i32
    return %arg0, %c0_i32 : i32, i32
  }
  func.func @transform_5(%arg0: i32) -> (i32, i32) {
    %c0_i32 = arith.constant 0 : i32
    %c0_i32_0 = arith.constant 0 : i32
    return %arg0, %c0_i32 : i32, i32
  }
}

module attributes {stable_mosaic.version = 14 : i64} {
  func.func @_amid_body(%arg0: i32, %arg1: memref<2x2000x128xf32, #tpu.memory_space<vmem>>, %arg2: memref<2000x128xf32, #tpu.memory_space<vmem>>, %arg3: memref<2000x128xf32, #tpu.memory_space<vmem>>, %arg4: memref<2000x1xf32, #tpu.memory_space<vmem>>, %arg5: memref<1x256xf32, #tpu.memory_space<vmem>>, %arg6: memref<256x256xf32, #tpu.memory_space<vmem>>, %arg7: memref<2000x128xf32, #tpu.memory_space<vmem>>, %arg8: memref<2000x128xf32, #tpu.memory_space<vmem>>) attributes {dimension_semantics = [#tpu.dimension_semantics<arbitrary>], iteration_bounds = array<i64: 5>, scalar_prefetch = 0 : i64, scratch_operands = 0 : i64, tpu.core_type = #tpu.core_type<tc>, window_params = [{transform_indices = @transform_0, window_bounds = array<i64: 2, 2000, 128>}, {transform_indices = @transform_1, window_bounds = array<i64: 2000, 128>}, {transform_indices = @transform_2, window_bounds = array<i64: 2000, 128>}, {transform_indices = @transform_3, window_bounds = array<i64: 2000, 1>}, {pipeline_mode = #tpu.pipeline_mode<synchronous>, transform_indices = @transform_4, window_bounds = array<i64: 1, 256>}, {pipeline_mode = #tpu.pipeline_mode<synchronous>, transform_indices = @transform_5, window_bounds = array<i64: 256, 256>}, {transform_indices = @transform_6, window_bounds = array<i64: 2000, 128>}, {transform_indices = @transform_7, window_bounds = array<i64: 2000, 128>}]} {
    %get3A = arith.constant 0 : index
    %get3A_0 = arith.constant 0 : index
    %get3A_1 = vector.load %arg4[%get3A, %get3A_0] : memref<2000x1xf32, #tpu.memory_space<vmem>>, vector<2000x1xf32>
    %get3A_2 = arith.constant 0 : index
    %get3A_3 = arith.constant 0 : index
    %get3A_4 = arith.constant 0 : index
    %get3A_5 = vector.load %arg1[%get3A_2, %get3A_3, %get3A_4] : memref<2x2000x128xf32, #tpu.memory_space<vmem>>, vector<1x2000x128xf32>
    %get3A_6 = vector.shape_cast %get3A_5 : vector<1x2000x128xf32> to vector<2000x128xf32>
    %get3A_7 = arith.constant 0 : index
    %get3A_8 = arith.constant 0 : index
    %get3A_9 = vector.load %arg2[%get3A_7, %get3A_8] : memref<2000x128xf32, #tpu.memory_space<vmem>>, vector<2000x128xf32>
    %add3A = arith.addf %get3A_6, %get3A_9 : vector<2000x128xf32>
    %mul3A = vector.broadcast %get3A_1 : vector<2000x1xf32> to vector<2000x128xf32>
    %mul3A_10 = arith.mulf %add3A, %mul3A : vector<2000x128xf32>
    %get3A_11 = arith.constant 0 : index
    %get3A_12 = arith.constant 0 : index
    %get3A_13 = vector.load %arg5[%get3A_11, %get3A_12] : memref<1x256xf32, #tpu.memory_space<vmem>>, vector<1x128xf32>
    %get3A_14 = vector.shape_cast %get3A_13 : vector<1x128xf32> to vector<128xf32>
    %broadcast_in_dim3A = vector.shape_cast %get3A_14 : vector<128xf32> to vector<1x128xf32>
    %add3A_15 = vector.broadcast %broadcast_in_dim3A : vector<1x128xf32> to vector<2000x128xf32>
    %add3A_16 = arith.addf %mul3A_10, %add3A_15 : vector<2000x128xf32>
    %max3A = arith.constant 0.000000e+00 : f32
    %max3A_17 = vector.broadcast %max3A : f32 to vector<2000x128xf32>
    %max3A_18 = arith.maximumf %add3A_16, %max3A_17 : vector<2000x128xf32>
    %get3A_19 = arith.constant 1 : index
    %get3A_20 = arith.constant 0 : index
    %get3A_21 = arith.constant 0 : index
    %get3A_22 = vector.load %arg1[%get3A_19, %get3A_20, %get3A_21] : memref<2x2000x128xf32, #tpu.memory_space<vmem>>, vector<1x2000x128xf32>
    %get3A_23 = vector.shape_cast %get3A_22 : vector<1x2000x128xf32> to vector<2000x128xf32>
    %get3A_24 = arith.constant 0 : index
    %get3A_25 = arith.constant 0 : index
    %get3A_26 = vector.load %arg3[%get3A_24, %get3A_25] : memref<2000x128xf32, #tpu.memory_space<vmem>>, vector<2000x128xf32>
    %add3A_27 = arith.addf %get3A_23, %get3A_26 : vector<2000x128xf32>
    %mul3A_28 = vector.broadcast %get3A_1 : vector<2000x1xf32> to vector<2000x128xf32>
    %mul3A_29 = arith.mulf %add3A_27, %mul3A_28 : vector<2000x128xf32>
    %get3A_30 = arith.constant 0 : index
    %get3A_31 = arith.constant 128 : index
    %get3A_32 = vector.load %arg5[%get3A_30, %get3A_31] : memref<1x256xf32, #tpu.memory_space<vmem>>, vector<1x128xf32>
    %get3A_33 = vector.shape_cast %get3A_32 : vector<1x128xf32> to vector<128xf32>
    %broadcast_in_dim3A_34 = vector.shape_cast %get3A_33 : vector<128xf32> to vector<1x128xf32>
    %add3A_35 = vector.broadcast %broadcast_in_dim3A_34 : vector<1x128xf32> to vector<2000x128xf32>
    %add3A_36 = arith.addf %mul3A_29, %add3A_35 : vector<2000x128xf32>
    %max3A_37 = arith.constant 0.000000e+00 : f32
    %max3A_38 = vector.broadcast %max3A_37 : f32 to vector<2000x128xf32>
    %max3A_39 = arith.maximumf %add3A_36, %max3A_38 : vector<2000x128xf32>
    %concatenate3A = tpu.concatenate %max3A_18, %max3A_39 in 1 : vector<2000x128xf32>, vector<2000x128xf32> -> vector<2000x256xf32>
    %get3A_40 = arith.constant 0 : index
    %get3A_41 = arith.constant 0 : index
    %get3A_42 = vector.load %arg6[%get3A_40, %get3A_41] : memref<256x256xf32, #tpu.memory_space<vmem>>, vector<256x256xf32>
    %dot_general3A = arith.constant dense<0.000000e+00> : vector<2000x256xf32>
    %dot_general3A_43 = tpu.matmul %concatenate3A, %get3A_42, %dot_general3A {dimension_numbers = #tpu.dot_dimension_numbers<[1], [0], [0], [1], [0, 0, 1, 1], [], []>, transpose_lhs_hint = false} : vector<2000x256xf32>, vector<256x256xf32>, vector<2000x256xf32> -> vector<2000x256xf32>
    %mul3A_44 = vector.broadcast %get3A_1 : vector<2000x1xf32> to vector<2000x256xf32>
    %mul3A_45 = arith.mulf %dot_general3A_43, %mul3A_44 : vector<2000x256xf32>
    %slice3A = vector.extract_strided_slice %mul3A_45 {offsets = [0, 0], sizes = [2000, 128], strides = [1, 1]} : vector<2000x256xf32> to vector<2000x128xf32>
    %swap3A = arith.constant 0 : index
    %swap3A_46 = arith.constant 0 : index
    %swap3A_47 = vector.load %arg7[%swap3A, %swap3A_46] : memref<2000x128xf32, #tpu.memory_space<vmem>>, vector<2000x128xf32>
    tpu.vector_store %arg7[%swap3A, %swap3A_46], %slice3A {strides = array<i32>} : memref<2000x128xf32, #tpu.memory_space<vmem>>, vector<2000x128xf32>,
    %slice3A_48 = vector.extract_strided_slice %mul3A_45 {offsets = [0, 128], sizes = [2000, 128], strides = [1, 1]} : vector<2000x256xf32> to vector<2000x128xf32>
    %swap3A_49 = arith.constant 0 : index
    %swap3A_50 = arith.constant 0 : index
    %swap3A_51 = vector.load %arg8[%swap3A_49, %swap3A_50] : memref<2000x128xf32, #tpu.memory_space<vmem>>, vector<2000x128xf32>
    tpu.vector_store %arg8[%swap3A_49, %swap3A_50], %slice3A_48 {strides = array<i32>} : memref<2000x128xf32, #tpu.memory_space<vmem>>, vector<2000x128xf32>,
    return
  }
  func.func @transform_0(%arg0: i32) -> (i32, i32, i32) {
    %c0_i32 = arith.constant 0 : i32
    %c0_i32_0 = arith.constant 0 : i32
    %c0_i32_1 = arith.constant 0 : i32
    return %c0_i32, %arg0, %c0_i32_0 : i32, i32, i32
  }
  func.func @transform_1(%arg0: i32) -> (i32, i32) {
    %c0_i32 = arith.constant 0 : i32
    %c0_i32_0 = arith.constant 0 : i32
    return %arg0, %c0_i32 : i32, i32
  }
  func.func @transform_2(%arg0: i32) -> (i32, i32) {
    %c0_i32 = arith.constant 0 : i32
    %c0_i32_0 = arith.constant 0 : i32
    return %arg0, %c0_i32 : i32, i32
  }
  func.func @transform_3(%arg0: i32) -> (i32, i32) {
    %c0_i32 = arith.constant 0 : i32
    %c0_i32_0 = arith.constant 0 : i32
    return %arg0, %c0_i32 : i32, i32
  }
  func.func @transform_4(%arg0: i32) -> (i32, i32) {
    %c0_i32 = arith.constant 0 : i32
    %c0_i32_0 = arith.constant 0 : i32
    %c0_i32_1 = arith.constant 0 : i32
    return %c0_i32, %c0_i32_0 : i32, i32
  }
  func.func @transform_5(%arg0: i32) -> (i32, i32) {
    %c0_i32 = arith.constant 0 : i32
    %c0_i32_0 = arith.constant 0 : i32
    %c0_i32_1 = arith.constant 0 : i32
    return %c0_i32, %c0_i32_0 : i32, i32
  }
  func.func @transform_6(%arg0: i32) -> (i32, i32) {
    %c0_i32 = arith.constant 0 : i32
    %c0_i32_0 = arith.constant 0 : i32
    return %arg0, %c0_i32 : i32, i32
  }
  func.func @transform_7(%arg0: i32) -> (i32, i32) {
    %c0_i32 = arith.constant 0 : i32
    %c0_i32_0 = arith.constant 0 : i32
    return %arg0, %c0_i32 : i32, i32
  }
}

module attributes {stable_mosaic.version = 14 : i64} {
  func.func @_a3_body(%arg0: i32, %arg1: memref<2x2000x128xf32, #tpu.memory_space<vmem>>, %arg2: memref<2000x128xf32, #tpu.memory_space<vmem>>, %arg3: memref<2000x128xf32, #tpu.memory_space<vmem>>, %arg4: memref<2000x1xf32, #tpu.memory_space<vmem>>, %arg5: memref<1x256xf32, #tpu.memory_space<vmem>>, %arg6: memref<256x1xf32, #tpu.memory_space<vmem>>, %arg7: memref<1x1xf32, #tpu.memory_space<vmem>>, %arg8: memref<2000x1xf32, #tpu.memory_space<vmem>>) attributes {dimension_semantics = [#tpu.dimension_semantics<arbitrary>], iteration_bounds = array<i64: 5>, scalar_prefetch = 0 : i64, scratch_operands = 0 : i64, tpu.core_type = #tpu.core_type<tc>, window_params = [{transform_indices = @transform_0, window_bounds = array<i64: 2, 2000, 128>}, {transform_indices = @transform_1, window_bounds = array<i64: 2000, 128>}, {transform_indices = @transform_2, window_bounds = array<i64: 2000, 128>}, {transform_indices = @transform_3, window_bounds = array<i64: 2000, 1>}, {pipeline_mode = #tpu.pipeline_mode<synchronous>, transform_indices = @transform_4, window_bounds = array<i64: 1, 256>}, {pipeline_mode = #tpu.pipeline_mode<synchronous>, transform_indices = @transform_5, window_bounds = array<i64: 256, 1>}, {pipeline_mode = #tpu.pipeline_mode<synchronous>, transform_indices = @transform_6, window_bounds = array<i64: 1, 1>}, {transform_indices = @transform_7, window_bounds = array<i64: 2000, 1>}]} {
    %get3A = arith.constant 0 : index
    %get3A_0 = arith.constant 0 : index
    %get3A_1 = vector.load %arg4[%get3A, %get3A_0] : memref<2000x1xf32, #tpu.memory_space<vmem>>, vector<2000x1xf32>
    %get3A_2 = arith.constant 0 : index
    %get3A_3 = arith.constant 0 : index
    %get3A_4 = arith.constant 0 : index
    %get3A_5 = vector.load %arg1[%get3A_2, %get3A_3, %get3A_4] : memref<2x2000x128xf32, #tpu.memory_space<vmem>>, vector<1x2000x128xf32>
    %get3A_6 = vector.shape_cast %get3A_5 : vector<1x2000x128xf32> to vector<2000x128xf32>
    %get3A_7 = arith.constant 0 : index
    %get3A_8 = arith.constant 0 : index
    %get3A_9 = vector.load %arg2[%get3A_7, %get3A_8] : memref<2000x128xf32, #tpu.memory_space<vmem>>, vector<2000x128xf32>
    %add3A = arith.addf %get3A_6, %get3A_9 : vector<2000x128xf32>
    %mul3A = vector.broadcast %get3A_1 : vector<2000x1xf32> to vector<2000x128xf32>
    %mul3A_10 = arith.mulf %add3A, %mul3A : vector<2000x128xf32>
    %get3A_11 = arith.constant 0 : index
    %get3A_12 = arith.constant 0 : index
    %get3A_13 = vector.load %arg5[%get3A_11, %get3A_12] : memref<1x256xf32, #tpu.memory_space<vmem>>, vector<1x128xf32>
    %get3A_14 = vector.shape_cast %get3A_13 : vector<1x128xf32> to vector<128xf32>
    %broadcast_in_dim3A = vector.shape_cast %get3A_14 : vector<128xf32> to vector<1x128xf32>
    %add3A_15 = vector.broadcast %broadcast_in_dim3A : vector<1x128xf32> to vector<2000x128xf32>
    %add3A_16 = arith.addf %mul3A_10, %add3A_15 : vector<2000x128xf32>
    %max3A = arith.constant 0.000000e+00 : f32
    %max3A_17 = vector.broadcast %max3A : f32 to vector<2000x128xf32>
    %max3A_18 = arith.maximumf %add3A_16, %max3A_17 : vector<2000x128xf32>
    %get3A_19 = arith.constant 1 : index
    %get3A_20 = arith.constant 0 : index
    %get3A_21 = arith.constant 0 : index
    %get3A_22 = vector.load %arg1[%get3A_19, %get3A_20, %get3A_21] : memref<2x2000x128xf32, #tpu.memory_space<vmem>>, vector<1x2000x128xf32>
    %get3A_23 = vector.shape_cast %get3A_22 : vector<1x2000x128xf32> to vector<2000x128xf32>
    %get3A_24 = arith.constant 0 : index
    %get3A_25 = arith.constant 0 : index
    %get3A_26 = vector.load %arg3[%get3A_24, %get3A_25] : memref<2000x128xf32, #tpu.memory_space<vmem>>, vector<2000x128xf32>
    %add3A_27 = arith.addf %get3A_23, %get3A_26 : vector<2000x128xf32>
    %mul3A_28 = vector.broadcast %get3A_1 : vector<2000x1xf32> to vector<2000x128xf32>
    %mul3A_29 = arith.mulf %add3A_27, %mul3A_28 : vector<2000x128xf32>
    %get3A_30 = arith.constant 0 : index
    %get3A_31 = arith.constant 128 : index
    %get3A_32 = vector.load %arg5[%get3A_30, %get3A_31] : memref<1x256xf32, #tpu.memory_space<vmem>>, vector<1x128xf32>
    %get3A_33 = vector.shape_cast %get3A_32 : vector<1x128xf32> to vector<128xf32>
    %broadcast_in_dim3A_34 = vector.shape_cast %get3A_33 : vector<128xf32> to vector<1x128xf32>
    %add3A_35 = vector.broadcast %broadcast_in_dim3A_34 : vector<1x128xf32> to vector<2000x128xf32>
    %add3A_36 = arith.addf %mul3A_29, %add3A_35 : vector<2000x128xf32>
    %max3A_37 = arith.constant 0.000000e+00 : f32
    %max3A_38 = vector.broadcast %max3A_37 : f32 to vector<2000x128xf32>
    %max3A_39 = arith.maximumf %add3A_36, %max3A_38 : vector<2000x128xf32>
    %concatenate3A = tpu.concatenate %max3A_18, %max3A_39 in 1 : vector<2000x128xf32>, vector<2000x128xf32> -> vector<2000x256xf32>
    %get3A_40 = arith.constant 0 : index
    %get3A_41 = arith.constant 0 : index
    %get3A_42 = vector.load %arg6[%get3A_40, %get3A_41] : memref<256x1xf32, #tpu.memory_space<vmem>>, vector<256x1xf32>
    %dot_general3A = arith.constant dense<0.000000e+00> : vector<2000x1xf32>
    %dot_general3A_43 = tpu.matmul %concatenate3A, %get3A_42, %dot_general3A {dimension_numbers = #tpu.dot_dimension_numbers<[1], [0], [0], [1], [0, 0, 1, 1], [], []>, transpose_lhs_hint = false} : vector<2000x256xf32>, vector<256x1xf32>, vector<2000x1xf32> -> vector<2000x1xf32>
    %get3A_44 = arith.constant 0 : index
    %get3A_45 = arith.constant 0 : index
    %get3A_46 = vector.load %arg7[%get3A_44, %get3A_45] : memref<1x1xf32, #tpu.memory_space<vmem>>, vector<1x1xf32>
    %get3A_47 = vector.extract %get3A_46[0, 0] : f32 from vector<1x1xf32>
    %add3A_48 = vector.broadcast %get3A_47 : f32 to vector<2000x1xf32>
    %add3A_49 = arith.addf %dot_general3A_43, %add3A_48 : vector<2000x1xf32>
    %swap3A = arith.constant 0 : index
    %swap3A_50 = arith.constant 0 : index
    %swap3A_51 = vector.load %arg8[%swap3A, %swap3A_50] : memref<2000x1xf32, #tpu.memory_space<vmem>>, vector<2000x1xf32>
    tpu.vector_store %arg8[%swap3A, %swap3A_50], %add3A_49 {strides = array<i32>} : memref<2000x1xf32, #tpu.memory_space<vmem>>, vector<2000x1xf32>,
    return
  }
  func.func @transform_0(%arg0: i32) -> (i32, i32, i32) {
    %c0_i32 = arith.constant 0 : i32
    %c0_i32_0 = arith.constant 0 : i32
    %c0_i32_1 = arith.constant 0 : i32
    return %c0_i32, %arg0, %c0_i32_0 : i32, i32, i32
  }
  func.func @transform_1(%arg0: i32) -> (i32, i32) {
    %c0_i32 = arith.constant 0 : i32
    %c0_i32_0 = arith.constant 0 : i32
    return %arg0, %c0_i32 : i32, i32
  }
  func.func @transform_2(%arg0: i32) -> (i32, i32) {
    %c0_i32 = arith.constant 0 : i32
    %c0_i32_0 = arith.constant 0 : i32
    return %arg0, %c0_i32 : i32, i32
  }
  func.func @transform_3(%arg0: i32) -> (i32, i32) {
    %c0_i32 = arith.constant 0 : i32
    %c0_i32_0 = arith.constant 0 : i32
    return %arg0, %c0_i32 : i32, i32
  }
  func.func @transform_4(%arg0: i32) -> (i32, i32) {
    %c0_i32 = arith.constant 0 : i32
    %c0_i32_0 = arith.constant 0 : i32
    %c0_i32_1 = arith.constant 0 : i32
    return %c0_i32, %c0_i32_0 : i32, i32
  }
  func.func @transform_5(%arg0: i32) -> (i32, i32) {
    %c0_i32 = arith.constant 0 : i32
    %c0_i32_0 = arith.constant 0 : i32
    %c0_i32_1 = arith.constant 0 : i32
    return %c0_i32, %c0_i32_0 : i32, i32
  }
  func.func @transform_6(%arg0: i32) -> (i32, i32) {
    %c0_i32 = arith.constant 0 : i32
    %c0_i32_0 = arith.constant 0 : i32
    %c0_i32_1 = arith.constant 0 : i32
    return %c0_i32, %c0_i32_0 : i32, i32
  }
  func.func @transform_7(%arg0: i32) -> (i32, i32) {
    %c0_i32 = arith.constant 0 : i32
    %c0_i32_0 = arith.constant 0 : i32
    return %arg0, %c0_i32 : i32, i32
  }
}

</mosaic_0001>

<sc_bundles>
// kernel: kernel.10.cloned.1.call-start
scs
__scs_entry_jumppad:
0x0: {  	(pc) =	sbr.rel $0x88, $3  }
0x1: {  	(tag) =	ssettag $0x0;
	lr =	simm.s32 $0x1  }
0x2: {  	[smem:$0x3F97] =	sst lr;
	_ =	strace $0xD0000000  }
0x3: {  	_ = 	snop  }
0x4: {  	_ = 	snop  }
0x5: {  	_ = 	snop  }
0x6: {  	_ = 	snop  }
0x7: {  	_ = 	snop  }
__scs_overlays_trampoline_lowered:
0x8: {  	[smem:$0x3FA6] =	sst s0  }
0x9: {  	[smem:$0x3FA7] =	sst s1  }
0xa: {  	[smem:$0x3FA8] =	sst s2  }
0xb: {  	[smem:$0x3FA9] =	sst s3  }
0xc: {  	[smem:$0x3FAA] =	sst s4  }
0xd: {  	[smem:$0x3FAB] =	sst s5  }
0xe: {  	[smem:$0x3FAC] =	sst s6  }
0xf: {  	[smem:$0x3FAD] =	sst s7  }
0x10: {  	[smem:$0x3FAE] =	sst s8  }
0x11: {  	[smem:$0x3FAF] =	sst s9;
	s0 =	simm.s32 @!p0 $0x0  }
0x12: {  	s1 =	sld [smem:$0x3F95];
	s0 =	simm.s32 @p0 $0x1  }
0x13: {  	[smem:$0x3FB0] =	sst s0;
	s0 =	simm.s32 @!p1 $0x0  }
0x14: {  	s2 =	sld [smem:$0x3F94];
	s0 =	simm.s32 @p1 $0x1  }
0x15: {  	[smem:$0x3FB1] =	sst s0;
	s0 =	simm.s32 @!p2 $0x0  }
0x16: {  	s3 =	sld [smem:$0x3FDB];
	s0 =	simm.s32 @p2 $0x1  }
0x17: {  	s4 =	simm.s32 $0x1BF5;
	[smem:$0x3FB3] =	sst s0  }
0x18: {  	s0 =	sld [smem:$0x3F96];
	_ =	swait.ge [sflag:s4], $0x0  }
0x19: {  	s7 =	sld [smem:$0x3F97]  }
0x1a: {  	s8 =	sadd.s32 $0xFFFFE003, lr  }
0x1b: {  	s9 =	sadd.s32 $0xFFFFFEF7, lr;
	s5 =	simm.s32 $0xFFFFFFFF;
	p2 =	slt.u32 s8, $0xFFFFF086  }
0x1c: {  	p1 =	slt.u32 s9, $0xF7A;
	s5 =	simm.s32 @!p2 $0x0  }
0x1d: {  	s5 =	simm.s32 @p1 $0x1;
	p0 =	seq.s32 s7, s2  }
0x1e: {  	s7 =	smul.u32 @!p0 $0xF7A, s2;
	p2 =	seq.s32 @!p0 s5, $0x0  }
0x1f: {  	s9 =	smul.u32 $0xF7A, s1;
	s8 =	simm.s32 @!p0 $0x1BF5;
	p2 =	por !p2, p0  }
0x20: {  	[sflag:s8] =	ssyncset.s32 @!p0 $0xFFFFF086;
	s6 =	sadd.s32 @!p0 s3, s7;
	s7 =	simm.s32 @!p0 $0x108  }
0x21: {  	s3 =	sadd.s32 s3, s9;
	s6 =	sadd.s32 @!p0 $0x88, s6;
	s7 =	simm.s32 @p2 $0x1082  }
0x22: {  	[simem:s7], [sflag:s8] =	dma.local @!p0 [hbm:s6], $0xF7A  }
0x23: {  	s9 =	sor.u32 $0xD0000000, s2;
	s6 =	simm.s32 $0x108;
	_ =	swait.ge @!p0 [sflag:s8], $0x0  }
0x24: {  	s3 =	sadd.s32 $0x88, s3;
	s6 =	simm.s32 @!p1 $0x1082;
	[sflag:s4] =	ssyncset.s32 $0xFFFFF086  }
0x25: {  	[simem:s6], [sflag:s4] =	dma.local [hbm:s3], $0xF7A  }
0x26: {  	[smem:$0x3F97] =	sst s1;
	(tag) =	ssettag s2;
	_ =	strace s9  }
0x27: {  	s1 =	sld [smem:$0x3FA7]  }
0x28: {  	s2 =	sld [smem:$0x3FA8]  }
0x29: {  	s4 =	sld [smem:$0x3FAA]  }
0x2a: {  	p0 =	seq.s32 s5, $0x0;
	s5 =	sld [smem:$0x3FAB]  }
0x2b: {  	s6 =	sld [smem:$0x3FAC]  }
0x2c: {  	s7 =	sld [smem:$0x3FAD]  }
0x2d: {  	s3 =	simm.s32 $0x108;
	s8 =	sld [smem:$0x3FAE]  }
0x2e: {  	s3 =	simm.s32 @!p0 $0x1082;
	s9 =	sld [smem:$0x3FAF]  }
0x2f: {  	lr =	sadd.s32 s0, s3;
	s0 =	sld [smem:$0x3FA6]  }
0x30: {  	s3 =	sld [smem:$0x3FA9]  }
0x31: {  	[smem:$0x3FB2] =	sst s10  }
0x32: {  	s10 =	sld [smem:$0x3FB0];
	_ =	sdelay $0x3  }
0x33: {  	p0 =	seq.s32 s10, $0x1;
	s10 =	sld [smem:$0x3FB2];
	_ =	sdelay $0x3  }
0x34: {  	[smem:$0x3FB2] =	sst s10  }
0x35: {  	s10 =	sld [smem:$0x3FB1];
	_ =	sdelay $0x3  }
0x36: {  	p1 =	seq.s32 s10, $0x1;
	s10 =	sld [smem:$0x3FB2];
	_ =	sdelay $0x3  }
0x37: {  	[smem:$0x3FB2] =	sst s10  }
0x38: {  	s10 =	sld [smem:$0x3FB3]  }
0x39: {  	_ = 	snop;
	(pc) =	sbr.ind lr, $3  }
0x3a: {  	_ = 	snop  }
0x3b: {  	_ = 	snop  }
0x3c: {  	p2 =	seq.s32 s10, $0x1;
	s10 =	sld [smem:$0x3FB2]  }
0x3d: {  	_ =	shalt  }
0x3e: {  	_ =	shalt  }
0x3f: {  	_ =	shalt  }
0x40: {  	_ =	shalt  }
0x41: {  	_ =	shalt  }
0x42: {  	_ =	shalt  }
0x43: {  	_ =	shalt  }
0x44: {  	_ =	shalt  }
0x45: {  	_ =	shalt  }
0x46: {  	_ =	shalt  }
0x47: {  	_ =	shalt  }
0x48: {  	_ =	shalt  }
0x49: {  	_ =	shalt  }
0x4a: {  	_ =	shalt  }
0x4b: {  	_ =	shalt  }
0x4c: {  	_ =	shalt  }
0x4d: {  	_ =	shalt  }
0x4e: {  	_ =	shalt  }
0x4f: {  	_ =	shalt  }
0x50: {  	_ =	shalt  }
0x51: {  	_ =	shalt  }
0x52: {  	_ =	shalt  }
0x53: {  	_ =	shalt  }
0x54: {  	_ =	shalt  }
0x55: {  	_ =	shalt  }
0x56: {  	_ =	shalt  }
0x57: {  	_ =	shalt  }
0x58: {  	_ =	shalt  }
0x59: {  	_ =	shalt  }
0x5a: {  	_ =	shalt  }
0x5b: {  	_ =	shalt  }
0x5c: {  	_ =	shalt  }
0x5d: {  	_ =	shalt  }
0x5e: {  	_ =	shalt  }
0x5f: {  	_ =	shalt  }
0x60: {  	_ =	shalt  }
0x61: {  	_ =	shalt  }
0x62: {  	_ =	shalt  }
0x63: {  	_ =	shalt  }
0x64: {  	_ =	shalt  }
0x65: {  	_ =	shalt  }
0x66: {  	_ =	shalt  }
0x67: {  	_ =	shalt  }
0x68: {  	_ =	shalt  }
0x69: {  	_ =	shalt  }
0x6a: {  	_ =	shalt  }
0x6b: {  	_ =	shalt  }
0x6c: {  	_ =	shalt  }
0x6d: {  	_ =	shalt  }
0x6e: {  	_ =	shalt  }
0x6f: {  	_ =	shalt  }
0x70: {  	_ =	shalt  }
0x71: {  	_ =	shalt  }
0x72: {  	_ =	shalt  }
0x73: {  	_ =	shalt  }
0x74: {  	_ =	shalt  }
0x75: {  	_ =	shalt  }
0x76: {  	_ =	shalt  }
0x77: {  	_ =	shalt  }
0x78: {  	_ =	shalt  }
0x79: {  	_ =	shalt  }
0x7a: {  	_ =	shalt  }
0x7b: {  	_ =	shalt  }
0x7c: {  	_ =	shalt  }
0x7d: {  	_ =	shalt  }
0x7e: {  	_ =	shalt  }
0x7f: {  	_ =	shalt  }
0x80: {  	_ =	shalt  }
0x81: {  	_ =	shalt  }
0x82: {  	_ =	shalt  }
0x83: {  	_ =	shalt  }
0x84: {  	_ =	shalt  }
0x85: {  	_ =	shalt  }
0x86: {  	_ =	shalt  }
0x87: {  	_ =	shalt  }
.Lfunc_end0:
.L_simem_size_0:
called_computation_lowered:
.L_overlay_start_0:
0x88: {  	s2 =	sld [smem:$0x3FD9]  }
0x89: {  	s3 =	sld [smem:$0x3FFE];
	_ =	sdelay $0x1  }
0x8a: {  	s1 =	srdreg.scid  }
0x8b: {  	s0 =	sand.u32 $0x1, s1  }
0x8c: {  	s16 =	sshll.u32 s0, $0xA;
	s2 =	sadd.s32 s3, s2  }
0x8d: {  	s2 =	sadd.s32 s2, s16  }
0x8e: {  	[smem:$0x3FBE] =	sst s2  }
0x8f: {  	_ = 	snop  }
0x90: {  	(tm) =	ssettm $0x1  }
0x91: {  	s17 =	sld [smem:$0x3FFB];
	_ =	sdelay $0x3  }
0x92: {  	_ =	strace s17  }
0x93: {  	s2 =	sld [smem:$0x3FFC];
	_ =	sdelay $0x3  }
0x94: {  	_ =	strace s2  }
0x95: {  	s2 =	sld [smem:$0x3FFD];
	_ =	sdelay $0x3  }
0x96: {  	_ =	strace s2  }
0x97: {  	_ =	strace $0x8FFFFFFF  }
0x98: {  	s18 =	sld [smem:$0x3FDB];
	_ =	sdelay $0x1  }
0x99: {  	s19 =	simm.s32 $_scs_section_size  }
0x9a: {  	s4 =	simm.s32 $_size__tile_overlayer_lowered;
	s5 =	simm.s32 $_tile_overlayer_lowered  }
0x9b: {  	s22 =	simm.s32 $0x1BFF;
	s21 =	sshll.u32 s5, $0x1;
	s2 =	sadd.s32 s19, s18  }
0x9c: {  	s6 =	simm.s32 $0x0;
	s20 =	sshll.u32 s4, $0x1;
	s4 =	sadd.s32 s21, s2  }
0x9d: {  	[timem:s6], [sflag:s22] =	dma.local [hbm:s4], s20  }
0x9e: {  	_ =	swait.ge [sflag:s22], s20  }
0x9f: {  	s3 =	ssub.s32 $0x0, s20;
	[sflag:s22] =	ssyncset.done $0x0  }
0xa0: {  	[sflag:s22] =	ssyncadd.s32 s3;
	_ =	sdelay $0x1  }
0xa1: {  	s23 =	simm.s32 $0x1B8B  }
0xa2: {  	_ =	swait.ge [sflag:s23], $0x1  }
0xa3: {  	[sflag:s23] =	ssyncset.done $0x0  }
0xa4: {  	s25 =	simm.s32 $0x1B8E;
	s24 =	sld [smem:$0x3FFE];
	[sflag:s23] =	ssyncadd.s32 $0xFFFFFFFF  }
0xa5: {  	s26 =	simm.s32 $execute0_lowered;
	[smem:$0x3FD2] =	sst s25  }
0xa6: {  	s4 =	sshll.u32 s26, $0x1;
	_ =	strace $0x80000046;
	[dreg:$0x1] =	wrdreg $0xFFFFFFFF  }
0xa7: {  	s28 =	simm.s32 $_size_execute0_lowered;
	s2 =	sadd.s32 s2, s4;
	[dreg:$0x0] =	wrdreg $0x0  }
0xa8: {  	s4 =	sshll.u32 s28, $0x1;
	[dreg:$0x2] =	wrdreg s2  }
0xa9: {  	[dreg:$0x3] =	wrdreg s4  }
0xaa: {  	[dreg:$0x4] =	wrdreg $0xC0  }
0xab: {  	_ =	task [dreg:s6], $0x5FFFF  }
0xac: {  	[dreg:$0x1] =	wrdreg $0xFFFFFFFF  }
0xad: {  	[dreg:$0x0] =	wrdreg $0x60  }
0xae: {  	[dreg:$0x2] =	wrdreg s24  }
0xaf: {  	[dreg:$0x3] =	wrdreg $0x9F000  }
0xb0: {  	[dreg:$0x4] =	wrdreg $0x9  }
0xb1: {  	_ =	task.clear_ibuf [dreg:s6], $0x5FFFF;
	_ =	strace $0x90000046  }
0xb2: {  	s29 =	simm.s32 $0x9;
	_ =	strace $0x80000048  }
0xb3: {  	_ =	swait.ge [sflag:s29], $0x1  }
0xb4: {  	[sflag:s29] =	ssyncadd.s32 $0xFFFFFFFF  }
0xb5: {  	_ =	strace $0x90000048  }
0xb6: {  	_ =	sfence  }
0xb7: {  	s30 =	sld [smem:$0x0];
	_ =	sdelay $0x2  }
0xb8: {  	s31 =	sshll.u32 s1, $0xD;
	s1 =	sshrl.u32 s1, $0x2  }
0xb9: {  	s3 =	sand.u32 $0x4000, s31;
	s1 =	sadd.s32 s1, s30  }
0xba: {  	s0 =	sor.u32 s3, s0;
	s1 =	sshll.u32 s1, $0x11  }
0xbb: {  	s0 =	sor.u32 s1, s0  }
0xbc: {  	s0 =	sadd.s32 $0x8F2B, s0  }
0xbd: {  	[sflag:s0] =	ssyncadd.remote.s32 $0x1  }
0xbe: {  	_ =	sfence.sel $0xFFFF  }
0xbf: {  	[dreg:$0x0] =	wrdreg $0xFFFFFFFF;
	(pc) =	sbr.abs _section_cstart, $3  }
0xc0: {  	[dreg:$0x1] =	wrdreg $0xFFFFFFFF  }
0xc1: {  	_ =	task.clear_ibuf [dreg:s6], $0x2FFFF;
	_ =	strace $0x9FFFFFFF  }
0xc2: {  	(tm) =	ssettm $0x7FFFFFFF  }
0xc3: {  	_ =	shalt  }
tec
execute0_lowered:
.L_overlay_start_1:
0x0: {  	(tag) =	ssettag $0x1  }
0x1: {  	s0 =	rddreg [dreg:$0x0]  }
0x2: {  	s1 =	rddreg [dreg:$0x1];
	s2 =	simm.s32 $0x0;
	s3 =	srdreg.scid  }
0x3: {  	s23 =	stileid.u32;
	s15 =	simm.s32 $0x4;
	s16 =	simm.s32 $0x5  }
0x4: {  	s17 =	simm.s32 $0x6;
	s18 =	simm.s32 $0x100;
	s19 =	simm.s32 $0x1  }
0x5: {  	s20 =	simm.s32 $0x200;
	s21 =	simm.s32 $0x2;
	s22 =	simm.s32 $0x64  }
0x6: {  	s29 =	simm.s32 $0x0;
	[smem:$0x7FF] =	sst s2;
	s6 =	sand.u32 $0x1, s3  }
0x7: {  	s9 =	sadd.s32 $0x6400, s0;
	s8 =	smul.u32 $0x4E200, s23;
	s5 =	sadd.s32 $0x1F400, s0  }
0x8: {  	s12 =	smul.u32 $0x64, s23;
	s26 =	sshll.u32 s23, $0x6;
	_ =	strace $0x80000047  }
0x9: {  	s7 =	smul.u32 $0x27800, s6;
	s4 =	sshll.u32 s6, $0x4;
	[dreg:$0x3] =	wrdreg s5  }
0xa: {  	s24 =	ssub.s32 $0x2, s6;
	s11 =	smul.u32 $0x640, s6;
	s6 =	sor.u32 $0x1C07, s26  }
0xb: {  	s10 =	sor.u32 s23, s4;
	s4 =	sadd.s32 $0x21C00, s0;
	s25 =	sshrl.u32 s24, $0x1  }
0xc: {  	s8 =	sshrl.u32 s8, $0x2;
	s10 =	smul.u32 $0xC80, s10;
	s0 =	sadd.s32 s7, s0  }
0xd: {  	s13 =	ssub.s32 s24, s25;
	s14 =	sadd.s32 s8, s1;
	s30 =	sadd.s32 s12, s11  }
0xe: {  	s24 =	smul.u32 $0x2780, s23;
	s11 =	simm.s32 $0x7;
	s12 =	simm.s32 $0x300  }
0xf: {  	s23 =	simm.s32 $0x80;
	s25 =	simm.s32 $0x3;
	s0 =	sadd.s32 $0x22400, s0  }
0x10: {  	s31 =	sshll.u32 s30, $0x5;
	s8 =	smax.u32 s13, $0x1;
	s13 =	simm.s32 $0x3700  }
0x11: {  	s28 =	sadd.s32 s9, s10;
	s9 =	sadd.s32 s31, s9;
	s10 =	sshrl.u32 s14, $0x3  }
0x12: {  	s14 =	simm.s32 $0x6B00;
	s24 =	sadd.s32 s24, s0;
	[dreg:$0x4] =	wrdreg s28  }
.LBB2_1:
0x13: {  	s0 =	rddreg [dreg:$0x3]  }
0x14: {  	[spmem:s10], [sflag:s6] =	dma.local [hbm:s0], $0x2710  }
0x15: {  	_ =	swait.ge [sflag:s11], $0x2710  }
0x16: {  	[sflag:s11] =	ssyncset.done $0x0  }
0x17: {  	[sflag:s11] =	ssyncadd.s32 $0xFFFFD8F0  }
0x18: {  	[bflag:$0x0] =	sbarrier.arrive $0xFFFF  }
0x19: {  	[tilespmem:s12], [sflag:$0x4] =	stream.linear.gather [hbm4b:s4+s2], $0x3200, $0x38;
	[tilespmem:$0x1D780] =	vst v63  }
0x1a: {  	_ = 	snop  }
0x1b: {  	[tilespmem:s13], [sflag:$0x5] =	stream.linear.gather [hbm4b:s4+s2], $0x3200, $0x38;
	[tilespmem:$0x1D780] =	vst v63  }
0x1c: {  	_ = 	snop  }
0x1d: {  	[tilespmem:s14], [sflag:$0x6] =	stream.linear.gather [hbm4b:s4+s2], $0x3200, $0x38;
	[tilespmem:$0x1D780] =	vst v63  }
0x1e: {  	_ =	swait.ge [sflag:s15], $0x3200  }
0x1f: {  	[sflag:s15] =	ssyncset.done $0x0  }
0x20: {  	[sflag:s15] =	ssyncadd.s32 $0xFFFFCE00  }
0x21: {  	_ =	swait.ge [sflag:s16], $0x3200  }
0x22: {  	[sflag:s16] =	ssyncset.done $0x0  }
0x23: {  	[sflag:s16] =	ssyncadd.s32 $0xFFFFCE00  }
0x24: {  	_ =	swait.ge [sflag:s17], $0x3200  }
0x25: {  	p0 =	por $0x1, $0x1;
	[sflag:s17] =	ssyncset.done $0x0  }
0x26: {  	s0 =	simm.s32 @!p0 $0x64;
	s26 =	rddreg [dreg:$0x4];
	[sflag:s17] =	ssyncadd.s32 $0xFFFFCE00  }
0x27: {  	[tilespmem:s2], [sflag:$0x1] =	stream.linear.gather [hbm4b:s26+s2], $0x100, $0x38;
	[tilespmem:$0x1D780] =	vst v63  }
0x28: {  	s30 =	simm.s32 @!p0 $0x180;
	s31 =	simm.s32 @!p0 $0x3700;
	s3 =	simm.s32 @!p0 $0x7  }
0x29: {  	[spmem:s1] =	stream.indirect.scatter.add.f32 @!p0 [tilespmem:s31], [sflag:$0x7], $0x80, s30, s0, $0xb8;
	[tilespmem:$0x1D780] =	vst v63  }
0x2a: {  	_ =	swait.ge @!p0 [sflag:s3], $0x3200  }
0x2b: {  	s28 =	sadd.s32 $0x0, s9;
	[sflag:s3] =	ssyncset.done @!p0 $0x0  }
0x2c: {  	s30 =	sadd.s32 $0x20, s28;
	[sflag:s3] =	ssyncadd.s32 @!p0 $0xFFFFCE00  }
0x2d: {  	[tilespmem:s18], [sflag:$0x2] =	stream.linear.gather [hbm4b:s30+s2], $0x100, $0x38;
	[tilespmem:$0x1D780] =	vst v63  }
0x2e: {  	p0 =	por $0x1, $0x1;
	_ =	swait.ge [sflag:s19], $0x100  }
0x2f: {  	s3 =	simm.s32 @!p0 $0x64;
	[sflag:s19] =	ssyncset.done $0x0  }
0x30: {  	s30 =	simm.s32 @!p0 $0x6B00;
	s31 =	simm.s32 @!p0 $0x280;
	[sflag:s19] =	ssyncadd.s32 $0xFFFFFF00  }
0x31: {  	[spmem:s1] =	stream.indirect.scatter.add.f32 @!p0 [tilespmem:s30], [sflag:$0x7], $0x80, s31, s3, $0xb8;
	[tilespmem:$0x1D780] =	vst v63  }
0x32: {  	s3 =	simm.s32 @!p0 $0x7  }
0x33: {  	_ =	swait.ge @!p0 [sflag:s3], $0x3200  }
0x34: {  	[sflag:s3] =	ssyncset.done @!p0 $0x0  }
0x35: {  	s30 =	sadd.s32 $0x40, s28;
	[sflag:s3] =	ssyncadd.s32 @!p0 $0xFFFFCE00  }
0x36: {  	[tilespmem:s20], [sflag:$0x3] =	stream.linear.gather [hbm4b:s30+s2], $0x100, $0x38;
	[tilespmem:$0x1D780] =	vst v63  }
0x37: {  	_ =	swait.ge [sflag:s21], $0x100  }
0x38: {  	[sflag:s21] =	ssyncset.done $0x0  }
0x39: {  	[sflag:s21] =	ssyncadd.s32 $0xFFFFFF00  }
0x3a: {  	[spmem:s1] =	stream.indirect.scatter.add.f32 [tilespmem:s12], [sflag:$0x7], $0x80, s23, s22, $0xb8;
	[tilespmem:$0x1D780] =	vst v63  }
0x3b: {  	_ =	swait.ge [sflag:s11], $0x3200  }
0x3c: {  	p1 =	por $0x0, $0x0;
	[sflag:s11] =	ssyncset.done $0x0  }
0x3d: {  	s0 =	sadd.s32 $0x60, s28;
	s31 =	simm.s32 $0x60;
	[sflag:s11] =	ssyncadd.s32 $0xFFFFCE00  }
0x3e: {  	[tilespmem:s2], [sflag:$0x1] =	stream.linear.gather [hbm4b:s0+s2], $0x100, $0x38;
	[tilespmem:$0x1D780] =	vst v63  }
0x3f: {  	s30 =	simm.s32 $0x1;
	s0 =	simm.s32 $0xC0;
	_ =	swait.ge [sflag:s25], $0x100  }
.LBB2_2:
0x40: {  	s3 =	simm.s32 @!p1 $0x64  }
0x41: {  	s26 =	simm.s32 @!p1 $0x180;
	[sflag:s25] =	ssyncset.done $0x0;
	s28 =	smov.u32 s0  }
0x42: {  	s5 =	simm.s32 @!p1 $0x3700;
	s7 =	simm.s32 @!p1 $0x7;
	[sflag:s25] =	ssyncadd.s32 $0xFFFFFF00  }
0x43: {  	[spmem:s1] =	stream.indirect.scatter.add.f32 @!p1 [tilespmem:s5], [sflag:$0x7], $0x80, s26, s3, $0xb8;
	[tilespmem:$0x1D780] =	vst v63  }
0x44: {  	s0 =	sadd.s32 $0x60, s0;
	s3 =	sadd.s32 s31, s9;
	_ =	swait.ge @!p1 [sflag:s7], $0x3200  }
0x45: {  	p0 =	sne.s32 s0, $0xC60;
	s5 =	sadd.s32 $0x20, s3;
	[sflag:s7] =	ssyncset.done @!p1 $0x0  }
0x46: {  	s31 =	smov.u32 s28;
	[sflag:s7] =	ssyncadd.s32 @!p1 $0xFFFFCE00;
	s7 =	sadd.s32 $0x1, s30  }
0x47: {  	[tilespmem:s18], [sflag:$0x2] =	stream.linear.gather [hbm4b:s5+s2], $0x100, $0x38;
	[tilespmem:$0x1D780] =	vst v63  }
0x48: {  	p1 =	sgt.u32 s7, $0x63;
	_ =	swait.ge [sflag:s19], $0x100  }
0x49: {  	s5 =	simm.s32 @!p1 $0x64;
	s7 =	simm.s32 @!p1 $0x6B00;
	[sflag:s19] =	ssyncset.done $0x0  }
0x4a: {  	s26 =	simm.s32 @!p1 $0x280;
	s28 =	simm.s32 @!p1 $0x7;
	[sflag:s19] =	ssyncadd.s32 $0xFFFFFF00  }
0x4b: {  	[spmem:s1] =	stream.indirect.scatter.add.f32 @!p1 [tilespmem:s7], [sflag:$0x7], $0x80, s26, s5, $0xb8;
	[tilespmem:$0x1D780] =	vst v63  }
0x4c: {  	_ =	swait.ge @!p1 [sflag:s28], $0x3200  }
0x4d: {  	s5 =	sadd.s32 $0x40, s3;
	[sflag:s28] =	ssyncset.done @!p1 $0x0  }
0x4e: {  	[sflag:s28] =	ssyncadd.s32 @!p1 $0xFFFFCE00  }
0x4f: {  	[tilespmem:s20], [sflag:$0x3] =	stream.linear.gather [hbm4b:s5+s2], $0x100, $0x38;
	[tilespmem:$0x1D780] =	vst v63  }
0x50: {  	_ =	swait.ge [sflag:s21], $0x100  }
0x51: {  	[sflag:s21] =	ssyncset.done $0x0  }
0x52: {  	[sflag:s21] =	ssyncadd.s32 $0xFFFFFF00  }
0x53: {  	[spmem:s1] =	stream.indirect.scatter.add.f32 [tilespmem:s12], [sflag:$0x7], $0x80, s23, s22, $0xb8;
	[tilespmem:$0x1D780] =	vst v63  }
.Ltmp0:
0x54: {  	_ =	swait.ge [sflag:s11], $0x3200;
	(pc) =	sbr.rel @p0 .LBB2_2-.Ltmp0, $4  }
0x55: {  	s3 =	sadd.s32 $0x60, s3;
	[sflag:s11] =	ssyncset.done $0x0  }
0x56: {  	s30 =	sadd.s32 $0x3, s30;
	[sflag:s11] =	ssyncadd.s32 $0xFFFFCE00  }
0x57: {  	[tilespmem:s2], [sflag:$0x1] =	stream.linear.gather [hbm4b:s3+s2], $0x100, $0x38;
	[tilespmem:$0x1D780] =	vst v63  }
0x58: {  	p1 =	sgt.u32 s30, $0x63;
	_ =	swait.ge [sflag:s25], $0x100  }
0x59: {  	s0 =	simm.s32 @!p1 $0x64;
	[sflag:s25] =	ssyncset.done $0x0  }
0x5a: {  	s3 =	simm.s32 @!p1 $0x180;
	s5 =	simm.s32 @!p1 $0x3700;
	[sflag:s25] =	ssyncadd.s32 $0xFFFFFF00  }
0x5b: {  	[spmem:s1] =	stream.indirect.scatter.add.f32 @!p1 [tilespmem:s5], [sflag:$0x7], $0x80, s3, s0, $0xb8;
	[tilespmem:$0x1D780] =	vst v63  }
0x5c: {  	s0 =	simm.s32 @!p1 $0x7  }
0x5d: {  	_ =	swait.ge @!p1 [sflag:s0], $0x3200  }
0x5e: {  	s28 =	sadd.s32 s31, s9;
	[sflag:s0] =	ssyncset.done @!p1 $0x0  }
0x5f: {  	s7 =	sadd.s32 $0x1, s30;
	s31 =	sadd.s32 $0x20, s28;
	[sflag:s0] =	ssyncadd.s32 @!p1 $0xFFFFCE00  }
0x60: {  	[tilespmem:s18], [sflag:$0x2] =	stream.linear.gather [hbm4b:s31+s2], $0x100, $0x38;
	[tilespmem:$0x1D780] =	vst v63  }
0x61: {  	p0 =	sgt.u32 s7, $0x63;
	_ =	swait.ge [sflag:s19], $0x100  }
0x62: {  	s5 =	simm.s32 @!p0 $0x6B00;
	[sflag:s19] =	ssyncset.done $0x0  }
0x63: {  	s7 =	simm.s32 @!p0 $0x280;
	s0 =	simm.s32 @!p0 $0x64;
	[sflag:s19] =	ssyncadd.s32 $0xFFFFFF00  }
0x64: {  	[spmem:s1] =	stream.indirect.scatter.add.f32 @!p0 [tilespmem:s5], [sflag:$0x7], $0x80, s7, s0, $0xb8;
	[tilespmem:$0x1D780] =	vst v63  }
0x65: {  	s0 =	simm.s32 @!p0 $0x7  }
0x66: {  	_ =	swait.ge @!p0 [sflag:s0], $0x3200  }
0x67: {  	[sflag:s0] =	ssyncset.done @!p0 $0x0  }
0x68: {  	s26 =	sadd.s32 $0x40, s28;
	[sflag:s0] =	ssyncadd.s32 @!p0 $0xFFFFCE00  }
0x69: {  	[tilespmem:s20], [sflag:$0x3] =	stream.linear.gather [hbm4b:s26+s2], $0x100, $0x38;
	[tilespmem:$0x1D780] =	vst v63  }
0x6a: {  	_ =	swait.ge [sflag:s21], $0x100  }
0x6b: {  	[sflag:s21] =	ssyncset.done $0x0  }
0x6c: {  	[sflag:s21] =	ssyncadd.s32 $0xFFFFFF00  }
0x6d: {  	[spmem:s1] =	stream.indirect.scatter.add.f32 [tilespmem:s12], [sflag:$0x7], $0x80, s23, s22, $0xb8;
	[tilespmem:$0x1D780] =	vst v63  }
0x6e: {  	_ =	swait.ge [sflag:s11], $0x3200  }
0x6f: {  	[sflag:s11] =	ssyncset.done $0x0  }
0x70: {  	s28 =	sadd.s32 $0x60, s28;
	[sflag:s11] =	ssyncadd.s32 $0xFFFFCE00  }
0x71: {  	[tilespmem:s2], [sflag:$0x1] =	stream.linear.gather [hbm4b:s28+s2], $0x100, $0x38;
	[tilespmem:$0x1D780] =	vst v63  }
0x72: {  	_ =	swait.ge [sflag:s25], $0x100  }
0x73: {  	[sflag:s25] =	ssyncset.done $0x0  }
0x74: {  	s30 =	simm.s32 $0x180;
	[sflag:s25] =	ssyncadd.s32 $0xFFFFFF00  }
0x75: {  	[spmem:s1] =	stream.indirect.scatter.add.f32 [tilespmem:s13], [sflag:$0x7], $0x80, s30, s22, $0xb8;
	[tilespmem:$0x1D780] =	vst v63  }
0x76: {  	_ =	swait.ge [sflag:s11], $0x3200  }
0x77: {  	[sflag:s11] =	ssyncset.done $0x0  }
0x78: {  	[sflag:s11] =	ssyncadd.s32 $0xFFFFCE00  }
0x79: {  	_ =	swait.ge [sflag:s19], $0x100  }
0x7a: {  	[sflag:s19] =	ssyncset.done $0x0  }
0x7b: {  	s31 =	simm.s32 $0x280;
	[sflag:s19] =	ssyncadd.s32 $0xFFFFFF00  }
0x7c: {  	[spmem:s1] =	stream.indirect.scatter.add.f32 [tilespmem:s14], [sflag:$0x7], $0x80, s31, s22, $0xb8;
	[tilespmem:$0x1D780] =	vst v63  }
0x7d: {  	_ =	swait.ge [sflag:s11], $0x3200  }
0x7e: {  	[sflag:s11] =	ssyncset.done $0x0  }
0x7f: {  	[sflag:s11] =	ssyncadd.s32 $0xFFFFCE00  }
0x80: {  	[spmem:s1] =	stream.indirect.scatter.add.f32 [tilespmem:s12], [sflag:$0x7], $0x80, s23, s22, $0xb8;
	[tilespmem:$0x1D780] =	vst v63  }
0x81: {  	_ =	swait.ge [sflag:s11], $0x3200  }
0x82: {  	s29 =	sadd.s32 $0x1, s29;
	[sflag:s11] =	ssyncset.done $0x0  }
0x83: {  	p0 =	sne.s32 s29, s8;
	[sflag:s11] =	ssyncadd.s32 $0xFFFFCE00  }
.Ltmp1:
0x84: {  	[bflag:$0x0] =	sbarrier.arrive $0xFFFF;
	(pc) =	sbr.rel @p0 .LBB2_1-.Ltmp1, $4  }
0x85: {  	[hbm:s24], [sflag:s6] =	dma.local [spmem:s10], $0x2710  }
0x86: {  	_ =	swait.ge [sflag:s11], $0x2710  }
0x87: {  	[sflag:s11] =	ssyncset.done $0x0  }
0x88: {  	[sflag:s11] =	ssyncadd.s32 $0xFFFFD8F0  }
0x89: {  	_ =	sfence.sel $0x180000  }
0x8a: {  	[bflag:$0x0] =	sbarrier.arrive $0xFFFF  }
0x8b: {  	_ =	strace $0x90000047  }
0x8c: {  	s0 =	stileid.u32;
	[bflag:$0x2] =	sbarrier.arrive $0xFFFF  }
0x8d: {  	p0 =	sne.s32 s0, $0x0;
	s0 =	rddreg [dreg:$0x2]  }
0x8e: {  	s0 =	sadd.s32 @!p0 $0x100000, s0  }
0x8f: {  	[sflag:s0] =	ssyncadd.tile.s32 @!p0 $0x1;
	_ =	shalt  }
.Lfunc_end2:
_tile_overlayer_lowered:
.L_overlay_start_2:
0x90: {  	(tag) =	ssettag $0x2  }
0x91: {  	s0 =	rddreg [dreg:$0x0];
	s2 =	stileid.u32  }
0x92: {  	s1 =	rddreg [dreg:$0x1];
	p0 =	sne.s32 s2, $0x0  }
0x93: {  	s3 =	rddreg [dreg:$0x2];
	[bflag:$0x3] =	sbarrier.arrive $0xFFFF;
	s2 =	simm.s32 @!p0 $0x1C07  }
0x94: {  	[timem:s3], [sflag:s2] =	dma.local @!p0 [hbm:s0], s1  }
0x95: {  	s0 =	simm.s32 @!p0 $0x7  }
0x96: {  	_ =	swait.ge @!p0 [sflag:s0], s1  }
0x97: {  	s1 =	ssub.s32 @!p0 $0x0, s1;
	[sflag:s0] =	ssyncset.done @!p0 $0x0  }
0x98: {  	[sflag:s0] =	ssyncadd.s32 @!p0 s1  }
0x99: {  	[bflag:$0x3] =	sbarrier.arrive $0xFFFF  }
0x9a: {  	_ =	shalt  }

// kernel: kernel.13.cloned.1.call-start
scs
__scs_entry_jumppad:
0x0: {  	(pc) =	sbr.rel $0x88, $3  }
0x1: {  	(tag) =	ssettag $0x0;
	lr =	simm.s32 $0x1  }
0x2: {  	[smem:$0x3F97] =	sst lr;
	_ =	strace $0xD0000000  }
0x3: {  	_ = 	snop  }
0x4: {  	_ = 	snop  }
0x5: {  	_ = 	snop  }
0x6: {  	_ = 	snop  }
0x7: {  	_ = 	snop  }
__scs_overlays_trampoline_lowered:
0x8: {  	[smem:$0x3FA6] =	sst s0  }
0x9: {  	[smem:$0x3FA7] =	sst s1  }
0xa: {  	[smem:$0x3FA8] =	sst s2  }
0xb: {  	[smem:$0x3FA9] =	sst s3  }
0xc: {  	[smem:$0x3FAA] =	sst s4  }
0xd: {  	[smem:$0x3FAB] =	sst s5  }
0xe: {  	[smem:$0x3FAC] =	sst s6  }
0xf: {  	[smem:$0x3FAD] =	sst s7  }
0x10: {  	[smem:$0x3FAE] =	sst s8  }
0x11: {  	[smem:$0x3FAF] =	sst s9;
	s0 =	simm.s32 @!p0 $0x0  }
0x12: {  	s1 =	sld [smem:$0x3F95];
	s0 =	simm.s32 @p0 $0x1  }
0x13: {  	[smem:$0x3FB0] =	sst s0;
	s0 =	simm.s32 @!p1 $0x0  }
0x14: {  	s2 =	sld [smem:$0x3F94];
	s0 =	simm.s32 @p1 $0x1  }
0x15: {  	[smem:$0x3FB1] =	sst s0;
	s0 =	simm.s32 @!p2 $0x0  }
0x16: {  	s3 =	sld [smem:$0x3FDB];
	s0 =	simm.s32 @p2 $0x1  }
0x17: {  	s4 =	simm.s32 $0x1BF5;
	[smem:$0x3FB3] =	sst s0  }
0x18: {  	s0 =	sld [smem:$0x3F96];
	_ =	swait.ge [sflag:s4], $0x0  }
0x19: {  	s7 =	sld [smem:$0x3F97]  }
0x1a: {  	s8 =	sadd.s32 $0xFFFFE003, lr  }
0x1b: {  	s9 =	sadd.s32 $0xFFFFFEF7, lr;
	s5 =	simm.s32 $0xFFFFFFFF;
	p2 =	slt.u32 s8, $0xFFFFF086  }
0x1c: {  	p1 =	slt.u32 s9, $0xF7A;
	s5 =	simm.s32 @!p2 $0x0  }
0x1d: {  	s5 =	simm.s32 @p1 $0x1;
	p0 =	seq.s32 s7, s2  }
0x1e: {  	s7 =	smul.u32 @!p0 $0xF7A, s2;
	p2 =	seq.s32 @!p0 s5, $0x0  }
0x1f: {  	s9 =	smul.u32 $0xF7A, s1;
	s8 =	simm.s32 @!p0 $0x1BF5;
	p2 =	por !p2, p0  }
0x20: {  	[sflag:s8] =	ssyncset.s32 @!p0 $0xFFFFF086;
	s6 =	sadd.s32 @!p0 s3, s7;
	s7 =	simm.s32 @!p0 $0x108  }
0x21: {  	s3 =	sadd.s32 s3, s9;
	s6 =	sadd.s32 @!p0 $0x88, s6;
	s7 =	simm.s32 @p2 $0x1082  }
0x22: {  	[simem:s7], [sflag:s8] =	dma.local @!p0 [hbm:s6], $0xF7A  }
0x23: {  	s9 =	sor.u32 $0xD0000000, s2;
	s6 =	simm.s32 $0x108;
	_ =	swait.ge @!p0 [sflag:s8], $0x0  }
0x24: {  	s3 =	sadd.s32 $0x88, s3;
	s6 =	simm.s32 @!p1 $0x1082;
	[sflag:s4] =	ssyncset.s32 $0xFFFFF086  }
0x25: {  	[simem:s6], [sflag:s4] =	dma.local [hbm:s3], $0xF7A  }
0x26: {  	[smem:$0x3F97] =	sst s1;
	(tag) =	ssettag s2;
	_ =	strace s9  }
0x27: {  	s1 =	sld [smem:$0x3FA7]  }
0x28: {  	s2 =	sld [smem:$0x3FA8]  }
0x29: {  	s4 =	sld [smem:$0x3FAA]  }
0x2a: {  	p0 =	seq.s32 s5, $0x0;
	s5 =	sld [smem:$0x3FAB]  }
0x2b: {  	s6 =	sld [smem:$0x3FAC]  }
0x2c: {  	s7 =	sld [smem:$0x3FAD]  }
0x2d: {  	s3 =	simm.s32 $0x108;
	s8 =	sld [smem:$0x3FAE]  }
0x2e: {  	s3 =	simm.s32 @!p0 $0x1082;
	s9 =	sld [smem:$0x3FAF]  }
0x2f: {  	lr =	sadd.s32 s0, s3;
	s0 =	sld [smem:$0x3FA6]  }
0x30: {  	s3 =	sld [smem:$0x3FA9]  }
0x31: {  	[smem:$0x3FB2] =	sst s10  }
0x32: {  	s10 =	sld [smem:$0x3FB0];
	_ =	sdelay $0x3  }
0x33: {  	p0 =	seq.s32 s10, $0x1;
	s10 =	sld [smem:$0x3FB2];
	_ =	sdelay $0x3  }
0x34: {  	[smem:$0x3FB2] =	sst s10  }
0x35: {  	s10 =	sld [smem:$0x3FB1];
	_ =	sdelay $0x3  }
0x36: {  	p1 =	seq.s32 s10, $0x1;
	s10 =	sld [smem:$0x3FB2];
	_ =	sdelay $0x3  }
0x37: {  	[smem:$0x3FB2] =	sst s10  }
0x38: {  	s10 =	sld [smem:$0x3FB3]  }
0x39: {  	_ = 	snop;
	(pc) =	sbr.ind lr, $3  }
0x3a: {  	_ = 	snop  }
0x3b: {  	_ = 	snop  }
0x3c: {  	p2 =	seq.s32 s10, $0x1;
	s10 =	sld [smem:$0x3FB2]  }
0x3d: {  	_ =	shalt  }
0x3e: {  	_ =	shalt  }
0x3f: {  	_ =	shalt  }
0x40: {  	_ =	shalt  }
0x41: {  	_ =	shalt  }
0x42: {  	_ =	shalt  }
0x43: {  	_ =	shalt  }
0x44: {  	_ =	shalt  }
0x45: {  	_ =	shalt  }
0x46: {  	_ =	shalt  }
0x47: {  	_ =	shalt  }
0x48: {  	_ =	shalt  }
0x49: {  	_ =	shalt  }
0x4a: {  	_ =	shalt  }
0x4b: {  	_ =	shalt  }
0x4c: {  	_ =	shalt  }
0x4d: {  	_ =	shalt  }
0x4e: {  	_ =	shalt  }
0x4f: {  	_ =	shalt  }
0x50: {  	_ =	shalt  }
0x51: {  	_ =	shalt  }
0x52: {  	_ =	shalt  }
0x53: {  	_ =	shalt  }
0x54: {  	_ =	shalt  }
0x55: {  	_ =	shalt  }
0x56: {  	_ =	shalt  }
0x57: {  	_ =	shalt  }
0x58: {  	_ =	shalt  }
0x59: {  	_ =	shalt  }
0x5a: {  	_ =	shalt  }
0x5b: {  	_ =	shalt  }
0x5c: {  	_ =	shalt  }
0x5d: {  	_ =	shalt  }
0x5e: {  	_ =	shalt  }
0x5f: {  	_ =	shalt  }
0x60: {  	_ =	shalt  }
0x61: {  	_ =	shalt  }
0x62: {  	_ =	shalt  }
0x63: {  	_ =	shalt  }
0x64: {  	_ =	shalt  }
0x65: {  	_ =	shalt  }
0x66: {  	_ =	shalt  }
0x67: {  	_ =	shalt  }
0x68: {  	_ =	shalt  }
0x69: {  	_ =	shalt  }
0x6a: {  	_ =	shalt  }
0x6b: {  	_ =	shalt  }
0x6c: {  	_ =	shalt  }
0x6d: {  	_ =	shalt  }
0x6e: {  	_ =	shalt  }
0x6f: {  	_ =	shalt  }
0x70: {  	_ =	shalt  }
0x71: {  	_ =	shalt  }
0x72: {  	_ =	shalt  }
0x73: {  	_ =	shalt  }
0x74: {  	_ =	shalt  }
0x75: {  	_ =	shalt  }
0x76: {  	_ =	shalt  }
0x77: {  	_ =	shalt  }
0x78: {  	_ =	shalt  }
0x79: {  	_ =	shalt  }
0x7a: {  	_ =	shalt  }
0x7b: {  	_ =	shalt  }
0x7c: {  	_ =	shalt  }
0x7d: {  	_ =	shalt  }
0x7e: {  	_ =	shalt  }
0x7f: {  	_ =	shalt  }
0x80: {  	_ =	shalt  }
0x81: {  	_ =	shalt  }
0x82: {  	_ =	shalt  }
0x83: {  	_ =	shalt  }
0x84: {  	_ =	shalt  }
0x85: {  	_ =	shalt  }
0x86: {  	_ =	shalt  }
0x87: {  	_ =	shalt  }
.Lfunc_end0:
.L_simem_size_0:
called_computation.1_lowered:
.L_overlay_start_0:
0x88: {  	s2 =	sld [smem:$0x3FD9]  }
0x89: {  	s3 =	sld [smem:$0x3FFE];
	_ =	sdelay $0x1  }
0x8a: {  	s1 =	srdreg.scid  }
0x8b: {  	s0 =	sand.u32 $0x1, s1  }
0x8c: {  	s16 =	sshll.u32 s0, $0xA;
	s2 =	sadd.s32 s3, s2  }
0x8d: {  	s2 =	sadd.s32 s2, s16  }
0x8e: {  	[smem:$0x3FBE] =	sst s2  }
0x8f: {  	_ = 	snop  }
0x90: {  	(tm) =	ssettm $0x1  }
0x91: {  	s17 =	sld [smem:$0x3FFB];
	_ =	sdelay $0x3  }
0x92: {  	_ =	strace s17  }
0x93: {  	s2 =	sld [smem:$0x3FFC];
	_ =	sdelay $0x3  }
0x94: {  	_ =	strace s2  }
0x95: {  	s2 =	sld [smem:$0x3FFD];
	_ =	sdelay $0x3  }
0x96: {  	_ =	strace s2  }
0x97: {  	_ =	strace $0x8FFFFFFF  }
0x98: {  	s18 =	sld [smem:$0x3FDB];
	_ =	sdelay $0x1  }
0x99: {  	s19 =	simm.s32 $_scs_section_size  }
0x9a: {  	s4 =	simm.s32 $_size__tile_overlayer_lowered;
	s5 =	simm.s32 $_tile_overlayer_lowered  }
0x9b: {  	s22 =	simm.s32 $0x1BFF;
	s21 =	sshll.u32 s5, $0x1;
	s2 =	sadd.s32 s19, s18  }
0x9c: {  	s6 =	simm.s32 $0x0;
	s20 =	sshll.u32 s4, $0x1;
	s4 =	sadd.s32 s21, s2  }
0x9d: {  	[timem:s6], [sflag:s22] =	dma.local [hbm:s4], s20  }
0x9e: {  	_ =	swait.ge [sflag:s22], s20  }
0x9f: {  	s3 =	ssub.s32 $0x0, s20;
	[sflag:s22] =	ssyncset.done $0x0  }
0xa0: {  	[sflag:s22] =	ssyncadd.s32 s3;
	_ =	sdelay $0x1  }
0xa1: {  	s23 =	simm.s32 $0x1B8B  }
0xa2: {  	_ =	swait.ge [sflag:s23], $0x1  }
0xa3: {  	[sflag:s23] =	ssyncset.done $0x0  }
0xa4: {  	s25 =	simm.s32 $0x1B8E;
	s24 =	sld [smem:$0x3FFE];
	[sflag:s23] =	ssyncadd.s32 $0xFFFFFFFF  }
0xa5: {  	s26 =	simm.s32 $execute0_lowered;
	[smem:$0x3FD2] =	sst s25  }
0xa6: {  	s4 =	sshll.u32 s26, $0x1;
	_ =	strace $0x80000049;
	[dreg:$0x1] =	wrdreg $0xFFFFFFFF  }
0xa7: {  	s28 =	simm.s32 $_size_execute0_lowered;
	s2 =	sadd.s32 s2, s4;
	[dreg:$0x0] =	wrdreg $0x0  }
0xa8: {  	s4 =	sshll.u32 s28, $0x1;
	[dreg:$0x2] =	wrdreg s2  }
0xa9: {  	[dreg:$0x3] =	wrdreg s4  }
0xaa: {  	[dreg:$0x4] =	wrdreg $0xC0  }
0xab: {  	_ =	task [dreg:s6], $0x5FFFF  }
0xac: {  	[dreg:$0x1] =	wrdreg $0xFFFFFFFF  }
0xad: {  	[dreg:$0x0] =	wrdreg $0x60  }
0xae: {  	[dreg:$0x2] =	wrdreg s24  }
0xaf: {  	[dreg:$0x3] =	wrdreg $0x9F000  }
0xb0: {  	[dreg:$0x4] =	wrdreg $0x9  }
0xb1: {  	_ =	task.clear_ibuf [dreg:s6], $0x5FFFF;
	_ =	strace $0x90000049  }
0xb2: {  	s29 =	simm.s32 $0x9;
	_ =	strace $0x8000004B  }
0xb3: {  	_ =	swait.ge [sflag:s29], $0x1  }
0xb4: {  	[sflag:s29] =	ssyncadd.s32 $0xFFFFFFFF  }
0xb5: {  	_ =	strace $0x9000004B  }
0xb6: {  	_ =	sfence  }
0xb7: {  	s30 =	sld [smem:$0x0];
	_ =	sdelay $0x2  }
0xb8: {  	s31 =	sshll.u32 s1, $0xD;
	s1 =	sshrl.u32 s1, $0x2  }
0xb9: {  	s3 =	sand.u32 $0x4000, s31;
	s1 =	sadd.s32 s1, s30  }
0xba: {  	s0 =	sor.u32 s3, s0;
	s1 =	sshll.u32 s1, $0x11  }
0xbb: {  	s0 =	sor.u32 s1, s0  }
0xbc: {  	s0 =	sadd.s32 $0x8F2B, s0  }
0xbd: {  	[sflag:s0] =	ssyncadd.remote.s32 $0x1  }
0xbe: {  	_ =	sfence.sel $0xFFFF  }
0xbf: {  	[dreg:$0x0] =	wrdreg $0xFFFFFFFF;
	(pc) =	sbr.abs _section_cstart, $3  }
0xc0: {  	[dreg:$0x1] =	wrdreg $0xFFFFFFFF  }
0xc1: {  	_ =	task.clear_ibuf [dreg:s6], $0x2FFFF;
	_ =	strace $0x9FFFFFFF  }
0xc2: {  	(tm) =	ssettm $0x7FFFFFFF  }
0xc3: {  	_ =	shalt  }
tec
execute0_lowered:
.L_overlay_start_1:
0x0: {  	(tag) =	ssettag $0x1  }
0x1: {  	s0 =	rddreg [dreg:$0x0]  }
0x2: {  	s2 =	rddreg [dreg:$0x1];
	s3 =	simm.s32 $0x0  }
0x3: {  	s13 =	stileid.u32;
	s1 =	srdreg.scid;
	s14 =	simm.s32 $0x1  }
0x4: {  	s15 =	simm.s32 $0x64;
	s16 =	simm.s32 $0x300;
	s17 =	simm.s32 $0x200  }
0x5: {  	s18 =	simm.s32 $0x2;
	s19 =	simm.s32 $0x3700;
	s20 =	simm.s32 $0x4  }
0x6: {  	s21 =	simm.s32 $0x80;
	s28 =	simm.s32 $0x5;
	s30 =	simm.s32 $0x0  }
0x7: {  	[smem:$0x7FF] =	sst s3;
	s6 =	smul.u32 $0x1900, s13;
	s1 =	sand.u32 $0x1, s1  }
0x8: {  	s4 =	sadd.s32 $0x21C00, s0;
	s5 =	sadd.s32 $0x48E00, s0;
	s9 =	smul.u32 $0x4E200, s13  }
0x9: {  	s22 =	sadd.s32 $0x1F400, s0;
	s25 =	sshll.u32 s13, $0x6;
	s26 =	smul.u32 $0x2780, s13  }
0xa: {  	s13 =	simm.s32 $0x100;
	_ =	strace $0x8000004A;
	s7 =	smul.u32 $0x27800, s1  }
0xb: {  	s8 =	ssub.s32 $0x2, s1;
	[dreg:$0x3] =	wrdreg s22;
	p0 =	seq.s32 s1, $0x1  }
0xc: {  	s22 =	simm.s32 $0x3;
	s10 =	sadd.s32 s6, s0;
	s23 =	sshrl.u32 s8, $0x1  }
0xd: {  	s24 =	sshrl.u32 s9, $0x2;
	s0 =	sadd.s32 s7, s0;
	s11 =	ssub.s32 s8, s23  }
.Ltmp0:
0xe: {  	s12 =	sadd.s32 s24, s2;
	s7 =	sor.u32 $0x1C07, s25;
	(pc) =	sbr.rel .LBB2_1-.Ltmp0, $4  }
0xf: {  	s8 =	sadd.s32 $0x6400, s10;
	s31 =	sadd.s32 $0x7CE0, s10;
	s23 =	simm.s32 $0x6B00  }
0x10: {  	s0 =	sadd.s32 $0x97200, s0;
	s29 =	smax.u32 s11, $0x1;
	[dreg:$0x5] =	wrdreg s31  }
0x11: {  	s25 =	simm.s32 $0x6;
	[dreg:$0x4] =	wrdreg s29;
	s0 =	sadd.s32 s26, s0  }
0x12: {  	s11 =	sshrl.u32 s12, $0x3;
	s12 =	simm.s32 $0x7;
	[dreg:$0x6] =	wrdreg s0  }
.LBB2_7:
0x13: {  	[sflag:s22] =	ssyncset.done $0x0  }
0x14: {  	s1 =	simm.s32 @!p2 $0x5;
	[sflag:s22] =	ssyncadd.s32 $0xFFFFFF00  }
0x15: {  	[tilespmem:s23], [sflag:$0x6] =	stream.indirect.gather [hbm4b:s5+s15], $0x80, s17, s15, $0xb8;
	[tilespmem:$0x1D780] =	vst v63  }
0x16: {  	_ =	swait.ge @!p2 [sflag:s1], $0x3200  }
0x17: {  	s6 =	simm.s32 @!p2 $0x3700;
	s9 =	simm.s32 @!p2 $0x7;
	[sflag:s1] =	ssyncset.done @!p2 $0x0  }
0x18: {  	s10 =	simm.s32 @!p2 $0x64;
	s24 =	simm.s32 @!p2 $0x180;
	[sflag:s1] =	ssyncadd.s32 @!p2 $0xFFFFCE00  }
0x19: {  	[spmem:s2] =	stream.indirect.scatter.add.f32 @!p2 [tilespmem:s6], [sflag:$0x7], $0x80, s24, s10, $0xb8;
	[tilespmem:$0x1D780] =	vst v63  }
0x1a: {  	_ =	swait.ge @!p2 [sflag:s9], $0x3200  }
0x1b: {  	s0 =	sadd.s32 s0, s8;
	[sflag:s9] =	ssyncset.done @!p2 $0x0  }
0x1c: {  	s6 =	sadd.s32 $0x20, s0;
	[sflag:s9] =	ssyncadd.s32 @!p2 $0xFFFFCE00  }
0x1d: {  	[tilespmem:s13], [sflag:$0x2] =	stream.linear.gather [hbm4b:s6+s3], $0x100, $0x38;
	[tilespmem:$0x1D780] =	vst v63  }
0x1e: {  	s10 =	sadd.s32 $0x1, s31;
	_ =	swait.ge [sflag:s14], $0x100  }
0x1f: {  	p1 =	sgt.u32 s10, $0xC7;
	[sflag:s14] =	ssyncset.done $0x0  }
0x20: {  	s1 =	simm.s32 @!p1 $0x6;
	[sflag:s14] =	ssyncadd.s32 $0xFFFFFF00  }
0x21: {  	[tilespmem:s16], [sflag:$0x4] =	stream.indirect.gather [hbm4b:s5+s15], $0x80, s3, s15, $0xb8;
	[tilespmem:$0x1D780] =	vst v63  }
0x22: {  	_ =	swait.ge @!p1 [sflag:s1], $0x3200  }
0x23: {  	s10 =	simm.s32 @!p1 $0x280;
	s9 =	simm.s32 @!p1 $0x64;
	[sflag:s1] =	ssyncset.done @!p1 $0x0  }
0x24: {  	s6 =	simm.s32 @!p1 $0x6B00;
	[sflag:s1] =	ssyncadd.s32 @!p1 $0xFFFFCE00;
	s1 =	simm.s32 @!p1 $0x7  }
0x25: {  	[spmem:s2] =	stream.indirect.scatter.add.f32 @!p1 [tilespmem:s6], [sflag:$0x7], $0x80, s10, s9, $0xb8;
	[tilespmem:$0x1D780] =	vst v63  }
0x26: {  	_ =	swait.ge @!p1 [sflag:s1], $0x3200  }
0x27: {  	[sflag:s1] =	ssyncset.done @!p1 $0x0  }
0x28: {  	s24 =	sadd.s32 $0x40, s0;
	[sflag:s1] =	ssyncadd.s32 @!p1 $0xFFFFCE00  }
0x29: {  	[tilespmem:s17], [sflag:$0x3] =	stream.linear.gather [hbm4b:s24+s3], $0x100, $0x38;
	[tilespmem:$0x1D780] =	vst v63  }
0x2a: {  	_ =	swait.ge [sflag:s18], $0x100  }
0x2b: {  	[sflag:s18] =	ssyncset.done $0x0  }
0x2c: {  	[sflag:s18] =	ssyncadd.s32 $0xFFFFFF00  }
0x2d: {  	[tilespmem:s19], [sflag:$0x5] =	stream.indirect.gather [hbm4b:s5+s15], $0x80, s13, s15, $0xb8;
	[tilespmem:$0x1D780] =	vst v63  }
0x2e: {  	_ =	swait.ge [sflag:s20], $0x3200  }
0x2f: {  	[sflag:s20] =	ssyncset.done $0x0  }
0x30: {  	[sflag:s20] =	ssyncadd.s32 $0xFFFFCE00  }
0x31: {  	[spmem:s2] =	stream.indirect.scatter.add.f32 [tilespmem:s16], [sflag:$0x7], $0x80, s21, s15, $0xb8;
	[tilespmem:$0x1D780] =	vst v63  }
0x32: {  	_ =	swait.ge [sflag:s12], $0x3200  }
0x33: {  	[sflag:s12] =	ssyncset.done $0x0  }
0x34: {  	s0 =	sadd.s32 $0x60, s0;
	[sflag:s12] =	ssyncadd.s32 $0xFFFFCE00  }
0x35: {  	[tilespmem:s3], [sflag:$0x1] =	stream.linear.gather [hbm4b:s0+s3], $0x100, $0x38;
	[tilespmem:$0x1D780] =	vst v63  }
0x36: {  	s26 =	sadd.s32 $0x3, s31;
	_ =	swait.ge [sflag:s22], $0x100  }
0x37: {  	p1 =	sgt.u32 s26, $0xC7;
	[sflag:s22] =	ssyncset.done $0x0  }
0x38: {  	s0 =	simm.s32 @!p1 $0x5;
	[sflag:s22] =	ssyncadd.s32 $0xFFFFFF00  }
0x39: {  	[tilespmem:s23], [sflag:$0x6] =	stream.indirect.gather [hbm4b:s5+s15], $0x80, s17, s15, $0xb8;
	[tilespmem:$0x1D780] =	vst v63  }
0x3a: {  	_ =	swait.ge @!p1 [sflag:s0], $0x3200  }
0x3b: {  	s1 =	simm.s32 @!p1 $0x180;
	[sflag:s0] =	ssyncset.done @!p1 $0x0  }
0x3c: {  	s6 =	simm.s32 @!p1 $0x3700;
	[sflag:s0] =	ssyncadd.s32 @!p1 $0xFFFFCE00;
	s0 =	simm.s32 @!p1 $0x64  }
0x3d: {  	[spmem:s2] =	stream.indirect.scatter.add.f32 @!p1 [tilespmem:s6], [sflag:$0x7], $0x80, s1, s0, $0xb8;
	[tilespmem:$0x1D780] =	vst v63  }
0x3e: {  	s0 =	simm.s32 @!p1 $0x7  }
0x3f: {  	_ =	swait.ge @!p1 [sflag:s0], $0x3200  }
0x40: {  	[sflag:s0] =	ssyncset.done @!p1 $0x0  }
0x41: {  	s29 =	rddreg [dreg:$0x5];
	[sflag:s0] =	ssyncadd.s32 @!p1 $0xFFFFCE00  }
0x42: {  	[tilespmem:s13], [sflag:$0x2] =	stream.linear.gather [hbm4b:s29+s3], $0x100, $0x38;
	[tilespmem:$0x1D780] =	vst v63  }
0x43: {  	_ =	swait.ge [sflag:s14], $0x100  }
0x44: {  	[sflag:s14] =	ssyncset.done $0x0  }
0x45: {  	[sflag:s14] =	ssyncadd.s32 $0xFFFFFF00  }
0x46: {  	[tilespmem:s16], [sflag:$0x4] =	stream.indirect.gather [hbm4b:s5+s15], $0x80, s3, s15, $0xb8;
	[tilespmem:$0x1D780] =	vst v63  }
0x47: {  	_ =	swait.ge [sflag:s25], $0x3200  }
0x48: {  	[sflag:s25] =	ssyncset.done $0x0  }
0x49: {  	s31 =	simm.s32 $0x280;
	[sflag:s25] =	ssyncadd.s32 $0xFFFFCE00  }
0x4a: {  	[spmem:s2] =	stream.indirect.scatter.add.f32 [tilespmem:s23], [sflag:$0x7], $0x80, s31, s15, $0xb8;
	[tilespmem:$0x1D780] =	vst v63  }
0x4b: {  	_ =	swait.ge [sflag:s12], $0x3200  }
0x4c: {  	[sflag:s12] =	ssyncset.done $0x0  }
0x4d: {  	[sflag:s12] =	ssyncadd.s32 $0xFFFFCE00  }
0x4e: {  	_ =	swait.ge [sflag:s18], $0x100  }
0x4f: {  	[sflag:s18] =	ssyncset.done $0x0  }
0x50: {  	[sflag:s18] =	ssyncadd.s32 $0xFFFFFF00  }
0x51: {  	[tilespmem:s19], [sflag:$0x5] =	stream.indirect.gather [hbm4b:s5+s15], $0x80, s13, s15, $0xb8;
	[tilespmem:$0x1D780] =	vst v63  }
0x52: {  	_ =	swait.ge [sflag:s20], $0x3200  }
0x53: {  	[sflag:s20] =	ssyncset.done $0x0  }
0x54: {  	[sflag:s20] =	ssyncadd.s32 $0xFFFFCE00  }
0x55: {  	[spmem:s2] =	stream.indirect.scatter.add.f32 [tilespmem:s16], [sflag:$0x7], $0x80, s21, s15, $0xb8;
	[tilespmem:$0x1D780] =	vst v63  }
0x56: {  	_ =	swait.ge [sflag:s12], $0x3200  }
0x57: {  	[sflag:s12] =	ssyncset.done $0x0  }
0x58: {  	[sflag:s12] =	ssyncadd.s32 $0xFFFFCE00  }
.LBB2_8:
0x59: {  	_ =	swait.ge [sflag:s28], $0x3200  }
0x5a: {  	[sflag:s28] =	ssyncset.done $0x0  }
0x5b: {  	s0 =	simm.s32 $0x180;
	[sflag:s28] =	ssyncadd.s32 $0xFFFFCE00  }
0x5c: {  	[spmem:s2] =	stream.indirect.scatter.add.f32 [tilespmem:s19], [sflag:$0x7], $0x80, s0, s15, $0xb8;
	[tilespmem:$0x1D780] =	vst v63  }
0x5d: {  	_ =	swait.ge [sflag:s12], $0x3200  }
0x5e: {  	[sflag:s12] =	ssyncset.done $0x0  }
0x5f: {  	[sflag:s12] =	ssyncadd.s32 $0xFFFFCE00  }
0x60: {  	[bflag:$0x0] =	sbarrier.arrive $0xFFFF  }
0x61: {  	s29 =	rddreg [dreg:$0x6]  }
0x62: {  	[hbm:s29], [sflag:s7] =	dma.local [spmem:s11], $0x2710  }
0x63: {  	_ =	swait.ge [sflag:s12], $0x2710  }
0x64: {  	s30 =	sadd.s32 $0x1, s30;
	s31 =	rddreg [dreg:$0x4]  }
0x65: {  	p1 =	sne.s32 s30, s31  }
.Ltmp1:
0x66: {  	_ = 	snop;
	(pc) =	sbr.rel @!p1 .LBB2_9-.Ltmp1, $3  }
0x67: {  	_ =	sdelay $0x1  }
0x68: {  	[sflag:s12] =	ssyncset.done $0x0  }
0x69: {  	[sflag:s12] =	ssyncadd.s32 $0xFFFFD8F0  }
.LBB2_1:
0x6a: {  	s0 =	rddreg [dreg:$0x3]  }
0x6b: {  	[spmem:s11], [sflag:s7] =	dma.local [hbm:s0], $0x2710  }
.Ltmp2:
0x6c: {  	_ =	swait.ge [sflag:s12], $0x2710;
	(pc) =	sbr.rel @!p0 .LBB2_2-.Ltmp2, $4  }
0x6d: {  	[sflag:s12] =	ssyncset.done $0x0  }
0x6e: {  	[sflag:s12] =	ssyncadd.s32 $0xFFFFD8F0  }
0x6f: {  	p1 =	por $0x1, $0x1;
	[bflag:$0x0] =	sbarrier.arrive $0xFFFF  }
0x70: {  	[tilespmem:s3], [sflag:$0x1] =	stream.linear.gather [hbm4b:s8+s3], $0x100, $0x38;
	[tilespmem:$0x1D780] =	vst v63  }
0x71: {  	s0 =	simm.s32 @!p1 $0x5  }
0x72: {  	_ =	swait.ge @!p1 [sflag:s0], $0x3200  }
0x73: {  	s1 =	simm.s32 @!p1 $0x3700;
	s6 =	simm.s32 @!p1 $0x7;
	[sflag:s0] =	ssyncset.done @!p1 $0x0  }
0x74: {  	s9 =	simm.s32 @!p1 $0x64;
	s10 =	simm.s32 @!p1 $0x180;
	[sflag:s0] =	ssyncadd.s32 @!p1 $0xFFFFCE00  }
0x75: {  	[spmem:s2] =	stream.indirect.scatter.add.f32 @!p1 [tilespmem:s1], [sflag:$0x7], $0x80, s10, s9, $0xb8;
	[tilespmem:$0x1D780] =	vst v63  }
0x76: {  	_ =	swait.ge @!p1 [sflag:s6], $0x3200  }
0x77: {  	s24 =	sadd.s32 $0x0, s8;
	[sflag:s6] =	ssyncset.done @!p1 $0x0  }
0x78: {  	s26 =	sadd.s32 $0x20, s24;
	[sflag:s6] =	ssyncadd.s32 @!p1 $0xFFFFCE00  }
0x79: {  	[tilespmem:s13], [sflag:$0x2] =	stream.linear.gather [hbm4b:s26+s3], $0x100, $0x38;
	[tilespmem:$0x1D780] =	vst v63  }
0x7a: {  	_ =	swait.ge [sflag:s14], $0x100  }
0x7b: {  	p1 =	por $0x1, $0x1;
	[sflag:s14] =	ssyncset.done $0x0  }
0x7c: {  	s1 =	simm.s32 @!p1 $0x6;
	[sflag:s14] =	ssyncadd.s32 $0xFFFFFF00  }
0x7d: {  	[tilespmem:s16], [sflag:$0x4] =	stream.indirect.gather [hbm4b:s5+s15], $0x80, s3, s15, $0xb8;
	[tilespmem:$0x1D780] =	vst v63  }
0x7e: {  	_ =	swait.ge @!p1 [sflag:s1], $0x3200  }
0x7f: {  	s6 =	simm.s32 @!p1 $0x6B00;
	s9 =	simm.s32 @!p1 $0x64;
	[sflag:s1] =	ssyncset.done @!p1 $0x0  }
0x80: {  	s10 =	simm.s32 @!p1 $0x280;
	[sflag:s1] =	ssyncadd.s32 @!p1 $0xFFFFCE00;
	s1 =	simm.s32 @!p1 $0x7  }
0x81: {  	[spmem:s2] =	stream.indirect.scatter.add.f32 @!p1 [tilespmem:s6], [sflag:$0x7], $0x80, s10, s9, $0xb8;
	[tilespmem:$0x1D780] =	vst v63  }
0x82: {  	_ =	swait.ge @!p1 [sflag:s1], $0x3200  }
0x83: {  	[sflag:s1] =	ssyncset.done @!p1 $0x0  }
0x84: {  	s29 =	sadd.s32 $0x40, s24;
	[sflag:s1] =	ssyncadd.s32 @!p1 $0xFFFFCE00  }
0x85: {  	[tilespmem:s17], [sflag:$0x3] =	stream.linear.gather [hbm4b:s29+s3], $0x100, $0x38;
	[tilespmem:$0x1D780] =	vst v63  }
0x86: {  	_ =	swait.ge [sflag:s18], $0x100  }
0x87: {  	[sflag:s18] =	ssyncset.done $0x0  }
0x88: {  	[sflag:s18] =	ssyncadd.s32 $0xFFFFFF00  }
0x89: {  	[tilespmem:s19], [sflag:$0x5] =	stream.indirect.gather [hbm4b:s5+s15], $0x80, s13, s15, $0xb8;
	[tilespmem:$0x1D780] =	vst v63  }
0x8a: {  	_ =	swait.ge [sflag:s20], $0x3200  }
0x8b: {  	[sflag:s20] =	ssyncset.done $0x0  }
0x8c: {  	[sflag:s20] =	ssyncadd.s32 $0xFFFFCE00  }
0x8d: {  	[spmem:s2] =	stream.indirect.scatter.add.f32 [tilespmem:s16], [sflag:$0x7], $0x80, s21, s15, $0xb8;
	[tilespmem:$0x1D780] =	vst v63  }
0x8e: {  	_ =	swait.ge [sflag:s12], $0x3200  }
0x8f: {  	s31 =	simm.s32 $0x1;
	[sflag:s12] =	ssyncset.done $0x0  }
0x90: {  	p2 =	por $0x0, $0x0;
	s0 =	sadd.s32 $0x60, s24;
	[sflag:s12] =	ssyncadd.s32 $0xFFFFCE00  }
0x91: {  	[tilespmem:s3], [sflag:$0x1] =	stream.linear.gather [hbm4b:s0+s3], $0x100, $0x38;
	[tilespmem:$0x1D780] =	vst v63  }
0x92: {  	s1 =	simm.s32 $0xC0;
	s0 =	simm.s32 $0x60;
	_ =	swait.ge [sflag:s22], $0x100  }
.LBB2_6:
0x93: {  	s6 =	simm.s32 @!p2 $0x5  }
0x94: {  	[sflag:s22] =	ssyncset.done $0x0;
	s9 =	smov.u32 s1;
	s1 =	sadd.s32 $0x60, s1  }
0x95: {  	p1 =	sne.s32 s1, $0x18C0;
	[sflag:s22] =	ssyncadd.s32 $0xFFFFFF00  }
0x96: {  	[tilespmem:s23], [sflag:$0x6] =	stream.indirect.gather [hbm4b:s5+s15], $0x80, s17, s15, $0xb8;
	[tilespmem:$0x1D780] =	vst v63  }
0x97: {  	s10 =	simm.s32 @!p2 $0x3700;
	s24 =	simm.s32 @!p2 $0x7;
	_ =	swait.ge @!p2 [sflag:s6], $0x3200  }
0x98: {  	s26 =	simm.s32 @!p2 $0x64;
	s29 =	simm.s32 @!p2 $0x180;
	[sflag:s6] =	ssyncset.done @!p2 $0x0  }
0x99: {  	[sflag:s6] =	ssyncadd.s32 @!p2 $0xFFFFCE00  }
0x9a: {  	[spmem:s2] =	stream.indirect.scatter.add.f32 @!p2 [tilespmem:s10], [sflag:$0x7], $0x80, s29, s26, $0xb8;
	[tilespmem:$0x1D780] =	vst v63  }
0x9b: {  	s6 =	sadd.s32 s0, s8;
	s0 =	smov.u32 s9;
	_ =	swait.ge @!p2 [sflag:s24], $0x3200  }
0x9c: {  	s9 =	sadd.s32 $0x20, s6;
	[sflag:s24] =	ssyncset.done @!p2 $0x0  }
0x9d: {  	[sflag:s24] =	ssyncadd.s32 @!p2 $0xFFFFCE00  }
0x9e: {  	[tilespmem:s13], [sflag:$0x2] =	stream.linear.gather [hbm4b:s9+s3], $0x100, $0x38;
	[tilespmem:$0x1D780] =	vst v63  }
0x9f: {  	s9 =	sadd.s32 $0x1, s31;
	_ =	swait.ge [sflag:s14], $0x100  }
0xa0: {  	p2 =	sgt.u32 s9, $0xC7;
	[sflag:s14] =	ssyncset.done $0x0  }
0xa1: {  	s9 =	simm.s32 @!p2 $0x6;
	[sflag:s14] =	ssyncadd.s32 $0xFFFFFF00  }
0xa2: {  	[tilespmem:s16], [sflag:$0x4] =	stream.indirect.gather [hbm4b:s5+s15], $0x80, s3, s15, $0xb8;
	[tilespmem:$0x1D780] =	vst v63  }
0xa3: {  	s10 =	simm.s32 @!p2 $0x6B00;
	_ =	swait.ge @!p2 [sflag:s9], $0x3200  }
0xa4: {  	s24 =	simm.s32 @!p2 $0x64;
	s26 =	simm.s32 @!p2 $0x280;
	[sflag:s9] =	ssyncset.done @!p2 $0x0  }
0xa5: {  	[sflag:s9] =	ssyncadd.s32 @!p2 $0xFFFFCE00;
	s9 =	simm.s32 @!p2 $0x7  }
0xa6: {  	[spmem:s2] =	stream.indirect.scatter.add.f32 @!p2 [tilespmem:s10], [sflag:$0x7], $0x80, s26, s24, $0xb8;
	[tilespmem:$0x1D780] =	vst v63  }
0xa7: {  	_ =	swait.ge @!p2 [sflag:s9], $0x3200  }
0xa8: {  	s10 =	sadd.s32 $0x40, s6;
	[sflag:s9] =	ssyncset.done @!p2 $0x0  }
0xa9: {  	[sflag:s9] =	ssyncadd.s32 @!p2 $0xFFFFCE00  }
0xaa: {  	[tilespmem:s17], [sflag:$0x3] =	stream.linear.gather [hbm4b:s10+s3], $0x100, $0x38;
	[tilespmem:$0x1D780] =	vst v63  }
0xab: {  	_ =	swait.ge [sflag:s18], $0x100  }
0xac: {  	[sflag:s18] =	ssyncset.done $0x0  }
0xad: {  	[sflag:s18] =	ssyncadd.s32 $0xFFFFFF00  }
0xae: {  	[tilespmem:s19], [sflag:$0x5] =	stream.indirect.gather [hbm4b:s5+s15], $0x80, s13, s15, $0xb8;
	[tilespmem:$0x1D780] =	vst v63  }
0xaf: {  	_ =	swait.ge [sflag:s20], $0x3200  }
0xb0: {  	[sflag:s20] =	ssyncset.done $0x0  }
0xb1: {  	[sflag:s20] =	ssyncadd.s32 $0xFFFFCE00  }
0xb2: {  	[spmem:s2] =	stream.indirect.scatter.add.f32 [tilespmem:s16], [sflag:$0x7], $0x80, s21, s15, $0xb8;
	[tilespmem:$0x1D780] =	vst v63  }
.Ltmp3:
0xb3: {  	_ =	swait.ge [sflag:s12], $0x3200;
	(pc) =	sbr.rel @p1 .LBB2_6-.Ltmp3, $4  }
0xb4: {  	s6 =	sadd.s32 $0x60, s6;
	[sflag:s12] =	ssyncset.done $0x0  }
0xb5: {  	s31 =	sadd.s32 $0x3, s31;
	[sflag:s12] =	ssyncadd.s32 $0xFFFFCE00  }
0xb6: {  	[tilespmem:s3], [sflag:$0x1] =	stream.linear.gather [hbm4b:s6+s3], $0x100, $0x38;
	[tilespmem:$0x1D780] =	vst v63  }
0xb7: {  	p2 =	sgt.u32 s31, $0xC7;
	_ =	swait.ge [sflag:s22], $0x100  }
.Ltmp4:
0xb8: {  	_ = 	snop;
	(pc) =	sbr.rel .LBB2_7-.Ltmp4, $1  }
0xb9: {  	_ =	sdelay $0x3  }
.LBB2_2:
0xba: {  	s0 =	simm.s32 @!p1 $0x5  }
0xbb: {  	_ =	swait.ge @!p1 [sflag:s0], $0x3200  }
0xbc: {  	s1 =	simm.s32 @!p1 $0x3700;
	s31 =	simm.s32 @!p1 $0x7;
	[sflag:s0] =	ssyncset.done @!p1 $0x0  }
0xbd: {  	s26 =	simm.s32 @!p1 $0x64;
	s29 =	simm.s32 @!p1 $0x180;
	[sflag:s0] =	ssyncadd.s32 @!p1 $0xFFFFCE00  }
0xbe: {  	[spmem:s2] =	stream.indirect.scatter.add.f32 @!p1 [tilespmem:s1], [sflag:$0x7], $0x80, s29, s26, $0xb8;
	[tilespmem:$0x1D780] =	vst v63  }
0xbf: {  	_ =	swait.ge @!p1 [sflag:s31], $0x3200  }
0xc0: {  	s24 =	sadd.s32 $0x0, s8;
	[sflag:s31] =	ssyncset.done @!p1 $0x0  }
0xc1: {  	s26 =	sadd.s32 $0x20, s24;
	[sflag:s31] =	ssyncadd.s32 @!p1 $0xFFFFCE00  }
0xc2: {  	[tilespmem:s13], [sflag:$0x2] =	stream.linear.gather [hbm4b:s26+s3], $0x100, $0x38;
	[tilespmem:$0x1D780] =	vst v63  }
0xc3: {  	_ =	swait.ge [sflag:s14], $0x100  }
0xc4: {  	p1 =	por $0x1, $0x1;
	[sflag:s14] =	ssyncset.done $0x0  }
0xc5: {  	s1 =	simm.s32 @!p1 $0x6;
	[sflag:s14] =	ssyncadd.s32 $0xFFFFFF00  }
0xc6: {  	[tilespmem:s16], [sflag:$0x4] =	stream.indirect.gather [hbm4b:s4+s15], $0x80, s3, s15, $0xb8;
	[tilespmem:$0x1D780] =	vst v63  }
0xc7: {  	_ =	swait.ge @!p1 [sflag:s1], $0x3200  }
0xc8: {  	s26 =	simm.s32 @!p1 $0x6B00;
	s29 =	simm.s32 @!p1 $0x64;
	[sflag:s1] =	ssyncset.done @!p1 $0x0  }
0xc9: {  	s31 =	simm.s32 @!p1 $0x280;
	[sflag:s1] =	ssyncadd.s32 @!p1 $0xFFFFCE00;
	s1 =	simm.s32 @!p1 $0x7  }
0xca: {  	[spmem:s2] =	stream.indirect.scatter.add.f32 @!p1 [tilespmem:s26], [sflag:$0x7], $0x80, s31, s29, $0xb8;
	[tilespmem:$0x1D780] =	vst v63  }
0xcb: {  	_ =	swait.ge @!p1 [sflag:s1], $0x3200  }
0xcc: {  	[sflag:s1] =	ssyncset.done @!p1 $0x0  }
0xcd: {  	s29 =	sadd.s32 $0x40, s24;
	[sflag:s1] =	ssyncadd.s32 @!p1 $0xFFFFCE00  }
0xce: {  	[tilespmem:s17], [sflag:$0x3] =	stream.linear.gather [hbm4b:s29+s3], $0x100, $0x38;
	[tilespmem:$0x1D780] =	vst v63  }
0xcf: {  	_ =	swait.ge [sflag:s18], $0x100  }
0xd0: {  	[sflag:s18] =	ssyncset.done $0x0  }
0xd1: {  	[sflag:s18] =	ssyncadd.s32 $0xFFFFFF00  }
0xd2: {  	[tilespmem:s19], [sflag:$0x5] =	stream.indirect.gather [hbm4b:s4+s15], $0x80, s13, s15, $0xb8;
	[tilespmem:$0x1D780] =	vst v63  }
0xd3: {  	_ =	swait.ge [sflag:s20], $0x3200  }
0xd4: {  	[sflag:s20] =	ssyncset.done $0x0  }
0xd5: {  	[sflag:s20] =	ssyncadd.s32 $0xFFFFCE00  }
0xd6: {  	[spmem:s2] =	stream.indirect.scatter.add.f32 [tilespmem:s16], [sflag:$0x7], $0x80, s21, s15, $0xb8;
	[tilespmem:$0x1D780] =	vst v63  }
0xd7: {  	_ =	swait.ge [sflag:s12], $0x3200  }
0xd8: {  	p2 =	por $0x0, $0x0;
	[sflag:s12] =	ssyncset.done $0x0  }
0xd9: {  	s0 =	sadd.s32 $0x60, s24;
	s31 =	simm.s32 $0x1;
	[sflag:s12] =	ssyncadd.s32 $0xFFFFCE00  }
0xda: {  	[tilespmem:s3], [sflag:$0x1] =	stream.linear.gather [hbm4b:s0+s3], $0x100, $0x38;
	[tilespmem:$0x1D780] =	vst v63  }
0xdb: {  	s1 =	simm.s32 $0xC0;
	s0 =	simm.s32 $0x60;
	_ =	swait.ge [sflag:s22], $0x100  }
.LBB2_3:
0xdc: {  	s26 =	simm.s32 @!p2 $0x5  }
0xdd: {  	[sflag:s22] =	ssyncset.done $0x0;
	s29 =	smov.u32 s1;
	s1 =	sadd.s32 $0x60, s1  }
0xde: {  	p1 =	seq.s32 s1, $0x18C0;
	[sflag:s22] =	ssyncadd.s32 $0xFFFFFF00  }
0xdf: {  	[tilespmem:s23], [sflag:$0x6] =	stream.indirect.gather [hbm4b:s4+s15], $0x80, s17, s15, $0xb8;
	[tilespmem:$0x1D780] =	vst v63  }
0xe0: {  	s6 =	simm.s32 @!p2 $0x3700;
	s9 =	simm.s32 @!p2 $0x7;
	_ =	swait.ge @!p2 [sflag:s26], $0x3200  }
0xe1: {  	s10 =	simm.s32 @!p2 $0x64;
	s24 =	simm.s32 @!p2 $0x180;
	[sflag:s26] =	ssyncset.done @!p2 $0x0  }
0xe2: {  	[sflag:s26] =	ssyncadd.s32 @!p2 $0xFFFFCE00  }
0xe3: {  	[spmem:s2] =	stream.indirect.scatter.add.f32 @!p2 [tilespmem:s6], [sflag:$0x7], $0x80, s24, s10, $0xb8;
	[tilespmem:$0x1D780] =	vst v63  }
0xe4: {  	s6 =	sadd.s32 s0, s8;
	s0 =	smov.u32 s29;
	_ =	swait.ge @!p2 [sflag:s9], $0x3200  }
0xe5: {  	s10 =	sadd.s32 $0x20, s6;
	[sflag:s9] =	ssyncset.done @!p2 $0x0  }
0xe6: {  	[sflag:s9] =	ssyncadd.s32 @!p2 $0xFFFFCE00  }
0xe7: {  	[tilespmem:s13], [sflag:$0x2] =	stream.linear.gather [hbm4b:s10+s3], $0x100, $0x38;
	[tilespmem:$0x1D780] =	vst v63  }
0xe8: {  	s9 =	sadd.s32 $0x1, s31;
	_ =	swait.ge [sflag:s14], $0x100  }
0xe9: {  	p2 =	sgt.u32 s9, $0xC7;
	[sflag:s14] =	ssyncset.done $0x0  }
0xea: {  	s9 =	simm.s32 @!p2 $0x6;
	[sflag:s14] =	ssyncadd.s32 $0xFFFFFF00  }
0xeb: {  	[tilespmem:s16], [sflag:$0x4] =	stream.indirect.gather [hbm4b:s4+s15], $0x80, s3, s15, $0xb8;
	[tilespmem:$0x1D780] =	vst v63  }
0xec: {  	s10 =	simm.s32 @!p2 $0x6B00;
	_ =	swait.ge @!p2 [sflag:s9], $0x3200  }
0xed: {  	s24 =	simm.s32 @!p2 $0x64;
	s26 =	simm.s32 @!p2 $0x280;
	[sflag:s9] =	ssyncset.done @!p2 $0x0  }
0xee: {  	[sflag:s9] =	ssyncadd.s32 @!p2 $0xFFFFCE00;
	s9 =	simm.s32 @!p2 $0x7  }
0xef: {  	[spmem:s2] =	stream.indirect.scatter.add.f32 @!p2 [tilespmem:s10], [sflag:$0x7], $0x80, s26, s24, $0xb8;
	[tilespmem:$0x1D780] =	vst v63  }
0xf0: {  	_ =	swait.ge @!p2 [sflag:s9], $0x3200  }
0xf1: {  	s10 =	sadd.s32 $0x40, s6;
	[sflag:s9] =	ssyncset.done @!p2 $0x0  }
0xf2: {  	[sflag:s9] =	ssyncadd.s32 @!p2 $0xFFFFCE00  }
0xf3: {  	[tilespmem:s17], [sflag:$0x3] =	stream.linear.gather [hbm4b:s10+s3], $0x100, $0x38;
	[tilespmem:$0x1D780] =	vst v63  }
0xf4: {  	_ =	swait.ge [sflag:s18], $0x100  }
0xf5: {  	[sflag:s18] =	ssyncset.done $0x0  }
0xf6: {  	[sflag:s18] =	ssyncadd.s32 $0xFFFFFF00  }
0xf7: {  	[tilespmem:s19], [sflag:$0x5] =	stream.indirect.gather [hbm4b:s4+s15], $0x80, s13, s15, $0xb8;
	[tilespmem:$0x1D780] =	vst v63  }
0xf8: {  	_ =	swait.ge [sflag:s20], $0x3200  }
0xf9: {  	[sflag:s20] =	ssyncset.done $0x0  }
0xfa: {  	[sflag:s20] =	ssyncadd.s32 $0xFFFFCE00  }
0xfb: {  	[spmem:s2] =	stream.indirect.scatter.add.f32 [tilespmem:s16], [sflag:$0x7], $0x80, s21, s15, $0xb8;
	[tilespmem:$0x1D780] =	vst v63  }
.Ltmp5:
0xfc: {  	_ =	swait.ge [sflag:s12], $0x3200;
	(pc) =	sbr.rel @!p1 .LBB2_3-.Ltmp5, $4  }
0xfd: {  	s6 =	sadd.s32 $0x60, s6;
	[sflag:s12] =	ssyncset.done $0x0  }
0xfe: {  	s31 =	sadd.s32 $0x3, s31;
	[sflag:s12] =	ssyncadd.s32 $0xFFFFCE00  }
0xff: {  	[tilespmem:s3], [sflag:$0x1] =	stream.linear.gather [hbm4b:s6+s3], $0x100, $0x38;
	[tilespmem:$0x1D780] =	vst v63  }
0x100: {  	p2 =	sgt.u32 s31, $0xC7;
	_ =	swait.ge [sflag:s22], $0x100  }
0x101: {  	[sflag:s22] =	ssyncset.done $0x0  }
0x102: {  	s1 =	simm.s32 @!p2 $0x5;
	[sflag:s22] =	ssyncadd.s32 $0xFFFFFF00  }
0x103: {  	[tilespmem:s23], [sflag:$0x6] =	stream.indirect.gather [hbm4b:s4+s15], $0x80, s17, s15, $0xb8;
	[tilespmem:$0x1D780] =	vst v63  }
0x104: {  	_ =	swait.ge @!p2 [sflag:s1], $0x3200  }
0x105: {  	s6 =	simm.s32 @!p2 $0x3700;
	s9 =	simm.s32 @!p2 $0x7;
	[sflag:s1] =	ssyncset.done @!p2 $0x0  }
0x106: {  	s10 =	simm.s32 @!p2 $0x64;
	s24 =	simm.s32 @!p2 $0x180;
	[sflag:s1] =	ssyncadd.s32 @!p2 $0xFFFFCE00  }
0x107: {  	[spmem:s2] =	stream.indirect.scatter.add.f32 @!p2 [tilespmem:s6], [sflag:$0x7], $0x80, s24, s10, $0xb8;
	[tilespmem:$0x1D780] =	vst v63  }
0x108: {  	_ =	swait.ge @!p2 [sflag:s9], $0x3200  }
0x109: {  	s0 =	sadd.s32 s0, s8;
	[sflag:s9] =	ssyncset.done @!p2 $0x0  }
0x10a: {  	s6 =	sadd.s32 $0x20, s0;
	[sflag:s9] =	ssyncadd.s32 @!p2 $0xFFFFCE00  }
0x10b: {  	[tilespmem:s13], [sflag:$0x2] =	stream.linear.gather [hbm4b:s6+s3], $0x100, $0x38;
	[tilespmem:$0x1D780] =	vst v63  }
0x10c: {  	s10 =	sadd.s32 $0x1, s31;
	_ =	swait.ge [sflag:s14], $0x100  }
0x10d: {  	p1 =	sgt.u32 s10, $0xC7;
	[sflag:s14] =	ssyncset.done $0x0  }
0x10e: {  	s1 =	simm.s32 @!p1 $0x6;
	[sflag:s14] =	ssyncadd.s32 $0xFFFFFF00  }
0x10f: {  	[tilespmem:s16], [sflag:$0x4] =	stream.indirect.gather [hbm4b:s4+s15], $0x80, s3, s15, $0xb8;
	[tilespmem:$0x1D780] =	vst v63  }
0x110: {  	_ =	swait.ge @!p1 [sflag:s1], $0x3200  }
0x111: {  	s10 =	simm.s32 @!p1 $0x280;
	s9 =	simm.s32 @!p1 $0x64;
	[sflag:s1] =	ssyncset.done @!p1 $0x0  }
0x112: {  	s6 =	simm.s32 @!p1 $0x6B00;
	[sflag:s1] =	ssyncadd.s32 @!p1 $0xFFFFCE00;
	s1 =	simm.s32 @!p1 $0x7  }
0x113: {  	[spmem:s2] =	stream.indirect.scatter.add.f32 @!p1 [tilespmem:s6], [sflag:$0x7], $0x80, s10, s9, $0xb8;
	[tilespmem:$0x1D780] =	vst v63  }
0x114: {  	_ =	swait.ge @!p1 [sflag:s1], $0x3200  }
0x115: {  	[sflag:s1] =	ssyncset.done @!p1 $0x0  }
0x116: {  	s24 =	sadd.s32 $0x40, s0;
	[sflag:s1] =	ssyncadd.s32 @!p1 $0xFFFFCE00  }
0x117: {  	[tilespmem:s17], [sflag:$0x3] =	stream.linear.gather [hbm4b:s24+s3], $0x100, $0x38;
	[tilespmem:$0x1D780] =	vst v63  }
0x118: {  	_ =	swait.ge [sflag:s18], $0x100  }
0x119: {  	[sflag:s18] =	ssyncset.done $0x0  }
0x11a: {  	[sflag:s18] =	ssyncadd.s32 $0xFFFFFF00  }
0x11b: {  	[tilespmem:s19], [sflag:$0x5] =	stream.indirect.gather [hbm4b:s4+s15], $0x80, s13, s15, $0xb8;
	[tilespmem:$0x1D780] =	vst v63  }
0x11c: {  	_ =	swait.ge [sflag:s20], $0x3200  }
0x11d: {  	[sflag:s20] =	ssyncset.done $0x0  }
0x11e: {  	[sflag:s20] =	ssyncadd.s32 $0xFFFFCE00  }
0x11f: {  	[spmem:s2] =	stream.indirect.scatter.add.f32 [tilespmem:s16], [sflag:$0x7], $0x80, s21, s15, $0xb8;
	[tilespmem:$0x1D780] =	vst v63  }
0x120: {  	_ =	swait.ge [sflag:s12], $0x3200  }
0x121: {  	[sflag:s12] =	ssyncset.done $0x0  }
0x122: {  	s0 =	sadd.s32 $0x60, s0;
	[sflag:s12] =	ssyncadd.s32 $0xFFFFCE00  }
0x123: {  	[tilespmem:s3], [sflag:$0x1] =	stream.linear.gather [hbm4b:s0+s3], $0x100, $0x38;
	[tilespmem:$0x1D780] =	vst v63  }
0x124: {  	s26 =	sadd.s32 $0x3, s31;
	_ =	swait.ge [sflag:s22], $0x100  }
0x125: {  	p1 =	sgt.u32 s26, $0xC7;
	[sflag:s22] =	ssyncset.done $0x0  }
0x126: {  	s0 =	simm.s32 @!p1 $0x5;
	[sflag:s22] =	ssyncadd.s32 $0xFFFFFF00  }
0x127: {  	[tilespmem:s23], [sflag:$0x6] =	stream.indirect.gather [hbm4b:s4+s15], $0x80, s17, s15, $0xb8;
	[tilespmem:$0x1D780] =	vst v63  }
0x128: {  	_ =	swait.ge @!p1 [sflag:s0], $0x3200  }
0x129: {  	s1 =	simm.s32 @!p1 $0x180;
	[sflag:s0] =	ssyncset.done @!p1 $0x0  }
0x12a: {  	s6 =	simm.s32 @!p1 $0x3700;
	[sflag:s0] =	ssyncadd.s32 @!p1 $0xFFFFCE00;
	s0 =	simm.s32 @!p1 $0x64  }
0x12b: {  	[spmem:s2] =	stream.indirect.scatter.add.f32 @!p1 [tilespmem:s6], [sflag:$0x7], $0x80, s1, s0, $0xb8;
	[tilespmem:$0x1D780] =	vst v63  }
0x12c: {  	s0 =	simm.s32 @!p1 $0x7  }
0x12d: {  	_ =	swait.ge @!p1 [sflag:s0], $0x3200  }
0x12e: {  	[sflag:s0] =	ssyncset.done @!p1 $0x0  }
0x12f: {  	s29 =	rddreg [dreg:$0x5];
	[sflag:s0] =	ssyncadd.s32 @!p1 $0xFFFFCE00  }
0x130: {  	[tilespmem:s13], [sflag:$0x2] =	stream.linear.gather [hbm4b:s29+s3], $0x100, $0x38;
	[tilespmem:$0x1D780] =	vst v63  }
0x131: {  	_ =	swait.ge [sflag:s14], $0x100  }
0x132: {  	[sflag:s14] =	ssyncset.done $0x0  }
0x133: {  	[sflag:s14] =	ssyncadd.s32 $0xFFFFFF00  }
0x134: {  	[tilespmem:s16], [sflag:$0x4] =	stream.indirect.gather [hbm4b:s4+s15], $0x80, s3, s15, $0xb8;
	[tilespmem:$0x1D780] =	vst v63  }
0x135: {  	_ =	swait.ge [sflag:s25], $0x3200  }
0x136: {  	[sflag:s25] =	ssyncset.done $0x0  }
0x137: {  	s31 =	simm.s32 $0x280;
	[sflag:s25] =	ssyncadd.s32 $0xFFFFCE00  }
0x138: {  	[spmem:s2] =	stream.indirect.scatter.add.f32 [tilespmem:s23], [sflag:$0x7], $0x80, s31, s15, $0xb8;
	[tilespmem:$0x1D780] =	vst v63  }
0x139: {  	_ =	swait.ge [sflag:s12], $0x3200  }
0x13a: {  	[sflag:s12] =	ssyncset.done $0x0  }
0x13b: {  	[sflag:s12] =	ssyncadd.s32 $0xFFFFCE00  }
0x13c: {  	_ =	swait.ge [sflag:s18], $0x100  }
0x13d: {  	[sflag:s18] =	ssyncset.done $0x0  }
0x13e: {  	[sflag:s18] =	ssyncadd.s32 $0xFFFFFF00  }
0x13f: {  	[tilespmem:s19], [sflag:$0x5] =	stream.indirect.gather [hbm4b:s4+s15], $0x80, s13, s15, $0xb8;
	[tilespmem:$0x1D780] =	vst v63  }
0x140: {  	_ =	swait.ge [sflag:s20], $0x3200  }
0x141: {  	[sflag:s20] =	ssyncset.done $0x0  }
.Ltmp6:
0x142: {  	[sflag:s20] =	ssyncadd.s32 $0xFFFFCE00;
	(pc) =	sbr.rel .LBB2_8-.Ltmp6, $4  }
0x143: {  	[spmem:s2] =	stream.indirect.scatter.add.f32 [tilespmem:s16], [sflag:$0x7], $0x80, s21, s15, $0xb8;
	[tilespmem:$0x1D780] =	vst v63  }
0x144: {  	_ =	swait.ge [sflag:s12], $0x3200  }
0x145: {  	[sflag:s12] =	ssyncset.done $0x0  }
0x146: {  	[sflag:s12] =	ssyncadd.s32 $0xFFFFCE00  }
.LBB2_9:
0x147: {  	_ =	sfence.sel $0x180000  }
0x148: {  	[bflag:$0x0] =	sbarrier.arrive $0xFFFF  }
0x149: {  	_ =	strace $0x9000004A  }
0x14a: {  	s0 =	stileid.u32;
	[bflag:$0x2] =	sbarrier.arrive $0xFFFF  }
0x14b: {  	p0 =	sne.s32 s0, $0x0;
	s0 =	rddreg [dreg:$0x2]  }
0x14c: {  	s0 =	sadd.s32 @!p0 $0x100000, s0  }
0x14d: {  	[sflag:s0] =	ssyncadd.tile.s32 @!p0 $0x1;
	_ =	shalt  }
.Lfunc_end2:
_tile_overlayer_lowered:
.L_overlay_start_2:
0x14e: {  	(tag) =	ssettag $0x2  }
0x14f: {  	s0 =	rddreg [dreg:$0x0];
	s2 =	stileid.u32  }
0x150: {  	s1 =	rddreg [dreg:$0x1];
	p0 =	sne.s32 s2, $0x0  }
0x151: {  	s3 =	rddreg [dreg:$0x2];
	[bflag:$0x3] =	sbarrier.arrive $0xFFFF;
	s2 =	simm.s32 @!p0 $0x1C07  }
0x152: {  	[timem:s3], [sflag:s2] =	dma.local @!p0 [hbm:s0], s1  }
0x153: {  	s0 =	simm.s32 @!p0 $0x7  }
0x154: {  	_ =	swait.ge @!p0 [sflag:s0], s1  }
0x155: {  	s1 =	ssub.s32 @!p0 $0x0, s1;
	[sflag:s0] =	ssyncset.done @!p0 $0x0  }
0x156: {  	[sflag:s0] =	ssyncadd.s32 @!p0 s1  }
0x157: {  	[bflag:$0x3] =	sbarrier.arrive $0xFFFF  }
0x158: {  	_ =	shalt  }

// kernel: kernel.16.cloned.1.call-start
scs
__scs_entry_jumppad:
0x0: {  	(pc) =	sbr.rel $0x88, $3  }
0x1: {  	(tag) =	ssettag $0x0;
	lr =	simm.s32 $0x1  }
0x2: {  	[smem:$0x3F97] =	sst lr;
	_ =	strace $0xD0000000  }
0x3: {  	_ = 	snop  }
0x4: {  	_ = 	snop  }
0x5: {  	_ = 	snop  }
0x6: {  	_ = 	snop  }
0x7: {  	_ = 	snop  }
__scs_overlays_trampoline_lowered:
0x8: {  	[smem:$0x3FA6] =	sst s0  }
0x9: {  	[smem:$0x3FA7] =	sst s1  }
0xa: {  	[smem:$0x3FA8] =	sst s2  }
0xb: {  	[smem:$0x3FA9] =	sst s3  }
0xc: {  	[smem:$0x3FAA] =	sst s4  }
0xd: {  	[smem:$0x3FAB] =	sst s5  }
0xe: {  	[smem:$0x3FAC] =	sst s6  }
0xf: {  	[smem:$0x3FAD] =	sst s7  }
0x10: {  	[smem:$0x3FAE] =	sst s8  }
0x11: {  	[smem:$0x3FAF] =	sst s9;
	s0 =	simm.s32 @!p0 $0x0  }
0x12: {  	s1 =	sld [smem:$0x3F95];
	s0 =	simm.s32 @p0 $0x1  }
0x13: {  	[smem:$0x3FB0] =	sst s0;
	s0 =	simm.s32 @!p1 $0x0  }
0x14: {  	s2 =	sld [smem:$0x3F94];
	s0 =	simm.s32 @p1 $0x1  }
0x15: {  	[smem:$0x3FB1] =	sst s0;
	s0 =	simm.s32 @!p2 $0x0  }
0x16: {  	s3 =	sld [smem:$0x3FDB];
	s0 =	simm.s32 @p2 $0x1  }
0x17: {  	s4 =	simm.s32 $0x1BF5;
	[smem:$0x3FB3] =	sst s0  }
0x18: {  	s0 =	sld [smem:$0x3F96];
	_ =	swait.ge [sflag:s4], $0x0  }
0x19: {  	s7 =	sld [smem:$0x3F97]  }
0x1a: {  	s8 =	sadd.s32 $0xFFFFE003, lr  }
0x1b: {  	s9 =	sadd.s32 $0xFFFFFEF7, lr;
	s5 =	simm.s32 $0xFFFFFFFF;
	p2 =	slt.u32 s8, $0xFFFFF086  }
0x1c: {  	p1 =	slt.u32 s9, $0xF7A;
	s5 =	simm.s32 @!p2 $0x0  }
0x1d: {  	s5 =	simm.s32 @p1 $0x1;
	p0 =	seq.s32 s7, s2  }
0x1e: {  	s7 =	smul.u32 @!p0 $0xF7A, s2;
	p2 =	seq.s32 @!p0 s5, $0x0  }
0x1f: {  	s9 =	smul.u32 $0xF7A, s1;
	s8 =	simm.s32 @!p0 $0x1BF5;
	p2 =	por !p2, p0  }
0x20: {  	[sflag:s8] =	ssyncset.s32 @!p0 $0xFFFFF086;
	s6 =	sadd.s32 @!p0 s3, s7;
	s7 =	simm.s32 @!p0 $0x108  }
0x21: {  	s3 =	sadd.s32 s3, s9;
	s6 =	sadd.s32 @!p0 $0x88, s6;
	s7 =	simm.s32 @p2 $0x1082  }
0x22: {  	[simem:s7], [sflag:s8] =	dma.local @!p0 [hbm:s6], $0xF7A  }
0x23: {  	s9 =	sor.u32 $0xD0000000, s2;
	s6 =	simm.s32 $0x108;
	_ =	swait.ge @!p0 [sflag:s8], $0x0  }
0x24: {  	s3 =	sadd.s32 $0x88, s3;
	s6 =	simm.s32 @!p1 $0x1082;
	[sflag:s4] =	ssyncset.s32 $0xFFFFF086  }
0x25: {  	[simem:s6], [sflag:s4] =	dma.local [hbm:s3], $0xF7A  }
0x26: {  	[smem:$0x3F97] =	sst s1;
	(tag) =	ssettag s2;
	_ =	strace s9  }
0x27: {  	s1 =	sld [smem:$0x3FA7]  }
0x28: {  	s2 =	sld [smem:$0x3FA8]  }
0x29: {  	s4 =	sld [smem:$0x3FAA]  }
0x2a: {  	p0 =	seq.s32 s5, $0x0;
	s5 =	sld [smem:$0x3FAB]  }
0x2b: {  	s6 =	sld [smem:$0x3FAC]  }
0x2c: {  	s7 =	sld [smem:$0x3FAD]  }
0x2d: {  	s3 =	simm.s32 $0x108;
	s8 =	sld [smem:$0x3FAE]  }
0x2e: {  	s3 =	simm.s32 @!p0 $0x1082;
	s9 =	sld [smem:$0x3FAF]  }
0x2f: {  	lr =	sadd.s32 s0, s3;
	s0 =	sld [smem:$0x3FA6]  }
0x30: {  	s3 =	sld [smem:$0x3FA9]  }
0x31: {  	[smem:$0x3FB2] =	sst s10  }
0x32: {  	s10 =	sld [smem:$0x3FB0];
	_ =	sdelay $0x3  }
0x33: {  	p0 =	seq.s32 s10, $0x1;
	s10 =	sld [smem:$0x3FB2];
	_ =	sdelay $0x3  }
0x34: {  	[smem:$0x3FB2] =	sst s10  }
0x35: {  	s10 =	sld [smem:$0x3FB1];
	_ =	sdelay $0x3  }
0x36: {  	p1 =	seq.s32 s10, $0x1;
	s10 =	sld [smem:$0x3FB2];
	_ =	sdelay $0x3  }
0x37: {  	[smem:$0x3FB2] =	sst s10  }
0x38: {  	s10 =	sld [smem:$0x3FB3]  }
0x39: {  	_ = 	snop;
	(pc) =	sbr.ind lr, $3  }
0x3a: {  	_ = 	snop  }
0x3b: {  	_ = 	snop  }
0x3c: {  	p2 =	seq.s32 s10, $0x1;
	s10 =	sld [smem:$0x3FB2]  }
0x3d: {  	_ =	shalt  }
0x3e: {  	_ =	shalt  }
0x3f: {  	_ =	shalt  }
0x40: {  	_ =	shalt  }
0x41: {  	_ =	shalt  }
0x42: {  	_ =	shalt  }
0x43: {  	_ =	shalt  }
0x44: {  	_ =	shalt  }
0x45: {  	_ =	shalt  }
0x46: {  	_ =	shalt  }
0x47: {  	_ =	shalt  }
0x48: {  	_ =	shalt  }
0x49: {  	_ =	shalt  }
0x4a: {  	_ =	shalt  }
0x4b: {  	_ =	shalt  }
0x4c: {  	_ =	shalt  }
0x4d: {  	_ =	shalt  }
0x4e: {  	_ =	shalt  }
0x4f: {  	_ =	shalt  }
0x50: {  	_ =	shalt  }
0x51: {  	_ =	shalt  }
0x52: {  	_ =	shalt  }
0x53: {  	_ =	shalt  }
0x54: {  	_ =	shalt  }
0x55: {  	_ =	shalt  }
0x56: {  	_ =	shalt  }
0x57: {  	_ =	shalt  }
0x58: {  	_ =	shalt  }
0x59: {  	_ =	shalt  }
0x5a: {  	_ =	shalt  }
0x5b: {  	_ =	shalt  }
0x5c: {  	_ =	shalt  }
0x5d: {  	_ =	shalt  }
0x5e: {  	_ =	shalt  }
0x5f: {  	_ =	shalt  }
0x60: {  	_ =	shalt  }
0x61: {  	_ =	shalt  }
0x62: {  	_ =	shalt  }
0x63: {  	_ =	shalt  }
0x64: {  	_ =	shalt  }
0x65: {  	_ =	shalt  }
0x66: {  	_ =	shalt  }
0x67: {  	_ =	shalt  }
0x68: {  	_ =	shalt  }
0x69: {  	_ =	shalt  }
0x6a: {  	_ =	shalt  }
0x6b: {  	_ =	shalt  }
0x6c: {  	_ =	shalt  }
0x6d: {  	_ =	shalt  }
0x6e: {  	_ =	shalt  }
0x6f: {  	_ =	shalt  }
0x70: {  	_ =	shalt  }
0x71: {  	_ =	shalt  }
0x72: {  	_ =	shalt  }
0x73: {  	_ =	shalt  }
0x74: {  	_ =	shalt  }
0x75: {  	_ =	shalt  }
0x76: {  	_ =	shalt  }
0x77: {  	_ =	shalt  }
0x78: {  	_ =	shalt  }
0x79: {  	_ =	shalt  }
0x7a: {  	_ =	shalt  }
0x7b: {  	_ =	shalt  }
0x7c: {  	_ =	shalt  }
0x7d: {  	_ =	shalt  }
0x7e: {  	_ =	shalt  }
0x7f: {  	_ =	shalt  }
0x80: {  	_ =	shalt  }
0x81: {  	_ =	shalt  }
0x82: {  	_ =	shalt  }
0x83: {  	_ =	shalt  }
0x84: {  	_ =	shalt  }
0x85: {  	_ =	shalt  }
0x86: {  	_ =	shalt  }
0x87: {  	_ =	shalt  }
.Lfunc_end0:
.L_simem_size_0:
called_computation.2_lowered:
.L_overlay_start_0:
0x88: {  	s2 =	sld [smem:$0x3FD9]  }
0x89: {  	s3 =	sld [smem:$0x3FFE];
	_ =	sdelay $0x1  }
0x8a: {  	s1 =	srdreg.scid  }
0x8b: {  	s0 =	sand.u32 $0x1, s1  }
0x8c: {  	s16 =	sshll.u32 s0, $0xA;
	s2 =	sadd.s32 s3, s2  }
0x8d: {  	s2 =	sadd.s32 s2, s16  }
0x8e: {  	[smem:$0x3FBE] =	sst s2  }
0x8f: {  	_ = 	snop  }
0x90: {  	(tm) =	ssettm $0x1  }
0x91: {  	s17 =	sld [smem:$0x3FFB];
	_ =	sdelay $0x3  }
0x92: {  	_ =	strace s17  }
0x93: {  	s2 =	sld [smem:$0x3FFC];
	_ =	sdelay $0x3  }
0x94: {  	_ =	strace s2  }
0x95: {  	s2 =	sld [smem:$0x3FFD];
	_ =	sdelay $0x3  }
0x96: {  	_ =	strace s2  }
0x97: {  	_ =	strace $0x8FFFFFFF  }
0x98: {  	s18 =	sld [smem:$0x3FDB];
	_ =	sdelay $0x1  }
0x99: {  	s19 =	simm.s32 $_scs_section_size  }
0x9a: {  	s4 =	simm.s32 $_size__tile_overlayer_lowered;
	s5 =	simm.s32 $_tile_overlayer_lowered  }
0x9b: {  	s22 =	simm.s32 $0x1BFF;
	s21 =	sshll.u32 s5, $0x1;
	s2 =	sadd.s32 s19, s18  }
0x9c: {  	s6 =	simm.s32 $0x0;
	s20 =	sshll.u32 s4, $0x1;
	s4 =	sadd.s32 s21, s2  }
0x9d: {  	[timem:s6], [sflag:s22] =	dma.local [hbm:s4], s20  }
0x9e: {  	_ =	swait.ge [sflag:s22], s20  }
0x9f: {  	s3 =	ssub.s32 $0x0, s20;
	[sflag:s22] =	ssyncset.done $0x0  }
0xa0: {  	[sflag:s22] =	ssyncadd.s32 s3;
	_ =	sdelay $0x1  }
0xa1: {  	s23 =	simm.s32 $0x1B8B  }
0xa2: {  	_ =	swait.ge [sflag:s23], $0x1  }
0xa3: {  	[sflag:s23] =	ssyncset.done $0x0  }
0xa4: {  	s25 =	simm.s32 $0x1B8E;
	s24 =	sld [smem:$0x3FFE];
	[sflag:s23] =	ssyncadd.s32 $0xFFFFFFFF  }
0xa5: {  	s26 =	simm.s32 $execute0_lowered;
	[smem:$0x3FD2] =	sst s25  }
0xa6: {  	s4 =	sshll.u32 s26, $0x1;
	_ =	strace $0x8000004C;
	[dreg:$0x1] =	wrdreg $0xFFFFFFFF  }
0xa7: {  	s28 =	simm.s32 $_size_execute0_lowered;
	s2 =	sadd.s32 s2, s4;
	[dreg:$0x0] =	wrdreg $0x0  }
0xa8: {  	s4 =	sshll.u32 s28, $0x1;
	[dreg:$0x2] =	wrdreg s2  }
0xa9: {  	[dreg:$0x3] =	wrdreg s4  }
0xaa: {  	[dreg:$0x4] =	wrdreg $0xC0  }
0xab: {  	_ =	task [dreg:s6], $0x5FFFF  }
0xac: {  	[dreg:$0x1] =	wrdreg $0xFFFFFFFF  }
0xad: {  	[dreg:$0x0] =	wrdreg $0x60  }
0xae: {  	[dreg:$0x2] =	wrdreg s24  }
0xaf: {  	[dreg:$0x3] =	wrdreg $0x9F000  }
0xb0: {  	[dreg:$0x4] =	wrdreg $0x9  }
0xb1: {  	_ =	task.clear_ibuf [dreg:s6], $0x5FFFF;
	_ =	strace $0x9000004C  }
0xb2: {  	s29 =	simm.s32 $0x9;
	_ =	strace $0x8000004E  }
0xb3: {  	_ =	swait.ge [sflag:s29], $0x1  }
0xb4: {  	[sflag:s29] =	ssyncadd.s32 $0xFFFFFFFF  }
0xb5: {  	_ =	strace $0x9000004E  }
0xb6: {  	_ =	sfence  }
0xb7: {  	s30 =	sld [smem:$0x0];
	_ =	sdelay $0x2  }
0xb8: {  	s31 =	sshll.u32 s1, $0xD;
	s1 =	sshrl.u32 s1, $0x2  }
0xb9: {  	s3 =	sand.u32 $0x4000, s31;
	s1 =	sadd.s32 s1, s30  }
0xba: {  	s0 =	sor.u32 s3, s0;
	s1 =	sshll.u32 s1, $0x11  }
0xbb: {  	s0 =	sor.u32 s1, s0  }
0xbc: {  	s0 =	sadd.s32 $0x8F2B, s0  }
0xbd: {  	[sflag:s0] =	ssyncadd.remote.s32 $0x1  }
0xbe: {  	_ =	sfence.sel $0xFFFF  }
0xbf: {  	[dreg:$0x0] =	wrdreg $0xFFFFFFFF;
	(pc) =	sbr.abs _section_cstart, $3  }
0xc0: {  	[dreg:$0x1] =	wrdreg $0xFFFFFFFF  }
0xc1: {  	_ =	task.clear_ibuf [dreg:s6], $0x2FFFF;
	_ =	strace $0x9FFFFFFF  }
0xc2: {  	(tm) =	ssettm $0x7FFFFFFF  }
0xc3: {  	_ =	shalt  }
tec
execute0_lowered:
.L_overlay_start_1:
0x0: {  	(tag) =	ssettag $0x1  }
0x1: {  	s0 =	rddreg [dreg:$0x0]  }
0x2: {  	s2 =	rddreg [dreg:$0x1];
	s3 =	simm.s32 $0x0  }
0x3: {  	s13 =	stileid.u32;
	s1 =	srdreg.scid;
	s14 =	simm.s32 $0x1  }
0x4: {  	s15 =	simm.s32 $0x64;
	s16 =	simm.s32 $0x300;
	s17 =	simm.s32 $0x200  }
0x5: {  	s18 =	simm.s32 $0x2;
	s19 =	simm.s32 $0x3700;
	s20 =	simm.s32 $0x4  }
0x6: {  	s21 =	simm.s32 $0x80;
	s28 =	simm.s32 $0x5;
	s30 =	simm.s32 $0x0  }
0x7: {  	[smem:$0x7FF] =	sst s3;
	s6 =	smul.u32 $0x1900, s13;
	s1 =	sand.u32 $0x1, s1  }
0x8: {  	s4 =	sadd.s32 $0x21C00, s0;
	s5 =	sadd.s32 $0x48E00, s0;
	s9 =	smul.u32 $0x4E200, s13  }
0x9: {  	s22 =	sadd.s32 $0x1F400, s0;
	s25 =	sshll.u32 s13, $0x6;
	s26 =	smul.u32 $0x2780, s13  }
0xa: {  	s13 =	simm.s32 $0x100;
	_ =	strace $0x8000004D;
	s7 =	smul.u32 $0x27800, s1  }
0xb: {  	s8 =	ssub.s32 $0x2, s1;
	[dreg:$0x3] =	wrdreg s22;
	p0 =	seq.s32 s1, $0x1  }
0xc: {  	s22 =	simm.s32 $0x3;
	s10 =	sadd.s32 s6, s0;
	s23 =	sshrl.u32 s8, $0x1  }
0xd: {  	s24 =	sshrl.u32 s9, $0x2;
	s0 =	sadd.s32 s7, s0;
	s11 =	ssub.s32 s8, s23  }
.Ltmp0:
0xe: {  	s12 =	sadd.s32 s24, s2;
	s7 =	sor.u32 $0x1C07, s25;
	(pc) =	sbr.rel .LBB2_1-.Ltmp0, $4  }
0xf: {  	s8 =	sadd.s32 $0x6400, s10;
	s31 =	sadd.s32 $0x7CE0, s10;
	s23 =	simm.s32 $0x6B00  }
0x10: {  	s0 =	sadd.s32 $0x97200, s0;
	s29 =	smax.u32 s11, $0x1;
	[dreg:$0x5] =	wrdreg s31  }
0x11: {  	s25 =	simm.s32 $0x6;
	[dreg:$0x4] =	wrdreg s29;
	s0 =	sadd.s32 s26, s0  }
0x12: {  	s11 =	sshrl.u32 s12, $0x3;
	s12 =	simm.s32 $0x7;
	[dreg:$0x6] =	wrdreg s0  }
.LBB2_7:
0x13: {  	[sflag:s22] =	ssyncset.done $0x0  }
0x14: {  	s1 =	simm.s32 @!p2 $0x5;
	[sflag:s22] =	ssyncadd.s32 $0xFFFFFF00  }
0x15: {  	[tilespmem:s23], [sflag:$0x6] =	stream.indirect.gather [hbm4b:s5+s15], $0x80, s17, s15, $0xb8;
	[tilespmem:$0x1D780] =	vst v63  }
0x16: {  	_ =	swait.ge @!p2 [sflag:s1], $0x3200  }
0x17: {  	s6 =	simm.s32 @!p2 $0x3700;
	s9 =	simm.s32 @!p2 $0x7;
	[sflag:s1] =	ssyncset.done @!p2 $0x0  }
0x18: {  	s10 =	simm.s32 @!p2 $0x64;
	s24 =	simm.s32 @!p2 $0x180;
	[sflag:s1] =	ssyncadd.s32 @!p2 $0xFFFFCE00  }
0x19: {  	[spmem:s2] =	stream.indirect.scatter.add.f32 @!p2 [tilespmem:s6], [sflag:$0x7], $0x80, s24, s10, $0xb8;
	[tilespmem:$0x1D780] =	vst v63  }
0x1a: {  	_ =	swait.ge @!p2 [sflag:s9], $0x3200  }
0x1b: {  	s0 =	sadd.s32 s0, s8;
	[sflag:s9] =	ssyncset.done @!p2 $0x0  }
0x1c: {  	s6 =	sadd.s32 $0x20, s0;
	[sflag:s9] =	ssyncadd.s32 @!p2 $0xFFFFCE00  }
0x1d: {  	[tilespmem:s13], [sflag:$0x2] =	stream.linear.gather [hbm4b:s6+s3], $0x100, $0x38;
	[tilespmem:$0x1D780] =	vst v63  }
0x1e: {  	s10 =	sadd.s32 $0x1, s31;
	_ =	swait.ge [sflag:s14], $0x100  }
0x1f: {  	p1 =	sgt.u32 s10, $0xC7;
	[sflag:s14] =	ssyncset.done $0x0  }
0x20: {  	s1 =	simm.s32 @!p1 $0x6;
	[sflag:s14] =	ssyncadd.s32 $0xFFFFFF00  }
0x21: {  	[tilespmem:s16], [sflag:$0x4] =	stream.indirect.gather [hbm4b:s5+s15], $0x80, s3, s15, $0xb8;
	[tilespmem:$0x1D780] =	vst v63  }
0x22: {  	_ =	swait.ge @!p1 [sflag:s1], $0x3200  }
0x23: {  	s10 =	simm.s32 @!p1 $0x280;
	s9 =	simm.s32 @!p1 $0x64;
	[sflag:s1] =	ssyncset.done @!p1 $0x0  }
0x24: {  	s6 =	simm.s32 @!p1 $0x6B00;
	[sflag:s1] =	ssyncadd.s32 @!p1 $0xFFFFCE00;
	s1 =	simm.s32 @!p1 $0x7  }
0x25: {  	[spmem:s2] =	stream.indirect.scatter.add.f32 @!p1 [tilespmem:s6], [sflag:$0x7], $0x80, s10, s9, $0xb8;
	[tilespmem:$0x1D780] =	vst v63  }
0x26: {  	_ =	swait.ge @!p1 [sflag:s1], $0x3200  }
0x27: {  	[sflag:s1] =	ssyncset.done @!p1 $0x0  }
0x28: {  	s24 =	sadd.s32 $0x40, s0;
	[sflag:s1] =	ssyncadd.s32 @!p1 $0xFFFFCE00  }
0x29: {  	[tilespmem:s17], [sflag:$0x3] =	stream.linear.gather [hbm4b:s24+s3], $0x100, $0x38;
	[tilespmem:$0x1D780] =	vst v63  }
0x2a: {  	_ =	swait.ge [sflag:s18], $0x100  }
0x2b: {  	[sflag:s18] =	ssyncset.done $0x0  }
0x2c: {  	[sflag:s18] =	ssyncadd.s32 $0xFFFFFF00  }
0x2d: {  	[tilespmem:s19], [sflag:$0x5] =	stream.indirect.gather [hbm4b:s5+s15], $0x80, s13, s15, $0xb8;
	[tilespmem:$0x1D780] =	vst v63  }
0x2e: {  	_ =	swait.ge [sflag:s20], $0x3200  }
0x2f: {  	[sflag:s20] =	ssyncset.done $0x0  }
0x30: {  	[sflag:s20] =	ssyncadd.s32 $0xFFFFCE00  }
0x31: {  	[spmem:s2] =	stream.indirect.scatter.add.f32 [tilespmem:s16], [sflag:$0x7], $0x80, s21, s15, $0xb8;
	[tilespmem:$0x1D780] =	vst v63  }
0x32: {  	_ =	swait.ge [sflag:s12], $0x3200  }
0x33: {  	[sflag:s12] =	ssyncset.done $0x0  }
0x34: {  	s0 =	sadd.s32 $0x60, s0;
	[sflag:s12] =	ssyncadd.s32 $0xFFFFCE00  }
0x35: {  	[tilespmem:s3], [sflag:$0x1] =	stream.linear.gather [hbm4b:s0+s3], $0x100, $0x38;
	[tilespmem:$0x1D780] =	vst v63  }
0x36: {  	s26 =	sadd.s32 $0x3, s31;
	_ =	swait.ge [sflag:s22], $0x100  }
0x37: {  	p1 =	sgt.u32 s26, $0xC7;
	[sflag:s22] =	ssyncset.done $0x0  }
0x38: {  	s0 =	simm.s32 @!p1 $0x5;
	[sflag:s22] =	ssyncadd.s32 $0xFFFFFF00  }
0x39: {  	[tilespmem:s23], [sflag:$0x6] =	stream.indirect.gather [hbm4b:s5+s15], $0x80, s17, s15, $0xb8;
	[tilespmem:$0x1D780] =	vst v63  }
0x3a: {  	_ =	swait.ge @!p1 [sflag:s0], $0x3200  }
0x3b: {  	s1 =	simm.s32 @!p1 $0x180;
	[sflag:s0] =	ssyncset.done @!p1 $0x0  }
0x3c: {  	s6 =	simm.s32 @!p1 $0x3700;
	[sflag:s0] =	ssyncadd.s32 @!p1 $0xFFFFCE00;
	s0 =	simm.s32 @!p1 $0x64  }
0x3d: {  	[spmem:s2] =	stream.indirect.scatter.add.f32 @!p1 [tilespmem:s6], [sflag:$0x7], $0x80, s1, s0, $0xb8;
	[tilespmem:$0x1D780] =	vst v63  }
0x3e: {  	s0 =	simm.s32 @!p1 $0x7  }
0x3f: {  	_ =	swait.ge @!p1 [sflag:s0], $0x3200  }
0x40: {  	[sflag:s0] =	ssyncset.done @!p1 $0x0  }
0x41: {  	s29 =	rddreg [dreg:$0x5];
	[sflag:s0] =	ssyncadd.s32 @!p1 $0xFFFFCE00  }
0x42: {  	[tilespmem:s13], [sflag:$0x2] =	stream.linear.gather [hbm4b:s29+s3], $0x100, $0x38;
	[tilespmem:$0x1D780] =	vst v63  }
0x43: {  	_ =	swait.ge [sflag:s14], $0x100  }
0x44: {  	[sflag:s14] =	ssyncset.done $0x0  }
0x45: {  	[sflag:s14] =	ssyncadd.s32 $0xFFFFFF00  }
0x46: {  	[tilespmem:s16], [sflag:$0x4] =	stream.indirect.gather [hbm4b:s5+s15], $0x80, s3, s15, $0xb8;
	[tilespmem:$0x1D780] =	vst v63  }
0x47: {  	_ =	swait.ge [sflag:s25], $0x3200  }
0x48: {  	[sflag:s25] =	ssyncset.done $0x0  }
0x49: {  	s31 =	simm.s32 $0x280;
	[sflag:s25] =	ssyncadd.s32 $0xFFFFCE00  }
0x4a: {  	[spmem:s2] =	stream.indirect.scatter.add.f32 [tilespmem:s23], [sflag:$0x7], $0x80, s31, s15, $0xb8;
	[tilespmem:$0x1D780] =	vst v63  }
0x4b: {  	_ =	swait.ge [sflag:s12], $0x3200  }
0x4c: {  	[sflag:s12] =	ssyncset.done $0x0  }
0x4d: {  	[sflag:s12] =	ssyncadd.s32 $0xFFFFCE00  }
0x4e: {  	_ =	swait.ge [sflag:s18], $0x100  }
0x4f: {  	[sflag:s18] =	ssyncset.done $0x0  }
0x50: {  	[sflag:s18] =	ssyncadd.s32 $0xFFFFFF00  }
0x51: {  	[tilespmem:s19], [sflag:$0x5] =	stream.indirect.gather [hbm4b:s5+s15], $0x80, s13, s15, $0xb8;
	[tilespmem:$0x1D780] =	vst v63  }
0x52: {  	_ =	swait.ge [sflag:s20], $0x3200  }
0x53: {  	[sflag:s20] =	ssyncset.done $0x0  }
0x54: {  	[sflag:s20] =	ssyncadd.s32 $0xFFFFCE00  }
0x55: {  	[spmem:s2] =	stream.indirect.scatter.add.f32 [tilespmem:s16], [sflag:$0x7], $0x80, s21, s15, $0xb8;
	[tilespmem:$0x1D780] =	vst v63  }
0x56: {  	_ =	swait.ge [sflag:s12], $0x3200  }
0x57: {  	[sflag:s12] =	ssyncset.done $0x0  }
0x58: {  	[sflag:s12] =	ssyncadd.s32 $0xFFFFCE00  }
.LBB2_8:
0x59: {  	_ =	swait.ge [sflag:s28], $0x3200  }
0x5a: {  	[sflag:s28] =	ssyncset.done $0x0  }
0x5b: {  	s0 =	simm.s32 $0x180;
	[sflag:s28] =	ssyncadd.s32 $0xFFFFCE00  }
0x5c: {  	[spmem:s2] =	stream.indirect.scatter.add.f32 [tilespmem:s19], [sflag:$0x7], $0x80, s0, s15, $0xb8;
	[tilespmem:$0x1D780] =	vst v63  }
0x5d: {  	_ =	swait.ge [sflag:s12], $0x3200  }
0x5e: {  	[sflag:s12] =	ssyncset.done $0x0  }
0x5f: {  	[sflag:s12] =	ssyncadd.s32 $0xFFFFCE00  }
0x60: {  	[bflag:$0x0] =	sbarrier.arrive $0xFFFF  }
0x61: {  	s29 =	rddreg [dreg:$0x6]  }
0x62: {  	[hbm:s29], [sflag:s7] =	dma.local [spmem:s11], $0x2710  }
0x63: {  	_ =	swait.ge [sflag:s12], $0x2710  }
0x64: {  	s30 =	sadd.s32 $0x1, s30;
	s31 =	rddreg [dreg:$0x4]  }
0x65: {  	p1 =	sne.s32 s30, s31  }
.Ltmp1:
0x66: {  	_ = 	snop;
	(pc) =	sbr.rel @!p1 .LBB2_9-.Ltmp1, $3  }
0x67: {  	_ =	sdelay $0x1  }
0x68: {  	[sflag:s12] =	ssyncset.done $0x0  }
0x69: {  	[sflag:s12] =	ssyncadd.s32 $0xFFFFD8F0  }
.LBB2_1:
0x6a: {  	s0 =	rddreg [dreg:$0x3]  }
0x6b: {  	[spmem:s11], [sflag:s7] =	dma.local [hbm:s0], $0x2710  }
.Ltmp2:
0x6c: {  	_ =	swait.ge [sflag:s12], $0x2710;
	(pc) =	sbr.rel @!p0 .LBB2_2-.Ltmp2, $4  }
0x6d: {  	[sflag:s12] =	ssyncset.done $0x0  }
0x6e: {  	[sflag:s12] =	ssyncadd.s32 $0xFFFFD8F0  }
0x6f: {  	p1 =	por $0x1, $0x1;
	[bflag:$0x0] =	sbarrier.arrive $0xFFFF  }
0x70: {  	[tilespmem:s3], [sflag:$0x1] =	stream.linear.gather [hbm4b:s8+s3], $0x100, $0x38;
	[tilespmem:$0x1D780] =	vst v63  }
0x71: {  	s0 =	simm.s32 @!p1 $0x5  }
0x72: {  	_ =	swait.ge @!p1 [sflag:s0], $0x3200  }
0x73: {  	s1 =	simm.s32 @!p1 $0x3700;
	s6 =	simm.s32 @!p1 $0x7;
	[sflag:s0] =	ssyncset.done @!p1 $0x0  }
0x74: {  	s9 =	simm.s32 @!p1 $0x64;
	s10 =	simm.s32 @!p1 $0x180;
	[sflag:s0] =	ssyncadd.s32 @!p1 $0xFFFFCE00  }
0x75: {  	[spmem:s2] =	stream.indirect.scatter.add.f32 @!p1 [tilespmem:s1], [sflag:$0x7], $0x80, s10, s9, $0xb8;
	[tilespmem:$0x1D780] =	vst v63  }
0x76: {  	_ =	swait.ge @!p1 [sflag:s6], $0x3200  }
0x77: {  	s24 =	sadd.s32 $0x0, s8;
	[sflag:s6] =	ssyncset.done @!p1 $0x0  }
0x78: {  	s26 =	sadd.s32 $0x20, s24;
	[sflag:s6] =	ssyncadd.s32 @!p1 $0xFFFFCE00  }
0x79: {  	[tilespmem:s13], [sflag:$0x2] =	stream.linear.gather [hbm4b:s26+s3], $0x100, $0x38;
	[tilespmem:$0x1D780] =	vst v63  }
0x7a: {  	_ =	swait.ge [sflag:s14], $0x100  }
0x7b: {  	p1 =	por $0x1, $0x1;
	[sflag:s14] =	ssyncset.done $0x0  }
0x7c: {  	s1 =	simm.s32 @!p1 $0x6;
	[sflag:s14] =	ssyncadd.s32 $0xFFFFFF00  }
0x7d: {  	[tilespmem:s16], [sflag:$0x4] =	stream.indirect.gather [hbm4b:s5+s15], $0x80, s3, s15, $0xb8;
	[tilespmem:$0x1D780] =	vst v63  }
0x7e: {  	_ =	swait.ge @!p1 [sflag:s1], $0x3200  }
0x7f: {  	s6 =	simm.s32 @!p1 $0x6B00;
	s9 =	simm.s32 @!p1 $0x64;
	[sflag:s1] =	ssyncset.done @!p1 $0x0  }
0x80: {  	s10 =	simm.s32 @!p1 $0x280;
	[sflag:s1] =	ssyncadd.s32 @!p1 $0xFFFFCE00;
	s1 =	simm.s32 @!p1 $0x7  }
0x81: {  	[spmem:s2] =	stream.indirect.scatter.add.f32 @!p1 [tilespmem:s6], [sflag:$0x7], $0x80, s10, s9, $0xb8;
	[tilespmem:$0x1D780] =	vst v63  }
0x82: {  	_ =	swait.ge @!p1 [sflag:s1], $0x3200  }
0x83: {  	[sflag:s1] =	ssyncset.done @!p1 $0x0  }
0x84: {  	s29 =	sadd.s32 $0x40, s24;
	[sflag:s1] =	ssyncadd.s32 @!p1 $0xFFFFCE00  }
0x85: {  	[tilespmem:s17], [sflag:$0x3] =	stream.linear.gather [hbm4b:s29+s3], $0x100, $0x38;
	[tilespmem:$0x1D780] =	vst v63  }
0x86: {  	_ =	swait.ge [sflag:s18], $0x100  }
0x87: {  	[sflag:s18] =	ssyncset.done $0x0  }
0x88: {  	[sflag:s18] =	ssyncadd.s32 $0xFFFFFF00  }
0x89: {  	[tilespmem:s19], [sflag:$0x5] =	stream.indirect.gather [hbm4b:s5+s15], $0x80, s13, s15, $0xb8;
	[tilespmem:$0x1D780] =	vst v63  }
0x8a: {  	_ =	swait.ge [sflag:s20], $0x3200  }
0x8b: {  	[sflag:s20] =	ssyncset.done $0x0  }
0x8c: {  	[sflag:s20] =	ssyncadd.s32 $0xFFFFCE00  }
0x8d: {  	[spmem:s2] =	stream.indirect.scatter.add.f32 [tilespmem:s16], [sflag:$0x7], $0x80, s21, s15, $0xb8;
	[tilespmem:$0x1D780] =	vst v63  }
0x8e: {  	_ =	swait.ge [sflag:s12], $0x3200  }
0x8f: {  	s31 =	simm.s32 $0x1;
	[sflag:s12] =	ssyncset.done $0x0  }
0x90: {  	p2 =	por $0x0, $0x0;
	s0 =	sadd.s32 $0x60, s24;
	[sflag:s12] =	ssyncadd.s32 $0xFFFFCE00  }
0x91: {  	[tilespmem:s3], [sflag:$0x1] =	stream.linear.gather [hbm4b:s0+s3], $0x100, $0x38;
	[tilespmem:$0x1D780] =	vst v63  }
0x92: {  	s1 =	simm.s32 $0xC0;
	s0 =	simm.s32 $0x60;
	_ =	swait.ge [sflag:s22], $0x100  }
.LBB2_6:
0x93: {  	s6 =	simm.s32 @!p2 $0x5  }
0x94: {  	[sflag:s22] =	ssyncset.done $0x0;
	s9 =	smov.u32 s1;
	s1 =	sadd.s32 $0x60, s1  }
0x95: {  	p1 =	sne.s32 s1, $0x18C0;
	[sflag:s22] =	ssyncadd.s32 $0xFFFFFF00  }
0x96: {  	[tilespmem:s23], [sflag:$0x6] =	stream.indirect.gather [hbm4b:s5+s15], $0x80, s17, s15, $0xb8;
	[tilespmem:$0x1D780] =	vst v63  }
0x97: {  	s10 =	simm.s32 @!p2 $0x3700;
	s24 =	simm.s32 @!p2 $0x7;
	_ =	swait.ge @!p2 [sflag:s6], $0x3200  }
0x98: {  	s26 =	simm.s32 @!p2 $0x64;
	s29 =	simm.s32 @!p2 $0x180;
	[sflag:s6] =	ssyncset.done @!p2 $0x0  }
0x99: {  	[sflag:s6] =	ssyncadd.s32 @!p2 $0xFFFFCE00  }
0x9a: {  	[spmem:s2] =	stream.indirect.scatter.add.f32 @!p2 [tilespmem:s10], [sflag:$0x7], $0x80, s29, s26, $0xb8;
	[tilespmem:$0x1D780] =	vst v63  }
0x9b: {  	s6 =	sadd.s32 s0, s8;
	s0 =	smov.u32 s9;
	_ =	swait.ge @!p2 [sflag:s24], $0x3200  }
0x9c: {  	s9 =	sadd.s32 $0x20, s6;
	[sflag:s24] =	ssyncset.done @!p2 $0x0  }
0x9d: {  	[sflag:s24] =	ssyncadd.s32 @!p2 $0xFFFFCE00  }
0x9e: {  	[tilespmem:s13], [sflag:$0x2] =	stream.linear.gather [hbm4b:s9+s3], $0x100, $0x38;
	[tilespmem:$0x1D780] =	vst v63  }
0x9f: {  	s9 =	sadd.s32 $0x1, s31;
	_ =	swait.ge [sflag:s14], $0x100  }
0xa0: {  	p2 =	sgt.u32 s9, $0xC7;
	[sflag:s14] =	ssyncset.done $0x0  }
0xa1: {  	s9 =	simm.s32 @!p2 $0x6;
	[sflag:s14] =	ssyncadd.s32 $0xFFFFFF00  }
0xa2: {  	[tilespmem:s16], [sflag:$0x4] =	stream.indirect.gather [hbm4b:s5+s15], $0x80, s3, s15, $0xb8;
	[tilespmem:$0x1D780] =	vst v63  }
0xa3: {  	s10 =	simm.s32 @!p2 $0x6B00;
	_ =	swait.ge @!p2 [sflag:s9], $0x3200  }
0xa4: {  	s24 =	simm.s32 @!p2 $0x64;
	s26 =	simm.s32 @!p2 $0x280;
	[sflag:s9] =	ssyncset.done @!p2 $0x0  }
0xa5: {  	[sflag:s9] =	ssyncadd.s32 @!p2 $0xFFFFCE00;
	s9 =	simm.s32 @!p2 $0x7  }
0xa6: {  	[spmem:s2] =	stream.indirect.scatter.add.f32 @!p2 [tilespmem:s10], [sflag:$0x7], $0x80, s26, s24, $0xb8;
	[tilespmem:$0x1D780] =	vst v63  }
0xa7: {  	_ =	swait.ge @!p2 [sflag:s9], $0x3200  }
0xa8: {  	s10 =	sadd.s32 $0x40, s6;
	[sflag:s9] =	ssyncset.done @!p2 $0x0  }
0xa9: {  	[sflag:s9] =	ssyncadd.s32 @!p2 $0xFFFFCE00  }
0xaa: {  	[tilespmem:s17], [sflag:$0x3] =	stream.linear.gather [hbm4b:s10+s3], $0x100, $0x38;
	[tilespmem:$0x1D780] =	vst v63  }
0xab: {  	_ =	swait.ge [sflag:s18], $0x100  }
0xac: {  	[sflag:s18] =	ssyncset.done $0x0  }
0xad: {  	[sflag:s18] =	ssyncadd.s32 $0xFFFFFF00  }
0xae: {  	[tilespmem:s19], [sflag:$0x5] =	stream.indirect.gather [hbm4b:s5+s15], $0x80, s13, s15, $0xb8;
	[tilespmem:$0x1D780] =	vst v63  }
0xaf: {  	_ =	swait.ge [sflag:s20], $0x3200  }
0xb0: {  	[sflag:s20] =	ssyncset.done $0x0  }
0xb1: {  	[sflag:s20] =	ssyncadd.s32 $0xFFFFCE00  }
0xb2: {  	[spmem:s2] =	stream.indirect.scatter.add.f32 [tilespmem:s16], [sflag:$0x7], $0x80, s21, s15, $0xb8;
	[tilespmem:$0x1D780] =	vst v63  }
.Ltmp3:
0xb3: {  	_ =	swait.ge [sflag:s12], $0x3200;
	(pc) =	sbr.rel @p1 .LBB2_6-.Ltmp3, $4  }
0xb4: {  	s6 =	sadd.s32 $0x60, s6;
	[sflag:s12] =	ssyncset.done $0x0  }
0xb5: {  	s31 =	sadd.s32 $0x3, s31;
	[sflag:s12] =	ssyncadd.s32 $0xFFFFCE00  }
0xb6: {  	[tilespmem:s3], [sflag:$0x1] =	stream.linear.gather [hbm4b:s6+s3], $0x100, $0x38;
	[tilespmem:$0x1D780] =	vst v63  }
0xb7: {  	p2 =	sgt.u32 s31, $0xC7;
	_ =	swait.ge [sflag:s22], $0x100  }
.Ltmp4:
0xb8: {  	_ = 	snop;
	(pc) =	sbr.rel .LBB2_7-.Ltmp4, $1  }
0xb9: {  	_ =	sdelay $0x3  }
.LBB2_2:
0xba: {  	s0 =	simm.s32 @!p1 $0x5  }
0xbb: {  	_ =	swait.ge @!p1 [sflag:s0], $0x3200  }
0xbc: {  	s1 =	simm.s32 @!p1 $0x3700;
	s31 =	simm.s32 @!p1 $0x7;
	[sflag:s0] =	ssyncset.done @!p1 $0x0  }
0xbd: {  	s26 =	simm.s32 @!p1 $0x64;
	s29 =	simm.s32 @!p1 $0x180;
	[sflag:s0] =	ssyncadd.s32 @!p1 $0xFFFFCE00  }
0xbe: {  	[spmem:s2] =	stream.indirect.scatter.add.f32 @!p1 [tilespmem:s1], [sflag:$0x7], $0x80, s29, s26, $0xb8;
	[tilespmem:$0x1D780] =	vst v63  }
0xbf: {  	_ =	swait.ge @!p1 [sflag:s31], $0x3200  }
0xc0: {  	s24 =	sadd.s32 $0x0, s8;
	[sflag:s31] =	ssyncset.done @!p1 $0x0  }
0xc1: {  	s26 =	sadd.s32 $0x20, s24;
	[sflag:s31] =	ssyncadd.s32 @!p1 $0xFFFFCE00  }
0xc2: {  	[tilespmem:s13], [sflag:$0x2] =	stream.linear.gather [hbm4b:s26+s3], $0x100, $0x38;
	[tilespmem:$0x1D780] =	vst v63  }
0xc3: {  	_ =	swait.ge [sflag:s14], $0x100  }
0xc4: {  	p1 =	por $0x1, $0x1;
	[sflag:s14] =	ssyncset.done $0x0  }
0xc5: {  	s1 =	simm.s32 @!p1 $0x6;
	[sflag:s14] =	ssyncadd.s32 $0xFFFFFF00  }
0xc6: {  	[tilespmem:s16], [sflag:$0x4] =	stream.indirect.gather [hbm4b:s4+s15], $0x80, s3, s15, $0xb8;
	[tilespmem:$0x1D780] =	vst v63  }
0xc7: {  	_ =	swait.ge @!p1 [sflag:s1], $0x3200  }
0xc8: {  	s26 =	simm.s32 @!p1 $0x6B00;
	s29 =	simm.s32 @!p1 $0x64;
	[sflag:s1] =	ssyncset.done @!p1 $0x0  }
0xc9: {  	s31 =	simm.s32 @!p1 $0x280;
	[sflag:s1] =	ssyncadd.s32 @!p1 $0xFFFFCE00;
	s1 =	simm.s32 @!p1 $0x7  }
0xca: {  	[spmem:s2] =	stream.indirect.scatter.add.f32 @!p1 [tilespmem:s26], [sflag:$0x7], $0x80, s31, s29, $0xb8;
	[tilespmem:$0x1D780] =	vst v63  }
0xcb: {  	_ =	swait.ge @!p1 [sflag:s1], $0x3200  }
0xcc: {  	[sflag:s1] =	ssyncset.done @!p1 $0x0  }
0xcd: {  	s29 =	sadd.s32 $0x40, s24;
	[sflag:s1] =	ssyncadd.s32 @!p1 $0xFFFFCE00  }
0xce: {  	[tilespmem:s17], [sflag:$0x3] =	stream.linear.gather [hbm4b:s29+s3], $0x100, $0x38;
	[tilespmem:$0x1D780] =	vst v63  }
0xcf: {  	_ =	swait.ge [sflag:s18], $0x100  }
0xd0: {  	[sflag:s18] =	ssyncset.done $0x0  }
0xd1: {  	[sflag:s18] =	ssyncadd.s32 $0xFFFFFF00  }
0xd2: {  	[tilespmem:s19], [sflag:$0x5] =	stream.indirect.gather [hbm4b:s4+s15], $0x80, s13, s15, $0xb8;
	[tilespmem:$0x1D780] =	vst v63  }
0xd3: {  	_ =	swait.ge [sflag:s20], $0x3200  }
0xd4: {  	[sflag:s20] =	ssyncset.done $0x0  }
0xd5: {  	[sflag:s20] =	ssyncadd.s32 $0xFFFFCE00  }
0xd6: {  	[spmem:s2] =	stream.indirect.scatter.add.f32 [tilespmem:s16], [sflag:$0x7], $0x80, s21, s15, $0xb8;
	[tilespmem:$0x1D780] =	vst v63  }
0xd7: {  	_ =	swait.ge [sflag:s12], $0x3200  }
0xd8: {  	p2 =	por $0x0, $0x0;
	[sflag:s12] =	ssyncset.done $0x0  }
0xd9: {  	s0 =	sadd.s32 $0x60, s24;
	s31 =	simm.s32 $0x1;
	[sflag:s12] =	ssyncadd.s32 $0xFFFFCE00  }
0xda: {  	[tilespmem:s3], [sflag:$0x1] =	stream.linear.gather [hbm4b:s0+s3], $0x100, $0x38;
	[tilespmem:$0x1D780] =	vst v63  }
0xdb: {  	s1 =	simm.s32 $0xC0;
	s0 =	simm.s32 $0x60;
	_ =	swait.ge [sflag:s22], $0x100  }
.LBB2_3:
0xdc: {  	s26 =	simm.s32 @!p2 $0x5  }
0xdd: {  	[sflag:s22] =	ssyncset.done $0x0;
	s29 =	smov.u32 s1;
	s1 =	sadd.s32 $0x60, s1  }
0xde: {  	p1 =	seq.s32 s1, $0x18C0;
	[sflag:s22] =	ssyncadd.s32 $0xFFFFFF00  }
0xdf: {  	[tilespmem:s23], [sflag:$0x6] =	stream.indirect.gather [hbm4b:s4+s15], $0x80, s17, s15, $0xb8;
	[tilespmem:$0x1D780] =	vst v63  }
0xe0: {  	s6 =	simm.s32 @!p2 $0x3700;
	s9 =	simm.s32 @!p2 $0x7;
	_ =	swait.ge @!p2 [sflag:s26], $0x3200  }
0xe1: {  	s10 =	simm.s32 @!p2 $0x64;
	s24 =	simm.s32 @!p2 $0x180;
	[sflag:s26] =	ssyncset.done @!p2 $0x0  }
0xe2: {  	[sflag:s26] =	ssyncadd.s32 @!p2 $0xFFFFCE00  }
0xe3: {  	[spmem:s2] =	stream.indirect.scatter.add.f32 @!p2 [tilespmem:s6], [sflag:$0x7], $0x80, s24, s10, $0xb8;
	[tilespmem:$0x1D780] =	vst v63  }
0xe4: {  	s6 =	sadd.s32 s0, s8;
	s0 =	smov.u32 s29;
	_ =	swait.ge @!p2 [sflag:s9], $0x3200  }
0xe5: {  	s10 =	sadd.s32 $0x20, s6;
	[sflag:s9] =	ssyncset.done @!p2 $0x0  }
0xe6: {  	[sflag:s9] =	ssyncadd.s32 @!p2 $0xFFFFCE00  }
0xe7: {  	[tilespmem:s13], [sflag:$0x2] =	stream.linear.gather [hbm4b:s10+s3], $0x100, $0x38;
	[tilespmem:$0x1D780] =	vst v63  }
0xe8: {  	s9 =	sadd.s32 $0x1, s31;
	_ =	swait.ge [sflag:s14], $0x100  }
0xe9: {  	p2 =	sgt.u32 s9, $0xC7;
	[sflag:s14] =	ssyncset.done $0x0  }
0xea: {  	s9 =	simm.s32 @!p2 $0x6;
	[sflag:s14] =	ssyncadd.s32 $0xFFFFFF00  }
0xeb: {  	[tilespmem:s16], [sflag:$0x4] =	stream.indirect.gather [hbm4b:s4+s15], $0x80, s3, s15, $0xb8;
	[tilespmem:$0x1D780] =	vst v63  }
0xec: {  	s10 =	simm.s32 @!p2 $0x6B00;
	_ =	swait.ge @!p2 [sflag:s9], $0x3200  }
0xed: {  	s24 =	simm.s32 @!p2 $0x64;
	s26 =	simm.s32 @!p2 $0x280;
	[sflag:s9] =	ssyncset.done @!p2 $0x0  }
0xee: {  	[sflag:s9] =	ssyncadd.s32 @!p2 $0xFFFFCE00;
	s9 =	simm.s32 @!p2 $0x7  }
0xef: {  	[spmem:s2] =	stream.indirect.scatter.add.f32 @!p2 [tilespmem:s10], [sflag:$0x7], $0x80, s26, s24, $0xb8;
	[tilespmem:$0x1D780] =	vst v63  }
0xf0: {  	_ =	swait.ge @!p2 [sflag:s9], $0x3200  }
0xf1: {  	s10 =	sadd.s32 $0x40, s6;
	[sflag:s9] =	ssyncset.done @!p2 $0x0  }
0xf2: {  	[sflag:s9] =	ssyncadd.s32 @!p2 $0xFFFFCE00  }
0xf3: {  	[tilespmem:s17], [sflag:$0x3] =	stream.linear.gather [hbm4b:s10+s3], $0x100, $0x38;
	[tilespmem:$0x1D780] =	vst v63  }
0xf4: {  	_ =	swait.ge [sflag:s18], $0x100  }
0xf5: {  	[sflag:s18] =	ssyncset.done $0x0  }
0xf6: {  	[sflag:s18] =	ssyncadd.s32 $0xFFFFFF00  }
0xf7: {  	[tilespmem:s19], [sflag:$0x5] =	stream.indirect.gather [hbm4b:s4+s15], $0x80, s13, s15, $0xb8;
	[tilespmem:$0x1D780] =	vst v63  }
0xf8: {  	_ =	swait.ge [sflag:s20], $0x3200  }
0xf9: {  	[sflag:s20] =	ssyncset.done $0x0  }
0xfa: {  	[sflag:s20] =	ssyncadd.s32 $0xFFFFCE00  }
0xfb: {  	[spmem:s2] =	stream.indirect.scatter.add.f32 [tilespmem:s16], [sflag:$0x7], $0x80, s21, s15, $0xb8;
	[tilespmem:$0x1D780] =	vst v63  }
.Ltmp5:
0xfc: {  	_ =	swait.ge [sflag:s12], $0x3200;
	(pc) =	sbr.rel @!p1 .LBB2_3-.Ltmp5, $4  }
0xfd: {  	s6 =	sadd.s32 $0x60, s6;
	[sflag:s12] =	ssyncset.done $0x0  }
0xfe: {  	s31 =	sadd.s32 $0x3, s31;
	[sflag:s12] =	ssyncadd.s32 $0xFFFFCE00  }
0xff: {  	[tilespmem:s3], [sflag:$0x1] =	stream.linear.gather [hbm4b:s6+s3], $0x100, $0x38;
	[tilespmem:$0x1D780] =	vst v63  }
0x100: {  	p2 =	sgt.u32 s31, $0xC7;
	_ =	swait.ge [sflag:s22], $0x100  }
0x101: {  	[sflag:s22] =	ssyncset.done $0x0  }
0x102: {  	s1 =	simm.s32 @!p2 $0x5;
	[sflag:s22] =	ssyncadd.s32 $0xFFFFFF00  }
0x103: {  	[tilespmem:s23], [sflag:$0x6] =	stream.indirect.gather [hbm4b:s4+s15], $0x80, s17, s15, $0xb8;
	[tilespmem:$0x1D780] =	vst v63  }
0x104: {  	_ =	swait.ge @!p2 [sflag:s1], $0x3200  }
0x105: {  	s6 =	simm.s32 @!p2 $0x3700;
	s9 =	simm.s32 @!p2 $0x7;
	[sflag:s1] =	ssyncset.done @!p2 $0x0  }
0x106: {  	s10 =	simm.s32 @!p2 $0x64;
	s24 =	simm.s32 @!p2 $0x180;
	[sflag:s1] =	ssyncadd.s32 @!p2 $0xFFFFCE00  }
0x107: {  	[spmem:s2] =	stream.indirect.scatter.add.f32 @!p2 [tilespmem:s6], [sflag:$0x7], $0x80, s24, s10, $0xb8;
	[tilespmem:$0x1D780] =	vst v63  }
0x108: {  	_ =	swait.ge @!p2 [sflag:s9], $0x3200  }
0x109: {  	s0 =	sadd.s32 s0, s8;
	[sflag:s9] =	ssyncset.done @!p2 $0x0  }
0x10a: {  	s6 =	sadd.s32 $0x20, s0;
	[sflag:s9] =	ssyncadd.s32 @!p2 $0xFFFFCE00  }
0x10b: {  	[tilespmem:s13], [sflag:$0x2] =	stream.linear.gather [hbm4b:s6+s3], $0x100, $0x38;
	[tilespmem:$0x1D780] =	vst v63  }
0x10c: {  	s10 =	sadd.s32 $0x1, s31;
	_ =	swait.ge [sflag:s14], $0x100  }
0x10d: {  	p1 =	sgt.u32 s10, $0xC7;
	[sflag:s14] =	ssyncset.done $0x0  }
0x10e: {  	s1 =	simm.s32 @!p1 $0x6;
	[sflag:s14] =	ssyncadd.s32 $0xFFFFFF00  }
0x10f: {  	[tilespmem:s16], [sflag:$0x4] =	stream.indirect.gather [hbm4b:s4+s15], $0x80, s3, s15, $0xb8;
	[tilespmem:$0x1D780] =	vst v63  }
0x110: {  	_ =	swait.ge @!p1 [sflag:s1], $0x3200  }
0x111: {  	s10 =	simm.s32 @!p1 $0x280;
	s9 =	simm.s32 @!p1 $0x64;
	[sflag:s1] =	ssyncset.done @!p1 $0x0  }
0x112: {  	s6 =	simm.s32 @!p1 $0x6B00;
	[sflag:s1] =	ssyncadd.s32 @!p1 $0xFFFFCE00;
	s1 =	simm.s32 @!p1 $0x7  }
0x113: {  	[spmem:s2] =	stream.indirect.scatter.add.f32 @!p1 [tilespmem:s6], [sflag:$0x7], $0x80, s10, s9, $0xb8;
	[tilespmem:$0x1D780] =	vst v63  }
0x114: {  	_ =	swait.ge @!p1 [sflag:s1], $0x3200  }
0x115: {  	[sflag:s1] =	ssyncset.done @!p1 $0x0  }
0x116: {  	s24 =	sadd.s32 $0x40, s0;
	[sflag:s1] =	ssyncadd.s32 @!p1 $0xFFFFCE00  }
0x117: {  	[tilespmem:s17], [sflag:$0x3] =	stream.linear.gather [hbm4b:s24+s3], $0x100, $0x38;
	[tilespmem:$0x1D780] =	vst v63  }
0x118: {  	_ =	swait.ge [sflag:s18], $0x100  }
0x119: {  	[sflag:s18] =	ssyncset.done $0x0  }
0x11a: {  	[sflag:s18] =	ssyncadd.s32 $0xFFFFFF00  }
0x11b: {  	[tilespmem:s19], [sflag:$0x5] =	stream.indirect.gather [hbm4b:s4+s15], $0x80, s13, s15, $0xb8;
	[tilespmem:$0x1D780] =	vst v63  }
0x11c: {  	_ =	swait.ge [sflag:s20], $0x3200  }
0x11d: {  	[sflag:s20] =	ssyncset.done $0x0  }
0x11e: {  	[sflag:s20] =	ssyncadd.s32 $0xFFFFCE00  }
0x11f: {  	[spmem:s2] =	stream.indirect.scatter.add.f32 [tilespmem:s16], [sflag:$0x7], $0x80, s21, s15, $0xb8;
	[tilespmem:$0x1D780] =	vst v63  }
0x120: {  	_ =	swait.ge [sflag:s12], $0x3200  }
0x121: {  	[sflag:s12] =	ssyncset.done $0x0  }
0x122: {  	s0 =	sadd.s32 $0x60, s0;
	[sflag:s12] =	ssyncadd.s32 $0xFFFFCE00  }
0x123: {  	[tilespmem:s3], [sflag:$0x1] =	stream.linear.gather [hbm4b:s0+s3], $0x100, $0x38;
	[tilespmem:$0x1D780] =	vst v63  }
0x124: {  	s26 =	sadd.s32 $0x3, s31;
	_ =	swait.ge [sflag:s22], $0x100  }
0x125: {  	p1 =	sgt.u32 s26, $0xC7;
	[sflag:s22] =	ssyncset.done $0x0  }
0x126: {  	s0 =	simm.s32 @!p1 $0x5;
	[sflag:s22] =	ssyncadd.s32 $0xFFFFFF00  }
0x127: {  	[tilespmem:s23], [sflag:$0x6] =	stream.indirect.gather [hbm4b:s4+s15], $0x80, s17, s15, $0xb8;
	[tilespmem:$0x1D780] =	vst v63  }
0x128: {  	_ =	swait.ge @!p1 [sflag:s0], $0x3200  }
0x129: {  	s1 =	simm.s32 @!p1 $0x180;
	[sflag:s0] =	ssyncset.done @!p1 $0x0  }
0x12a: {  	s6 =	simm.s32 @!p1 $0x3700;
	[sflag:s0] =	ssyncadd.s32 @!p1 $0xFFFFCE00;
	s0 =	simm.s32 @!p1 $0x64  }
0x12b: {  	[spmem:s2] =	stream.indirect.scatter.add.f32 @!p1 [tilespmem:s6], [sflag:$0x7], $0x80, s1, s0, $0xb8;
	[tilespmem:$0x1D780] =	vst v63  }
0x12c: {  	s0 =	simm.s32 @!p1 $0x7  }
0x12d: {  	_ =	swait.ge @!p1 [sflag:s0], $0x3200  }
0x12e: {  	[sflag:s0] =	ssyncset.done @!p1 $0x0  }
0x12f: {  	s29 =	rddreg [dreg:$0x5];
	[sflag:s0] =	ssyncadd.s32 @!p1 $0xFFFFCE00  }
0x130: {  	[tilespmem:s13], [sflag:$0x2] =	stream.linear.gather [hbm4b:s29+s3], $0x100, $0x38;
	[tilespmem:$0x1D780] =	vst v63  }
0x131: {  	_ =	swait.ge [sflag:s14], $0x100  }
0x132: {  	[sflag:s14] =	ssyncset.done $0x0  }
0x133: {  	[sflag:s14] =	ssyncadd.s32 $0xFFFFFF00  }
0x134: {  	[tilespmem:s16], [sflag:$0x4] =	stream.indirect.gather [hbm4b:s4+s15], $0x80, s3, s15, $0xb8;
	[tilespmem:$0x1D780] =	vst v63  }
0x135: {  	_ =	swait.ge [sflag:s25], $0x3200  }
0x136: {  	[sflag:s25] =	ssyncset.done $0x0  }
0x137: {  	s31 =	simm.s32 $0x280;
	[sflag:s25] =	ssyncadd.s32 $0xFFFFCE00  }
0x138: {  	[spmem:s2] =	stream.indirect.scatter.add.f32 [tilespmem:s23], [sflag:$0x7], $0x80, s31, s15, $0xb8;
	[tilespmem:$0x1D780] =	vst v63  }
0x139: {  	_ =	swait.ge [sflag:s12], $0x3200  }
0x13a: {  	[sflag:s12] =	ssyncset.done $0x0  }
0x13b: {  	[sflag:s12] =	ssyncadd.s32 $0xFFFFCE00  }
0x13c: {  	_ =	swait.ge [sflag:s18], $0x100  }
0x13d: {  	[sflag:s18] =	ssyncset.done $0x0  }
0x13e: {  	[sflag:s18] =	ssyncadd.s32 $0xFFFFFF00  }
0x13f: {  	[tilespmem:s19], [sflag:$0x5] =	stream.indirect.gather [hbm4b:s4+s15], $0x80, s13, s15, $0xb8;
	[tilespmem:$0x1D780] =	vst v63  }
0x140: {  	_ =	swait.ge [sflag:s20], $0x3200  }
0x141: {  	[sflag:s20] =	ssyncset.done $0x0  }
.Ltmp6:
0x142: {  	[sflag:s20] =	ssyncadd.s32 $0xFFFFCE00;
	(pc) =	sbr.rel .LBB2_8-.Ltmp6, $4  }
0x143: {  	[spmem:s2] =	stream.indirect.scatter.add.f32 [tilespmem:s16], [sflag:$0x7], $0x80, s21, s15, $0xb8;
	[tilespmem:$0x1D780] =	vst v63  }
0x144: {  	_ =	swait.ge [sflag:s12], $0x3200  }
0x145: {  	[sflag:s12] =	ssyncset.done $0x0  }
0x146: {  	[sflag:s12] =	ssyncadd.s32 $0xFFFFCE00  }
.LBB2_9:
0x147: {  	_ =	sfence.sel $0x180000  }
0x148: {  	[bflag:$0x0] =	sbarrier.arrive $0xFFFF  }
0x149: {  	_ =	strace $0x9000004D  }
0x14a: {  	s0 =	stileid.u32;
	[bflag:$0x2] =	sbarrier.arrive $0xFFFF  }
0x14b: {  	p0 =	sne.s32 s0, $0x0;
	s0 =	rddreg [dreg:$0x2]  }
0x14c: {  	s0 =	sadd.s32 @!p0 $0x100000, s0  }
0x14d: {  	[sflag:s0] =	ssyncadd.tile.s32 @!p0 $0x1;
	_ =	shalt  }
.Lfunc_end2:
_tile_overlayer_lowered:
.L_overlay_start_2:
0x14e: {  	(tag) =	ssettag $0x2  }
0x14f: {  	s0 =	rddreg [dreg:$0x0];
	s2 =	stileid.u32  }
0x150: {  	s1 =	rddreg [dreg:$0x1];
	p0 =	sne.s32 s2, $0x0  }
0x151: {  	s3 =	rddreg [dreg:$0x2];
	[bflag:$0x3] =	sbarrier.arrive $0xFFFF;
	s2 =	simm.s32 @!p0 $0x1C07  }
0x152: {  	[timem:s3], [sflag:s2] =	dma.local @!p0 [hbm:s0], s1  }
0x153: {  	s0 =	simm.s32 @!p0 $0x7  }
0x154: {  	_ =	swait.ge @!p0 [sflag:s0], s1  }
0x155: {  	s1 =	ssub.s32 @!p0 $0x0, s1;
	[sflag:s0] =	ssyncset.done @!p0 $0x0  }
0x156: {  	[sflag:s0] =	ssyncadd.s32 @!p0 s1  }
0x157: {  	[bflag:$0x3] =	sbarrier.arrive $0xFFFF  }
0x158: {  	_ =	shalt  }

// kernel: kernel.19.cloned.1.call-start
scs
__scs_entry_jumppad:
0x0: {  	(pc) =	sbr.rel $0x88, $3  }
0x1: {  	(tag) =	ssettag $0x0;
	lr =	simm.s32 $0x1  }
0x2: {  	[smem:$0x3F97] =	sst lr;
	_ =	strace $0xD0000000  }
0x3: {  	_ = 	snop  }
0x4: {  	_ = 	snop  }
0x5: {  	_ = 	snop  }
0x6: {  	_ = 	snop  }
0x7: {  	_ = 	snop  }
__scs_overlays_trampoline_lowered:
0x8: {  	[smem:$0x3FA6] =	sst s0  }
0x9: {  	[smem:$0x3FA7] =	sst s1  }
0xa: {  	[smem:$0x3FA8] =	sst s2  }
0xb: {  	[smem:$0x3FA9] =	sst s3  }
0xc: {  	[smem:$0x3FAA] =	sst s4  }
0xd: {  	[smem:$0x3FAB] =	sst s5  }
0xe: {  	[smem:$0x3FAC] =	sst s6  }
0xf: {  	[smem:$0x3FAD] =	sst s7  }
0x10: {  	[smem:$0x3FAE] =	sst s8  }
0x11: {  	[smem:$0x3FAF] =	sst s9;
	s0 =	simm.s32 @!p0 $0x0  }
0x12: {  	s1 =	sld [smem:$0x3F95];
	s0 =	simm.s32 @p0 $0x1  }
0x13: {  	[smem:$0x3FB0] =	sst s0;
	s0 =	simm.s32 @!p1 $0x0  }
0x14: {  	s2 =	sld [smem:$0x3F94];
	s0 =	simm.s32 @p1 $0x1  }
0x15: {  	[smem:$0x3FB1] =	sst s0;
	s0 =	simm.s32 @!p2 $0x0  }
0x16: {  	s3 =	sld [smem:$0x3FDB];
	s0 =	simm.s32 @p2 $0x1  }
0x17: {  	s4 =	simm.s32 $0x1BF5;
	[smem:$0x3FB3] =	sst s0  }
0x18: {  	s0 =	sld [smem:$0x3F96];
	_ =	swait.ge [sflag:s4], $0x0  }
0x19: {  	s7 =	sld [smem:$0x3F97]  }
0x1a: {  	s8 =	sadd.s32 $0xFFFFE003, lr  }
0x1b: {  	s9 =	sadd.s32 $0xFFFFFEF7, lr;
	s5 =	simm.s32 $0xFFFFFFFF;
	p2 =	slt.u32 s8, $0xFFFFF086  }
0x1c: {  	p1 =	slt.u32 s9, $0xF7A;
	s5 =	simm.s32 @!p2 $0x0  }
0x1d: {  	s5 =	simm.s32 @p1 $0x1;
	p0 =	seq.s32 s7, s2  }
0x1e: {  	s7 =	smul.u32 @!p0 $0xF7A, s2;
	p2 =	seq.s32 @!p0 s5, $0x0  }
0x1f: {  	s9 =	smul.u32 $0xF7A, s1;
	s8 =	simm.s32 @!p0 $0x1BF5;
	p2 =	por !p2, p0  }
0x20: {  	[sflag:s8] =	ssyncset.s32 @!p0 $0xFFFFF086;
	s6 =	sadd.s32 @!p0 s3, s7;
	s7 =	simm.s32 @!p0 $0x108  }
0x21: {  	s3 =	sadd.s32 s3, s9;
	s6 =	sadd.s32 @!p0 $0x88, s6;
	s7 =	simm.s32 @p2 $0x1082  }
0x22: {  	[simem:s7], [sflag:s8] =	dma.local @!p0 [hbm:s6], $0xF7A  }
0x23: {  	s9 =	sor.u32 $0xD0000000, s2;
	s6 =	simm.s32 $0x108;
	_ =	swait.ge @!p0 [sflag:s8], $0x0  }
0x24: {  	s3 =	sadd.s32 $0x88, s3;
	s6 =	simm.s32 @!p1 $0x1082;
	[sflag:s4] =	ssyncset.s32 $0xFFFFF086  }
0x25: {  	[simem:s6], [sflag:s4] =	dma.local [hbm:s3], $0xF7A  }
0x26: {  	[smem:$0x3F97] =	sst s1;
	(tag) =	ssettag s2;
	_ =	strace s9  }
0x27: {  	s1 =	sld [smem:$0x3FA7]  }
0x28: {  	s2 =	sld [smem:$0x3FA8]  }
0x29: {  	s4 =	sld [smem:$0x3FAA]  }
0x2a: {  	p0 =	seq.s32 s5, $0x0;
	s5 =	sld [smem:$0x3FAB]  }
0x2b: {  	s6 =	sld [smem:$0x3FAC]  }
0x2c: {  	s7 =	sld [smem:$0x3FAD]  }
0x2d: {  	s3 =	simm.s32 $0x108;
	s8 =	sld [smem:$0x3FAE]  }
0x2e: {  	s3 =	simm.s32 @!p0 $0x1082;
	s9 =	sld [smem:$0x3FAF]  }
0x2f: {  	lr =	sadd.s32 s0, s3;
	s0 =	sld [smem:$0x3FA6]  }
0x30: {  	s3 =	sld [smem:$0x3FA9]  }
0x31: {  	[smem:$0x3FB2] =	sst s10  }
0x32: {  	s10 =	sld [smem:$0x3FB0];
	_ =	sdelay $0x3  }
0x33: {  	p0 =	seq.s32 s10, $0x1;
	s10 =	sld [smem:$0x3FB2];
	_ =	sdelay $0x3  }
0x34: {  	[smem:$0x3FB2] =	sst s10  }
0x35: {  	s10 =	sld [smem:$0x3FB1];
	_ =	sdelay $0x3  }
0x36: {  	p1 =	seq.s32 s10, $0x1;
	s10 =	sld [smem:$0x3FB2];
	_ =	sdelay $0x3  }
0x37: {  	[smem:$0x3FB2] =	sst s10  }
0x38: {  	s10 =	sld [smem:$0x3FB3]  }
0x39: {  	_ = 	snop;
	(pc) =	sbr.ind lr, $3  }
0x3a: {  	_ = 	snop  }
0x3b: {  	_ = 	snop  }
0x3c: {  	p2 =	seq.s32 s10, $0x1;
	s10 =	sld [smem:$0x3FB2]  }
0x3d: {  	_ =	shalt  }
0x3e: {  	_ =	shalt  }
0x3f: {  	_ =	shalt  }
0x40: {  	_ =	shalt  }
0x41: {  	_ =	shalt  }
0x42: {  	_ =	shalt  }
0x43: {  	_ =	shalt  }
0x44: {  	_ =	shalt  }
0x45: {  	_ =	shalt  }
0x46: {  	_ =	shalt  }
0x47: {  	_ =	shalt  }
0x48: {  	_ =	shalt  }
0x49: {  	_ =	shalt  }
0x4a: {  	_ =	shalt  }
0x4b: {  	_ =	shalt  }
0x4c: {  	_ =	shalt  }
0x4d: {  	_ =	shalt  }
0x4e: {  	_ =	shalt  }
0x4f: {  	_ =	shalt  }
0x50: {  	_ =	shalt  }
0x51: {  	_ =	shalt  }
0x52: {  	_ =	shalt  }
0x53: {  	_ =	shalt  }
0x54: {  	_ =	shalt  }
0x55: {  	_ =	shalt  }
0x56: {  	_ =	shalt  }
0x57: {  	_ =	shalt  }
0x58: {  	_ =	shalt  }
0x59: {  	_ =	shalt  }
0x5a: {  	_ =	shalt  }
0x5b: {  	_ =	shalt  }
0x5c: {  	_ =	shalt  }
0x5d: {  	_ =	shalt  }
0x5e: {  	_ =	shalt  }
0x5f: {  	_ =	shalt  }
0x60: {  	_ =	shalt  }
0x61: {  	_ =	shalt  }
0x62: {  	_ =	shalt  }
0x63: {  	_ =	shalt  }
0x64: {  	_ =	shalt  }
0x65: {  	_ =	shalt  }
0x66: {  	_ =	shalt  }
0x67: {  	_ =	shalt  }
0x68: {  	_ =	shalt  }
0x69: {  	_ =	shalt  }
0x6a: {  	_ =	shalt  }
0x6b: {  	_ =	shalt  }
0x6c: {  	_ =	shalt  }
0x6d: {  	_ =	shalt  }
0x6e: {  	_ =	shalt  }
0x6f: {  	_ =	shalt  }
0x70: {  	_ =	shalt  }
0x71: {  	_ =	shalt  }
0x72: {  	_ =	shalt  }
0x73: {  	_ =	shalt  }
0x74: {  	_ =	shalt  }
0x75: {  	_ =	shalt  }
0x76: {  	_ =	shalt  }
0x77: {  	_ =	shalt  }
0x78: {  	_ =	shalt  }
0x79: {  	_ =	shalt  }
0x7a: {  	_ =	shalt  }
0x7b: {  	_ =	shalt  }
0x7c: {  	_ =	shalt  }
0x7d: {  	_ =	shalt  }
0x7e: {  	_ =	shalt  }
0x7f: {  	_ =	shalt  }
0x80: {  	_ =	shalt  }
0x81: {  	_ =	shalt  }
0x82: {  	_ =	shalt  }
0x83: {  	_ =	shalt  }
0x84: {  	_ =	shalt  }
0x85: {  	_ =	shalt  }
0x86: {  	_ =	shalt  }
0x87: {  	_ =	shalt  }
.Lfunc_end0:
.L_simem_size_0:
called_computation.3_lowered:
.L_overlay_start_0:
0x88: {  	s2 =	sld [smem:$0x3FD9]  }
0x89: {  	s3 =	sld [smem:$0x3FFE];
	_ =	sdelay $0x1  }
0x8a: {  	s1 =	srdreg.scid  }
0x8b: {  	s0 =	sand.u32 $0x1, s1  }
0x8c: {  	s16 =	sshll.u32 s0, $0xA;
	s2 =	sadd.s32 s3, s2  }
0x8d: {  	s2 =	sadd.s32 s2, s16  }
0x8e: {  	[smem:$0x3FBE] =	sst s2  }
0x8f: {  	_ = 	snop  }
0x90: {  	(tm) =	ssettm $0x1  }
0x91: {  	s17 =	sld [smem:$0x3FFB];
	_ =	sdelay $0x3  }
0x92: {  	_ =	strace s17  }
0x93: {  	s2 =	sld [smem:$0x3FFC];
	_ =	sdelay $0x3  }
0x94: {  	_ =	strace s2  }
0x95: {  	s2 =	sld [smem:$0x3FFD];
	_ =	sdelay $0x3  }
0x96: {  	_ =	strace s2  }
0x97: {  	_ =	strace $0x8FFFFFFF  }
0x98: {  	s18 =	sld [smem:$0x3FDB];
	_ =	sdelay $0x1  }
0x99: {  	s19 =	simm.s32 $_scs_section_size  }
0x9a: {  	s4 =	simm.s32 $_size__tile_overlayer_lowered;
	s5 =	simm.s32 $_tile_overlayer_lowered  }
0x9b: {  	s22 =	simm.s32 $0x1BFF;
	s21 =	sshll.u32 s5, $0x1;
	s2 =	sadd.s32 s19, s18  }
0x9c: {  	s6 =	simm.s32 $0x0;
	s20 =	sshll.u32 s4, $0x1;
	s4 =	sadd.s32 s21, s2  }
0x9d: {  	[timem:s6], [sflag:s22] =	dma.local [hbm:s4], s20  }
0x9e: {  	_ =	swait.ge [sflag:s22], s20  }
0x9f: {  	s3 =	ssub.s32 $0x0, s20;
	[sflag:s22] =	ssyncset.done $0x0  }
0xa0: {  	[sflag:s22] =	ssyncadd.s32 s3;
	_ =	sdelay $0x1  }
0xa1: {  	s23 =	simm.s32 $0x1B8B  }
0xa2: {  	_ =	swait.ge [sflag:s23], $0x1  }
0xa3: {  	[sflag:s23] =	ssyncset.done $0x0  }
0xa4: {  	s25 =	simm.s32 $0x1B8E;
	s24 =	sld [smem:$0x3FFE];
	[sflag:s23] =	ssyncadd.s32 $0xFFFFFFFF  }
0xa5: {  	s26 =	simm.s32 $execute0_lowered;
	[smem:$0x3FD2] =	sst s25  }
0xa6: {  	s4 =	sshll.u32 s26, $0x1;
	_ =	strace $0x8000004F;
	[dreg:$0x1] =	wrdreg $0xFFFFFFFF  }
0xa7: {  	s28 =	simm.s32 $_size_execute0_lowered;
	s2 =	sadd.s32 s2, s4;
	[dreg:$0x0] =	wrdreg $0x0  }
0xa8: {  	s4 =	sshll.u32 s28, $0x1;
	[dreg:$0x2] =	wrdreg s2  }
0xa9: {  	[dreg:$0x3] =	wrdreg s4  }
0xaa: {  	[dreg:$0x4] =	wrdreg $0xC0  }
0xab: {  	_ =	task [dreg:s6], $0x5FFFF  }
0xac: {  	[dreg:$0x1] =	wrdreg $0xFFFFFFFF  }
0xad: {  	[dreg:$0x0] =	wrdreg $0x60  }
0xae: {  	[dreg:$0x2] =	wrdreg s24  }
0xaf: {  	[dreg:$0x3] =	wrdreg $0x9F000  }
0xb0: {  	[dreg:$0x4] =	wrdreg $0x9  }
0xb1: {  	_ =	task.clear_ibuf [dreg:s6], $0x5FFFF;
	_ =	strace $0x9000004F  }
0xb2: {  	s29 =	simm.s32 $0x9;
	_ =	strace $0x80000051  }
0xb3: {  	_ =	swait.ge [sflag:s29], $0x1  }
0xb4: {  	[sflag:s29] =	ssyncadd.s32 $0xFFFFFFFF  }
0xb5: {  	_ =	strace $0x90000051  }
0xb6: {  	_ =	sfence  }
0xb7: {  	s30 =	sld [smem:$0x0];
	_ =	sdelay $0x2  }
0xb8: {  	s31 =	sshll.u32 s1, $0xD;
	s1 =	sshrl.u32 s1, $0x2  }
0xb9: {  	s3 =	sand.u32 $0x4000, s31;
	s1 =	sadd.s32 s1, s30  }
0xba: {  	s0 =	sor.u32 s3, s0;
	s1 =	sshll.u32 s1, $0x11  }
0xbb: {  	s0 =	sor.u32 s1, s0  }
0xbc: {  	s0 =	sadd.s32 $0x8F2B, s0  }
0xbd: {  	[sflag:s0] =	ssyncadd.remote.s32 $0x1  }
0xbe: {  	_ =	sfence.sel $0xFFFF  }
0xbf: {  	[dreg:$0x0] =	wrdreg $0xFFFFFFFF;
	(pc) =	sbr.abs _section_cstart, $3  }
0xc0: {  	[dreg:$0x1] =	wrdreg $0xFFFFFFFF  }
0xc1: {  	_ =	task.clear_ibuf [dreg:s6], $0x2FFFF;
	_ =	strace $0x9FFFFFFF  }
0xc2: {  	(tm) =	ssettm $0x7FFFFFFF  }
0xc3: {  	_ =	shalt  }
tec
execute0_lowered:
.L_overlay_start_1:
0x0: {  	(tag) =	ssettag $0x1  }
0x1: {  	s0 =	rddreg [dreg:$0x0]  }
0x2: {  	s2 =	rddreg [dreg:$0x1];
	s3 =	simm.s32 $0x0  }
0x3: {  	s13 =	stileid.u32;
	s1 =	srdreg.scid;
	s14 =	simm.s32 $0x1  }
0x4: {  	s15 =	simm.s32 $0x64;
	s16 =	simm.s32 $0x300;
	s17 =	simm.s32 $0x200  }
0x5: {  	s18 =	simm.s32 $0x2;
	s19 =	simm.s32 $0x3700;
	s20 =	simm.s32 $0x4  }
0x6: {  	s21 =	simm.s32 $0x80;
	s28 =	simm.s32 $0x5;
	s30 =	simm.s32 $0x0  }
0x7: {  	[smem:$0x7FF] =	sst s3;
	s6 =	smul.u32 $0x1900, s13;
	s1 =	sand.u32 $0x1, s1  }
0x8: {  	s4 =	sadd.s32 $0x21C00, s0;
	s5 =	sadd.s32 $0x48E00, s0;
	s9 =	smul.u32 $0x4E200, s13  }
0x9: {  	s22 =	sadd.s32 $0x1F400, s0;
	s25 =	sshll.u32 s13, $0x6;
	s26 =	smul.u32 $0x2780, s13  }
0xa: {  	s13 =	simm.s32 $0x100;
	_ =	strace $0x80000050;
	s7 =	smul.u32 $0x27800, s1  }
0xb: {  	s8 =	ssub.s32 $0x2, s1;
	[dreg:$0x3] =	wrdreg s22;
	p0 =	seq.s32 s1, $0x1  }
0xc: {  	s22 =	simm.s32 $0x3;
	s10 =	sadd.s32 s6, s0;
	s23 =	sshrl.u32 s8, $0x1  }
0xd: {  	s24 =	sshrl.u32 s9, $0x2;
	s0 =	sadd.s32 s7, s0;
	s11 =	ssub.s32 s8, s23  }
.Ltmp0:
0xe: {  	s12 =	sadd.s32 s24, s2;
	s7 =	sor.u32 $0x1C07, s25;
	(pc) =	sbr.rel .LBB2_1-.Ltmp0, $4  }
0xf: {  	s8 =	sadd.s32 $0x6400, s10;
	s31 =	sadd.s32 $0x7CE0, s10;
	s23 =	simm.s32 $0x6B00  }
0x10: {  	s0 =	sadd.s32 $0x97200, s0;
	s29 =	smax.u32 s11, $0x1;
	[dreg:$0x5] =	wrdreg s31  }
0x11: {  	s25 =	simm.s32 $0x6;
	[dreg:$0x4] =	wrdreg s29;
	s0 =	sadd.s32 s26, s0  }
0x12: {  	s11 =	sshrl.u32 s12, $0x3;
	s12 =	simm.s32 $0x7;
	[dreg:$0x6] =	wrdreg s0  }
.LBB2_7:
0x13: {  	[sflag:s22] =	ssyncset.done $0x0  }
0x14: {  	s1 =	simm.s32 @!p2 $0x5;
	[sflag:s22] =	ssyncadd.s32 $0xFFFFFF00  }
0x15: {  	[tilespmem:s23], [sflag:$0x6] =	stream.indirect.gather [hbm4b:s5+s15], $0x80, s17, s15, $0xb8;
	[tilespmem:$0x1D780] =	vst v63  }
0x16: {  	_ =	swait.ge @!p2 [sflag:s1], $0x3200  }
0x17: {  	s6 =	simm.s32 @!p2 $0x3700;
	s9 =	simm.s32 @!p2 $0x7;
	[sflag:s1] =	ssyncset.done @!p2 $0x0  }
0x18: {  	s10 =	simm.s32 @!p2 $0x64;
	s24 =	simm.s32 @!p2 $0x180;
	[sflag:s1] =	ssyncadd.s32 @!p2 $0xFFFFCE00  }
0x19: {  	[spmem:s2] =	stream.indirect.scatter.add.f32 @!p2 [tilespmem:s6], [sflag:$0x7], $0x80, s24, s10, $0xb8;
	[tilespmem:$0x1D780] =	vst v63  }
0x1a: {  	_ =	swait.ge @!p2 [sflag:s9], $0x3200  }
0x1b: {  	s0 =	sadd.s32 s0, s8;
	[sflag:s9] =	ssyncset.done @!p2 $0x0  }
0x1c: {  	s6 =	sadd.s32 $0x20, s0;
	[sflag:s9] =	ssyncadd.s32 @!p2 $0xFFFFCE00  }
0x1d: {  	[tilespmem:s13], [sflag:$0x2] =	stream.linear.gather [hbm4b:s6+s3], $0x100, $0x38;
	[tilespmem:$0x1D780] =	vst v63  }
0x1e: {  	s10 =	sadd.s32 $0x1, s31;
	_ =	swait.ge [sflag:s14], $0x100  }
0x1f: {  	p1 =	sgt.u32 s10, $0xC7;
	[sflag:s14] =	ssyncset.done $0x0  }
0x20: {  	s1 =	simm.s32 @!p1 $0x6;
	[sflag:s14] =	ssyncadd.s32 $0xFFFFFF00  }
0x21: {  	[tilespmem:s16], [sflag:$0x4] =	stream.indirect.gather [hbm4b:s5+s15], $0x80, s3, s15, $0xb8;
	[tilespmem:$0x1D780] =	vst v63  }
0x22: {  	_ =	swait.ge @!p1 [sflag:s1], $0x3200  }
0x23: {  	s10 =	simm.s32 @!p1 $0x280;
	s9 =	simm.s32 @!p1 $0x64;
	[sflag:s1] =	ssyncset.done @!p1 $0x0  }
0x24: {  	s6 =	simm.s32 @!p1 $0x6B00;
	[sflag:s1] =	ssyncadd.s32 @!p1 $0xFFFFCE00;
	s1 =	simm.s32 @!p1 $0x7  }
0x25: {  	[spmem:s2] =	stream.indirect.scatter.add.f32 @!p1 [tilespmem:s6], [sflag:$0x7], $0x80, s10, s9, $0xb8;
	[tilespmem:$0x1D780] =	vst v63  }
0x26: {  	_ =	swait.ge @!p1 [sflag:s1], $0x3200  }
0x27: {  	[sflag:s1] =	ssyncset.done @!p1 $0x0  }
0x28: {  	s24 =	sadd.s32 $0x40, s0;
	[sflag:s1] =	ssyncadd.s32 @!p1 $0xFFFFCE00  }
0x29: {  	[tilespmem:s17], [sflag:$0x3] =	stream.linear.gather [hbm4b:s24+s3], $0x100, $0x38;
	[tilespmem:$0x1D780] =	vst v63  }
0x2a: {  	_ =	swait.ge [sflag:s18], $0x100  }
0x2b: {  	[sflag:s18] =	ssyncset.done $0x0  }
0x2c: {  	[sflag:s18] =	ssyncadd.s32 $0xFFFFFF00  }
0x2d: {  	[tilespmem:s19], [sflag:$0x5] =	stream.indirect.gather [hbm4b:s5+s15], $0x80, s13, s15, $0xb8;
	[tilespmem:$0x1D780] =	vst v63  }
0x2e: {  	_ =	swait.ge [sflag:s20], $0x3200  }
0x2f: {  	[sflag:s20] =	ssyncset.done $0x0  }
0x30: {  	[sflag:s20] =	ssyncadd.s32 $0xFFFFCE00  }
0x31: {  	[spmem:s2] =	stream.indirect.scatter.add.f32 [tilespmem:s16], [sflag:$0x7], $0x80, s21, s15, $0xb8;
	[tilespmem:$0x1D780] =	vst v63  }
0x32: {  	_ =	swait.ge [sflag:s12], $0x3200  }
0x33: {  	[sflag:s12] =	ssyncset.done $0x0  }
0x34: {  	s0 =	sadd.s32 $0x60, s0;
	[sflag:s12] =	ssyncadd.s32 $0xFFFFCE00  }
0x35: {  	[tilespmem:s3], [sflag:$0x1] =	stream.linear.gather [hbm4b:s0+s3], $0x100, $0x38;
	[tilespmem:$0x1D780] =	vst v63  }
0x36: {  	s26 =	sadd.s32 $0x3, s31;
	_ =	swait.ge [sflag:s22], $0x100  }
0x37: {  	p1 =	sgt.u32 s26, $0xC7;
	[sflag:s22] =	ssyncset.done $0x0  }
0x38: {  	s0 =	simm.s32 @!p1 $0x5;
	[sflag:s22] =	ssyncadd.s32 $0xFFFFFF00  }
0x39: {  	[tilespmem:s23], [sflag:$0x6] =	stream.indirect.gather [hbm4b:s5+s15], $0x80, s17, s15, $0xb8;
	[tilespmem:$0x1D780] =	vst v63  }
0x3a: {  	_ =	swait.ge @!p1 [sflag:s0], $0x3200  }
0x3b: {  	s1 =	simm.s32 @!p1 $0x180;
	[sflag:s0] =	ssyncset.done @!p1 $0x0  }
0x3c: {  	s6 =	simm.s32 @!p1 $0x3700;
	[sflag:s0] =	ssyncadd.s32 @!p1 $0xFFFFCE00;
	s0 =	simm.s32 @!p1 $0x64  }
0x3d: {  	[spmem:s2] =	stream.indirect.scatter.add.f32 @!p1 [tilespmem:s6], [sflag:$0x7], $0x80, s1, s0, $0xb8;
	[tilespmem:$0x1D780] =	vst v63  }
0x3e: {  	s0 =	simm.s32 @!p1 $0x7  }
0x3f: {  	_ =	swait.ge @!p1 [sflag:s0], $0x3200  }
0x40: {  	[sflag:s0] =	ssyncset.done @!p1 $0x0  }
0x41: {  	s29 =	rddreg [dreg:$0x5];
	[sflag:s0] =	ssyncadd.s32 @!p1 $0xFFFFCE00  }
0x42: {  	[tilespmem:s13], [sflag:$0x2] =	stream.linear.gather [hbm4b:s29+s3], $0x100, $0x38;
	[tilespmem:$0x1D780] =	vst v63  }
0x43: {  	_ =	swait.ge [sflag:s14], $0x100  }
0x44: {  	[sflag:s14] =	ssyncset.done $0x0  }
0x45: {  	[sflag:s14] =	ssyncadd.s32 $0xFFFFFF00  }
0x46: {  	[tilespmem:s16], [sflag:$0x4] =	stream.indirect.gather [hbm4b:s5+s15], $0x80, s3, s15, $0xb8;
	[tilespmem:$0x1D780] =	vst v63  }
0x47: {  	_ =	swait.ge [sflag:s25], $0x3200  }
0x48: {  	[sflag:s25] =	ssyncset.done $0x0  }
0x49: {  	s31 =	simm.s32 $0x280;
	[sflag:s25] =	ssyncadd.s32 $0xFFFFCE00  }
0x4a: {  	[spmem:s2] =	stream.indirect.scatter.add.f32 [tilespmem:s23], [sflag:$0x7], $0x80, s31, s15, $0xb8;
	[tilespmem:$0x1D780] =	vst v63  }
0x4b: {  	_ =	swait.ge [sflag:s12], $0x3200  }
0x4c: {  	[sflag:s12] =	ssyncset.done $0x0  }
0x4d: {  	[sflag:s12] =	ssyncadd.s32 $0xFFFFCE00  }
0x4e: {  	_ =	swait.ge [sflag:s18], $0x100  }
0x4f: {  	[sflag:s18] =	ssyncset.done $0x0  }
0x50: {  	[sflag:s18] =	ssyncadd.s32 $0xFFFFFF00  }
0x51: {  	[tilespmem:s19], [sflag:$0x5] =	stream.indirect.gather [hbm4b:s5+s15], $0x80, s13, s15, $0xb8;
	[tilespmem:$0x1D780] =	vst v63  }
0x52: {  	_ =	swait.ge [sflag:s20], $0x3200  }
0x53: {  	[sflag:s20] =	ssyncset.done $0x0  }
0x54: {  	[sflag:s20] =	ssyncadd.s32 $0xFFFFCE00  }
0x55: {  	[spmem:s2] =	stream.indirect.scatter.add.f32 [tilespmem:s16], [sflag:$0x7], $0x80, s21, s15, $0xb8;
	[tilespmem:$0x1D780] =	vst v63  }
0x56: {  	_ =	swait.ge [sflag:s12], $0x3200  }
0x57: {  	[sflag:s12] =	ssyncset.done $0x0  }
0x58: {  	[sflag:s12] =	ssyncadd.s32 $0xFFFFCE00  }
.LBB2_8:
0x59: {  	_ =	swait.ge [sflag:s28], $0x3200  }
0x5a: {  	[sflag:s28] =	ssyncset.done $0x0  }
0x5b: {  	s0 =	simm.s32 $0x180;
	[sflag:s28] =	ssyncadd.s32 $0xFFFFCE00  }
0x5c: {  	[spmem:s2] =	stream.indirect.scatter.add.f32 [tilespmem:s19], [sflag:$0x7], $0x80, s0, s15, $0xb8;
	[tilespmem:$0x1D780] =	vst v63  }
0x5d: {  	_ =	swait.ge [sflag:s12], $0x3200  }
0x5e: {  	[sflag:s12] =	ssyncset.done $0x0  }
0x5f: {  	[sflag:s12] =	ssyncadd.s32 $0xFFFFCE00  }
0x60: {  	[bflag:$0x0] =	sbarrier.arrive $0xFFFF  }
0x61: {  	s29 =	rddreg [dreg:$0x6]  }
0x62: {  	[hbm:s29], [sflag:s7] =	dma.local [spmem:s11], $0x2710  }
0x63: {  	_ =	swait.ge [sflag:s12], $0x2710  }
0x64: {  	s30 =	sadd.s32 $0x1, s30;
	s31 =	rddreg [dreg:$0x4]  }
0x65: {  	p1 =	sne.s32 s30, s31  }
.Ltmp1:
0x66: {  	_ = 	snop;
	(pc) =	sbr.rel @!p1 .LBB2_9-.Ltmp1, $3  }
0x67: {  	_ =	sdelay $0x1  }
0x68: {  	[sflag:s12] =	ssyncset.done $0x0  }
0x69: {  	[sflag:s12] =	ssyncadd.s32 $0xFFFFD8F0  }
.LBB2_1:
0x6a: {  	s0 =	rddreg [dreg:$0x3]  }
0x6b: {  	[spmem:s11], [sflag:s7] =	dma.local [hbm:s0], $0x2710  }
.Ltmp2:
0x6c: {  	_ =	swait.ge [sflag:s12], $0x2710;
	(pc) =	sbr.rel @!p0 .LBB2_2-.Ltmp2, $4  }
0x6d: {  	[sflag:s12] =	ssyncset.done $0x0  }
0x6e: {  	[sflag:s12] =	ssyncadd.s32 $0xFFFFD8F0  }
0x6f: {  	p1 =	por $0x1, $0x1;
	[bflag:$0x0] =	sbarrier.arrive $0xFFFF  }
0x70: {  	[tilespmem:s3], [sflag:$0x1] =	stream.linear.gather [hbm4b:s8+s3], $0x100, $0x38;
	[tilespmem:$0x1D780] =	vst v63  }
0x71: {  	s0 =	simm.s32 @!p1 $0x5  }
0x72: {  	_ =	swait.ge @!p1 [sflag:s0], $0x3200  }
0x73: {  	s1 =	simm.s32 @!p1 $0x3700;
	s6 =	simm.s32 @!p1 $0x7;
	[sflag:s0] =	ssyncset.done @!p1 $0x0  }
0x74: {  	s9 =	simm.s32 @!p1 $0x64;
	s10 =	simm.s32 @!p1 $0x180;
	[sflag:s0] =	ssyncadd.s32 @!p1 $0xFFFFCE00  }
0x75: {  	[spmem:s2] =	stream.indirect.scatter.add.f32 @!p1 [tilespmem:s1], [sflag:$0x7], $0x80, s10, s9, $0xb8;
	[tilespmem:$0x1D780] =	vst v63  }
0x76: {  	_ =	swait.ge @!p1 [sflag:s6], $0x3200  }
0x77: {  	s24 =	sadd.s32 $0x0, s8;
	[sflag:s6] =	ssyncset.done @!p1 $0x0  }
0x78: {  	s26 =	sadd.s32 $0x20, s24;
	[sflag:s6] =	ssyncadd.s32 @!p1 $0xFFFFCE00  }
0x79: {  	[tilespmem:s13], [sflag:$0x2] =	stream.linear.gather [hbm4b:s26+s3], $0x100, $0x38;
	[tilespmem:$0x1D780] =	vst v63  }
0x7a: {  	_ =	swait.ge [sflag:s14], $0x100  }
0x7b: {  	p1 =	por $0x1, $0x1;
	[sflag:s14] =	ssyncset.done $0x0  }
0x7c: {  	s1 =	simm.s32 @!p1 $0x6;
	[sflag:s14] =	ssyncadd.s32 $0xFFFFFF00  }
0x7d: {  	[tilespmem:s16], [sflag:$0x4] =	stream.indirect.gather [hbm4b:s5+s15], $0x80, s3, s15, $0xb8;
	[tilespmem:$0x1D780] =	vst v63  }
0x7e: {  	_ =	swait.ge @!p1 [sflag:s1], $0x3200  }
0x7f: {  	s6 =	simm.s32 @!p1 $0x6B00;
	s9 =	simm.s32 @!p1 $0x64;
	[sflag:s1] =	ssyncset.done @!p1 $0x0  }
0x80: {  	s10 =	simm.s32 @!p1 $0x280;
	[sflag:s1] =	ssyncadd.s32 @!p1 $0xFFFFCE00;
	s1 =	simm.s32 @!p1 $0x7  }
0x81: {  	[spmem:s2] =	stream.indirect.scatter.add.f32 @!p1 [tilespmem:s6], [sflag:$0x7], $0x80, s10, s9, $0xb8;
	[tilespmem:$0x1D780] =	vst v63  }
0x82: {  	_ =	swait.ge @!p1 [sflag:s1], $0x3200  }
0x83: {  	[sflag:s1] =	ssyncset.done @!p1 $0x0  }
0x84: {  	s29 =	sadd.s32 $0x40, s24;
	[sflag:s1] =	ssyncadd.s32 @!p1 $0xFFFFCE00  }
0x85: {  	[tilespmem:s17], [sflag:$0x3] =	stream.linear.gather [hbm4b:s29+s3], $0x100, $0x38;
	[tilespmem:$0x1D780] =	vst v63  }
0x86: {  	_ =	swait.ge [sflag:s18], $0x100  }
0x87: {  	[sflag:s18] =	ssyncset.done $0x0  }
0x88: {  	[sflag:s18] =	ssyncadd.s32 $0xFFFFFF00  }
0x89: {  	[tilespmem:s19], [sflag:$0x5] =	stream.indirect.gather [hbm4b:s5+s15], $0x80, s13, s15, $0xb8;
	[tilespmem:$0x1D780] =	vst v63  }
0x8a: {  	_ =	swait.ge [sflag:s20], $0x3200  }
0x8b: {  	[sflag:s20] =	ssyncset.done $0x0  }
0x8c: {  	[sflag:s20] =	ssyncadd.s32 $0xFFFFCE00  }
0x8d: {  	[spmem:s2] =	stream.indirect.scatter.add.f32 [tilespmem:s16], [sflag:$0x7], $0x80, s21, s15, $0xb8;
	[tilespmem:$0x1D780] =	vst v63  }
0x8e: {  	_ =	swait.ge [sflag:s12], $0x3200  }
0x8f: {  	s31 =	simm.s32 $0x1;
	[sflag:s12] =	ssyncset.done $0x0  }
0x90: {  	p2 =	por $0x0, $0x0;
	s0 =	sadd.s32 $0x60, s24;
	[sflag:s12] =	ssyncadd.s32 $0xFFFFCE00  }
0x91: {  	[tilespmem:s3], [sflag:$0x1] =	stream.linear.gather [hbm4b:s0+s3], $0x100, $0x38;
	[tilespmem:$0x1D780] =	vst v63  }
0x92: {  	s1 =	simm.s32 $0xC0;
	s0 =	simm.s32 $0x60;
	_ =	swait.ge [sflag:s22], $0x100  }
.LBB2_6:
0x93: {  	s6 =	simm.s32 @!p2 $0x5  }
0x94: {  	[sflag:s22] =	ssyncset.done $0x0;
	s9 =	smov.u32 s1;
	s1 =	sadd.s32 $0x60, s1  }
0x95: {  	p1 =	sne.s32 s1, $0x18C0;
	[sflag:s22] =	ssyncadd.s32 $0xFFFFFF00  }
0x96: {  	[tilespmem:s23], [sflag:$0x6] =	stream.indirect.gather [hbm4b:s5+s15], $0x80, s17, s15, $0xb8;
	[tilespmem:$0x1D780] =	vst v63  }
0x97: {  	s10 =	simm.s32 @!p2 $0x3700;
	s24 =	simm.s32 @!p2 $0x7;
	_ =	swait.ge @!p2 [sflag:s6], $0x3200  }
0x98: {  	s26 =	simm.s32 @!p2 $0x64;
	s29 =	simm.s32 @!p2 $0x180;
	[sflag:s6] =	ssyncset.done @!p2 $0x0  }
0x99: {  	[sflag:s6] =	ssyncadd.s32 @!p2 $0xFFFFCE00  }
0x9a: {  	[spmem:s2] =	stream.indirect.scatter.add.f32 @!p2 [tilespmem:s10], [sflag:$0x7], $0x80, s29, s26, $0xb8;
	[tilespmem:$0x1D780] =	vst v63  }
0x9b: {  	s6 =	sadd.s32 s0, s8;
	s0 =	smov.u32 s9;
	_ =	swait.ge @!p2 [sflag:s24], $0x3200  }
0x9c: {  	s9 =	sadd.s32 $0x20, s6;
	[sflag:s24] =	ssyncset.done @!p2 $0x0  }
0x9d: {  	[sflag:s24] =	ssyncadd.s32 @!p2 $0xFFFFCE00  }
0x9e: {  	[tilespmem:s13], [sflag:$0x2] =	stream.linear.gather [hbm4b:s9+s3], $0x100, $0x38;
	[tilespmem:$0x1D780] =	vst v63  }
0x9f: {  	s9 =	sadd.s32 $0x1, s31;
	_ =	swait.ge [sflag:s14], $0x100  }
0xa0: {  	p2 =	sgt.u32 s9, $0xC7;
	[sflag:s14] =	ssyncset.done $0x0  }
0xa1: {  	s9 =	simm.s32 @!p2 $0x6;
	[sflag:s14] =	ssyncadd.s32 $0xFFFFFF00  }
0xa2: {  	[tilespmem:s16], [sflag:$0x4] =	stream.indirect.gather [hbm4b:s5+s15], $0x80, s3, s15, $0xb8;
	[tilespmem:$0x1D780] =	vst v63  }
0xa3: {  	s10 =	simm.s32 @!p2 $0x6B00;
	_ =	swait.ge @!p2 [sflag:s9], $0x3200  }
0xa4: {  	s24 =	simm.s32 @!p2 $0x64;
	s26 =	simm.s32 @!p2 $0x280;
	[sflag:s9] =	ssyncset.done @!p2 $0x0  }
0xa5: {  	[sflag:s9] =	ssyncadd.s32 @!p2 $0xFFFFCE00;
	s9 =	simm.s32 @!p2 $0x7  }
0xa6: {  	[spmem:s2] =	stream.indirect.scatter.add.f32 @!p2 [tilespmem:s10], [sflag:$0x7], $0x80, s26, s24, $0xb8;
	[tilespmem:$0x1D780] =	vst v63  }
0xa7: {  	_ =	swait.ge @!p2 [sflag:s9], $0x3200  }
0xa8: {  	s10 =	sadd.s32 $0x40, s6;
	[sflag:s9] =	ssyncset.done @!p2 $0x0  }
0xa9: {  	[sflag:s9] =	ssyncadd.s32 @!p2 $0xFFFFCE00  }
0xaa: {  	[tilespmem:s17], [sflag:$0x3] =	stream.linear.gather [hbm4b:s10+s3], $0x100, $0x38;
	[tilespmem:$0x1D780] =	vst v63  }
0xab: {  	_ =	swait.ge [sflag:s18], $0x100  }
0xac: {  	[sflag:s18] =	ssyncset.done $0x0  }
0xad: {  	[sflag:s18] =	ssyncadd.s32 $0xFFFFFF00  }
0xae: {  	[tilespmem:s19], [sflag:$0x5] =	stream.indirect.gather [hbm4b:s5+s15], $0x80, s13, s15, $0xb8;
	[tilespmem:$0x1D780] =	vst v63  }
0xaf: {  	_ =	swait.ge [sflag:s20], $0x3200  }
0xb0: {  	[sflag:s20] =	ssyncset.done $0x0  }
0xb1: {  	[sflag:s20] =	ssyncadd.s32 $0xFFFFCE00  }
0xb2: {  	[spmem:s2] =	stream.indirect.scatter.add.f32 [tilespmem:s16], [sflag:$0x7], $0x80, s21, s15, $0xb8;
	[tilespmem:$0x1D780] =	vst v63  }
.Ltmp3:
0xb3: {  	_ =	swait.ge [sflag:s12], $0x3200;
	(pc) =	sbr.rel @p1 .LBB2_6-.Ltmp3, $4  }
0xb4: {  	s6 =	sadd.s32 $0x60, s6;
	[sflag:s12] =	ssyncset.done $0x0  }
0xb5: {  	s31 =	sadd.s32 $0x3, s31;
	[sflag:s12] =	ssyncadd.s32 $0xFFFFCE00  }
0xb6: {  	[tilespmem:s3], [sflag:$0x1] =	stream.linear.gather [hbm4b:s6+s3], $0x100, $0x38;
	[tilespmem:$0x1D780] =	vst v63  }
0xb7: {  	p2 =	sgt.u32 s31, $0xC7;
	_ =	swait.ge [sflag:s22], $0x100  }
.Ltmp4:
0xb8: {  	_ = 	snop;
	(pc) =	sbr.rel .LBB2_7-.Ltmp4, $1  }
0xb9: {  	_ =	sdelay $0x3  }
.LBB2_2:
0xba: {  	s0 =	simm.s32 @!p1 $0x5  }
0xbb: {  	_ =	swait.ge @!p1 [sflag:s0], $0x3200  }
0xbc: {  	s1 =	simm.s32 @!p1 $0x3700;
	s31 =	simm.s32 @!p1 $0x7;
	[sflag:s0] =	ssyncset.done @!p1 $0x0  }
0xbd: {  	s26 =	simm.s32 @!p1 $0x64;
	s29 =	simm.s32 @!p1 $0x180;
	[sflag:s0] =	ssyncadd.s32 @!p1 $0xFFFFCE00  }
0xbe: {  	[spmem:s2] =	stream.indirect.scatter.add.f32 @!p1 [tilespmem:s1], [sflag:$0x7], $0x80, s29, s26, $0xb8;
	[tilespmem:$0x1D780] =	vst v63  }
0xbf: {  	_ =	swait.ge @!p1 [sflag:s31], $0x3200  }
0xc0: {  	s24 =	sadd.s32 $0x0, s8;
	[sflag:s31] =	ssyncset.done @!p1 $0x0  }
0xc1: {  	s26 =	sadd.s32 $0x20, s24;
	[sflag:s31] =	ssyncadd.s32 @!p1 $0xFFFFCE00  }
0xc2: {  	[tilespmem:s13], [sflag:$0x2] =	stream.linear.gather [hbm4b:s26+s3], $0x100, $0x38;
	[tilespmem:$0x1D780] =	vst v63  }
0xc3: {  	_ =	swait.ge [sflag:s14], $0x100  }
0xc4: {  	p1 =	por $0x1, $0x1;
	[sflag:s14] =	ssyncset.done $0x0  }
0xc5: {  	s1 =	simm.s32 @!p1 $0x6;
	[sflag:s14] =	ssyncadd.s32 $0xFFFFFF00  }
0xc6: {  	[tilespmem:s16], [sflag:$0x4] =	stream.indirect.gather [hbm4b:s4+s15], $0x80, s3, s15, $0xb8;
	[tilespmem:$0x1D780] =	vst v63  }
0xc7: {  	_ =	swait.ge @!p1 [sflag:s1], $0x3200  }
0xc8: {  	s26 =	simm.s32 @!p1 $0x6B00;
	s29 =	simm.s32 @!p1 $0x64;
	[sflag:s1] =	ssyncset.done @!p1 $0x0  }
0xc9: {  	s31 =	simm.s32 @!p1 $0x280;
	[sflag:s1] =	ssyncadd.s32 @!p1 $0xFFFFCE00;
	s1 =	simm.s32 @!p1 $0x7  }
0xca: {  	[spmem:s2] =	stream.indirect.scatter.add.f32 @!p1 [tilespmem:s26], [sflag:$0x7], $0x80, s31, s29, $0xb8;
	[tilespmem:$0x1D780] =	vst v63  }
0xcb: {  	_ =	swait.ge @!p1 [sflag:s1], $0x3200  }
0xcc: {  	[sflag:s1] =	ssyncset.done @!p1 $0x0  }
0xcd: {  	s29 =	sadd.s32 $0x40, s24;
	[sflag:s1] =	ssyncadd.s32 @!p1 $0xFFFFCE00  }
0xce: {  	[tilespmem:s17], [sflag:$0x3] =	stream.linear.gather [hbm4b:s29+s3], $0x100, $0x38;
	[tilespmem:$0x1D780] =	vst v63  }
0xcf: {  	_ =	swait.ge [sflag:s18], $0x100  }
0xd0: {  	[sflag:s18] =	ssyncset.done $0x0  }
0xd1: {  	[sflag:s18] =	ssyncadd.s32 $0xFFFFFF00  }
0xd2: {  	[tilespmem:s19], [sflag:$0x5] =	stream.indirect.gather [hbm4b:s4+s15], $0x80, s13, s15, $0xb8;
	[tilespmem:$0x1D780] =	vst v63  }
0xd3: {  	_ =	swait.ge [sflag:s20], $0x3200  }
0xd4: {  	[sflag:s20] =	ssyncset.done $0x0  }
0xd5: {  	[sflag:s20] =	ssyncadd.s32 $0xFFFFCE00  }
0xd6: {  	[spmem:s2] =	stream.indirect.scatter.add.f32 [tilespmem:s16], [sflag:$0x7], $0x80, s21, s15, $0xb8;
	[tilespmem:$0x1D780] =	vst v63  }
0xd7: {  	_ =	swait.ge [sflag:s12], $0x3200  }
0xd8: {  	p2 =	por $0x0, $0x0;
	[sflag:s12] =	ssyncset.done $0x0  }
0xd9: {  	s0 =	sadd.s32 $0x60, s24;
	s31 =	simm.s32 $0x1;
	[sflag:s12] =	ssyncadd.s32 $0xFFFFCE00  }
0xda: {  	[tilespmem:s3], [sflag:$0x1] =	stream.linear.gather [hbm4b:s0+s3], $0x100, $0x38;
	[tilespmem:$0x1D780] =	vst v63  }
0xdb: {  	s1 =	simm.s32 $0xC0;
	s0 =	simm.s32 $0x60;
	_ =	swait.ge [sflag:s22], $0x100  }
.LBB2_3:
0xdc: {  	s26 =	simm.s32 @!p2 $0x5  }
0xdd: {  	[sflag:s22] =	ssyncset.done $0x0;
	s29 =	smov.u32 s1;
	s1 =	sadd.s32 $0x60, s1  }
0xde: {  	p1 =	seq.s32 s1, $0x18C0;
	[sflag:s22] =	ssyncadd.s32 $0xFFFFFF00  }
0xdf: {  	[tilespmem:s23], [sflag:$0x6] =	stream.indirect.gather [hbm4b:s4+s15], $0x80, s17, s15, $0xb8;
	[tilespmem:$0x1D780] =	vst v63  }
0xe0: {  	s6 =	simm.s32 @!p2 $0x3700;
	s9 =	simm.s32 @!p2 $0x7;
	_ =	swait.ge @!p2 [sflag:s26], $0x3200  }
0xe1: {  	s10 =	simm.s32 @!p2 $0x64;
	s24 =	simm.s32 @!p2 $0x180;
	[sflag:s26] =	ssyncset.done @!p2 $0x0  }
0xe2: {  	[sflag:s26] =	ssyncadd.s32 @!p2 $0xFFFFCE00  }
0xe3: {  	[spmem:s2] =	stream.indirect.scatter.add.f32 @!p2 [tilespmem:s6], [sflag:$0x7], $0x80, s24, s10, $0xb8;
	[tilespmem:$0x1D780] =	vst v63  }
0xe4: {  	s6 =	sadd.s32 s0, s8;
	s0 =	smov.u32 s29;
	_ =	swait.ge @!p2 [sflag:s9], $0x3200  }
0xe5: {  	s10 =	sadd.s32 $0x20, s6;
	[sflag:s9] =	ssyncset.done @!p2 $0x0  }
0xe6: {  	[sflag:s9] =	ssyncadd.s32 @!p2 $0xFFFFCE00  }
0xe7: {  	[tilespmem:s13], [sflag:$0x2] =	stream.linear.gather [hbm4b:s10+s3], $0x100, $0x38;
	[tilespmem:$0x1D780] =	vst v63  }
0xe8: {  	s9 =	sadd.s32 $0x1, s31;
	_ =	swait.ge [sflag:s14], $0x100  }
0xe9: {  	p2 =	sgt.u32 s9, $0xC7;
	[sflag:s14] =	ssyncset.done $0x0  }
0xea: {  	s9 =	simm.s32 @!p2 $0x6;
	[sflag:s14] =	ssyncadd.s32 $0xFFFFFF00  }
0xeb: {  	[tilespmem:s16], [sflag:$0x4] =	stream.indirect.gather [hbm4b:s4+s15], $0x80, s3, s15, $0xb8;
	[tilespmem:$0x1D780] =	vst v63  }
0xec: {  	s10 =	simm.s32 @!p2 $0x6B00;
	_ =	swait.ge @!p2 [sflag:s9], $0x3200  }
0xed: {  	s24 =	simm.s32 @!p2 $0x64;
	s26 =	simm.s32 @!p2 $0x280;
	[sflag:s9] =	ssyncset.done @!p2 $0x0  }
0xee: {  	[sflag:s9] =	ssyncadd.s32 @!p2 $0xFFFFCE00;
	s9 =	simm.s32 @!p2 $0x7  }
0xef: {  	[spmem:s2] =	stream.indirect.scatter.add.f32 @!p2 [tilespmem:s10], [sflag:$0x7], $0x80, s26, s24, $0xb8;
	[tilespmem:$0x1D780] =	vst v63  }
0xf0: {  	_ =	swait.ge @!p2 [sflag:s9], $0x3200  }
0xf1: {  	s10 =	sadd.s32 $0x40, s6;
	[sflag:s9] =	ssyncset.done @!p2 $0x0  }
0xf2: {  	[sflag:s9] =	ssyncadd.s32 @!p2 $0xFFFFCE00  }
0xf3: {  	[tilespmem:s17], [sflag:$0x3] =	stream.linear.gather [hbm4b:s10+s3], $0x100, $0x38;
	[tilespmem:$0x1D780] =	vst v63  }
0xf4: {  	_ =	swait.ge [sflag:s18], $0x100  }
0xf5: {  	[sflag:s18] =	ssyncset.done $0x0  }
0xf6: {  	[sflag:s18] =	ssyncadd.s32 $0xFFFFFF00  }
0xf7: {  	[tilespmem:s19], [sflag:$0x5] =	stream.indirect.gather [hbm4b:s4+s15], $0x80, s13, s15, $0xb8;
	[tilespmem:$0x1D780] =	vst v63  }
0xf8: {  	_ =	swait.ge [sflag:s20], $0x3200  }
0xf9: {  	[sflag:s20] =	ssyncset.done $0x0  }
0xfa: {  	[sflag:s20] =	ssyncadd.s32 $0xFFFFCE00  }
0xfb: {  	[spmem:s2] =	stream.indirect.scatter.add.f32 [tilespmem:s16], [sflag:$0x7], $0x80, s21, s15, $0xb8;
	[tilespmem:$0x1D780] =	vst v63  }
.Ltmp5:
0xfc: {  	_ =	swait.ge [sflag:s12], $0x3200;
	(pc) =	sbr.rel @!p1 .LBB2_3-.Ltmp5, $4  }
0xfd: {  	s6 =	sadd.s32 $0x60, s6;
	[sflag:s12] =	ssyncset.done $0x0  }
0xfe: {  	s31 =	sadd.s32 $0x3, s31;
	[sflag:s12] =	ssyncadd.s32 $0xFFFFCE00  }
0xff: {  	[tilespmem:s3], [sflag:$0x1] =	stream.linear.gather [hbm4b:s6+s3], $0x100, $0x38;
	[tilespmem:$0x1D780] =	vst v63  }
0x100: {  	p2 =	sgt.u32 s31, $0xC7;
	_ =	swait.ge [sflag:s22], $0x100  }
0x101: {  	[sflag:s22] =	ssyncset.done $0x0  }
0x102: {  	s1 =	simm.s32 @!p2 $0x5;
	[sflag:s22] =	ssyncadd.s32 $0xFFFFFF00  }
0x103: {  	[tilespmem:s23], [sflag:$0x6] =	stream.indirect.gather [hbm4b:s4+s15], $0x80, s17, s15, $0xb8;
	[tilespmem:$0x1D780] =	vst v63  }
0x104: {  	_ =	swait.ge @!p2 [sflag:s1], $0x3200  }
0x105: {  	s6 =	simm.s32 @!p2 $0x3700;
	s9 =	simm.s32 @!p2 $0x7;
	[sflag:s1] =	ssyncset.done @!p2 $0x0  }
0x106: {  	s10 =	simm.s32 @!p2 $0x64;
	s24 =	simm.s32 @!p2 $0x180;
	[sflag:s1] =	ssyncadd.s32 @!p2 $0xFFFFCE00  }
0x107: {  	[spmem:s2] =	stream.indirect.scatter.add.f32 @!p2 [tilespmem:s6], [sflag:$0x7], $0x80, s24, s10, $0xb8;
	[tilespmem:$0x1D780] =	vst v63  }
0x108: {  	_ =	swait.ge @!p2 [sflag:s9], $0x3200  }
0x109: {  	s0 =	sadd.s32 s0, s8;
	[sflag:s9] =	ssyncset.done @!p2 $0x0  }
0x10a: {  	s6 =	sadd.s32 $0x20, s0;
	[sflag:s9] =	ssyncadd.s32 @!p2 $0xFFFFCE00  }
0x10b: {  	[tilespmem:s13], [sflag:$0x2] =	stream.linear.gather [hbm4b:s6+s3], $0x100, $0x38;
	[tilespmem:$0x1D780] =	vst v63  }
0x10c: {  	s10 =	sadd.s32 $0x1, s31;
	_ =	swait.ge [sflag:s14], $0x100  }
0x10d: {  	p1 =	sgt.u32 s10, $0xC7;
	[sflag:s14] =	ssyncset.done $0x0  }
0x10e: {  	s1 =	simm.s32 @!p1 $0x6;
	[sflag:s14] =	ssyncadd.s32 $0xFFFFFF00  }
0x10f: {  	[tilespmem:s16], [sflag:$0x4] =	stream.indirect.gather [hbm4b:s4+s15], $0x80, s3, s15, $0xb8;
	[tilespmem:$0x1D780] =	vst v63  }
0x110: {  	_ =	swait.ge @!p1 [sflag:s1], $0x3200  }
0x111: {  	s10 =	simm.s32 @!p1 $0x280;
	s9 =	simm.s32 @!p1 $0x64;
	[sflag:s1] =	ssyncset.done @!p1 $0x0  }
0x112: {  	s6 =	simm.s32 @!p1 $0x6B00;
	[sflag:s1] =	ssyncadd.s32 @!p1 $0xFFFFCE00;
	s1 =	simm.s32 @!p1 $0x7  }
0x113: {  	[spmem:s2] =	stream.indirect.scatter.add.f32 @!p1 [tilespmem:s6], [sflag:$0x7], $0x80, s10, s9, $0xb8;
	[tilespmem:$0x1D780] =	vst v63  }
0x114: {  	_ =	swait.ge @!p1 [sflag:s1], $0x3200  }
0x115: {  	[sflag:s1] =	ssyncset.done @!p1 $0x0  }
0x116: {  	s24 =	sadd.s32 $0x40, s0;
	[sflag:s1] =	ssyncadd.s32 @!p1 $0xFFFFCE00  }
0x117: {  	[tilespmem:s17], [sflag:$0x3] =	stream.linear.gather [hbm4b:s24+s3], $0x100, $0x38;
	[tilespmem:$0x1D780] =	vst v63  }
0x118: {  	_ =	swait.ge [sflag:s18], $0x100  }
0x119: {  	[sflag:s18] =	ssyncset.done $0x0  }
0x11a: {  	[sflag:s18] =	ssyncadd.s32 $0xFFFFFF00  }
0x11b: {  	[tilespmem:s19], [sflag:$0x5] =	stream.indirect.gather [hbm4b:s4+s15], $0x80, s13, s15, $0xb8;
	[tilespmem:$0x1D780] =	vst v63  }
0x11c: {  	_ =	swait.ge [sflag:s20], $0x3200  }
0x11d: {  	[sflag:s20] =	ssyncset.done $0x0  }
0x11e: {  	[sflag:s20] =	ssyncadd.s32 $0xFFFFCE00  }
0x11f: {  	[spmem:s2] =	stream.indirect.scatter.add.f32 [tilespmem:s16], [sflag:$0x7], $0x80, s21, s15, $0xb8;
	[tilespmem:$0x1D780] =	vst v63  }
0x120: {  	_ =	swait.ge [sflag:s12], $0x3200  }
0x121: {  	[sflag:s12] =	ssyncset.done $0x0  }
0x122: {  	s0 =	sadd.s32 $0x60, s0;
	[sflag:s12] =	ssyncadd.s32 $0xFFFFCE00  }
0x123: {  	[tilespmem:s3], [sflag:$0x1] =	stream.linear.gather [hbm4b:s0+s3], $0x100, $0x38;
	[tilespmem:$0x1D780] =	vst v63  }
0x124: {  	s26 =	sadd.s32 $0x3, s31;
	_ =	swait.ge [sflag:s22], $0x100  }
0x125: {  	p1 =	sgt.u32 s26, $0xC7;
	[sflag:s22] =	ssyncset.done $0x0  }
0x126: {  	s0 =	simm.s32 @!p1 $0x5;
	[sflag:s22] =	ssyncadd.s32 $0xFFFFFF00  }
0x127: {  	[tilespmem:s23], [sflag:$0x6] =	stream.indirect.gather [hbm4b:s4+s15], $0x80, s17, s15, $0xb8;
	[tilespmem:$0x1D780] =	vst v63  }
0x128: {  	_ =	swait.ge @!p1 [sflag:s0], $0x3200  }
0x129: {  	s1 =	simm.s32 @!p1 $0x180;
	[sflag:s0] =	ssyncset.done @!p1 $0x0  }
0x12a: {  	s6 =	simm.s32 @!p1 $0x3700;
	[sflag:s0] =	ssyncadd.s32 @!p1 $0xFFFFCE00;
	s0 =	simm.s32 @!p1 $0x64  }
0x12b: {  	[spmem:s2] =	stream.indirect.scatter.add.f32 @!p1 [tilespmem:s6], [sflag:$0x7], $0x80, s1, s0, $0xb8;
	[tilespmem:$0x1D780] =	vst v63  }
0x12c: {  	s0 =	simm.s32 @!p1 $0x7  }
0x12d: {  	_ =	swait.ge @!p1 [sflag:s0], $0x3200  }
0x12e: {  	[sflag:s0] =	ssyncset.done @!p1 $0x0  }
0x12f: {  	s29 =	rddreg [dreg:$0x5];
	[sflag:s0] =	ssyncadd.s32 @!p1 $0xFFFFCE00  }
0x130: {  	[tilespmem:s13], [sflag:$0x2] =	stream.linear.gather [hbm4b:s29+s3], $0x100, $0x38;
	[tilespmem:$0x1D780] =	vst v63  }
0x131: {  	_ =	swait.ge [sflag:s14], $0x100  }
0x132: {  	[sflag:s14] =	ssyncset.done $0x0  }
0x133: {  	[sflag:s14] =	ssyncadd.s32 $0xFFFFFF00  }
0x134: {  	[tilespmem:s16], [sflag:$0x4] =	stream.indirect.gather [hbm4b:s4+s15], $0x80, s3, s15, $0xb8;
	[tilespmem:$0x1D780] =	vst v63  }
0x135: {  	_ =	swait.ge [sflag:s25], $0x3200  }
0x136: {  	[sflag:s25] =	ssyncset.done $0x0  }
0x137: {  	s31 =	simm.s32 $0x280;
	[sflag:s25] =	ssyncadd.s32 $0xFFFFCE00  }
0x138: {  	[spmem:s2] =	stream.indirect.scatter.add.f32 [tilespmem:s23], [sflag:$0x7], $0x80, s31, s15, $0xb8;
	[tilespmem:$0x1D780] =	vst v63  }
0x139: {  	_ =	swait.ge [sflag:s12], $0x3200  }
0x13a: {  	[sflag:s12] =	ssyncset.done $0x0  }
0x13b: {  	[sflag:s12] =	ssyncadd.s32 $0xFFFFCE00  }
0x13c: {  	_ =	swait.ge [sflag:s18], $0x100  }
0x13d: {  	[sflag:s18] =	ssyncset.done $0x0  }
0x13e: {  	[sflag:s18] =	ssyncadd.s32 $0xFFFFFF00  }
0x13f: {  	[tilespmem:s19], [sflag:$0x5] =	stream.indirect.gather [hbm4b:s4+s15], $0x80, s13, s15, $0xb8;
	[tilespmem:$0x1D780] =	vst v63  }
0x140: {  	_ =	swait.ge [sflag:s20], $0x3200  }
0x141: {  	[sflag:s20] =	ssyncset.done $0x0  }
.Ltmp6:
0x142: {  	[sflag:s20] =	ssyncadd.s32 $0xFFFFCE00;
	(pc) =	sbr.rel .LBB2_8-.Ltmp6, $4  }
0x143: {  	[spmem:s2] =	stream.indirect.scatter.add.f32 [tilespmem:s16], [sflag:$0x7], $0x80, s21, s15, $0xb8;
	[tilespmem:$0x1D780] =	vst v63  }
0x144: {  	_ =	swait.ge [sflag:s12], $0x3200  }
0x145: {  	[sflag:s12] =	ssyncset.done $0x0  }
0x146: {  	[sflag:s12] =	ssyncadd.s32 $0xFFFFCE00  }
.LBB2_9:
0x147: {  	_ =	sfence.sel $0x180000  }
0x148: {  	[bflag:$0x0] =	sbarrier.arrive $0xFFFF  }
0x149: {  	_ =	strace $0x90000050  }
0x14a: {  	s0 =	stileid.u32;
	[bflag:$0x2] =	sbarrier.arrive $0xFFFF  }
0x14b: {  	p0 =	sne.s32 s0, $0x0;
	s0 =	rddreg [dreg:$0x2]  }
0x14c: {  	s0 =	sadd.s32 @!p0 $0x100000, s0  }
0x14d: {  	[sflag:s0] =	ssyncadd.tile.s32 @!p0 $0x1;
	_ =	shalt  }
.Lfunc_end2:
_tile_overlayer_lowered:
.L_overlay_start_2:
0x14e: {  	(tag) =	ssettag $0x2  }
0x14f: {  	s0 =	rddreg [dreg:$0x0];
	s2 =	stileid.u32  }
0x150: {  	s1 =	rddreg [dreg:$0x1];
	p0 =	sne.s32 s2, $0x0  }
0x151: {  	s3 =	rddreg [dreg:$0x2];
	[bflag:$0x3] =	sbarrier.arrive $0xFFFF;
	s2 =	simm.s32 @!p0 $0x1C07  }
0x152: {  	[timem:s3], [sflag:s2] =	dma.local @!p0 [hbm:s0], s1  }
0x153: {  	s0 =	simm.s32 @!p0 $0x7  }
0x154: {  	_ =	swait.ge @!p0 [sflag:s0], s1  }
0x155: {  	s1 =	ssub.s32 @!p0 $0x0, s1;
	[sflag:s0] =	ssyncset.done @!p0 $0x0  }
0x156: {  	[sflag:s0] =	ssyncadd.s32 @!p0 s1  }
0x157: {  	[bflag:$0x3] =	sbarrier.arrive $0xFFFF  }
0x158: {  	_ =	shalt  }

</sc_bundles>
